<compile_context>
chip_gen: v7x
topology: tpu7x:2x2x1
jax: 0.10.2.dev20260603
libtpu: 0.0.44.dev20260713+nightly
codegen_flags: <defaults>
</compile_context>

<pallas_src>
import functools

import jax
import jax.numpy as jnp
from jax import lax
from jax.experimental import pallas as pl
from jax.experimental.pallas import tpu as pltpu
from jax.experimental.pallas import tpu_sc as plsc

N = 10000
E = 320000
IN_C = 128
HID = 128
OUT_C = 64
R = 4
RN = R * N

NC = 2
NS = 16
NW = NC * NS
EPW = E // NW
C = 80
SI = 2000
NSI = EPW // SI
NCI = SI // C

RNP = 40960
CNT_SLICE = RNP // NS

NROW = 10240
RPS = NROW // NS

_mesh = plsc.VectorSubcoreMesh(core_axis_name="c", subcore_axis_name="s")

_f32 = jnp.float32
_bf16 = jnp.bfloat16


def _zero_vec_loop(ref, rows, width):
    def body(i, _):
        for u in range(width // 16):
            ref[i, pl.ds(u * 16, 16)] = jnp.zeros((16,), _f32)
        return 0
    lax.fori_loop(0, rows, body, 0, unroll=False)



@functools.partial(
    pl.kernel,
    out_type=jax.ShapeDtypeStruct((NC, RNP), _f32),
    mesh=_mesh,
    scratch_types=[
        pltpu.VMEM_SHARED((RNP,), _f32),
        pltpu.VMEM((SI,), jnp.int32),
        pltpu.VMEM((SI,), jnp.int32),
        pltpu.VMEM((C,), jnp.int32),
        pltpu.VMEM((C,), _f32),
        pltpu.VMEM((CNT_SLICE,), _f32),
    ],
)
def _sc_counts(dst_hbm, typ_hbm, out_hbm, cnt_sh, dstv, typv, idxv, onesv, zb):
    c = lax.axis_index("c")
    s = lax.axis_index("s")
    wid = c * NS + s

    def zb_body(i, _):
        zb[pl.ds(i * 16, 16)] = jnp.zeros((16,), _f32)
        return 0
    lax.fori_loop(0, CNT_SLICE // 16, zb_body, 0, unroll=False)
    for j in range(C // 16):
        onesv[pl.ds(j * 16, 16)] = jnp.ones((16,), _f32)

    pltpu.sync_copy(zb, cnt_sh.at[pl.ds(s * CNT_SLICE, CNT_SLICE)])
    plsc.subcore_barrier()

    base = wid * EPW

    def superchunk(m, _):
        off = base + m * SI
        pltpu.sync_copy(dst_hbm.at[pl.ds(off, SI)], dstv)
        pltpu.sync_copy(typ_hbm.at[pl.ds(off, SI)], typv)

        def chunk(k, _):
            for j in range(C // 16):
                d16 = dstv[pl.ds(k * C + j * 16, 16)]
                r16 = typv[pl.ds(k * C + j * 16, 16)]
                idxv[pl.ds(j * 16, 16)] = r16 * N + d16
            pltpu.sync_copy(onesv, cnt_sh.at[idxv], add=True)
            return 0
        lax.fori_loop(0, NCI, chunk, 0, unroll=False)
        return 0
    lax.fori_loop(0, NSI, superchunk, 0, unroll=False)

    plsc.subcore_barrier()
    pltpu.sync_copy(cnt_sh.at[pl.ds(s * CNT_SLICE, CNT_SLICE)],
                    out_hbm.at[c, pl.ds(s * CNT_SLICE, CNT_SLICE)])



@functools.partial(
    pl.kernel,
    out_type=jax.ShapeDtypeStruct((NC, NROW, HID), _f32),
    mesh=_mesh,
    scratch_types=[
        pltpu.VMEM_SHARED((NROW, HID), _f32),
        pltpu.VMEM((SI,), jnp.int32),
        pltpu.VMEM((SI,), jnp.int32),
        pltpu.VMEM((SI,), jnp.int32),
        [pltpu.VMEM((C,), jnp.int32)] * 2,
        pltpu.VMEM((C,), jnp.int32),
        [pltpu.VMEM((C,), jnp.int32)] * 2,
        [pltpu.VMEM((C, HID), _f32)] * 2,
        pltpu.VMEM((C, 2 * HID), _f32),
        [pltpu.SemaphoreType.DMA] * 2,
        pltpu.SemaphoreType.DMA,
        [pltpu.SemaphoreType.DMA] * 2,
    ],
)
def _sc_edge0(xl_hbm, film_hbm, src_hbm, dst_hbm, typ_hbm, out_hbm,
              acc_sh, srcv, dstv, typv, isv, idv, sctv, xlb, fb,
              semx, semf, sems):
    c = lax.axis_index("c")
    s = lax.axis_index("s")
    wid = c * NS + s
    row0 = s * RPS

    _zero_vec_loop(xlb[0], C, HID)
    _zero_vec_loop(xlb[1], C, HID)
    for j in range(C // 16):
        sctv[0][pl.ds(j * 16, 16)] = jnp.zeros((16,), jnp.int32)
        sctv[1][pl.ds(j * 16, 16)] = jnp.zeros((16,), jnp.int32)
    for j in range(RPS // C):
        pltpu.sync_copy(xlb[0], acc_sh.at[pl.ds(row0 + j * C, C), :])
    plsc.subcore_barrier()

    base = wid * EPW

    def idx_for(k, p):
        for j in range(C // 16):
            s16 = srcv[pl.ds(k * C + j * 16, 16)]
            d16 = dstv[pl.ds(k * C + j * 16, 16)]
            r16 = typv[pl.ds(k * C + j * 16, 16)]
            isv[p][pl.ds(j * 16, 16)] = r16 * N + s16
            idv[pl.ds(j * 16, 16)] = r16 * N + d16
            sctv[p][pl.ds(j * 16, 16)] = d16

    def gathers(p):
        pltpu.async_copy(xl_hbm.at[isv[p]], xlb[p], semx[p])
        pltpu.async_copy(film_hbm.at[idv], fb, semf)

    def wait_gathers(p):
        pltpu.make_async_copy(film_hbm.at[idv], fb, semf).wait()
        pltpu.make_async_copy(xl_hbm.at[isv[p]], xlb[p], semx[p]).wait()

    def compute(p):
        def row(i, _):
            for u in range(HID // 16):
                x16 = xlb[p][i, pl.ds(u * 16, 16)]
                b16 = fb[i, pl.ds(u * 16, 16)]
                g16 = fb[i, pl.ds(HID + u * 16, 16)]
                xlb[p][i, pl.ds(u * 16, 16)] = jnp.maximum(
                    g16 * x16 + b16, 0.0)
            return 0
        lax.fori_loop(0, C, row, 0, unroll=2)

    def scatter(p):
        pltpu.async_copy(xlb[p], acc_sh.at[sctv[p]], sems[p], add=True)

    def wait_scatter(p):
        pltpu.make_async_copy(xlb[p], acc_sh.at[sctv[p]], sems[p]).wait()

    def half(k_cur, p, k_next):
        wait_gathers(p)
        compute(p)
        wait_scatter(1 - p)
        idx_for(k_next, 1 - p)
        gathers(1 - p)
        scatter(p)

    def superchunk(m, _):
        off = base + m * SI
        pltpu.sync_copy(src_hbm.at[pl.ds(off, SI)], srcv)
        pltpu.sync_copy(dst_hbm.at[pl.ds(off, SI)], dstv)
        pltpu.sync_copy(typ_hbm.at[pl.ds(off, SI)], typv)

        idx_for(0, 0)
        gathers(0)
        _zero_vec_loop(xlb[1], C, HID)
        for j in range(C // 16):
            sctv[1][pl.ds(j * 16, 16)] = jnp.zeros((16,), jnp.int32)
        scatter(1)

        def pair(t, _):
            k0 = 2 * t
            half(k0, 0, k0 + 1)
            half(k0 + 1, 1, k0 + 2)
            return 0
        lax.fori_loop(0, NCI // 2, pair, 0, unroll=False)

        wait_gathers(0)
        compute(0)
        wait_scatter(1)
        scatter(0)
        wait_scatter(0)
        return 0
    lax.fori_loop(0, NSI, superchunk, 0, unroll=False)

    plsc.subcore_barrier()
    for j in range(RPS // 128):
        pltpu.sync_copy(acc_sh.at[pl.ds(row0 + j * 128, 128), :],
                        out_hbm.at[c, pl.ds(row0 + j * 128, 128), :])



@functools.partial(
    pl.kernel,
    out_type=jax.ShapeDtypeStruct((NC, NROW, 2 * OUT_C), _f32),
    mesh=_mesh,
    scratch_types=[
        pltpu.VMEM_SHARED((NROW, 2 * OUT_C), _f32),
        pltpu.VMEM((SI,), jnp.int32),
        pltpu.VMEM((SI,), jnp.int32),
        pltpu.VMEM((SI,), jnp.int32),
        pltpu.VMEM((C,), jnp.int32),
        pltpu.VMEM((C,), jnp.int32),
        pltpu.VMEM((C,), jnp.int32),
        pltpu.VMEM((C, 2 * OUT_C), _f32),
        pltpu.VMEM((C, 2 * OUT_C), _f32),
        pltpu.VMEM((C, 2 * OUT_C), _f32),
        pltpu.SemaphoreType.DMA,
        pltpu.SemaphoreType.DMA,
    ],
)
def _sc_edge1(t_hbm, src_hbm, dst_hbm, typ_hbm, out_hbm,
              acc_sh, srcv, dstv, typv, isv, idv, sctv, xlb, gb, mb,
              sem1, sem2):
    c = lax.axis_index("c")
    s = lax.axis_index("s")
    wid = c * NS + s
    row0 = s * RPS

    _zero_vec_loop(mb, C, 2 * OUT_C)
    for j in range(RPS // C):
        pltpu.sync_copy(mb, acc_sh.at[pl.ds(row0 + j * C, C), :])
    plsc.subcore_barrier()

    base = wid * EPW

    def superchunk(m, _):
        off = base + m * SI
        pltpu.sync_copy(src_hbm.at[pl.ds(off, SI)], srcv)
        pltpu.sync_copy(dst_hbm.at[pl.ds(off, SI)], dstv)
        pltpu.sync_copy(typ_hbm.at[pl.ds(off, SI)], typv)

        def chunk(k, _):
            for j in range(C // 16):
                s16 = srcv[pl.ds(k * C + j * 16, 16)]
                d16 = dstv[pl.ds(k * C + j * 16, 16)]
                r16 = typv[pl.ds(k * C + j * 16, 16)]
                isv[pl.ds(j * 16, 16)] = r16 * N + s16
                idv[pl.ds(j * 16, 16)] = r16 * N + d16
                sctv[pl.ds(j * 16, 16)] = d16
            cp1 = pltpu.async_copy(t_hbm.at[isv], xlb, sem1)
            cp2 = pltpu.async_copy(t_hbm.at[idv], gb, sem2)
            cp1.wait()
            cp2.wait()

            def row(i, _):
                for u in range(OUT_C // 16):
                    x16 = xlb[i, pl.ds(u * 16, 16)]
                    g16 = gb[i, pl.ds(OUT_C + u * 16, 16)]
                    mb[i, pl.ds(u * 16, 16)] = g16 * x16
                return 0
            lax.fori_loop(0, C, row, 0, unroll=False)

            pltpu.sync_copy(mb, acc_sh.at[sctv], add=True)
            return 0
        lax.fori_loop(0, NCI, chunk, 0, unroll=False)
        return 0
    lax.fori_loop(0, NSI, superchunk, 0, unroll=False)

    plsc.subcore_barrier()
    for j in range(RPS // 128):
        pltpu.sync_copy(acc_sh.at[pl.ds(row0 + j * 128, 128), :],
                        out_hbm.at[c, pl.ds(row0 + j * 128, 128), :])



_BN0 = 1000
_G0 = N // _BN0

def _dense0_body(x_ref, lin_ref, fw_ref, fb_ref, skip_ref, sfw_ref, sfb_ref,
                 cnt_ref, xl_ref, film_ref, base_ref):
    xb = x_ref[...]
    dims = (((1,), (1,)), ((), ()))
    sf = lax.dot_general(xb, sfw_ref[...], dims) + sfb_ref[...][None, :]
    beta_s = sf[:, :HID]
    gamma_s = sf[:, HID:]
    sk = lax.dot_general(xb, skip_ref[...], dims)
    base_ref[...] = jnp.maximum(gamma_s * sk + beta_s, 0.0)
    for r in range(R):
        xl_ref[r] = lax.dot_general(xb, lin_ref[r], dims)
        fl = (lax.dot_general(xb, fw_ref[r], dims)
              + fb_ref[pl.ds(r * 2 * HID, 2 * HID)][None, :])
        cnt_r = cnt_ref[0, r] + cnt_ref[0, R + r]
        inv = 1.0 / jnp.maximum(cnt_r, 1.0)
        film_ref[r] = fl * inv[:, None]


_dense0 = pl.pallas_call(
    _dense0_body,
    grid=(_G0,),
    in_specs=[
        pl.BlockSpec((_BN0, IN_C), lambda i: (i, 0)),
        pl.BlockSpec((R, HID, IN_C), lambda i: (0, 0, 0)),
        pl.BlockSpec((R, 2 * HID, IN_C), lambda i: (0, 0, 0)),
        pl.BlockSpec((R * 2 * HID,), lambda i: (0,)),
        pl.BlockSpec((HID, IN_C), lambda i: (0, 0)),
        pl.BlockSpec((2 * HID, IN_C), lambda i: (0, 0)),
        pl.BlockSpec((2 * HID,), lambda i: (0,)),
        pl.BlockSpec((1, 2 * R, _BN0), lambda i: (i, 0, 0)),
    ],
    out_specs=[
        pl.BlockSpec((R, _BN0, HID), lambda i: (0, i, 0)),
        pl.BlockSpec((R, _BN0, 2 * HID), lambda i: (0, i, 0)),
        pl.BlockSpec((_BN0, HID), lambda i: (i, 0)),
    ],
    out_shape=[
        jax.ShapeDtypeStruct((R, N, HID), _f32),
        jax.ShapeDtypeStruct((R, N, 2 * HID), _f32),
        jax.ShapeDtypeStruct((N, HID), _f32),
    ],
)



def _bn_body(acc_ref, base_ref, g_ref, b_ref, h_ref):
    h0 = base_ref[...] + acc_ref[0] + acc_ref[1]
    mu = jnp.mean(h0, axis=0)
    var = jnp.mean((h0 - mu[None, :]) ** 2, axis=0)
    scale = g_ref[...] * lax.rsqrt(var + 1e-5)
    h_ref[...] = (h0 - mu[None, :]) * scale[None, :] + b_ref[...][None, :]


_bn = pl.pallas_call(
    _bn_body,
    out_shape=jax.ShapeDtypeStruct((N, HID), _f32),
)



def _dense1_body(h_ref, lin_ref, fw_ref, fb_ref, skip_ref, sfw_ref, sfb_ref,
                 cnt_ref, t_ref, base_ref):
    hb = h_ref[...]
    dims = (((1,), (1,)), ((), ()))
    sf = lax.dot_general(hb, sfw_ref[...], dims) + sfb_ref[...][None, :]
    beta_s = sf[:, :OUT_C]
    gamma_s = sf[:, OUT_C:]
    sk = lax.dot_general(hb, skip_ref[...], dims)
    base = gamma_s * sk + beta_s
    for r in range(R):
        fl = (lax.dot_general(hb, fw_ref[r], dims)
              + fb_ref[pl.ds(r * 2 * OUT_C, 2 * OUT_C)][None, :])
        beta1 = fl[:, :OUT_C]
        gamma1 = fl[:, OUT_C:]
        cnt_r = cnt_ref[0, r] + cnt_ref[0, R + r]
        inv = 1.0 / jnp.maximum(cnt_r, 1.0)
        ind = jnp.minimum(cnt_r, 1.0)
        xl = lax.dot_general(hb, lin_ref[r], dims)
        t_ref[r] = jnp.concatenate([xl, gamma1 * inv[:, None]], axis=1)
        base = base + beta1 * ind[:, None]
    base_ref[...] = base


_dense1 = pl.pallas_call(
    _dense1_body,
    grid=(_G0,),
    in_specs=[
        pl.BlockSpec((_BN0, HID), lambda i: (i, 0)),
        pl.BlockSpec((R, OUT_C, HID), lambda i: (0, 0, 0)),
        pl.BlockSpec((R, 2 * OUT_C, HID), lambda i: (0, 0, 0)),
        pl.BlockSpec((R * 2 * OUT_C,), lambda i: (0,)),
        pl.BlockSpec((OUT_C, HID), lambda i: (0, 0)),
        pl.BlockSpec((2 * OUT_C, HID), lambda i: (0, 0)),
        pl.BlockSpec((2 * OUT_C,), lambda i: (0,)),
        pl.BlockSpec((1, 2 * R, _BN0), lambda i: (i, 0, 0)),
    ],
    out_specs=[
        pl.BlockSpec((R, _BN0, 2 * OUT_C), lambda i: (0, i, 0)),
        pl.BlockSpec((_BN0, OUT_C), lambda i: (i, 0)),
    ],
    out_shape=[
        jax.ShapeDtypeStruct((R, N, 2 * OUT_C), _f32),
        jax.ShapeDtypeStruct((N, OUT_C), _f32),
    ],
)



def _final_body(acc_ref, base_ref, out_ref):
    out_ref[...] = base_ref[...] + acc_ref[0] + acc_ref[1]


_final = pl.pallas_call(
    _final_body,
    out_shape=jax.ShapeDtypeStruct((N, OUT_C), _f32),
)



def kernel(x, edge_index, edge_type, c0_lin_w, c0_film_w, c0_film_b,
           c0_skip_w, c0_sfilm_w, c0_sfilm_b, bn_g, bn_b, c1_lin_w,
           c1_film_w, c1_film_b, c1_skip_w, c1_sfilm_w, c1_sfilm_b):
    src = edge_index[0]
    dst = edge_index[1]

    cntp = _sc_counts(dst, edge_type)
    cnt8 = (cntp[:, :RN].reshape(2 * R, _G0, _BN0)
            .transpose(1, 0, 2))

    xl0, film0p, base0 = _dense0(
        x, c0_lin_w, c0_film_w, c0_film_b.reshape(-1), c0_skip_w,
        c0_sfilm_w, c0_sfilm_b, cnt8)

    acc0p = _sc_edge0(xl0.reshape(RN, HID), film0p.reshape(RN, 2 * HID),
                      src, dst, edge_type)[:, :N, :]

    h = _bn(acc0p, base0, bn_g, bn_b)

    t1, base1 = _dense1(
        h, c1_lin_w, c1_film_w, c1_film_b.reshape(-1), c1_skip_w,
        c1_sfilm_w, c1_sfilm_b, cnt8)

    acc1p = _sc_edge1(t1.reshape(RN, 2 * OUT_C),
                      src, dst, edge_type)[:, :N, :OUT_C]

    return _final(acc1p, base1)

# --- scband reference (transcript-rebuilt; emitter-appended) ---
"""Pipeline reference for scband-net-33603824124196 (READ-ONLY COPY).

The authoritative reference and input builder live on the scoring server;
editing this copy changes nothing except your own understanding.
"""

import jax, jax.numpy as jnp
import numpy as np

N = 10000
E = 320000
IN_C = 128
HID = 128
OUT_C = 64
R = 4

def setup_inputs(seed: int = 0):
    key = jax.random.key(seed)
    ks = jax.random.split(key, 16)
    s = 0.05
    inp = {}
    inp["x"] = jax.random.normal(ks[0], (N, IN_C), dtype=jnp.float32)
    inp["edge_index"] = jax.random.randint(ks[1], (2, E), 0, N, dtype=jnp.int32)
    inp["edge_type"] = jax.random.randint(ks[2], (E,), 0, R, dtype=jnp.int32)
    inp["c0_lin_w"] = jax.random.normal(ks[3], (R, HID, IN_C), dtype=jnp.float32) * s
    inp["c0_film_w"] = jax.random.normal(ks[4], (R, 2 * HID, IN_C), dtype=jnp.float32) * s
    inp["c0_film_b"] = jnp.zeros((R, 2 * HID), dtype=jnp.float32)
    inp["c0_skip_w"] = jax.random.normal(ks[5], (HID, IN_C), dtype=jnp.float32) * s
    inp["c0_sfilm_w"] = jax.random.normal(ks[6], (2 * HID, IN_C), dtype=jnp.float32) * s
    inp["c0_sfilm_b"] = jnp.zeros((2 * HID,), dtype=jnp.float32)
    inp["bn_g"] = jnp.ones((HID,), dtype=jnp.float32)
    inp["bn_b"] = jnp.zeros((HID,), dtype=jnp.float32)
    inp["c1_lin_w"] = jax.random.normal(ks[7], (R, OUT_C, HID), dtype=jnp.float32) * s
    inp["c1_film_w"] = jax.random.normal(ks[8], (R, 2 * OUT_C, HID), dtype=jnp.float32) * s
    inp["c1_film_b"] = jnp.zeros((R, 2 * OUT_C), dtype=jnp.float32)
    inp["c1_skip_w"] = jax.random.normal(ks[9], (OUT_C, HID), dtype=jnp.float32) * s
    inp["c1_sfilm_w"] = jax.random.normal(ks[10], (2 * OUT_C, HID), dtype=jnp.float32) * s
    inp["c1_sfilm_b"] = jnp.zeros((2 * OUT_C,), dtype=jnp.float32)
    return inp

def _film_conv(x, src, dst, edge_type, lin_w, film_w, film_b, skip_w, sfilm_w, sfilm_b, out_ch, use_act):
    # PyG FiLMConv: beta, gamma = film(x).split(out_channels); out = gamma * lin(x) + beta
    sf = x @ sfilm_w.T + sfilm_b
    beta_s, gamma_s = sf[:, :out_ch], sf[:, out_ch:]
    out = gamma_s * (x @ skip_w.T) + beta_s
    if use_act:
        out = jax.nn.relu(out)
    n = x.shape[0]
    for r in range(R):
        xl = x @ lin_w[r].T
        fl = x @ film_w[r].T + film_b[r]
        beta, gamma = fl[:, :out_ch], fl[:, out_ch:]
        # message: gamma_i * x_j + beta_i, masked by edge_type == r, aggr='mean'
        m = gamma[dst] * xl[src] + beta[dst]
        if use_act:
            m = jax.nn.relu(m)
        mask = (edge_type == r).astype(x.dtype)
        m = m * mask[:, None]
        ssum = jax.ops.segment_sum(m, dst, num_segments=n)
        cnt = jax.ops.segment_sum(mask, dst, num_segments=n)
        out = out + ssum / jnp.maximum(cnt, 1.0)[:, None]
    return out

def _batchnorm(x, g, b, eps=1e-5):
    mu = jnp.mean(x, axis=0)
    var = jnp.var(x, axis=0)
    return (x - mu) / jnp.sqrt(var + eps) * g + b

def reference(x, edge_index, edge_type, c0_lin_w, c0_film_w, c0_film_b, c0_skip_w, c0_sfilm_w, c0_sfilm_b, bn_g, bn_b, c1_lin_w, c1_film_w, c1_film_b, c1_skip_w, c1_sfilm_w, c1_sfilm_b):
    src = edge_index[0]
    dst = edge_index[1]
    h = _film_conv(x, src, dst, edge_type, c0_lin_w, c0_film_w, c0_film_b, c0_skip_w, c0_sfilm_w, c0_sfilm_b, HID, True)
    h = _batchnorm(h, bn_g, bn_b)
    # dropout p=0.0 -> identity
    out = _film_conv(h, src, dst, edge_type, c1_lin_w, c1_film_w, c1_film_b, c1_skip_w, c1_sfilm_w, c1_sfilm_b, OUT_C, False)
    return out

if __name__ == "__main__":
    import jax
    _d = setup_inputs()
    print(jax.jit(kernel)(*tuple(_d.values())))

</pallas_src>

<mosaic_0001>
#map = affine_map<(d0, d1) -> (0)>
#map1 = affine_map<(d0, d1) -> (0, 0)>
module attributes {stable_mosaic.version = 14 : i64} {
  func.func @_sc_counts(%arg0: i32, %arg1: i32, %arg2: memref<320000xi32, #tpu.memory_space<hbm>>, %arg3: memref<320000xi32, #tpu.memory_space<hbm>>, %arg4: memref<2x40960xf32, #tpu.memory_space<hbm>>, %arg5: memref<40960xf32, #tpu.memory_space<vmem_shared>>, %arg6: memref<2000xi32, #tpu.memory_space<vmem>>, %arg7: memref<2000xi32, #tpu.memory_space<vmem>>, %arg8: memref<80xi32, #tpu.memory_space<vmem>>, %arg9: memref<80xf32, #tpu.memory_space<vmem>>, %arg10: memref<2560xf32, #tpu.memory_space<vmem>>) attributes {dimension_semantics = [#tpu.dimension_semantics<core_parallel>, #tpu.dimension_semantics<subcore_parallel>], iteration_bounds = array<i64: 2, 16>, scalar_prefetch = 0 : i64, scratch_operands = 6 : i64, tpu.core_type = #tpu.core_type<sc_vector_subcore>, window_params = [{transform_indices = #map}, {transform_indices = #map}, {transform_indices = #map1}]} {
    %mul3A = arith.constant 16 : i32
    %mul3A_0 = arith.muli %arg0, %mul3A : i32
    %add3A = arith.addi %mul3A_0, %arg1 : i32
    %scan3A = arith.constant 0 : i32
    %scan3A_1 = arith.constant 0 : i32
    %scan3A_2 = arith.constant 160 : i32
    %scan3A_3 = arith.addi %scan3A_1, %scan3A_2 : i32
    %scan3A_4 = arith.constant 1 : i32
    %scan3A_5 = scf.for %scan3A_51 = %scan3A_1 to %scan3A_3 step %scan3A_4 iter_args(%scan3A_52 = %scan3A) -> (i32)  : i32 {
      %broadcast_in_dim3A_53 = arith.constant 0.000000e+00 : f32
      %broadcast_in_dim3A_54 = vector.broadcast %broadcast_in_dim3A_53 : f32 to vector<16xf32>
      %mul3A_55 = arith.constant 16 : i32
      %mul3A_56 = arith.muli %scan3A_51, %mul3A_55 : i32
      %swap3A_57 = arith.index_cast %mul3A_56 : i32 to index
      %swap3A_58 = tpu.vector_load %arg10[%swap3A_57] {strides = array<i32>} : memref<2560xf32, #tpu.memory_space<vmem>>, vector<16xf32>,
      %swap3A_59 = vector.shape_cast %swap3A_58 : vector<16xf32> to vector<16xf32>
      %swap3A_60 = vector.shape_cast %broadcast_in_dim3A_54 : vector<16xf32> to vector<16xf32>
      tpu.vector_store %arg10[%swap3A_57], %swap3A_60 {strides = array<i32>} : memref<2560xf32, #tpu.memory_space<vmem>>, vector<16xf32>,
      %scan3A_61 = arith.constant 0 : i32
      scf.yield %scan3A_61 : i32
    }
    %scan3A_6 = arith.constant 160 : i32
    %broadcast_in_dim3A = arith.constant 1.000000e+00 : f32
    %broadcast_in_dim3A_7 = vector.broadcast %broadcast_in_dim3A : f32 to vector<16xf32>
    %swap3A = arith.constant 0 : index
    %swap3A_8 = tpu.vector_load %arg9[%swap3A] {strides = array<i32>} : memref<80xf32, #tpu.memory_space<vmem>>, vector<16xf32>,
    %swap3A_9 = vector.shape_cast %swap3A_8 : vector<16xf32> to vector<16xf32>
    %swap3A_10 = vector.shape_cast %broadcast_in_dim3A_7 : vector<16xf32> to vector<16xf32>
    tpu.vector_store %arg9[%swap3A], %swap3A_10 {strides = array<i32>} : memref<80xf32, #tpu.memory_space<vmem>>, vector<16xf32>,
    %broadcast_in_dim3A_11 = arith.constant 1.000000e+00 : f32
    %broadcast_in_dim3A_12 = vector.broadcast %broadcast_in_dim3A_11 : f32 to vector<16xf32>
    %swap3A_13 = arith.constant 16 : index
    %swap3A_14 = tpu.vector_load %arg9[%swap3A_13] {strides = array<i32>} : memref<80xf32, #tpu.memory_space<vmem>>, vector<16xf32>,
    %swap3A_15 = vector.shape_cast %swap3A_14 : vector<16xf32> to vector<16xf32>
    %swap3A_16 = vector.shape_cast %broadcast_in_dim3A_12 : vector<16xf32> to vector<16xf32>
    tpu.vector_store %arg9[%swap3A_13], %swap3A_16 {strides = array<i32>} : memref<80xf32, #tpu.memory_space<vmem>>, vector<16xf32>,
    %broadcast_in_dim3A_17 = arith.constant 1.000000e+00 : f32
    %broadcast_in_dim3A_18 = vector.broadcast %broadcast_in_dim3A_17 : f32 to vector<16xf32>
    %swap3A_19 = arith.constant 32 : index
    %swap3A_20 = tpu.vector_load %arg9[%swap3A_19] {strides = array<i32>} : memref<80xf32, #tpu.memory_space<vmem>>, vector<16xf32>,
    %swap3A_21 = vector.shape_cast %swap3A_20 : vector<16xf32> to vector<16xf32>
    %swap3A_22 = vector.shape_cast %broadcast_in_dim3A_18 : vector<16xf32> to vector<16xf32>
    tpu.vector_store %arg9[%swap3A_19], %swap3A_22 {strides = array<i32>} : memref<80xf32, #tpu.memory_space<vmem>>, vector<16xf32>,
    %broadcast_in_dim3A_23 = arith.constant 1.000000e+00 : f32
    %broadcast_in_dim3A_24 = vector.broadcast %broadcast_in_dim3A_23 : f32 to vector<16xf32>
    %swap3A_25 = arith.constant 48 : index
    %swap3A_26 = tpu.vector_load %arg9[%swap3A_25] {strides = array<i32>} : memref<80xf32, #tpu.memory_space<vmem>>, vector<16xf32>,
    %swap3A_27 = vector.shape_cast %swap3A_26 : vector<16xf32> to vector<16xf32>
    %swap3A_28 = vector.shape_cast %broadcast_in_dim3A_24 : vector<16xf32> to vector<16xf32>
    tpu.vector_store %arg9[%swap3A_25], %swap3A_28 {strides = array<i32>} : memref<80xf32, #tpu.memory_space<vmem>>, vector<16xf32>,
    %broadcast_in_dim3A_29 = arith.constant 1.000000e+00 : f32
    %broadcast_in_dim3A_30 = vector.broadcast %broadcast_in_dim3A_29 : f32 to vector<16xf32>
    %swap3A_31 = arith.constant 64 : index
    %swap3A_32 = tpu.vector_load %arg9[%swap3A_31] {strides = array<i32>} : memref<80xf32, #tpu.memory_space<vmem>>, vector<16xf32>,
    %swap3A_33 = vector.shape_cast %swap3A_32 : vector<16xf32> to vector<16xf32>
    %swap3A_34 = vector.shape_cast %broadcast_in_dim3A_30 : vector<16xf32> to vector<16xf32>
    tpu.vector_store %arg9[%swap3A_31], %swap3A_34 {strides = array<i32>} : memref<80xf32, #tpu.memory_space<vmem>>, vector<16xf32>,
    %mul3A_35 = arith.constant 2560 : i32
    %mul3A_36 = arith.muli %arg1, %mul3A_35 : i32
    "tpu.region"() ({
      %run_scoped3A = tpu.sem_alloc : memref<!tpu.dma_semaphore, #tpu.memory_space<semaphore_mem>>
      %dma_start3A = tpu.memref_slice %arg5[%mul3A_36] : memref<40960xf32, #tpu.memory_space<vmem_shared>> -> memref<2560xf32, #tpu.memory_space<vmem_shared>>
      %dma_start3A_51 = tpu.memref_slice %arg5[%mul3A_36] : memref<40960xf32, #tpu.memory_space<vmem_shared>> -> memref<2560xf32, #tpu.memory_space<vmem_shared>>
      tpu.enqueue_dma source(%arg10 : memref<2560xf32, #tpu.memory_space<vmem>>) target(%dma_start3A_51 : memref<2560xf32, #tpu.memory_space<vmem_shared>>) target_semaphore(%run_scoped3A : memref<!tpu.dma_semaphore, #tpu.memory_space<semaphore_mem>>)
      %dma_wait3A = tpu.memref_slice %arg5[%mul3A_36] : memref<40960xf32, #tpu.memory_space<vmem_shared>> -> memref<2560xf32, #tpu.memory_space<vmem_shared>>
      %dma_wait3A_52 = tpu.memref_slice %arg5[%mul3A_36] : memref<40960xf32, #tpu.memory_space<vmem_shared>> -> memref<2560xf32, #tpu.memory_space<vmem_shared>>
      tpu.wait_dma2 semaphore(%run_scoped3A : memref<!tpu.dma_semaphore, #tpu.memory_space<semaphore_mem>>) src(%arg10 : memref<2560xf32, #tpu.memory_space<vmem>>) dst(%dma_wait3A_52 : memref<2560xf32, #tpu.memory_space<vmem_shared>>)
      tpu.yield
    }) : () -> ()
    %barrier3A = arith.constant 0 : index
    tpu.barrier barrier_id(%barrier3A)
    %mul3A_37 = arith.constant 10000 : i32
    %mul3A_38 = arith.muli %add3A, %mul3A_37 : i32
    %scan3A_39 = arith.constant 0 : i32
    %scan3A_40 = arith.constant 0 : i32
    %scan3A_41 = arith.constant 5 : i32
    %scan3A_42 = arith.addi %scan3A_40, %scan3A_41 : i32
    %scan3A_43 = arith.constant 1 : i32
    %scan3A_44 = scf.for %scan3A_51 = %scan3A_40 to %scan3A_42 step %scan3A_43 iter_args(%scan3A_52 = %scan3A_39) -> (i32)  : i32 {
      %mul3A_53 = arith.constant 2000 : i32
      %mul3A_54 = arith.muli %scan3A_51, %mul3A_53 : i32
      %add3A_55 = arith.addi %mul3A_38, %mul3A_54 : i32
      "tpu.region"() ({
        %run_scoped3A = tpu.sem_alloc : memref<!tpu.dma_semaphore, #tpu.memory_space<semaphore_mem>>
        %dma_start3A = tpu.memref_slice %arg2[%add3A_55] : memref<320000xi32, #tpu.memory_space<hbm>> -> memref<2000xi32, #tpu.memory_space<hbm>>
        %dma_start3A_64 = tpu.memref_slice %arg2[%add3A_55] : memref<320000xi32, #tpu.memory_space<hbm>> -> memref<2000xi32, #tpu.memory_space<hbm>>
        tpu.enqueue_dma source(%dma_start3A_64 : memref<2000xi32, #tpu.memory_space<hbm>>) target(%arg6 : memref<2000xi32, #tpu.memory_space<vmem>>) target_semaphore(%run_scoped3A : memref<!tpu.dma_semaphore, #tpu.memory_space<semaphore_mem>>)
        %dma_wait3A = tpu.memref_slice %arg2[%add3A_55] : memref<320000xi32, #tpu.memory_space<hbm>> -> memref<2000xi32, #tpu.memory_space<hbm>>
        %dma_wait3A_65 = tpu.memref_slice %arg2[%add3A_55] : memref<320000xi32, #tpu.memory_space<hbm>> -> memref<2000xi32, #tpu.memory_space<hbm>>
        tpu.wait_dma2 semaphore(%run_scoped3A : memref<!tpu.dma_semaphore, #tpu.memory_space<semaphore_mem>>) src(%dma_wait3A_65 : memref<2000xi32, #tpu.memory_space<hbm>>) dst(%arg6 : memref<2000xi32, #tpu.memory_space<vmem>>)
        tpu.yield
      }) : () -> ()
      "tpu.region"() ({
        %run_scoped3A = tpu.sem_alloc : memref<!tpu.dma_semaphore, #tpu.memory_space<semaphore_mem>>
        %dma_start3A = tpu.memref_slice %arg3[%add3A_55] : memref<320000xi32, #tpu.memory_space<hbm>> -> memref<2000xi32, #tpu.memory_space<hbm>>
        %dma_start3A_64 = tpu.memref_slice %arg3[%add3A_55] : memref<320000xi32, #tpu.memory_space<hbm>> -> memref<2000xi32, #tpu.memory_space<hbm>>
        tpu.enqueue_dma source(%dma_start3A_64 : memref<2000xi32, #tpu.memory_space<hbm>>) target(%arg7 : memref<2000xi32, #tpu.memory_space<vmem>>) target_semaphore(%run_scoped3A : memref<!tpu.dma_semaphore, #tpu.memory_space<semaphore_mem>>)
        %dma_wait3A = tpu.memref_slice %arg3[%add3A_55] : memref<320000xi32, #tpu.memory_space<hbm>> -> memref<2000xi32, #tpu.memory_space<hbm>>
        %dma_wait3A_65 = tpu.memref_slice %arg3[%add3A_55] : memref<320000xi32, #tpu.memory_space<hbm>> -> memref<2000xi32, #tpu.memory_space<hbm>>
        tpu.wait_dma2 semaphore(%run_scoped3A : memref<!tpu.dma_semaphore, #tpu.memory_space<semaphore_mem>>) src(%dma_wait3A_65 : memref<2000xi32, #tpu.memory_space<hbm>>) dst(%arg7 : memref<2000xi32, #tpu.memory_space<vmem>>)
        tpu.yield
      }) : () -> ()
      %scan3A_56 = arith.constant 0 : i32
      %scan3A_57 = arith.constant 0 : i32
      %scan3A_58 = arith.constant 25 : i32
      %scan3A_59 = arith.addi %scan3A_57, %scan3A_58 : i32
      %scan3A_60 = arith.constant 1 : i32
      %scan3A_61 = scf.for %scan3A_64 = %scan3A_57 to %scan3A_59 step %scan3A_60 iter_args(%scan3A_65 = %scan3A_56) -> (i32)  : i32 {
        %mul3A_66 = arith.constant 80 : i32
        %mul3A_67 = arith.muli %scan3A_64, %mul3A_66 : i32
        %add3A_68 = arith.constant 0 : i32
        %add3A_69 = arith.addi %mul3A_67, %add3A_68 : i32
        %get3A = arith.index_cast %add3A_69 : i32 to index
        %get3A_70 = tpu.vector_load %arg6[%get3A] {strides = array<i32>} : memref<2000xi32, #tpu.memory_space<vmem>>, vector<16xi32>,
        %get3A_71 = vector.shape_cast %get3A_70 : vector<16xi32> to vector<16xi32>
        %mul3A_72 = arith.constant 80 : i32
        %mul3A_73 = arith.muli %scan3A_64, %mul3A_72 : i32
        %add3A_74 = arith.constant 0 : i32
        %add3A_75 = arith.addi %mul3A_73, %add3A_74 : i32
        %get3A_76 = arith.index_cast %add3A_75 : i32 to index
        %get3A_77 = tpu.vector_load %arg7[%get3A_76] {strides = array<i32>} : memref<2000xi32, #tpu.memory_space<vmem>>, vector<16xi32>,
        %get3A_78 = vector.shape_cast %get3A_77 : vector<16xi32> to vector<16xi32>
        %mul3A_79 = arith.constant 10000 : i32
        %mul3A_80 = vector.broadcast %mul3A_79 : i32 to vector<16xi32>
        %mul3A_81 = arith.muli %get3A_78, %mul3A_80 : vector<16xi32>
        %add3A_82 = arith.addi %mul3A_81, %get3A_71 : vector<16xi32>
        %swap3A_83 = arith.constant 0 : index
        %swap3A_84 = tpu.vector_load %arg8[%swap3A_83] {strides = array<i32>} : memref<80xi32, #tpu.memory_space<vmem>>, vector<16xi32>,
        %swap3A_85 = vector.shape_cast %swap3A_84 : vector<16xi32> to vector<16xi32>
        %swap3A_86 = vector.shape_cast %add3A_82 : vector<16xi32> to vector<16xi32>
        tpu.vector_store %arg8[%swap3A_83], %swap3A_86 {strides = array<i32>} : memref<80xi32, #tpu.memory_space<vmem>>, vector<16xi32>,
        %mul3A_87 = arith.constant 80 : i32
        %mul3A_88 = arith.muli %scan3A_64, %mul3A_87 : i32
        %add3A_89 = arith.constant 16 : i32
        %add3A_90 = arith.addi %mul3A_88, %add3A_89 : i32
        %get3A_91 = arith.index_cast %add3A_90 : i32 to index
        %get3A_92 = tpu.vector_load %arg6[%get3A_91] {strides = array<i32>} : memref<2000xi32, #tpu.memory_space<vmem>>, vector<16xi32>,
        %get3A_93 = vector.shape_cast %get3A_92 : vector<16xi32> to vector<16xi32>
        %mul3A_94 = arith.constant 80 : i32
        %mul3A_95 = arith.muli %scan3A_64, %mul3A_94 : i32
        %add3A_96 = arith.constant 16 : i32
        %add3A_97 = arith.addi %mul3A_95, %add3A_96 : i32
        %get3A_98 = arith.index_cast %add3A_97 : i32 to index
        %get3A_99 = tpu.vector_load %arg7[%get3A_98] {strides = array<i32>} : memref<2000xi32, #tpu.memory_space<vmem>>, vector<16xi32>,
        %get3A_100 = vector.shape_cast %get3A_99 : vector<16xi32> to vector<16xi32>
        %mul3A_101 = arith.constant 10000 : i32
        %mul3A_102 = vector.broadcast %mul3A_101 : i32 to vector<16xi32>
        %mul3A_103 = arith.muli %get3A_100, %mul3A_102 : vector<16xi32>
        %add3A_104 = arith.addi %mul3A_103, %get3A_93 : vector<16xi32>
        %swap3A_105 = arith.constant 16 : index
        %swap3A_106 = tpu.vector_load %arg8[%swap3A_105] {strides = array<i32>} : memref<80xi32, #tpu.memory_space<vmem>>, vector<16xi32>,
        %swap3A_107 = vector.shape_cast %swap3A_106 : vector<16xi32> to vector<16xi32>
        %swap3A_108 = vector.shape_cast %add3A_104 : vector<16xi32> to vector<16xi32>
        tpu.vector_store %arg8[%swap3A_105], %swap3A_108 {strides = array<i32>} : memref<80xi32, #tpu.memory_space<vmem>>, vector<16xi32>,
        %mul3A_109 = arith.constant 80 : i32
        %mul3A_110 = arith.muli %scan3A_64, %mul3A_109 : i32
        %add3A_111 = arith.constant 32 : i32
        %add3A_112 = arith.addi %mul3A_110, %add3A_111 : i32
        %get3A_113 = arith.index_cast %add3A_112 : i32 to index
        %get3A_114 = tpu.vector_load %arg6[%get3A_113] {strides = array<i32>} : memref<2000xi32, #tpu.memory_space<vmem>>, vector<16xi32>,
        %get3A_115 = vector.shape_cast %get3A_114 : vector<16xi32> to vector<16xi32>
        %mul3A_116 = arith.constant 80 : i32
        %mul3A_117 = arith.muli %scan3A_64, %mul3A_116 : i32
        %add3A_118 = arith.constant 32 : i32
        %add3A_119 = arith.addi %mul3A_117, %add3A_118 : i32
        %get3A_120 = arith.index_cast %add3A_119 : i32 to index
        %get3A_121 = tpu.vector_load %arg7[%get3A_120] {strides = array<i32>} : memref<2000xi32, #tpu.memory_space<vmem>>, vector<16xi32>,
        %get3A_122 = vector.shape_cast %get3A_121 : vector<16xi32> to vector<16xi32>
        %mul3A_123 = arith.constant 10000 : i32
        %mul3A_124 = vector.broadcast %mul3A_123 : i32 to vector<16xi32>
        %mul3A_125 = arith.muli %get3A_122, %mul3A_124 : vector<16xi32>
        %add3A_126 = arith.addi %mul3A_125, %get3A_115 : vector<16xi32>
        %swap3A_127 = arith.constant 32 : index
        %swap3A_128 = tpu.vector_load %arg8[%swap3A_127] {strides = array<i32>} : memref<80xi32, #tpu.memory_space<vmem>>, vector<16xi32>,
        %swap3A_129 = vector.shape_cast %swap3A_128 : vector<16xi32> to vector<16xi32>
        %swap3A_130 = vector.shape_cast %add3A_126 : vector<16xi32> to vector<16xi32>
        tpu.vector_store %arg8[%swap3A_127], %swap3A_130 {strides = array<i32>} : memref<80xi32, #tpu.memory_space<vmem>>, vector<16xi32>,
        %mul3A_131 = arith.constant 80 : i32
        %mul3A_132 = arith.muli %scan3A_64, %mul3A_131 : i32
        %add3A_133 = arith.constant 48 : i32
        %add3A_134 = arith.addi %mul3A_132, %add3A_133 : i32
        %get3A_135 = arith.index_cast %add3A_134 : i32 to index
        %get3A_136 = tpu.vector_load %arg6[%get3A_135] {strides = array<i32>} : memref<2000xi32, #tpu.memory_space<vmem>>, vector<16xi32>,
        %get3A_137 = vector.shape_cast %get3A_136 : vector<16xi32> to vector<16xi32>
        %mul3A_138 = arith.constant 80 : i32
        %mul3A_139 = arith.muli %scan3A_64, %mul3A_138 : i32
        %add3A_140 = arith.constant 48 : i32
        %add3A_141 = arith.addi %mul3A_139, %add3A_140 : i32
        %get3A_142 = arith.index_cast %add3A_141 : i32 to index
        %get3A_143 = tpu.vector_load %arg7[%get3A_142] {strides = array<i32>} : memref<2000xi32, #tpu.memory_space<vmem>>, vector<16xi32>,
        %get3A_144 = vector.shape_cast %get3A_143 : vector<16xi32> to vector<16xi32>
        %mul3A_145 = arith.constant 10000 : i32
        %mul3A_146 = vector.broadcast %mul3A_145 : i32 to vector<16xi32>
        %mul3A_147 = arith.muli %get3A_144, %mul3A_146 : vector<16xi32>
        %add3A_148 = arith.addi %mul3A_147, %get3A_137 : vector<16xi32>
        %swap3A_149 = arith.constant 48 : index
        %swap3A_150 = tpu.vector_load %arg8[%swap3A_149] {strides = array<i32>} : memref<80xi32, #tpu.memory_space<vmem>>, vector<16xi32>,
        %swap3A_151 = vector.shape_cast %swap3A_150 : vector<16xi32> to vector<16xi32>
        %swap3A_152 = vector.shape_cast %add3A_148 : vector<16xi32> to vector<16xi32>
        tpu.vector_store %arg8[%swap3A_149], %swap3A_152 {strides = array<i32>} : memref<80xi32, #tpu.memory_space<vmem>>, vector<16xi32>,
        %mul3A_153 = arith.constant 80 : i32
        %mul3A_154 = arith.muli %scan3A_64, %mul3A_153 : i32
        %add3A_155 = arith.constant 64 : i32
        %add3A_156 = arith.addi %mul3A_154, %add3A_155 : i32
        %get3A_157 = arith.index_cast %add3A_156 : i32 to index
        %get3A_158 = tpu.vector_load %arg6[%get3A_157] {strides = array<i32>} : memref<2000xi32, #tpu.memory_space<vmem>>, vector<16xi32>,
        %get3A_159 = vector.shape_cast %get3A_158 : vector<16xi32> to vector<16xi32>
        %mul3A_160 = arith.constant 80 : i32
        %mul3A_161 = arith.muli %scan3A_64, %mul3A_160 : i32
        %add3A_162 = arith.constant 64 : i32
        %add3A_163 = arith.addi %mul3A_161, %add3A_162 : i32
        %get3A_164 = arith.index_cast %add3A_163 : i32 to index
        %get3A_165 = tpu.vector_load %arg7[%get3A_164] {strides = array<i32>} : memref<2000xi32, #tpu.memory_space<vmem>>, vector<16xi32>,
        %get3A_166 = vector.shape_cast %get3A_165 : vector<16xi32> to vector<16xi32>
        %mul3A_167 = arith.constant 10000 : i32
        %mul3A_168 = vector.broadcast %mul3A_167 : i32 to vector<16xi32>
        %mul3A_169 = arith.muli %get3A_166, %mul3A_168 : vector<16xi32>
        %add3A_170 = arith.addi %mul3A_169, %get3A_159 : vector<16xi32>
        %swap3A_171 = arith.constant 64 : index
        %swap3A_172 = tpu.vector_load %arg8[%swap3A_171] {strides = array<i32>} : memref<80xi32, #tpu.memory_space<vmem>>, vector<16xi32>,
        %swap3A_173 = vector.shape_cast %swap3A_172 : vector<16xi32> to vector<16xi32>
        %swap3A_174 = vector.shape_cast %add3A_170 : vector<16xi32> to vector<16xi32>
        tpu.vector_store %arg8[%swap3A_171], %swap3A_174 {strides = array<i32>} : memref<80xi32, #tpu.memory_space<vmem>>, vector<16xi32>,
        "tpu.region"() ({
          %run_scoped3A = tpu.sem_alloc : memref<!tpu.dma_semaphore, #tpu.memory_space<semaphore_mem>>
          %dma_start3A = arith.constant 0 : i32
          %dma_start3A_176 = tpu.memref_slice %arg5[%dma_start3A] : memref<40960xf32, #tpu.memory_space<vmem_shared>> -> memref<40960xf32, #tpu.memory_space<vmem_shared>>
          tpu.enqueue_indirect_dma source(%arg9 : memref<80xf32, #tpu.memory_space<vmem>>) target(%dma_start3A_176 : memref<40960xf32, #tpu.memory_space<vmem_shared>>) offsets(%arg8 : memref<80xi32, #tpu.memory_space<vmem>>) semaphore(%run_scoped3A : memref<!tpu.dma_semaphore, #tpu.memory_space<semaphore_mem>>) {add = true}
          %dma_wait3A = arith.constant 0 : i32
          %dma_wait3A_177 = tpu.memref_slice %arg5[%dma_wait3A] : memref<40960xf32, #tpu.memory_space<vmem_shared>> -> memref<40960xf32, #tpu.memory_space<vmem_shared>>
          tpu.wait_indirect_dma semaphore(%run_scoped3A : memref<!tpu.dma_semaphore, #tpu.memory_space<semaphore_mem>>) src(%arg9 : memref<80xf32, #tpu.memory_space<vmem>>) dst(%dma_wait3A_177 : memref<40960xf32, #tpu.memory_space<vmem_shared>>)
          tpu.yield
        }) : () -> ()
        %scan3A_175 = arith.constant 0 : i32
        scf.yield %scan3A_175 : i32
      }
      %scan3A_62 = arith.constant 25 : i32
      %scan3A_63 = arith.constant 0 : i32
      scf.yield %scan3A_63 : i32
    }
    %scan3A_45 = arith.constant 5 : i32
    %barrier3A_46 = arith.constant 0 : index
    tpu.barrier barrier_id(%barrier3A_46)
    %mul3A_47 = arith.constant 2560 : i32
    %mul3A_48 = arith.muli %arg1, %mul3A_47 : i32
    %mul3A_49 = arith.constant 2560 : i32
    %mul3A_50 = arith.muli %arg1, %mul3A_49 : i32
    "tpu.region"() ({
      %run_scoped3A = tpu.sem_alloc : memref<!tpu.dma_semaphore, #tpu.memory_space<semaphore_mem>>
      %dma_start3A = tpu.memref_slice %arg4[%arg0, %mul3A_50] : memref<2x40960xf32, #tpu.memory_space<hbm>> -> memref<1x2560xf32, #tpu.memory_space<hbm>>
      %dma_start3A_51 = tpu.memref_squeeze %dma_start3A : memref<1x2560xf32, #tpu.memory_space<hbm>> -> memref<2560xf32, #tpu.memory_space<hbm>>
      %dma_start3A_52 = tpu.memref_slice %arg5[%mul3A_48] : memref<40960xf32, #tpu.memory_space<vmem_shared>> -> memref<2560xf32, #tpu.memory_space<vmem_shared>>
      tpu.enqueue_dma source(%dma_start3A_52 : memref<2560xf32, #tpu.memory_space<vmem_shared>>) target(%dma_start3A_51 : memref<2560xf32, #tpu.memory_space<hbm>>) target_semaphore(%run_scoped3A : memref<!tpu.dma_semaphore, #tpu.memory_space<semaphore_mem>>)
      %dma_wait3A = tpu.memref_slice %arg4[%arg0, %mul3A_50] : memref<2x40960xf32, #tpu.memory_space<hbm>> -> memref<1x2560xf32, #tpu.memory_space<hbm>>
      %dma_wait3A_53 = tpu.memref_squeeze %dma_wait3A : memref<1x2560xf32, #tpu.memory_space<hbm>> -> memref<2560xf32, #tpu.memory_space<hbm>>
      %dma_wait3A_54 = tpu.memref_slice %arg5[%mul3A_48] : memref<40960xf32, #tpu.memory_space<vmem_shared>> -> memref<2560xf32, #tpu.memory_space<vmem_shared>>
      tpu.wait_dma2 semaphore(%run_scoped3A : memref<!tpu.dma_semaphore, #tpu.memory_space<semaphore_mem>>) src(%dma_wait3A_54 : memref<2560xf32, #tpu.memory_space<vmem_shared>>) dst(%dma_wait3A_53 : memref<2560xf32, #tpu.memory_space<hbm>>)
      tpu.yield
    }) : () -> ()
    return
  }
}

#map = affine_map<(d0, d1) -> (0, 0)>
#map1 = affine_map<(d0, d1) -> (0)>
#map2 = affine_map<(d0, d1) -> (0, 0, 0)>
module attributes {stable_mosaic.version = 14 : i64} {
  func.func @_sc_edge1(%arg0: i32, %arg1: i32, %arg2: memref<40000x128xf32, #tpu.memory_space<hbm>>, %arg3: memref<320000xi32, #tpu.memory_space<hbm>>, %arg4: memref<320000xi32, #tpu.memory_space<hbm>>, %arg5: memref<320000xi32, #tpu.memory_space<hbm>>, %arg6: memref<2x10240x128xf32, #tpu.memory_space<hbm>>, %arg7: memref<10240x128xf32, #tpu.memory_space<vmem_shared>>, %arg8: memref<2000xi32, #tpu.memory_space<vmem>>, %arg9: memref<2000xi32, #tpu.memory_space<vmem>>, %arg10: memref<2000xi32, #tpu.memory_space<vmem>>, %arg11: memref<80xi32, #tpu.memory_space<vmem>>, %arg12: memref<80xi32, #tpu.memory_space<vmem>>, %arg13: memref<80xi32, #tpu.memory_space<vmem>>, %arg14: memref<80x128xf32, #tpu.memory_space<vmem>>, %arg15: memref<80x128xf32, #tpu.memory_space<vmem>>, %arg16: memref<80x128xf32, #tpu.memory_space<vmem>>, %arg17: memref<!tpu.dma_semaphore, #tpu.memory_space<semaphore_mem>>, %arg18: memref<!tpu.dma_semaphore, #tpu.memory_space<semaphore_mem>>) attributes {dimension_semantics = [#tpu.dimension_semantics<core_parallel>, #tpu.dimension_semantics<subcore_parallel>], iteration_bounds = array<i64: 2, 16>, scalar_prefetch = 0 : i64, scratch_operands = 12 : i64, tpu.core_type = #tpu.core_type<sc_vector_subcore>, window_params = [{transform_indices = #map}, {transform_indices = #map1}, {transform_indices = #map1}, {transform_indices = #map1}, {transform_indices = #map2}]} {
    %mul3A = arith.constant 16 : i32
    %mul3A_0 = arith.muli %arg0, %mul3A : i32
    %add3A = arith.addi %mul3A_0, %arg1 : i32
    %mul3A_1 = arith.constant 640 : i32
    %mul3A_2 = arith.muli %arg1, %mul3A_1 : i32
    %scan3A = arith.constant 0 : i32
    %scan3A_3 = arith.constant 0 : i32
    %scan3A_4 = arith.constant 80 : i32
    %scan3A_5 = arith.addi %scan3A_3, %scan3A_4 : i32
    %scan3A_6 = arith.constant 1 : i32
    %scan3A_7 = scf.for %scan3A_55 = %scan3A_3 to %scan3A_5 step %scan3A_6 iter_args(%scan3A_56 = %scan3A) -> (i32)  : i32 {
      %broadcast_in_dim3A = arith.constant 0.000000e+00 : f32
      %broadcast_in_dim3A_57 = vector.broadcast %broadcast_in_dim3A : f32 to vector<16xf32>
      %swap3A = arith.index_cast %scan3A_55 : i32 to index
      %swap3A_58 = arith.constant 0 : index
      %swap3A_59 = tpu.vector_load %arg16[%swap3A, %swap3A_58] {strides = array<i32>} : memref<80x128xf32, #tpu.memory_space<vmem>>, vector<1x16xf32>,
      %swap3A_60 = vector.shape_cast %swap3A_59 : vector<1x16xf32> to vector<16xf32>
      %swap3A_61 = vector.shape_cast %broadcast_in_dim3A_57 : vector<16xf32> to vector<1x16xf32>
      tpu.vector_store %arg16[%swap3A, %swap3A_58], %swap3A_61 {strides = array<i32>} : memref<80x128xf32, #tpu.memory_space<vmem>>, vector<1x16xf32>,
      %broadcast_in_dim3A_62 = arith.constant 0.000000e+00 : f32
      %broadcast_in_dim3A_63 = vector.broadcast %broadcast_in_dim3A_62 : f32 to vector<16xf32>
      %swap3A_64 = arith.index_cast %scan3A_55 : i32 to index
      %swap3A_65 = arith.constant 16 : index
      %swap3A_66 = tpu.vector_load %arg16[%swap3A_64, %swap3A_65] {strides = array<i32>} : memref<80x128xf32, #tpu.memory_space<vmem>>, vector<1x16xf32>,
      %swap3A_67 = vector.shape_cast %swap3A_66 : vector<1x16xf32> to vector<16xf32>
      %swap3A_68 = vector.shape_cast %broadcast_in_dim3A_63 : vector<16xf32> to vector<1x16xf32>
      tpu.vector_store %arg16[%swap3A_64, %swap3A_65], %swap3A_68 {strides = array<i32>} : memref<80x128xf32, #tpu.memory_space<vmem>>, vector<1x16xf32>,
      %broadcast_in_dim3A_69 = arith.constant 0.000000e+00 : f32
      %broadcast_in_dim3A_70 = vector.broadcast %broadcast_in_dim3A_69 : f32 to vector<16xf32>
      %swap3A_71 = arith.index_cast %scan3A_55 : i32 to index
      %swap3A_72 = arith.constant 32 : index
      %swap3A_73 = tpu.vector_load %arg16[%swap3A_71, %swap3A_72] {strides = array<i32>} : memref<80x128xf32, #tpu.memory_space<vmem>>, vector<1x16xf32>,
      %swap3A_74 = vector.shape_cast %swap3A_73 : vector<1x16xf32> to vector<16xf32>
      %swap3A_75 = vector.shape_cast %broadcast_in_dim3A_70 : vector<16xf32> to vector<1x16xf32>
      tpu.vector_store %arg16[%swap3A_71, %swap3A_72], %swap3A_75 {strides = array<i32>} : memref<80x128xf32, #tpu.memory_space<vmem>>, vector<1x16xf32>,
      %broadcast_in_dim3A_76 = arith.constant 0.000000e+00 : f32
      %broadcast_in_dim3A_77 = vector.broadcast %broadcast_in_dim3A_76 : f32 to vector<16xf32>
      %swap3A_78 = arith.index_cast %scan3A_55 : i32 to index
      %swap3A_79 = arith.constant 48 : index
      %swap3A_80 = tpu.vector_load %arg16[%swap3A_78, %swap3A_79] {strides = array<i32>} : memref<80x128xf32, #tpu.memory_space<vmem>>, vector<1x16xf32>,
      %swap3A_81 = vector.shape_cast %swap3A_80 : vector<1x16xf32> to vector<16xf32>
      %swap3A_82 = vector.shape_cast %broadcast_in_dim3A_77 : vector<16xf32> to vector<1x16xf32>
      tpu.vector_store %arg16[%swap3A_78, %swap3A_79], %swap3A_82 {strides = array<i32>} : memref<80x128xf32, #tpu.memory_space<vmem>>, vector<1x16xf32>,
      %broadcast_in_dim3A_83 = arith.constant 0.000000e+00 : f32
      %broadcast_in_dim3A_84 = vector.broadcast %broadcast_in_dim3A_83 : f32 to vector<16xf32>
      %swap3A_85 = arith.index_cast %scan3A_55 : i32 to index
      %swap3A_86 = arith.constant 64 : index
      %swap3A_87 = tpu.vector_load %arg16[%swap3A_85, %swap3A_86] {strides = array<i32>} : memref<80x128xf32, #tpu.memory_space<vmem>>, vector<1x16xf32>,
      %swap3A_88 = vector.shape_cast %swap3A_87 : vector<1x16xf32> to vector<16xf32>
      %swap3A_89 = vector.shape_cast %broadcast_in_dim3A_84 : vector<16xf32> to vector<1x16xf32>
      tpu.vector_store %arg16[%swap3A_85, %swap3A_86], %swap3A_89 {strides = array<i32>} : memref<80x128xf32, #tpu.memory_space<vmem>>, vector<1x16xf32>,
      %broadcast_in_dim3A_90 = arith.constant 0.000000e+00 : f32
      %broadcast_in_dim3A_91 = vector.broadcast %broadcast_in_dim3A_90 : f32 to vector<16xf32>
      %swap3A_92 = arith.index_cast %scan3A_55 : i32 to index
      %swap3A_93 = arith.constant 80 : index
      %swap3A_94 = tpu.vector_load %arg16[%swap3A_92, %swap3A_93] {strides = array<i32>} : memref<80x128xf32, #tpu.memory_space<vmem>>, vector<1x16xf32>,
      %swap3A_95 = vector.shape_cast %swap3A_94 : vector<1x16xf32> to vector<16xf32>
      %swap3A_96 = vector.shape_cast %broadcast_in_dim3A_91 : vector<16xf32> to vector<1x16xf32>
      tpu.vector_store %arg16[%swap3A_92, %swap3A_93], %swap3A_96 {strides = array<i32>} : memref<80x128xf32, #tpu.memory_space<vmem>>, vector<1x16xf32>,
      %broadcast_in_dim3A_97 = arith.constant 0.000000e+00 : f32
      %broadcast_in_dim3A_98 = vector.broadcast %broadcast_in_dim3A_97 : f32 to vector<16xf32>
      %swap3A_99 = arith.index_cast %scan3A_55 : i32 to index
      %swap3A_100 = arith.constant 96 : index
      %swap3A_101 = tpu.vector_load %arg16[%swap3A_99, %swap3A_100] {strides = array<i32>} : memref<80x128xf32, #tpu.memory_space<vmem>>, vector<1x16xf32>,
      %swap3A_102 = vector.shape_cast %swap3A_101 : vector<1x16xf32> to vector<16xf32>
      %swap3A_103 = vector.shape_cast %broadcast_in_dim3A_98 : vector<16xf32> to vector<1x16xf32>
      tpu.vector_store %arg16[%swap3A_99, %swap3A_100], %swap3A_103 {strides = array<i32>} : memref<80x128xf32, #tpu.memory_space<vmem>>, vector<1x16xf32>,
      %broadcast_in_dim3A_104 = arith.constant 0.000000e+00 : f32
      %broadcast_in_dim3A_105 = vector.broadcast %broadcast_in_dim3A_104 : f32 to vector<16xf32>
      %swap3A_106 = arith.index_cast %scan3A_55 : i32 to index
      %swap3A_107 = arith.constant 112 : index
      %swap3A_108 = tpu.vector_load %arg16[%swap3A_106, %swap3A_107] {strides = array<i32>} : memref<80x128xf32, #tpu.memory_space<vmem>>, vector<1x16xf32>,
      %swap3A_109 = vector.shape_cast %swap3A_108 : vector<1x16xf32> to vector<16xf32>
      %swap3A_110 = vector.shape_cast %broadcast_in_dim3A_105 : vector<16xf32> to vector<1x16xf32>
      tpu.vector_store %arg16[%swap3A_106, %swap3A_107], %swap3A_110 {strides = array<i32>} : memref<80x128xf32, #tpu.memory_space<vmem>>, vector<1x16xf32>,
      %scan3A_111 = arith.constant 0 : i32
      scf.yield %scan3A_111 : i32
    }
    %scan3A_8 = arith.constant 80 : i32
    %add3A_9 = arith.constant 0 : i32
    %add3A_10 = arith.addi %mul3A_2, %add3A_9 : i32
    "tpu.region"() ({
      %run_scoped3A = tpu.sem_alloc : memref<!tpu.dma_semaphore, #tpu.memory_space<semaphore_mem>>
      %dma_start3A = arith.constant 0 : i32
      %dma_start3A_55 = tpu.memref_slice %arg7[%add3A_10, %dma_start3A] : memref<10240x128xf32, #tpu.memory_space<vmem_shared>> -> memref<80x128xf32, #tpu.memory_space<vmem_shared>>
      %dma_start3A_56 = arith.constant 0 : i32
      %dma_start3A_57 = tpu.memref_slice %arg7[%add3A_10, %dma_start3A_56] : memref<10240x128xf32, #tpu.memory_space<vmem_shared>> -> memref<80x128xf32, #tpu.memory_space<vmem_shared>>
      tpu.enqueue_dma source(%arg16 : memref<80x128xf32, #tpu.memory_space<vmem>>) target(%dma_start3A_57 : memref<80x128xf32, #tpu.memory_space<vmem_shared>>) target_semaphore(%run_scoped3A : memref<!tpu.dma_semaphore, #tpu.memory_space<semaphore_mem>>)
      %dma_wait3A = arith.constant 0 : i32
      %dma_wait3A_58 = tpu.memref_slice %arg7[%add3A_10, %dma_wait3A] : memref<10240x128xf32, #tpu.memory_space<vmem_shared>> -> memref<80x128xf32, #tpu.memory_space<vmem_shared>>
      %dma_wait3A_59 = arith.constant 0 : i32
      %dma_wait3A_60 = tpu.memref_slice %arg7[%add3A_10, %dma_wait3A_59] : memref<10240x128xf32, #tpu.memory_space<vmem_shared>> -> memref<80x128xf32, #tpu.memory_space<vmem_shared>>
      tpu.wait_dma2 semaphore(%run_scoped3A : memref<!tpu.dma_semaphore, #tpu.memory_space<semaphore_mem>>) src(%arg16 : memref<80x128xf32, #tpu.memory_space<vmem>>) dst(%dma_wait3A_60 : memref<80x128xf32, #tpu.memory_space<vmem_shared>>)
      tpu.yield
    }) : () -> ()
    %add3A_11 = arith.constant 80 : i32
    %add3A_12 = arith.addi %mul3A_2, %add3A_11 : i32
    "tpu.region"() ({
      %run_scoped3A = tpu.sem_alloc : memref<!tpu.dma_semaphore, #tpu.memory_space<semaphore_mem>>
      %dma_start3A = arith.constant 0 : i32
      %dma_start3A_55 = tpu.memref_slice %arg7[%add3A_12, %dma_start3A] : memref<10240x128xf32, #tpu.memory_space<vmem_shared>> -> memref<80x128xf32, #tpu.memory_space<vmem_shared>>
      %dma_start3A_56 = arith.constant 0 : i32
      %dma_start3A_57 = tpu.memref_slice %arg7[%add3A_12, %dma_start3A_56] : memref<10240x128xf32, #tpu.memory_space<vmem_shared>> -> memref<80x128xf32, #tpu.memory_space<vmem_shared>>
      tpu.enqueue_dma source(%arg16 : memref<80x128xf32, #tpu.memory_space<vmem>>) target(%dma_start3A_57 : memref<80x128xf32, #tpu.memory_space<vmem_shared>>) target_semaphore(%run_scoped3A : memref<!tpu.dma_semaphore, #tpu.memory_space<semaphore_mem>>)
      %dma_wait3A = arith.constant 0 : i32
      %dma_wait3A_58 = tpu.memref_slice %arg7[%add3A_12, %dma_wait3A] : memref<10240x128xf32, #tpu.memory_space<vmem_shared>> -> memref<80x128xf32, #tpu.memory_space<vmem_shared>>
      %dma_wait3A_59 = arith.constant 0 : i32
      %dma_wait3A_60 = tpu.memref_slice %arg7[%add3A_12, %dma_wait3A_59] : memref<10240x128xf32, #tpu.memory_space<vmem_shared>> -> memref<80x128xf32, #tpu.memory_space<vmem_shared>>
      tpu.wait_dma2 semaphore(%run_scoped3A : memref<!tpu.dma_semaphore, #tpu.memory_space<semaphore_mem>>) src(%arg16 : memref<80x128xf32, #tpu.memory_space<vmem>>) dst(%dma_wait3A_60 : memref<80x128xf32, #tpu.memory_space<vmem_shared>>)
      tpu.yield
    }) : () -> ()
    %add3A_13 = arith.constant 160 : i32
    %add3A_14 = arith.addi %mul3A_2, %add3A_13 : i32
    "tpu.region"() ({
      %run_scoped3A = tpu.sem_alloc : memref<!tpu.dma_semaphore, #tpu.memory_space<semaphore_mem>>
      %dma_start3A = arith.constant 0 : i32
      %dma_start3A_55 = tpu.memref_slice %arg7[%add3A_14, %dma_start3A] : memref<10240x128xf32, #tpu.memory_space<vmem_shared>> -> memref<80x128xf32, #tpu.memory_space<vmem_shared>>
      %dma_start3A_56 = arith.constant 0 : i32
      %dma_start3A_57 = tpu.memref_slice %arg7[%add3A_14, %dma_start3A_56] : memref<10240x128xf32, #tpu.memory_space<vmem_shared>> -> memref<80x128xf32, #tpu.memory_space<vmem_shared>>
      tpu.enqueue_dma source(%arg16 : memref<80x128xf32, #tpu.memory_space<vmem>>) target(%dma_start3A_57 : memref<80x128xf32, #tpu.memory_space<vmem_shared>>) target_semaphore(%run_scoped3A : memref<!tpu.dma_semaphore, #tpu.memory_space<semaphore_mem>>)
      %dma_wait3A = arith.constant 0 : i32
      %dma_wait3A_58 = tpu.memref_slice %arg7[%add3A_14, %dma_wait3A] : memref<10240x128xf32, #tpu.memory_space<vmem_shared>> -> memref<80x128xf32, #tpu.memory_space<vmem_shared>>
      %dma_wait3A_59 = arith.constant 0 : i32
      %dma_wait3A_60 = tpu.memref_slice %arg7[%add3A_14, %dma_wait3A_59] : memref<10240x128xf32, #tpu.memory_space<vmem_shared>> -> memref<80x128xf32, #tpu.memory_space<vmem_shared>>
      tpu.wait_dma2 semaphore(%run_scoped3A : memref<!tpu.dma_semaphore, #tpu.memory_space<semaphore_mem>>) src(%arg16 : memref<80x128xf32, #tpu.memory_space<vmem>>) dst(%dma_wait3A_60 : memref<80x128xf32, #tpu.memory_space<vmem_shared>>)
      tpu.yield
    }) : () -> ()
    %add3A_15 = arith.constant 240 : i32
    %add3A_16 = arith.addi %mul3A_2, %add3A_15 : i32
    "tpu.region"() ({
      %run_scoped3A = tpu.sem_alloc : memref<!tpu.dma_semaphore, #tpu.memory_space<semaphore_mem>>
      %dma_start3A = arith.constant 0 : i32
      %dma_start3A_55 = tpu.memref_slice %arg7[%add3A_16, %dma_start3A] : memref<10240x128xf32, #tpu.memory_space<vmem_shared>> -> memref<80x128xf32, #tpu.memory_space<vmem_shared>>
      %dma_start3A_56 = arith.constant 0 : i32
      %dma_start3A_57 = tpu.memref_slice %arg7[%add3A_16, %dma_start3A_56] : memref<10240x128xf32, #tpu.memory_space<vmem_shared>> -> memref<80x128xf32, #tpu.memory_space<vmem_shared>>
      tpu.enqueue_dma source(%arg16 : memref<80x128xf32, #tpu.memory_space<vmem>>) target(%dma_start3A_57 : memref<80x128xf32, #tpu.memory_space<vmem_shared>>) target_semaphore(%run_scoped3A : memref<!tpu.dma_semaphore, #tpu.memory_space<semaphore_mem>>)
      %dma_wait3A = arith.constant 0 : i32
      %dma_wait3A_58 = tpu.memref_slice %arg7[%add3A_16, %dma_wait3A] : memref<10240x128xf32, #tpu.memory_space<vmem_shared>> -> memref<80x128xf32, #tpu.memory_space<vmem_shared>>
      %dma_wait3A_59 = arith.constant 0 : i32
      %dma_wait3A_60 = tpu.memref_slice %arg7[%add3A_16, %dma_wait3A_59] : memref<10240x128xf32, #tpu.memory_space<vmem_shared>> -> memref<80x128xf32, #tpu.memory_space<vmem_shared>>
      tpu.wait_dma2 semaphore(%run_scoped3A : memref<!tpu.dma_semaphore, #tpu.memory_space<semaphore_mem>>) src(%arg16 : memref<80x128xf32, #tpu.memory_space<vmem>>) dst(%dma_wait3A_60 : memref<80x128xf32, #tpu.memory_space<vmem_shared>>)
      tpu.yield
    }) : () -> ()
    %add3A_17 = arith.constant 320 : i32
    %add3A_18 = arith.addi %mul3A_2, %add3A_17 : i32
    "tpu.region"() ({
      %run_scoped3A = tpu.sem_alloc : memref<!tpu.dma_semaphore, #tpu.memory_space<semaphore_mem>>
      %dma_start3A = arith.constant 0 : i32
      %dma_start3A_55 = tpu.memref_slice %arg7[%add3A_18, %dma_start3A] : memref<10240x128xf32, #tpu.memory_space<vmem_shared>> -> memref<80x128xf32, #tpu.memory_space<vmem_shared>>
      %dma_start3A_56 = arith.constant 0 : i32
      %dma_start3A_57 = tpu.memref_slice %arg7[%add3A_18, %dma_start3A_56] : memref<10240x128xf32, #tpu.memory_space<vmem_shared>> -> memref<80x128xf32, #tpu.memory_space<vmem_shared>>
      tpu.enqueue_dma source(%arg16 : memref<80x128xf32, #tpu.memory_space<vmem>>) target(%dma_start3A_57 : memref<80x128xf32, #tpu.memory_space<vmem_shared>>) target_semaphore(%run_scoped3A : memref<!tpu.dma_semaphore, #tpu.memory_space<semaphore_mem>>)
      %dma_wait3A = arith.constant 0 : i32
      %dma_wait3A_58 = tpu.memref_slice %arg7[%add3A_18, %dma_wait3A] : memref<10240x128xf32, #tpu.memory_space<vmem_shared>> -> memref<80x128xf32, #tpu.memory_space<vmem_shared>>
      %dma_wait3A_59 = arith.constant 0 : i32
      %dma_wait3A_60 = tpu.memref_slice %arg7[%add3A_18, %dma_wait3A_59] : memref<10240x128xf32, #tpu.memory_space<vmem_shared>> -> memref<80x128xf32, #tpu.memory_space<vmem_shared>>
      tpu.wait_dma2 semaphore(%run_scoped3A : memref<!tpu.dma_semaphore, #tpu.memory_space<semaphore_mem>>) src(%arg16 : memref<80x128xf32, #tpu.memory_space<vmem>>) dst(%dma_wait3A_60 : memref<80x128xf32, #tpu.memory_space<vmem_shared>>)
      tpu.yield
    }) : () -> ()
    %add3A_19 = arith.constant 400 : i32
    %add3A_20 = arith.addi %mul3A_2, %add3A_19 : i32
    "tpu.region"() ({
      %run_scoped3A = tpu.sem_alloc : memref<!tpu.dma_semaphore, #tpu.memory_space<semaphore_mem>>
      %dma_start3A = arith.constant 0 : i32
      %dma_start3A_55 = tpu.memref_slice %arg7[%add3A_20, %dma_start3A] : memref<10240x128xf32, #tpu.memory_space<vmem_shared>> -> memref<80x128xf32, #tpu.memory_space<vmem_shared>>
      %dma_start3A_56 = arith.constant 0 : i32
      %dma_start3A_57 = tpu.memref_slice %arg7[%add3A_20, %dma_start3A_56] : memref<10240x128xf32, #tpu.memory_space<vmem_shared>> -> memref<80x128xf32, #tpu.memory_space<vmem_shared>>
      tpu.enqueue_dma source(%arg16 : memref<80x128xf32, #tpu.memory_space<vmem>>) target(%dma_start3A_57 : memref<80x128xf32, #tpu.memory_space<vmem_shared>>) target_semaphore(%run_scoped3A : memref<!tpu.dma_semaphore, #tpu.memory_space<semaphore_mem>>)
      %dma_wait3A = arith.constant 0 : i32
      %dma_wait3A_58 = tpu.memref_slice %arg7[%add3A_20, %dma_wait3A] : memref<10240x128xf32, #tpu.memory_space<vmem_shared>> -> memref<80x128xf32, #tpu.memory_space<vmem_shared>>
      %dma_wait3A_59 = arith.constant 0 : i32
      %dma_wait3A_60 = tpu.memref_slice %arg7[%add3A_20, %dma_wait3A_59] : memref<10240x128xf32, #tpu.memory_space<vmem_shared>> -> memref<80x128xf32, #tpu.memory_space<vmem_shared>>
      tpu.wait_dma2 semaphore(%run_scoped3A : memref<!tpu.dma_semaphore, #tpu.memory_space<semaphore_mem>>) src(%arg16 : memref<80x128xf32, #tpu.memory_space<vmem>>) dst(%dma_wait3A_60 : memref<80x128xf32, #tpu.memory_space<vmem_shared>>)
      tpu.yield
    }) : () -> ()
    %add3A_21 = arith.constant 480 : i32
    %add3A_22 = arith.addi %mul3A_2, %add3A_21 : i32
    "tpu.region"() ({
      %run_scoped3A = tpu.sem_alloc : memref<!tpu.dma_semaphore, #tpu.memory_space<semaphore_mem>>
      %dma_start3A = arith.constant 0 : i32
      %dma_start3A_55 = tpu.memref_slice %arg7[%add3A_22, %dma_start3A] : memref<10240x128xf32, #tpu.memory_space<vmem_shared>> -> memref<80x128xf32, #tpu.memory_space<vmem_shared>>
      %dma_start3A_56 = arith.constant 0 : i32
      %dma_start3A_57 = tpu.memref_slice %arg7[%add3A_22, %dma_start3A_56] : memref<10240x128xf32, #tpu.memory_space<vmem_shared>> -> memref<80x128xf32, #tpu.memory_space<vmem_shared>>
      tpu.enqueue_dma source(%arg16 : memref<80x128xf32, #tpu.memory_space<vmem>>) target(%dma_start3A_57 : memref<80x128xf32, #tpu.memory_space<vmem_shared>>) target_semaphore(%run_scoped3A : memref<!tpu.dma_semaphore, #tpu.memory_space<semaphore_mem>>)
      %dma_wait3A = arith.constant 0 : i32
      %dma_wait3A_58 = tpu.memref_slice %arg7[%add3A_22, %dma_wait3A] : memref<10240x128xf32, #tpu.memory_space<vmem_shared>> -> memref<80x128xf32, #tpu.memory_space<vmem_shared>>
      %dma_wait3A_59 = arith.constant 0 : i32
      %dma_wait3A_60 = tpu.memref_slice %arg7[%add3A_22, %dma_wait3A_59] : memref<10240x128xf32, #tpu.memory_space<vmem_shared>> -> memref<80x128xf32, #tpu.memory_space<vmem_shared>>
      tpu.wait_dma2 semaphore(%run_scoped3A : memref<!tpu.dma_semaphore, #tpu.memory_space<semaphore_mem>>) src(%arg16 : memref<80x128xf32, #tpu.memory_space<vmem>>) dst(%dma_wait3A_60 : memref<80x128xf32, #tpu.memory_space<vmem_shared>>)
      tpu.yield
    }) : () -> ()
    %add3A_23 = arith.constant 560 : i32
    %add3A_24 = arith.addi %mul3A_2, %add3A_23 : i32
    "tpu.region"() ({
      %run_scoped3A = tpu.sem_alloc : memref<!tpu.dma_semaphore, #tpu.memory_space<semaphore_mem>>
      %dma_start3A = arith.constant 0 : i32
      %dma_start3A_55 = tpu.memref_slice %arg7[%add3A_24, %dma_start3A] : memref<10240x128xf32, #tpu.memory_space<vmem_shared>> -> memref<80x128xf32, #tpu.memory_space<vmem_shared>>
      %dma_start3A_56 = arith.constant 0 : i32
      %dma_start3A_57 = tpu.memref_slice %arg7[%add3A_24, %dma_start3A_56] : memref<10240x128xf32, #tpu.memory_space<vmem_shared>> -> memref<80x128xf32, #tpu.memory_space<vmem_shared>>
      tpu.enqueue_dma source(%arg16 : memref<80x128xf32, #tpu.memory_space<vmem>>) target(%dma_start3A_57 : memref<80x128xf32, #tpu.memory_space<vmem_shared>>) target_semaphore(%run_scoped3A : memref<!tpu.dma_semaphore, #tpu.memory_space<semaphore_mem>>)
      %dma_wait3A = arith.constant 0 : i32
      %dma_wait3A_58 = tpu.memref_slice %arg7[%add3A_24, %dma_wait3A] : memref<10240x128xf32, #tpu.memory_space<vmem_shared>> -> memref<80x128xf32, #tpu.memory_space<vmem_shared>>
      %dma_wait3A_59 = arith.constant 0 : i32
      %dma_wait3A_60 = tpu.memref_slice %arg7[%add3A_24, %dma_wait3A_59] : memref<10240x128xf32, #tpu.memory_space<vmem_shared>> -> memref<80x128xf32, #tpu.memory_space<vmem_shared>>
      tpu.wait_dma2 semaphore(%run_scoped3A : memref<!tpu.dma_semaphore, #tpu.memory_space<semaphore_mem>>) src(%arg16 : memref<80x128xf32, #tpu.memory_space<vmem>>) dst(%dma_wait3A_60 : memref<80x128xf32, #tpu.memory_space<vmem_shared>>)
      tpu.yield
    }) : () -> ()
    %barrier3A = arith.constant 0 : index
    tpu.barrier barrier_id(%barrier3A)
    %mul3A_25 = arith.constant 10000 : i32
    %mul3A_26 = arith.muli %add3A, %mul3A_25 : i32
    %scan3A_27 = arith.constant 0 : i32
    %scan3A_28 = arith.constant 0 : i32
    %scan3A_29 = arith.constant 5 : i32
    %scan3A_30 = arith.addi %scan3A_28, %scan3A_29 : i32
    %scan3A_31 = arith.constant 1 : i32
    %scan3A_32 = scf.for %scan3A_55 = %scan3A_28 to %scan3A_30 step %scan3A_31 iter_args(%scan3A_56 = %scan3A_27) -> (i32)  : i32 {
      %mul3A_57 = arith.constant 2000 : i32
      %mul3A_58 = arith.muli %scan3A_55, %mul3A_57 : i32
      %add3A_59 = arith.addi %mul3A_26, %mul3A_58 : i32
      "tpu.region"() ({
        %run_scoped3A = tpu.sem_alloc : memref<!tpu.dma_semaphore, #tpu.memory_space<semaphore_mem>>
        %dma_start3A = tpu.memref_slice %arg3[%add3A_59] : memref<320000xi32, #tpu.memory_space<hbm>> -> memref<2000xi32, #tpu.memory_space<hbm>>
        %dma_start3A_68 = tpu.memref_slice %arg3[%add3A_59] : memref<320000xi32, #tpu.memory_space<hbm>> -> memref<2000xi32, #tpu.memory_space<hbm>>
        tpu.enqueue_dma source(%dma_start3A_68 : memref<2000xi32, #tpu.memory_space<hbm>>) target(%arg8 : memref<2000xi32, #tpu.memory_space<vmem>>) target_semaphore(%run_scoped3A : memref<!tpu.dma_semaphore, #tpu.memory_space<semaphore_mem>>)
        %dma_wait3A = tpu.memref_slice %arg3[%add3A_59] : memref<320000xi32, #tpu.memory_space<hbm>> -> memref<2000xi32, #tpu.memory_space<hbm>>
        %dma_wait3A_69 = tpu.memref_slice %arg3[%add3A_59] : memref<320000xi32, #tpu.memory_space<hbm>> -> memref<2000xi32, #tpu.memory_space<hbm>>
        tpu.wait_dma2 semaphore(%run_scoped3A : memref<!tpu.dma_semaphore, #tpu.memory_space<semaphore_mem>>) src(%dma_wait3A_69 : memref<2000xi32, #tpu.memory_space<hbm>>) dst(%arg8 : memref<2000xi32, #tpu.memory_space<vmem>>)
        tpu.yield
      }) : () -> ()
      "tpu.region"() ({
        %run_scoped3A = tpu.sem_alloc : memref<!tpu.dma_semaphore, #tpu.memory_space<semaphore_mem>>
        %dma_start3A = tpu.memref_slice %arg4[%add3A_59] : memref<320000xi32, #tpu.memory_space<hbm>> -> memref<2000xi32, #tpu.memory_space<hbm>>
        %dma_start3A_68 = tpu.memref_slice %arg4[%add3A_59] : memref<320000xi32, #tpu.memory_space<hbm>> -> memref<2000xi32, #tpu.memory_space<hbm>>
        tpu.enqueue_dma source(%dma_start3A_68 : memref<2000xi32, #tpu.memory_space<hbm>>) target(%arg9 : memref<2000xi32, #tpu.memory_space<vmem>>) target_semaphore(%run_scoped3A : memref<!tpu.dma_semaphore, #tpu.memory_space<semaphore_mem>>)
        %dma_wait3A = tpu.memref_slice %arg4[%add3A_59] : memref<320000xi32, #tpu.memory_space<hbm>> -> memref<2000xi32, #tpu.memory_space<hbm>>
        %dma_wait3A_69 = tpu.memref_slice %arg4[%add3A_59] : memref<320000xi32, #tpu.memory_space<hbm>> -> memref<2000xi32, #tpu.memory_space<hbm>>
        tpu.wait_dma2 semaphore(%run_scoped3A : memref<!tpu.dma_semaphore, #tpu.memory_space<semaphore_mem>>) src(%dma_wait3A_69 : memref<2000xi32, #tpu.memory_space<hbm>>) dst(%arg9 : memref<2000xi32, #tpu.memory_space<vmem>>)
        tpu.yield
      }) : () -> ()
      "tpu.region"() ({
        %run_scoped3A = tpu.sem_alloc : memref<!tpu.dma_semaphore, #tpu.memory_space<semaphore_mem>>
        %dma_start3A = tpu.memref_slice %arg5[%add3A_59] : memref<320000xi32, #tpu.memory_space<hbm>> -> memref<2000xi32, #tpu.memory_space<hbm>>
        %dma_start3A_68 = tpu.memref_slice %arg5[%add3A_59] : memref<320000xi32, #tpu.memory_space<hbm>> -> memref<2000xi32, #tpu.memory_space<hbm>>
        tpu.enqueue_dma source(%dma_start3A_68 : memref<2000xi32, #tpu.memory_space<hbm>>) target(%arg10 : memref<2000xi32, #tpu.memory_space<vmem>>) target_semaphore(%run_scoped3A : memref<!tpu.dma_semaphore, #tpu.memory_space<semaphore_mem>>)
        %dma_wait3A = tpu.memref_slice %arg5[%add3A_59] : memref<320000xi32, #tpu.memory_space<hbm>> -> memref<2000xi32, #tpu.memory_space<hbm>>
        %dma_wait3A_69 = tpu.memref_slice %arg5[%add3A_59] : memref<320000xi32, #tpu.memory_space<hbm>> -> memref<2000xi32, #tpu.memory_space<hbm>>
        tpu.wait_dma2 semaphore(%run_scoped3A : memref<!tpu.dma_semaphore, #tpu.memory_space<semaphore_mem>>) src(%dma_wait3A_69 : memref<2000xi32, #tpu.memory_space<hbm>>) dst(%arg10 : memref<2000xi32, #tpu.memory_space<vmem>>)
        tpu.yield
      }) : () -> ()
      %scan3A_60 = arith.constant 0 : i32
      %scan3A_61 = arith.constant 0 : i32
      %scan3A_62 = arith.constant 25 : i32
      %scan3A_63 = arith.addi %scan3A_61, %scan3A_62 : i32
      %scan3A_64 = arith.constant 1 : i32
      %scan3A_65 = scf.for %scan3A_68 = %scan3A_61 to %scan3A_63 step %scan3A_64 iter_args(%scan3A_69 = %scan3A_60) -> (i32)  : i32 {
        %mul3A_70 = arith.constant 80 : i32
        %mul3A_71 = arith.muli %scan3A_68, %mul3A_70 : i32
        %add3A_72 = arith.constant 0 : i32
        %add3A_73 = arith.addi %mul3A_71, %add3A_72 : i32
        %get3A = arith.index_cast %add3A_73 : i32 to index
        %get3A_74 = tpu.vector_load %arg8[%get3A] {strides = array<i32>} : memref<2000xi32, #tpu.memory_space<vmem>>, vector<16xi32>,
        %get3A_75 = vector.shape_cast %get3A_74 : vector<16xi32> to vector<16xi32>
        %mul3A_76 = arith.constant 80 : i32
        %mul3A_77 = arith.muli %scan3A_68, %mul3A_76 : i32
        %add3A_78 = arith.constant 0 : i32
        %add3A_79 = arith.addi %mul3A_77, %add3A_78 : i32
        %get3A_80 = arith.index_cast %add3A_79 : i32 to index
        %get3A_81 = tpu.vector_load %arg9[%get3A_80] {strides = array<i32>} : memref<2000xi32, #tpu.memory_space<vmem>>, vector<16xi32>,
        %get3A_82 = vector.shape_cast %get3A_81 : vector<16xi32> to vector<16xi32>
        %mul3A_83 = arith.constant 80 : i32
        %mul3A_84 = arith.muli %scan3A_68, %mul3A_83 : i32
        %add3A_85 = arith.constant 0 : i32
        %add3A_86 = arith.addi %mul3A_84, %add3A_85 : i32
        %get3A_87 = arith.index_cast %add3A_86 : i32 to index
        %get3A_88 = tpu.vector_load %arg10[%get3A_87] {strides = array<i32>} : memref<2000xi32, #tpu.memory_space<vmem>>, vector<16xi32>,
        %get3A_89 = vector.shape_cast %get3A_88 : vector<16xi32> to vector<16xi32>
        %mul3A_90 = arith.constant 10000 : i32
        %mul3A_91 = vector.broadcast %mul3A_90 : i32 to vector<16xi32>
        %mul3A_92 = arith.muli %get3A_89, %mul3A_91 : vector<16xi32>
        %add3A_93 = arith.addi %mul3A_92, %get3A_75 : vector<16xi32>
        %swap3A = arith.constant 0 : index
        %swap3A_94 = tpu.vector_load %arg11[%swap3A] {strides = array<i32>} : memref<80xi32, #tpu.memory_space<vmem>>, vector<16xi32>,
        %swap3A_95 = vector.shape_cast %swap3A_94 : vector<16xi32> to vector<16xi32>
        %swap3A_96 = vector.shape_cast %add3A_93 : vector<16xi32> to vector<16xi32>
        tpu.vector_store %arg11[%swap3A], %swap3A_96 {strides = array<i32>} : memref<80xi32, #tpu.memory_space<vmem>>, vector<16xi32>,
        %mul3A_97 = arith.constant 10000 : i32
        %mul3A_98 = vector.broadcast %mul3A_97 : i32 to vector<16xi32>
        %mul3A_99 = arith.muli %get3A_89, %mul3A_98 : vector<16xi32>
        %add3A_100 = arith.addi %mul3A_99, %get3A_82 : vector<16xi32>
        %swap3A_101 = arith.constant 0 : index
        %swap3A_102 = tpu.vector_load %arg12[%swap3A_101] {strides = array<i32>} : memref<80xi32, #tpu.memory_space<vmem>>, vector<16xi32>,
        %swap3A_103 = vector.shape_cast %swap3A_102 : vector<16xi32> to vector<16xi32>
        %swap3A_104 = vector.shape_cast %add3A_100 : vector<16xi32> to vector<16xi32>
        tpu.vector_store %arg12[%swap3A_101], %swap3A_104 {strides = array<i32>} : memref<80xi32, #tpu.memory_space<vmem>>, vector<16xi32>,
        %swap3A_105 = arith.constant 0 : index
        %swap3A_106 = tpu.vector_load %arg13[%swap3A_105] {strides = array<i32>} : memref<80xi32, #tpu.memory_space<vmem>>, vector<16xi32>,
        %swap3A_107 = vector.shape_cast %swap3A_106 : vector<16xi32> to vector<16xi32>
        %swap3A_108 = vector.shape_cast %get3A_82 : vector<16xi32> to vector<16xi32>
        tpu.vector_store %arg13[%swap3A_105], %swap3A_108 {strides = array<i32>} : memref<80xi32, #tpu.memory_space<vmem>>, vector<16xi32>,
        %mul3A_109 = arith.constant 80 : i32
        %mul3A_110 = arith.muli %scan3A_68, %mul3A_109 : i32
        %add3A_111 = arith.constant 16 : i32
        %add3A_112 = arith.addi %mul3A_110, %add3A_111 : i32
        %get3A_113 = arith.index_cast %add3A_112 : i32 to index
        %get3A_114 = tpu.vector_load %arg8[%get3A_113] {strides = array<i32>} : memref<2000xi32, #tpu.memory_space<vmem>>, vector<16xi32>,
        %get3A_115 = vector.shape_cast %get3A_114 : vector<16xi32> to vector<16xi32>
        %mul3A_116 = arith.constant 80 : i32
        %mul3A_117 = arith.muli %scan3A_68, %mul3A_116 : i32
        %add3A_118 = arith.constant 16 : i32
        %add3A_119 = arith.addi %mul3A_117, %add3A_118 : i32
        %get3A_120 = arith.index_cast %add3A_119 : i32 to index
        %get3A_121 = tpu.vector_load %arg9[%get3A_120] {strides = array<i32>} : memref<2000xi32, #tpu.memory_space<vmem>>, vector<16xi32>,
        %get3A_122 = vector.shape_cast %get3A_121 : vector<16xi32> to vector<16xi32>
        %mul3A_123 = arith.constant 80 : i32
        %mul3A_124 = arith.muli %scan3A_68, %mul3A_123 : i32
        %add3A_125 = arith.constant 16 : i32
        %add3A_126 = arith.addi %mul3A_124, %add3A_125 : i32
        %get3A_127 = arith.index_cast %add3A_126 : i32 to index
        %get3A_128 = tpu.vector_load %arg10[%get3A_127] {strides = array<i32>} : memref<2000xi32, #tpu.memory_space<vmem>>, vector<16xi32>,
        %get3A_129 = vector.shape_cast %get3A_128 : vector<16xi32> to vector<16xi32>
        %mul3A_130 = arith.constant 10000 : i32
        %mul3A_131 = vector.broadcast %mul3A_130 : i32 to vector<16xi32>
        %mul3A_132 = arith.muli %get3A_129, %mul3A_131 : vector<16xi32>
        %add3A_133 = arith.addi %mul3A_132, %get3A_115 : vector<16xi32>
        %swap3A_134 = arith.constant 16 : index
        %swap3A_135 = tpu.vector_load %arg11[%swap3A_134] {strides = array<i32>} : memref<80xi32, #tpu.memory_space<vmem>>, vector<16xi32>,
        %swap3A_136 = vector.shape_cast %swap3A_135 : vector<16xi32> to vector<16xi32>
        %swap3A_137 = vector.shape_cast %add3A_133 : vector<16xi32> to vector<16xi32>
        tpu.vector_store %arg11[%swap3A_134], %swap3A_137 {strides = array<i32>} : memref<80xi32, #tpu.memory_space<vmem>>, vector<16xi32>,
        %mul3A_138 = arith.constant 10000 : i32
        %mul3A_139 = vector.broadcast %mul3A_138 : i32 to vector<16xi32>
        %mul3A_140 = arith.muli %get3A_129, %mul3A_139 : vector<16xi32>
        %add3A_141 = arith.addi %mul3A_140, %get3A_122 : vector<16xi32>
        %swap3A_142 = arith.constant 16 : index
        %swap3A_143 = tpu.vector_load %arg12[%swap3A_142] {strides = array<i32>} : memref<80xi32, #tpu.memory_space<vmem>>, vector<16xi32>,
        %swap3A_144 = vector.shape_cast %swap3A_143 : vector<16xi32> to vector<16xi32>
        %swap3A_145 = vector.shape_cast %add3A_141 : vector<16xi32> to vector<16xi32>
        tpu.vector_store %arg12[%swap3A_142], %swap3A_145 {strides = array<i32>} : memref<80xi32, #tpu.memory_space<vmem>>, vector<16xi32>,
        %swap3A_146 = arith.constant 16 : index
        %swap3A_147 = tpu.vector_load %arg13[%swap3A_146] {strides = array<i32>} : memref<80xi32, #tpu.memory_space<vmem>>, vector<16xi32>,
        %swap3A_148 = vector.shape_cast %swap3A_147 : vector<16xi32> to vector<16xi32>
        %swap3A_149 = vector.shape_cast %get3A_122 : vector<16xi32> to vector<16xi32>
        tpu.vector_store %arg13[%swap3A_146], %swap3A_149 {strides = array<i32>} : memref<80xi32, #tpu.memory_space<vmem>>, vector<16xi32>,
        %mul3A_150 = arith.constant 80 : i32
        %mul3A_151 = arith.muli %scan3A_68, %mul3A_150 : i32
        %add3A_152 = arith.constant 32 : i32
        %add3A_153 = arith.addi %mul3A_151, %add3A_152 : i32
        %get3A_154 = arith.index_cast %add3A_153 : i32 to index
        %get3A_155 = tpu.vector_load %arg8[%get3A_154] {strides = array<i32>} : memref<2000xi32, #tpu.memory_space<vmem>>, vector<16xi32>,
        %get3A_156 = vector.shape_cast %get3A_155 : vector<16xi32> to vector<16xi32>
        %mul3A_157 = arith.constant 80 : i32
        %mul3A_158 = arith.muli %scan3A_68, %mul3A_157 : i32
        %add3A_159 = arith.constant 32 : i32
        %add3A_160 = arith.addi %mul3A_158, %add3A_159 : i32
        %get3A_161 = arith.index_cast %add3A_160 : i32 to index
        %get3A_162 = tpu.vector_load %arg9[%get3A_161] {strides = array<i32>} : memref<2000xi32, #tpu.memory_space<vmem>>, vector<16xi32>,
        %get3A_163 = vector.shape_cast %get3A_162 : vector<16xi32> to vector<16xi32>
        %mul3A_164 = arith.constant 80 : i32
        %mul3A_165 = arith.muli %scan3A_68, %mul3A_164 : i32
        %add3A_166 = arith.constant 32 : i32
        %add3A_167 = arith.addi %mul3A_165, %add3A_166 : i32
        %get3A_168 = arith.index_cast %add3A_167 : i32 to index
        %get3A_169 = tpu.vector_load %arg10[%get3A_168] {strides = array<i32>} : memref<2000xi32, #tpu.memory_space<vmem>>, vector<16xi32>,
        %get3A_170 = vector.shape_cast %get3A_169 : vector<16xi32> to vector<16xi32>
        %mul3A_171 = arith.constant 10000 : i32
        %mul3A_172 = vector.broadcast %mul3A_171 : i32 to vector<16xi32>
        %mul3A_173 = arith.muli %get3A_170, %mul3A_172 : vector<16xi32>
        %add3A_174 = arith.addi %mul3A_173, %get3A_156 : vector<16xi32>
        %swap3A_175 = arith.constant 32 : index
        %swap3A_176 = tpu.vector_load %arg11[%swap3A_175] {strides = array<i32>} : memref<80xi32, #tpu.memory_space<vmem>>, vector<16xi32>,
        %swap3A_177 = vector.shape_cast %swap3A_176 : vector<16xi32> to vector<16xi32>
        %swap3A_178 = vector.shape_cast %add3A_174 : vector<16xi32> to vector<16xi32>
        tpu.vector_store %arg11[%swap3A_175], %swap3A_178 {strides = array<i32>} : memref<80xi32, #tpu.memory_space<vmem>>, vector<16xi32>,
        %mul3A_179 = arith.constant 10000 : i32
        %mul3A_180 = vector.broadcast %mul3A_179 : i32 to vector<16xi32>
        %mul3A_181 = arith.muli %get3A_170, %mul3A_180 : vector<16xi32>
        %add3A_182 = arith.addi %mul3A_181, %get3A_163 : vector<16xi32>
        %swap3A_183 = arith.constant 32 : index
        %swap3A_184 = tpu.vector_load %arg12[%swap3A_183] {strides = array<i32>} : memref<80xi32, #tpu.memory_space<vmem>>, vector<16xi32>,
        %swap3A_185 = vector.shape_cast %swap3A_184 : vector<16xi32> to vector<16xi32>
        %swap3A_186 = vector.shape_cast %add3A_182 : vector<16xi32> to vector<16xi32>
        tpu.vector_store %arg12[%swap3A_183], %swap3A_186 {strides = array<i32>} : memref<80xi32, #tpu.memory_space<vmem>>, vector<16xi32>,
        %swap3A_187 = arith.constant 32 : index
        %swap3A_188 = tpu.vector_load %arg13[%swap3A_187] {strides = array<i32>} : memref<80xi32, #tpu.memory_space<vmem>>, vector<16xi32>,
        %swap3A_189 = vector.shape_cast %swap3A_188 : vector<16xi32> to vector<16xi32>
        %swap3A_190 = vector.shape_cast %get3A_163 : vector<16xi32> to vector<16xi32>
        tpu.vector_store %arg13[%swap3A_187], %swap3A_190 {strides = array<i32>} : memref<80xi32, #tpu.memory_space<vmem>>, vector<16xi32>,
        %mul3A_191 = arith.constant 80 : i32
        %mul3A_192 = arith.muli %scan3A_68, %mul3A_191 : i32
        %add3A_193 = arith.constant 48 : i32
        %add3A_194 = arith.addi %mul3A_192, %add3A_193 : i32
        %get3A_195 = arith.index_cast %add3A_194 : i32 to index
        %get3A_196 = tpu.vector_load %arg8[%get3A_195] {strides = array<i32>} : memref<2000xi32, #tpu.memory_space<vmem>>, vector<16xi32>,
        %get3A_197 = vector.shape_cast %get3A_196 : vector<16xi32> to vector<16xi32>
        %mul3A_198 = arith.constant 80 : i32
        %mul3A_199 = arith.muli %scan3A_68, %mul3A_198 : i32
        %add3A_200 = arith.constant 48 : i32
        %add3A_201 = arith.addi %mul3A_199, %add3A_200 : i32
        %get3A_202 = arith.index_cast %add3A_201 : i32 to index
        %get3A_203 = tpu.vector_load %arg9[%get3A_202] {strides = array<i32>} : memref<2000xi32, #tpu.memory_space<vmem>>, vector<16xi32>,
        %get3A_204 = vector.shape_cast %get3A_203 : vector<16xi32> to vector<16xi32>
        %mul3A_205 = arith.constant 80 : i32
        %mul3A_206 = arith.muli %scan3A_68, %mul3A_205 : i32
        %add3A_207 = arith.constant 48 : i32
        %add3A_208 = arith.addi %mul3A_206, %add3A_207 : i32
        %get3A_209 = arith.index_cast %add3A_208 : i32 to index
        %get3A_210 = tpu.vector_load %arg10[%get3A_209] {strides = array<i32>} : memref<2000xi32, #tpu.memory_space<vmem>>, vector<16xi32>,
        %get3A_211 = vector.shape_cast %get3A_210 : vector<16xi32> to vector<16xi32>
        %mul3A_212 = arith.constant 10000 : i32
        %mul3A_213 = vector.broadcast %mul3A_212 : i32 to vector<16xi32>
        %mul3A_214 = arith.muli %get3A_211, %mul3A_213 : vector<16xi32>
        %add3A_215 = arith.addi %mul3A_214, %get3A_197 : vector<16xi32>
        %swap3A_216 = arith.constant 48 : index
        %swap3A_217 = tpu.vector_load %arg11[%swap3A_216] {strides = array<i32>} : memref<80xi32, #tpu.memory_space<vmem>>, vector<16xi32>,
        %swap3A_218 = vector.shape_cast %swap3A_217 : vector<16xi32> to vector<16xi32>
        %swap3A_219 = vector.shape_cast %add3A_215 : vector<16xi32> to vector<16xi32>
        tpu.vector_store %arg11[%swap3A_216], %swap3A_219 {strides = array<i32>} : memref<80xi32, #tpu.memory_space<vmem>>, vector<16xi32>,
        %mul3A_220 = arith.constant 10000 : i32
        %mul3A_221 = vector.broadcast %mul3A_220 : i32 to vector<16xi32>
        %mul3A_222 = arith.muli %get3A_211, %mul3A_221 : vector<16xi32>
        %add3A_223 = arith.addi %mul3A_222, %get3A_204 : vector<16xi32>
        %swap3A_224 = arith.constant 48 : index
        %swap3A_225 = tpu.vector_load %arg12[%swap3A_224] {strides = array<i32>} : memref<80xi32, #tpu.memory_space<vmem>>, vector<16xi32>,
        %swap3A_226 = vector.shape_cast %swap3A_225 : vector<16xi32> to vector<16xi32>
        %swap3A_227 = vector.shape_cast %add3A_223 : vector<16xi32> to vector<16xi32>
        tpu.vector_store %arg12[%swap3A_224], %swap3A_227 {strides = array<i32>} : memref<80xi32, #tpu.memory_space<vmem>>, vector<16xi32>,
        %swap3A_228 = arith.constant 48 : index
        %swap3A_229 = tpu.vector_load %arg13[%swap3A_228] {strides = array<i32>} : memref<80xi32, #tpu.memory_space<vmem>>, vector<16xi32>,
        %swap3A_230 = vector.shape_cast %swap3A_229 : vector<16xi32> to vector<16xi32>
        %swap3A_231 = vector.shape_cast %get3A_204 : vector<16xi32> to vector<16xi32>
        tpu.vector_store %arg13[%swap3A_228], %swap3A_231 {strides = array<i32>} : memref<80xi32, #tpu.memory_space<vmem>>, vector<16xi32>,
        %mul3A_232 = arith.constant 80 : i32
        %mul3A_233 = arith.muli %scan3A_68, %mul3A_232 : i32
        %add3A_234 = arith.constant 64 : i32
        %add3A_235 = arith.addi %mul3A_233, %add3A_234 : i32
        %get3A_236 = arith.index_cast %add3A_235 : i32 to index
        %get3A_237 = tpu.vector_load %arg8[%get3A_236] {strides = array<i32>} : memref<2000xi32, #tpu.memory_space<vmem>>, vector<16xi32>,
        %get3A_238 = vector.shape_cast %get3A_237 : vector<16xi32> to vector<16xi32>
        %mul3A_239 = arith.constant 80 : i32
        %mul3A_240 = arith.muli %scan3A_68, %mul3A_239 : i32
        %add3A_241 = arith.constant 64 : i32
        %add3A_242 = arith.addi %mul3A_240, %add3A_241 : i32
        %get3A_243 = arith.index_cast %add3A_242 : i32 to index
        %get3A_244 = tpu.vector_load %arg9[%get3A_243] {strides = array<i32>} : memref<2000xi32, #tpu.memory_space<vmem>>, vector<16xi32>,
        %get3A_245 = vector.shape_cast %get3A_244 : vector<16xi32> to vector<16xi32>
        %mul3A_246 = arith.constant 80 : i32
        %mul3A_247 = arith.muli %scan3A_68, %mul3A_246 : i32
        %add3A_248 = arith.constant 64 : i32
        %add3A_249 = arith.addi %mul3A_247, %add3A_248 : i32
        %get3A_250 = arith.index_cast %add3A_249 : i32 to index
        %get3A_251 = tpu.vector_load %arg10[%get3A_250] {strides = array<i32>} : memref<2000xi32, #tpu.memory_space<vmem>>, vector<16xi32>,
        %get3A_252 = vector.shape_cast %get3A_251 : vector<16xi32> to vector<16xi32>
        %mul3A_253 = arith.constant 10000 : i32
        %mul3A_254 = vector.broadcast %mul3A_253 : i32 to vector<16xi32>
        %mul3A_255 = arith.muli %get3A_252, %mul3A_254 : vector<16xi32>
        %add3A_256 = arith.addi %mul3A_255, %get3A_238 : vector<16xi32>
        %swap3A_257 = arith.constant 64 : index
        %swap3A_258 = tpu.vector_load %arg11[%swap3A_257] {strides = array<i32>} : memref<80xi32, #tpu.memory_space<vmem>>, vector<16xi32>,
        %swap3A_259 = vector.shape_cast %swap3A_258 : vector<16xi32> to vector<16xi32>
        %swap3A_260 = vector.shape_cast %add3A_256 : vector<16xi32> to vector<16xi32>
        tpu.vector_store %arg11[%swap3A_257], %swap3A_260 {strides = array<i32>} : memref<80xi32, #tpu.memory_space<vmem>>, vector<16xi32>,
        %mul3A_261 = arith.constant 10000 : i32
        %mul3A_262 = vector.broadcast %mul3A_261 : i32 to vector<16xi32>
        %mul3A_263 = arith.muli %get3A_252, %mul3A_262 : vector<16xi32>
        %add3A_264 = arith.addi %mul3A_263, %get3A_245 : vector<16xi32>
        %swap3A_265 = arith.constant 64 : index
        %swap3A_266 = tpu.vector_load %arg12[%swap3A_265] {strides = array<i32>} : memref<80xi32, #tpu.memory_space<vmem>>, vector<16xi32>,
        %swap3A_267 = vector.shape_cast %swap3A_266 : vector<16xi32> to vector<16xi32>
        %swap3A_268 = vector.shape_cast %add3A_264 : vector<16xi32> to vector<16xi32>
        tpu.vector_store %arg12[%swap3A_265], %swap3A_268 {strides = array<i32>} : memref<80xi32, #tpu.memory_space<vmem>>, vector<16xi32>,
        %swap3A_269 = arith.constant 64 : index
        %swap3A_270 = tpu.vector_load %arg13[%swap3A_269] {strides = array<i32>} : memref<80xi32, #tpu.memory_space<vmem>>, vector<16xi32>,
        %swap3A_271 = vector.shape_cast %swap3A_270 : vector<16xi32> to vector<16xi32>
        %swap3A_272 = vector.shape_cast %get3A_245 : vector<16xi32> to vector<16xi32>
        tpu.vector_store %arg13[%swap3A_269], %swap3A_272 {strides = array<i32>} : memref<80xi32, #tpu.memory_space<vmem>>, vector<16xi32>,
        %dma_start3A = arith.constant 0 : i32
        %dma_start3A_273 = arith.constant 0 : i32
        %dma_start3A_274 = tpu.memref_slice %arg2[%dma_start3A, %dma_start3A_273] : memref<40000x128xf32, #tpu.memory_space<hbm>> -> memref<40000x128xf32, #tpu.memory_space<hbm>>
        tpu.enqueue_indirect_dma source(%dma_start3A_274 : memref<40000x128xf32, #tpu.memory_space<hbm>>) target(%arg14 : memref<80x128xf32, #tpu.memory_space<vmem>>) offsets(%arg11 : memref<80xi32, #tpu.memory_space<vmem>>) semaphore(%arg17 : memref<!tpu.dma_semaphore, #tpu.memory_space<semaphore_mem>>)
        %dma_start3A_275 = arith.constant 0 : i32
        %dma_start3A_276 = arith.constant 0 : i32
        %dma_start3A_277 = tpu.memref_slice %arg2[%dma_start3A_275, %dma_start3A_276] : memref<40000x128xf32, #tpu.memory_space<hbm>> -> memref<40000x128xf32, #tpu.memory_space<hbm>>
        tpu.enqueue_indirect_dma source(%dma_start3A_277 : memref<40000x128xf32, #tpu.memory_space<hbm>>) target(%arg15 : memref<80x128xf32, #tpu.memory_space<vmem>>) offsets(%arg12 : memref<80xi32, #tpu.memory_space<vmem>>) semaphore(%arg18 : memref<!tpu.dma_semaphore, #tpu.memory_space<semaphore_mem>>)
        %dma_wait3A = arith.constant 0 : i32
        %dma_wait3A_278 = arith.constant 0 : i32
        %dma_wait3A_279 = tpu.memref_slice %arg2[%dma_wait3A, %dma_wait3A_278] : memref<40000x128xf32, #tpu.memory_space<hbm>> -> memref<40000x128xf32, #tpu.memory_space<hbm>>
        tpu.wait_indirect_dma semaphore(%arg17 : memref<!tpu.dma_semaphore, #tpu.memory_space<semaphore_mem>>) src(%dma_wait3A_279 : memref<40000x128xf32, #tpu.memory_space<hbm>>) dst(%arg14 : memref<80x128xf32, #tpu.memory_space<vmem>>)
        %dma_wait3A_280 = arith.constant 0 : i32
        %dma_wait3A_281 = arith.constant 0 : i32
        %dma_wait3A_282 = tpu.memref_slice %arg2[%dma_wait3A_280, %dma_wait3A_281] : memref<40000x128xf32, #tpu.memory_space<hbm>> -> memref<40000x128xf32, #tpu.memory_space<hbm>>
        tpu.wait_indirect_dma semaphore(%arg18 : memref<!tpu.dma_semaphore, #tpu.memory_space<semaphore_mem>>) src(%dma_wait3A_282 : memref<40000x128xf32, #tpu.memory_space<hbm>>) dst(%arg15 : memref<80x128xf32, #tpu.memory_space<vmem>>)
        %scan3A_283 = arith.constant 0 : i32
        %scan3A_284 = arith.constant 0 : i32
        %scan3A_285 = arith.constant 80 : i32
        %scan3A_286 = arith.addi %scan3A_284, %scan3A_285 : i32
        %scan3A_287 = arith.constant 1 : i32
        %scan3A_288 = scf.for %scan3A_291 = %scan3A_284 to %scan3A_286 step %scan3A_287 iter_args(%scan3A_292 = %scan3A_283) -> (i32)  : i32 {
          %get3A_293 = arith.index_cast %scan3A_291 : i32 to index
          %get3A_294 = arith.constant 0 : index
          %get3A_295 = tpu.vector_load %arg14[%get3A_293, %get3A_294] {strides = array<i32>} : memref<80x128xf32, #tpu.memory_space<vmem>>, vector<1x16xf32>,
          %get3A_296 = vector.shape_cast %get3A_295 : vector<1x16xf32> to vector<16xf32>
          %get3A_297 = arith.index_cast %scan3A_291 : i32 to index
          %get3A_298 = arith.constant 64 : index
          %get3A_299 = tpu.vector_load %arg15[%get3A_297, %get3A_298] {strides = array<i32>} : memref<80x128xf32, #tpu.memory_space<vmem>>, vector<1x16xf32>,
          %get3A_300 = vector.shape_cast %get3A_299 : vector<1x16xf32> to vector<16xf32>
          %mul3A_301 = arith.mulf %get3A_300, %get3A_296 : vector<16xf32>
          %swap3A_302 = arith.index_cast %scan3A_291 : i32 to index
          %swap3A_303 = arith.constant 0 : index
          %swap3A_304 = tpu.vector_load %arg16[%swap3A_302, %swap3A_303] {strides = array<i32>} : memref<80x128xf32, #tpu.memory_space<vmem>>, vector<1x16xf32>,
          %swap3A_305 = vector.shape_cast %swap3A_304 : vector<1x16xf32> to vector<16xf32>
          %swap3A_306 = vector.shape_cast %mul3A_301 : vector<16xf32> to vector<1x16xf32>
          tpu.vector_store %arg16[%swap3A_302, %swap3A_303], %swap3A_306 {strides = array<i32>} : memref<80x128xf32, #tpu.memory_space<vmem>>, vector<1x16xf32>,
          %get3A_307 = arith.index_cast %scan3A_291 : i32 to index
          %get3A_308 = arith.constant 16 : index
          %get3A_309 = tpu.vector_load %arg14[%get3A_307, %get3A_308] {strides = array<i32>} : memref<80x128xf32, #tpu.memory_space<vmem>>, vector<1x16xf32>,
          %get3A_310 = vector.shape_cast %get3A_309 : vector<1x16xf32> to vector<16xf32>
          %get3A_311 = arith.index_cast %scan3A_291 : i32 to index
          %get3A_312 = arith.constant 80 : index
          %get3A_313 = tpu.vector_load %arg15[%get3A_311, %get3A_312] {strides = array<i32>} : memref<80x128xf32, #tpu.memory_space<vmem>>, vector<1x16xf32>,
          %get3A_314 = vector.shape_cast %get3A_313 : vector<1x16xf32> to vector<16xf32>
          %mul3A_315 = arith.mulf %get3A_314, %get3A_310 : vector<16xf32>
          %swap3A_316 = arith.index_cast %scan3A_291 : i32 to index
          %swap3A_317 = arith.constant 16 : index
          %swap3A_318 = tpu.vector_load %arg16[%swap3A_316, %swap3A_317] {strides = array<i32>} : memref<80x128xf32, #tpu.memory_space<vmem>>, vector<1x16xf32>,
          %swap3A_319 = vector.shape_cast %swap3A_318 : vector<1x16xf32> to vector<16xf32>
          %swap3A_320 = vector.shape_cast %mul3A_315 : vector<16xf32> to vector<1x16xf32>
          tpu.vector_store %arg16[%swap3A_316, %swap3A_317], %swap3A_320 {strides = array<i32>} : memref<80x128xf32, #tpu.memory_space<vmem>>, vector<1x16xf32>,
          %get3A_321 = arith.index_cast %scan3A_291 : i32 to index
          %get3A_322 = arith.constant 32 : index
          %get3A_323 = tpu.vector_load %arg14[%get3A_321, %get3A_322] {strides = array<i32>} : memref<80x128xf32, #tpu.memory_space<vmem>>, vector<1x16xf32>,
          %get3A_324 = vector.shape_cast %get3A_323 : vector<1x16xf32> to vector<16xf32>
          %get3A_325 = arith.index_cast %scan3A_291 : i32 to index
          %get3A_326 = arith.constant 96 : index
          %get3A_327 = tpu.vector_load %arg15[%get3A_325, %get3A_326] {strides = array<i32>} : memref<80x128xf32, #tpu.memory_space<vmem>>, vector<1x16xf32>,
          %get3A_328 = vector.shape_cast %get3A_327 : vector<1x16xf32> to vector<16xf32>
          %mul3A_329 = arith.mulf %get3A_328, %get3A_324 : vector<16xf32>
          %swap3A_330 = arith.index_cast %scan3A_291 : i32 to index
          %swap3A_331 = arith.constant 32 : index
          %swap3A_332 = tpu.vector_load %arg16[%swap3A_330, %swap3A_331] {strides = array<i32>} : memref<80x128xf32, #tpu.memory_space<vmem>>, vector<1x16xf32>,
          %swap3A_333 = vector.shape_cast %swap3A_332 : vector<1x16xf32> to vector<16xf32>
          %swap3A_334 = vector.shape_cast %mul3A_329 : vector<16xf32> to vector<1x16xf32>
          tpu.vector_store %arg16[%swap3A_330, %swap3A_331], %swap3A_334 {strides = array<i32>} : memref<80x128xf32, #tpu.memory_space<vmem>>, vector<1x16xf32>,
          %get3A_335 = arith.index_cast %scan3A_291 : i32 to index
          %get3A_336 = arith.constant 48 : index
          %get3A_337 = tpu.vector_load %arg14[%get3A_335, %get3A_336] {strides = array<i32>} : memref<80x128xf32, #tpu.memory_space<vmem>>, vector<1x16xf32>,
          %get3A_338 = vector.shape_cast %get3A_337 : vector<1x16xf32> to vector<16xf32>
          %get3A_339 = arith.index_cast %scan3A_291 : i32 to index
          %get3A_340 = arith.constant 112 : index
          %get3A_341 = tpu.vector_load %arg15[%get3A_339, %get3A_340] {strides = array<i32>} : memref<80x128xf32, #tpu.memory_space<vmem>>, vector<1x16xf32>,
          %get3A_342 = vector.shape_cast %get3A_341 : vector<1x16xf32> to vector<16xf32>
          %mul3A_343 = arith.mulf %get3A_342, %get3A_338 : vector<16xf32>
          %swap3A_344 = arith.index_cast %scan3A_291 : i32 to index
          %swap3A_345 = arith.constant 48 : index
          %swap3A_346 = tpu.vector_load %arg16[%swap3A_344, %swap3A_345] {strides = array<i32>} : memref<80x128xf32, #tpu.memory_space<vmem>>, vector<1x16xf32>,
          %swap3A_347 = vector.shape_cast %swap3A_346 : vector<1x16xf32> to vector<16xf32>
          %swap3A_348 = vector.shape_cast %mul3A_343 : vector<16xf32> to vector<1x16xf32>
          tpu.vector_store %arg16[%swap3A_344, %swap3A_345], %swap3A_348 {strides = array<i32>} : memref<80x128xf32, #tpu.memory_space<vmem>>, vector<1x16xf32>,
          %scan3A_349 = arith.constant 0 : i32
          scf.yield %scan3A_349 : i32
        }
        %scan3A_289 = arith.constant 80 : i32
        "tpu.region"() ({
          %run_scoped3A = tpu.sem_alloc : memref<!tpu.dma_semaphore, #tpu.memory_space<semaphore_mem>>
          %dma_start3A_291 = arith.constant 0 : i32
          %dma_start3A_292 = arith.constant 0 : i32
          %dma_start3A_293 = tpu.memref_slice %arg7[%dma_start3A_291, %dma_start3A_292] : memref<10240x128xf32, #tpu.memory_space<vmem_shared>> -> memref<10240x128xf32, #tpu.memory_space<vmem_shared>>
          tpu.enqueue_indirect_dma source(%arg16 : memref<80x128xf32, #tpu.memory_space<vmem>>) target(%dma_start3A_293 : memref<10240x128xf32, #tpu.memory_space<vmem_shared>>) offsets(%arg13 : memref<80xi32, #tpu.memory_space<vmem>>) semaphore(%run_scoped3A : memref<!tpu.dma_semaphore, #tpu.memory_space<semaphore_mem>>) {add = true}
          %dma_wait3A_294 = arith.constant 0 : i32
          %dma_wait3A_295 = arith.constant 0 : i32
          %dma_wait3A_296 = tpu.memref_slice %arg7[%dma_wait3A_294, %dma_wait3A_295] : memref<10240x128xf32, #tpu.memory_space<vmem_shared>> -> memref<10240x128xf32, #tpu.memory_space<vmem_shared>>
          tpu.wait_indirect_dma semaphore(%run_scoped3A : memref<!tpu.dma_semaphore, #tpu.memory_space<semaphore_mem>>) src(%arg16 : memref<80x128xf32, #tpu.memory_space<vmem>>) dst(%dma_wait3A_296 : memref<10240x128xf32, #tpu.memory_space<vmem_shared>>)
          tpu.yield
        }) : () -> ()
        %scan3A_290 = arith.constant 0 : i32
        scf.yield %scan3A_290 : i32
      }
      %scan3A_66 = arith.constant 25 : i32
      %scan3A_67 = arith.constant 0 : i32
      scf.yield %scan3A_67 : i32
    }
    %scan3A_33 = arith.constant 5 : i32
    %barrier3A_34 = arith.constant 0 : index
    tpu.barrier barrier_id(%barrier3A_34)
    %add3A_35 = arith.constant 0 : i32
    %add3A_36 = arith.addi %mul3A_2, %add3A_35 : i32
    %add3A_37 = arith.constant 0 : i32
    %add3A_38 = arith.addi %mul3A_2, %add3A_37 : i32
    "tpu.region"() ({
      %run_scoped3A = tpu.sem_alloc : memref<!tpu.dma_semaphore, #tpu.memory_space<semaphore_mem>>
      %dma_start3A = arith.constant 0 : i32
      %dma_start3A_55 = tpu.memref_slice %arg6[%arg0, %add3A_38, %dma_start3A] : memref<2x10240x128xf32, #tpu.memory_space<hbm>> -> memref<1x128x128xf32, #tpu.memory_space<hbm>>
      %dma_start3A_56 = tpu.memref_squeeze %dma_start3A_55 : memref<1x128x128xf32, #tpu.memory_space<hbm>> -> memref<128x128xf32, #tpu.memory_space<hbm>>
      %dma_start3A_57 = arith.constant 0 : i32
      %dma_start3A_58 = tpu.memref_slice %arg7[%add3A_36, %dma_start3A_57] : memref<10240x128xf32, #tpu.memory_space<vmem_shared>> -> memref<128x128xf32, #tpu.memory_space<vmem_shared>>
      tpu.enqueue_dma source(%dma_start3A_58 : memref<128x128xf32, #tpu.memory_space<vmem_shared>>) target(%dma_start3A_56 : memref<128x128xf32, #tpu.memory_space<hbm>>) target_semaphore(%run_scoped3A : memref<!tpu.dma_semaphore, #tpu.memory_space<semaphore_mem>>)
      %dma_wait3A = arith.constant 0 : i32
      %dma_wait3A_59 = tpu.memref_slice %arg6[%arg0, %add3A_38, %dma_wait3A] : memref<2x10240x128xf32, #tpu.memory_space<hbm>> -> memref<1x128x128xf32, #tpu.memory_space<hbm>>
      %dma_wait3A_60 = tpu.memref_squeeze %dma_wait3A_59 : memref<1x128x128xf32, #tpu.memory_space<hbm>> -> memref<128x128xf32, #tpu.memory_space<hbm>>
      %dma_wait3A_61 = arith.constant 0 : i32
      %dma_wait3A_62 = tpu.memref_slice %arg7[%add3A_36, %dma_wait3A_61] : memref<10240x128xf32, #tpu.memory_space<vmem_shared>> -> memref<128x128xf32, #tpu.memory_space<vmem_shared>>
      tpu.wait_dma2 semaphore(%run_scoped3A : memref<!tpu.dma_semaphore, #tpu.memory_space<semaphore_mem>>) src(%dma_wait3A_62 : memref<128x128xf32, #tpu.memory_space<vmem_shared>>) dst(%dma_wait3A_60 : memref<128x128xf32, #tpu.memory_space<hbm>>)
      tpu.yield
    }) : () -> ()
    %add3A_39 = arith.constant 128 : i32
    %add3A_40 = arith.addi %mul3A_2, %add3A_39 : i32
    %add3A_41 = arith.constant 128 : i32
    %add3A_42 = arith.addi %mul3A_2, %add3A_41 : i32
    "tpu.region"() ({
      %run_scoped3A = tpu.sem_alloc : memref<!tpu.dma_semaphore, #tpu.memory_space<semaphore_mem>>
      %dma_start3A = arith.constant 0 : i32
      %dma_start3A_55 = tpu.memref_slice %arg6[%arg0, %add3A_42, %dma_start3A] : memref<2x10240x128xf32, #tpu.memory_space<hbm>> -> memref<1x128x128xf32, #tpu.memory_space<hbm>>
      %dma_start3A_56 = tpu.memref_squeeze %dma_start3A_55 : memref<1x128x128xf32, #tpu.memory_space<hbm>> -> memref<128x128xf32, #tpu.memory_space<hbm>>
      %dma_start3A_57 = arith.constant 0 : i32
      %dma_start3A_58 = tpu.memref_slice %arg7[%add3A_40, %dma_start3A_57] : memref<10240x128xf32, #tpu.memory_space<vmem_shared>> -> memref<128x128xf32, #tpu.memory_space<vmem_shared>>
      tpu.enqueue_dma source(%dma_start3A_58 : memref<128x128xf32, #tpu.memory_space<vmem_shared>>) target(%dma_start3A_56 : memref<128x128xf32, #tpu.memory_space<hbm>>) target_semaphore(%run_scoped3A : memref<!tpu.dma_semaphore, #tpu.memory_space<semaphore_mem>>)
      %dma_wait3A = arith.constant 0 : i32
      %dma_wait3A_59 = tpu.memref_slice %arg6[%arg0, %add3A_42, %dma_wait3A] : memref<2x10240x128xf32, #tpu.memory_space<hbm>> -> memref<1x128x128xf32, #tpu.memory_space<hbm>>
      %dma_wait3A_60 = tpu.memref_squeeze %dma_wait3A_59 : memref<1x128x128xf32, #tpu.memory_space<hbm>> -> memref<128x128xf32, #tpu.memory_space<hbm>>
      %dma_wait3A_61 = arith.constant 0 : i32
      %dma_wait3A_62 = tpu.memref_slice %arg7[%add3A_40, %dma_wait3A_61] : memref<10240x128xf32, #tpu.memory_space<vmem_shared>> -> memref<128x128xf32, #tpu.memory_space<vmem_shared>>
      tpu.wait_dma2 semaphore(%run_scoped3A : memref<!tpu.dma_semaphore, #tpu.memory_space<semaphore_mem>>) src(%dma_wait3A_62 : memref<128x128xf32, #tpu.memory_space<vmem_shared>>) dst(%dma_wait3A_60 : memref<128x128xf32, #tpu.memory_space<hbm>>)
      tpu.yield
    }) : () -> ()
    %add3A_43 = arith.constant 256 : i32
    %add3A_44 = arith.addi %mul3A_2, %add3A_43 : i32
    %add3A_45 = arith.constant 256 : i32
    %add3A_46 = arith.addi %mul3A_2, %add3A_45 : i32
    "tpu.region"() ({
      %run_scoped3A = tpu.sem_alloc : memref<!tpu.dma_semaphore, #tpu.memory_space<semaphore_mem>>
      %dma_start3A = arith.constant 0 : i32
      %dma_start3A_55 = tpu.memref_slice %arg6[%arg0, %add3A_46, %dma_start3A] : memref<2x10240x128xf32, #tpu.memory_space<hbm>> -> memref<1x128x128xf32, #tpu.memory_space<hbm>>
      %dma_start3A_56 = tpu.memref_squeeze %dma_start3A_55 : memref<1x128x128xf32, #tpu.memory_space<hbm>> -> memref<128x128xf32, #tpu.memory_space<hbm>>
      %dma_start3A_57 = arith.constant 0 : i32
      %dma_start3A_58 = tpu.memref_slice %arg7[%add3A_44, %dma_start3A_57] : memref<10240x128xf32, #tpu.memory_space<vmem_shared>> -> memref<128x128xf32, #tpu.memory_space<vmem_shared>>
      tpu.enqueue_dma source(%dma_start3A_58 : memref<128x128xf32, #tpu.memory_space<vmem_shared>>) target(%dma_start3A_56 : memref<128x128xf32, #tpu.memory_space<hbm>>) target_semaphore(%run_scoped3A : memref<!tpu.dma_semaphore, #tpu.memory_space<semaphore_mem>>)
      %dma_wait3A = arith.constant 0 : i32
      %dma_wait3A_59 = tpu.memref_slice %arg6[%arg0, %add3A_46, %dma_wait3A] : memref<2x10240x128xf32, #tpu.memory_space<hbm>> -> memref<1x128x128xf32, #tpu.memory_space<hbm>>
      %dma_wait3A_60 = tpu.memref_squeeze %dma_wait3A_59 : memref<1x128x128xf32, #tpu.memory_space<hbm>> -> memref<128x128xf32, #tpu.memory_space<hbm>>
      %dma_wait3A_61 = arith.constant 0 : i32
      %dma_wait3A_62 = tpu.memref_slice %arg7[%add3A_44, %dma_wait3A_61] : memref<10240x128xf32, #tpu.memory_space<vmem_shared>> -> memref<128x128xf32, #tpu.memory_space<vmem_shared>>
      tpu.wait_dma2 semaphore(%run_scoped3A : memref<!tpu.dma_semaphore, #tpu.memory_space<semaphore_mem>>) src(%dma_wait3A_62 : memref<128x128xf32, #tpu.memory_space<vmem_shared>>) dst(%dma_wait3A_60 : memref<128x128xf32, #tpu.memory_space<hbm>>)
      tpu.yield
    }) : () -> ()
    %add3A_47 = arith.constant 384 : i32
    %add3A_48 = arith.addi %mul3A_2, %add3A_47 : i32
    %add3A_49 = arith.constant 384 : i32
    %add3A_50 = arith.addi %mul3A_2, %add3A_49 : i32
    "tpu.region"() ({
      %run_scoped3A = tpu.sem_alloc : memref<!tpu.dma_semaphore, #tpu.memory_space<semaphore_mem>>
      %dma_start3A = arith.constant 0 : i32
      %dma_start3A_55 = tpu.memref_slice %arg6[%arg0, %add3A_50, %dma_start3A] : memref<2x10240x128xf32, #tpu.memory_space<hbm>> -> memref<1x128x128xf32, #tpu.memory_space<hbm>>
      %dma_start3A_56 = tpu.memref_squeeze %dma_start3A_55 : memref<1x128x128xf32, #tpu.memory_space<hbm>> -> memref<128x128xf32, #tpu.memory_space<hbm>>
      %dma_start3A_57 = arith.constant 0 : i32
      %dma_start3A_58 = tpu.memref_slice %arg7[%add3A_48, %dma_start3A_57] : memref<10240x128xf32, #tpu.memory_space<vmem_shared>> -> memref<128x128xf32, #tpu.memory_space<vmem_shared>>
      tpu.enqueue_dma source(%dma_start3A_58 : memref<128x128xf32, #tpu.memory_space<vmem_shared>>) target(%dma_start3A_56 : memref<128x128xf32, #tpu.memory_space<hbm>>) target_semaphore(%run_scoped3A : memref<!tpu.dma_semaphore, #tpu.memory_space<semaphore_mem>>)
      %dma_wait3A = arith.constant 0 : i32
      %dma_wait3A_59 = tpu.memref_slice %arg6[%arg0, %add3A_50, %dma_wait3A] : memref<2x10240x128xf32, #tpu.memory_space<hbm>> -> memref<1x128x128xf32, #tpu.memory_space<hbm>>
      %dma_wait3A_60 = tpu.memref_squeeze %dma_wait3A_59 : memref<1x128x128xf32, #tpu.memory_space<hbm>> -> memref<128x128xf32, #tpu.memory_space<hbm>>
      %dma_wait3A_61 = arith.constant 0 : i32
      %dma_wait3A_62 = tpu.memref_slice %arg7[%add3A_48, %dma_wait3A_61] : memref<10240x128xf32, #tpu.memory_space<vmem_shared>> -> memref<128x128xf32, #tpu.memory_space<vmem_shared>>
      tpu.wait_dma2 semaphore(%run_scoped3A : memref<!tpu.dma_semaphore, #tpu.memory_space<semaphore_mem>>) src(%dma_wait3A_62 : memref<128x128xf32, #tpu.memory_space<vmem_shared>>) dst(%dma_wait3A_60 : memref<128x128xf32, #tpu.memory_space<hbm>>)
      tpu.yield
    }) : () -> ()
    %add3A_51 = arith.constant 512 : i32
    %add3A_52 = arith.addi %mul3A_2, %add3A_51 : i32
    %add3A_53 = arith.constant 512 : i32
    %add3A_54 = arith.addi %mul3A_2, %add3A_53 : i32
    "tpu.region"() ({
      %run_scoped3A = tpu.sem_alloc : memref<!tpu.dma_semaphore, #tpu.memory_space<semaphore_mem>>
      %dma_start3A = arith.constant 0 : i32
      %dma_start3A_55 = tpu.memref_slice %arg6[%arg0, %add3A_54, %dma_start3A] : memref<2x10240x128xf32, #tpu.memory_space<hbm>> -> memref<1x128x128xf32, #tpu.memory_space<hbm>>
      %dma_start3A_56 = tpu.memref_squeeze %dma_start3A_55 : memref<1x128x128xf32, #tpu.memory_space<hbm>> -> memref<128x128xf32, #tpu.memory_space<hbm>>
      %dma_start3A_57 = arith.constant 0 : i32
      %dma_start3A_58 = tpu.memref_slice %arg7[%add3A_52, %dma_start3A_57] : memref<10240x128xf32, #tpu.memory_space<vmem_shared>> -> memref<128x128xf32, #tpu.memory_space<vmem_shared>>
      tpu.enqueue_dma source(%dma_start3A_58 : memref<128x128xf32, #tpu.memory_space<vmem_shared>>) target(%dma_start3A_56 : memref<128x128xf32, #tpu.memory_space<hbm>>) target_semaphore(%run_scoped3A : memref<!tpu.dma_semaphore, #tpu.memory_space<semaphore_mem>>)
      %dma_wait3A = arith.constant 0 : i32
      %dma_wait3A_59 = tpu.memref_slice %arg6[%arg0, %add3A_54, %dma_wait3A] : memref<2x10240x128xf32, #tpu.memory_space<hbm>> -> memref<1x128x128xf32, #tpu.memory_space<hbm>>
      %dma_wait3A_60 = tpu.memref_squeeze %dma_wait3A_59 : memref<1x128x128xf32, #tpu.memory_space<hbm>> -> memref<128x128xf32, #tpu.memory_space<hbm>>
      %dma_wait3A_61 = arith.constant 0 : i32
      %dma_wait3A_62 = tpu.memref_slice %arg7[%add3A_52, %dma_wait3A_61] : memref<10240x128xf32, #tpu.memory_space<vmem_shared>> -> memref<128x128xf32, #tpu.memory_space<vmem_shared>>
      tpu.wait_dma2 semaphore(%run_scoped3A : memref<!tpu.dma_semaphore, #tpu.memory_space<semaphore_mem>>) src(%dma_wait3A_62 : memref<128x128xf32, #tpu.memory_space<vmem_shared>>) dst(%dma_wait3A_60 : memref<128x128xf32, #tpu.memory_space<hbm>>)
      tpu.yield
    }) : () -> ()
    return
  }
}

#map = affine_map<(d0, d1) -> (0, 0)>
#map1 = affine_map<(d0, d1) -> (0)>
#map2 = affine_map<(d0, d1) -> (0, 0, 0)>
module attributes {stable_mosaic.version = 14 : i64} {
  func.func @_sc_edge0(%arg0: i32, %arg1: i32, %arg2: memref<40000x128xf32, #tpu.memory_space<hbm>>, %arg3: memref<40000x256xf32, #tpu.memory_space<hbm>>, %arg4: memref<320000xi32, #tpu.memory_space<hbm>>, %arg5: memref<320000xi32, #tpu.memory_space<hbm>>, %arg6: memref<320000xi32, #tpu.memory_space<hbm>>, %arg7: memref<2x10240x128xf32, #tpu.memory_space<hbm>>, %arg8: memref<10240x128xf32, #tpu.memory_space<vmem_shared>>, %arg9: memref<2000xi32, #tpu.memory_space<vmem>>, %arg10: memref<2000xi32, #tpu.memory_space<vmem>>, %arg11: memref<2000xi32, #tpu.memory_space<vmem>>, %arg12: memref<80xi32, #tpu.memory_space<vmem>>, %arg13: memref<80xi32, #tpu.memory_space<vmem>>, %arg14: memref<80xi32, #tpu.memory_space<vmem>>, %arg15: memref<80xi32, #tpu.memory_space<vmem>>, %arg16: memref<80xi32, #tpu.memory_space<vmem>>, %arg17: memref<80x128xf32, #tpu.memory_space<vmem>>, %arg18: memref<80x128xf32, #tpu.memory_space<vmem>>, %arg19: memref<80x256xf32, #tpu.memory_space<vmem>>, %arg20: memref<!tpu.dma_semaphore, #tpu.memory_space<semaphore_mem>>, %arg21: memref<!tpu.dma_semaphore, #tpu.memory_space<semaphore_mem>>, %arg22: memref<!tpu.dma_semaphore, #tpu.memory_space<semaphore_mem>>, %arg23: memref<!tpu.dma_semaphore, #tpu.memory_space<semaphore_mem>>, %arg24: memref<!tpu.dma_semaphore, #tpu.memory_space<semaphore_mem>>) attributes {dimension_semantics = [#tpu.dimension_semantics<core_parallel>, #tpu.dimension_semantics<subcore_parallel>], iteration_bounds = array<i64: 2, 16>, scalar_prefetch = 0 : i64, scratch_operands = 17 : i64, tpu.core_type = #tpu.core_type<sc_vector_subcore>, window_params = [{transform_indices = #map}, {transform_indices = #map}, {transform_indices = #map1}, {transform_indices = #map1}, {transform_indices = #map1}, {transform_indices = #map2}]} {
    %mul3A = arith.constant 16 : i32
    %mul3A_0 = arith.muli %arg0, %mul3A : i32
    %add3A = arith.addi %mul3A_0, %arg1 : i32
    %mul3A_1 = arith.constant 640 : i32
    %mul3A_2 = arith.muli %arg1, %mul3A_1 : i32
    %scan3A = arith.constant 0 : i32
    %scan3A_3 = arith.constant 0 : i32
    %scan3A_4 = arith.constant 80 : i32
    %scan3A_5 = arith.addi %scan3A_3, %scan3A_4 : i32
    %scan3A_6 = arith.constant 1 : i32
    %scan3A_7 = scf.for %scan3A_120 = %scan3A_3 to %scan3A_5 step %scan3A_6 iter_args(%scan3A_121 = %scan3A) -> (i32)  : i32 {
      %broadcast_in_dim3A_122 = arith.constant 0.000000e+00 : f32
      %broadcast_in_dim3A_123 = vector.broadcast %broadcast_in_dim3A_122 : f32 to vector<16xf32>
      %swap3A_124 = arith.index_cast %scan3A_120 : i32 to index
      %swap3A_125 = arith.constant 0 : index
      %swap3A_126 = tpu.vector_load %arg17[%swap3A_124, %swap3A_125] {strides = array<i32>} : memref<80x128xf32, #tpu.memory_space<vmem>>, vector<1x16xf32>,
      %swap3A_127 = vector.shape_cast %swap3A_126 : vector<1x16xf32> to vector<16xf32>
      %swap3A_128 = vector.shape_cast %broadcast_in_dim3A_123 : vector<16xf32> to vector<1x16xf32>
      tpu.vector_store %arg17[%swap3A_124, %swap3A_125], %swap3A_128 {strides = array<i32>} : memref<80x128xf32, #tpu.memory_space<vmem>>, vector<1x16xf32>,
      %broadcast_in_dim3A_129 = arith.constant 0.000000e+00 : f32
      %broadcast_in_dim3A_130 = vector.broadcast %broadcast_in_dim3A_129 : f32 to vector<16xf32>
      %swap3A_131 = arith.index_cast %scan3A_120 : i32 to index
      %swap3A_132 = arith.constant 16 : index
      %swap3A_133 = tpu.vector_load %arg17[%swap3A_131, %swap3A_132] {strides = array<i32>} : memref<80x128xf32, #tpu.memory_space<vmem>>, vector<1x16xf32>,
      %swap3A_134 = vector.shape_cast %swap3A_133 : vector<1x16xf32> to vector<16xf32>
      %swap3A_135 = vector.shape_cast %broadcast_in_dim3A_130 : vector<16xf32> to vector<1x16xf32>
      tpu.vector_store %arg17[%swap3A_131, %swap3A_132], %swap3A_135 {strides = array<i32>} : memref<80x128xf32, #tpu.memory_space<vmem>>, vector<1x16xf32>,
      %broadcast_in_dim3A_136 = arith.constant 0.000000e+00 : f32
      %broadcast_in_dim3A_137 = vector.broadcast %broadcast_in_dim3A_136 : f32 to vector<16xf32>
      %swap3A_138 = arith.index_cast %scan3A_120 : i32 to index
      %swap3A_139 = arith.constant 32 : index
      %swap3A_140 = tpu.vector_load %arg17[%swap3A_138, %swap3A_139] {strides = array<i32>} : memref<80x128xf32, #tpu.memory_space<vmem>>, vector<1x16xf32>,
      %swap3A_141 = vector.shape_cast %swap3A_140 : vector<1x16xf32> to vector<16xf32>
      %swap3A_142 = vector.shape_cast %broadcast_in_dim3A_137 : vector<16xf32> to vector<1x16xf32>
      tpu.vector_store %arg17[%swap3A_138, %swap3A_139], %swap3A_142 {strides = array<i32>} : memref<80x128xf32, #tpu.memory_space<vmem>>, vector<1x16xf32>,
      %broadcast_in_dim3A_143 = arith.constant 0.000000e+00 : f32
      %broadcast_in_dim3A_144 = vector.broadcast %broadcast_in_dim3A_143 : f32 to vector<16xf32>
      %swap3A_145 = arith.index_cast %scan3A_120 : i32 to index
      %swap3A_146 = arith.constant 48 : index
      %swap3A_147 = tpu.vector_load %arg17[%swap3A_145, %swap3A_146] {strides = array<i32>} : memref<80x128xf32, #tpu.memory_space<vmem>>, vector<1x16xf32>,
      %swap3A_148 = vector.shape_cast %swap3A_147 : vector<1x16xf32> to vector<16xf32>
      %swap3A_149 = vector.shape_cast %broadcast_in_dim3A_144 : vector<16xf32> to vector<1x16xf32>
      tpu.vector_store %arg17[%swap3A_145, %swap3A_146], %swap3A_149 {strides = array<i32>} : memref<80x128xf32, #tpu.memory_space<vmem>>, vector<1x16xf32>,
      %broadcast_in_dim3A_150 = arith.constant 0.000000e+00 : f32
      %broadcast_in_dim3A_151 = vector.broadcast %broadcast_in_dim3A_150 : f32 to vector<16xf32>
      %swap3A_152 = arith.index_cast %scan3A_120 : i32 to index
      %swap3A_153 = arith.constant 64 : index
      %swap3A_154 = tpu.vector_load %arg17[%swap3A_152, %swap3A_153] {strides = array<i32>} : memref<80x128xf32, #tpu.memory_space<vmem>>, vector<1x16xf32>,
      %swap3A_155 = vector.shape_cast %swap3A_154 : vector<1x16xf32> to vector<16xf32>
      %swap3A_156 = vector.shape_cast %broadcast_in_dim3A_151 : vector<16xf32> to vector<1x16xf32>
      tpu.vector_store %arg17[%swap3A_152, %swap3A_153], %swap3A_156 {strides = array<i32>} : memref<80x128xf32, #tpu.memory_space<vmem>>, vector<1x16xf32>,
      %broadcast_in_dim3A_157 = arith.constant 0.000000e+00 : f32
      %broadcast_in_dim3A_158 = vector.broadcast %broadcast_in_dim3A_157 : f32 to vector<16xf32>
      %swap3A_159 = arith.index_cast %scan3A_120 : i32 to index
      %swap3A_160 = arith.constant 80 : index
      %swap3A_161 = tpu.vector_load %arg17[%swap3A_159, %swap3A_160] {strides = array<i32>} : memref<80x128xf32, #tpu.memory_space<vmem>>, vector<1x16xf32>,
      %swap3A_162 = vector.shape_cast %swap3A_161 : vector<1x16xf32> to vector<16xf32>
      %swap3A_163 = vector.shape_cast %broadcast_in_dim3A_158 : vector<16xf32> to vector<1x16xf32>
      tpu.vector_store %arg17[%swap3A_159, %swap3A_160], %swap3A_163 {strides = array<i32>} : memref<80x128xf32, #tpu.memory_space<vmem>>, vector<1x16xf32>,
      %broadcast_in_dim3A_164 = arith.constant 0.000000e+00 : f32
      %broadcast_in_dim3A_165 = vector.broadcast %broadcast_in_dim3A_164 : f32 to vector<16xf32>
      %swap3A_166 = arith.index_cast %scan3A_120 : i32 to index
      %swap3A_167 = arith.constant 96 : index
      %swap3A_168 = tpu.vector_load %arg17[%swap3A_166, %swap3A_167] {strides = array<i32>} : memref<80x128xf32, #tpu.memory_space<vmem>>, vector<1x16xf32>,
      %swap3A_169 = vector.shape_cast %swap3A_168 : vector<1x16xf32> to vector<16xf32>
      %swap3A_170 = vector.shape_cast %broadcast_in_dim3A_165 : vector<16xf32> to vector<1x16xf32>
      tpu.vector_store %arg17[%swap3A_166, %swap3A_167], %swap3A_170 {strides = array<i32>} : memref<80x128xf32, #tpu.memory_space<vmem>>, vector<1x16xf32>,
      %broadcast_in_dim3A_171 = arith.constant 0.000000e+00 : f32
      %broadcast_in_dim3A_172 = vector.broadcast %broadcast_in_dim3A_171 : f32 to vector<16xf32>
      %swap3A_173 = arith.index_cast %scan3A_120 : i32 to index
      %swap3A_174 = arith.constant 112 : index
      %swap3A_175 = tpu.vector_load %arg17[%swap3A_173, %swap3A_174] {strides = array<i32>} : memref<80x128xf32, #tpu.memory_space<vmem>>, vector<1x16xf32>,
      %swap3A_176 = vector.shape_cast %swap3A_175 : vector<1x16xf32> to vector<16xf32>
      %swap3A_177 = vector.shape_cast %broadcast_in_dim3A_172 : vector<16xf32> to vector<1x16xf32>
      tpu.vector_store %arg17[%swap3A_173, %swap3A_174], %swap3A_177 {strides = array<i32>} : memref<80x128xf32, #tpu.memory_space<vmem>>, vector<1x16xf32>,
      %scan3A_178 = arith.constant 0 : i32
      scf.yield %scan3A_178 : i32
    }
    %scan3A_8 = arith.constant 80 : i32
    %scan3A_9 = arith.constant 0 : i32
    %scan3A_10 = arith.constant 0 : i32
    %scan3A_11 = arith.constant 80 : i32
    %scan3A_12 = arith.addi %scan3A_10, %scan3A_11 : i32
    %scan3A_13 = arith.constant 1 : i32
    %scan3A_14 = scf.for %scan3A_120 = %scan3A_10 to %scan3A_12 step %scan3A_13 iter_args(%scan3A_121 = %scan3A_9) -> (i32)  : i32 {
      %broadcast_in_dim3A_122 = arith.constant 0.000000e+00 : f32
      %broadcast_in_dim3A_123 = vector.broadcast %broadcast_in_dim3A_122 : f32 to vector<16xf32>
      %swap3A_124 = arith.index_cast %scan3A_120 : i32 to index
      %swap3A_125 = arith.constant 0 : index
      %swap3A_126 = tpu.vector_load %arg18[%swap3A_124, %swap3A_125] {strides = array<i32>} : memref<80x128xf32, #tpu.memory_space<vmem>>, vector<1x16xf32>,
      %swap3A_127 = vector.shape_cast %swap3A_126 : vector<1x16xf32> to vector<16xf32>
      %swap3A_128 = vector.shape_cast %broadcast_in_dim3A_123 : vector<16xf32> to vector<1x16xf32>
      tpu.vector_store %arg18[%swap3A_124, %swap3A_125], %swap3A_128 {strides = array<i32>} : memref<80x128xf32, #tpu.memory_space<vmem>>, vector<1x16xf32>,
      %broadcast_in_dim3A_129 = arith.constant 0.000000e+00 : f32
      %broadcast_in_dim3A_130 = vector.broadcast %broadcast_in_dim3A_129 : f32 to vector<16xf32>
      %swap3A_131 = arith.index_cast %scan3A_120 : i32 to index
      %swap3A_132 = arith.constant 16 : index
      %swap3A_133 = tpu.vector_load %arg18[%swap3A_131, %swap3A_132] {strides = array<i32>} : memref<80x128xf32, #tpu.memory_space<vmem>>, vector<1x16xf32>,
      %swap3A_134 = vector.shape_cast %swap3A_133 : vector<1x16xf32> to vector<16xf32>
      %swap3A_135 = vector.shape_cast %broadcast_in_dim3A_130 : vector<16xf32> to vector<1x16xf32>
      tpu.vector_store %arg18[%swap3A_131, %swap3A_132], %swap3A_135 {strides = array<i32>} : memref<80x128xf32, #tpu.memory_space<vmem>>, vector<1x16xf32>,
      %broadcast_in_dim3A_136 = arith.constant 0.000000e+00 : f32
      %broadcast_in_dim3A_137 = vector.broadcast %broadcast_in_dim3A_136 : f32 to vector<16xf32>
      %swap3A_138 = arith.index_cast %scan3A_120 : i32 to index
      %swap3A_139 = arith.constant 32 : index
      %swap3A_140 = tpu.vector_load %arg18[%swap3A_138, %swap3A_139] {strides = array<i32>} : memref<80x128xf32, #tpu.memory_space<vmem>>, vector<1x16xf32>,
      %swap3A_141 = vector.shape_cast %swap3A_140 : vector<1x16xf32> to vector<16xf32>
      %swap3A_142 = vector.shape_cast %broadcast_in_dim3A_137 : vector<16xf32> to vector<1x16xf32>
      tpu.vector_store %arg18[%swap3A_138, %swap3A_139], %swap3A_142 {strides = array<i32>} : memref<80x128xf32, #tpu.memory_space<vmem>>, vector<1x16xf32>,
      %broadcast_in_dim3A_143 = arith.constant 0.000000e+00 : f32
      %broadcast_in_dim3A_144 = vector.broadcast %broadcast_in_dim3A_143 : f32 to vector<16xf32>
      %swap3A_145 = arith.index_cast %scan3A_120 : i32 to index
      %swap3A_146 = arith.constant 48 : index
      %swap3A_147 = tpu.vector_load %arg18[%swap3A_145, %swap3A_146] {strides = array<i32>} : memref<80x128xf32, #tpu.memory_space<vmem>>, vector<1x16xf32>,
      %swap3A_148 = vector.shape_cast %swap3A_147 : vector<1x16xf32> to vector<16xf32>
      %swap3A_149 = vector.shape_cast %broadcast_in_dim3A_144 : vector<16xf32> to vector<1x16xf32>
      tpu.vector_store %arg18[%swap3A_145, %swap3A_146], %swap3A_149 {strides = array<i32>} : memref<80x128xf32, #tpu.memory_space<vmem>>, vector<1x16xf32>,
      %broadcast_in_dim3A_150 = arith.constant 0.000000e+00 : f32
      %broadcast_in_dim3A_151 = vector.broadcast %broadcast_in_dim3A_150 : f32 to vector<16xf32>
      %swap3A_152 = arith.index_cast %scan3A_120 : i32 to index
      %swap3A_153 = arith.constant 64 : index
      %swap3A_154 = tpu.vector_load %arg18[%swap3A_152, %swap3A_153] {strides = array<i32>} : memref<80x128xf32, #tpu.memory_space<vmem>>, vector<1x16xf32>,
      %swap3A_155 = vector.shape_cast %swap3A_154 : vector<1x16xf32> to vector<16xf32>
      %swap3A_156 = vector.shape_cast %broadcast_in_dim3A_151 : vector<16xf32> to vector<1x16xf32>
      tpu.vector_store %arg18[%swap3A_152, %swap3A_153], %swap3A_156 {strides = array<i32>} : memref<80x128xf32, #tpu.memory_space<vmem>>, vector<1x16xf32>,
      %broadcast_in_dim3A_157 = arith.constant 0.000000e+00 : f32
      %broadcast_in_dim3A_158 = vector.broadcast %broadcast_in_dim3A_157 : f32 to vector<16xf32>
      %swap3A_159 = arith.index_cast %scan3A_120 : i32 to index
      %swap3A_160 = arith.constant 80 : index
      %swap3A_161 = tpu.vector_load %arg18[%swap3A_159, %swap3A_160] {strides = array<i32>} : memref<80x128xf32, #tpu.memory_space<vmem>>, vector<1x16xf32>,
      %swap3A_162 = vector.shape_cast %swap3A_161 : vector<1x16xf32> to vector<16xf32>
      %swap3A_163 = vector.shape_cast %broadcast_in_dim3A_158 : vector<16xf32> to vector<1x16xf32>
      tpu.vector_store %arg18[%swap3A_159, %swap3A_160], %swap3A_163 {strides = array<i32>} : memref<80x128xf32, #tpu.memory_space<vmem>>, vector<1x16xf32>,
      %broadcast_in_dim3A_164 = arith.constant 0.000000e+00 : f32
      %broadcast_in_dim3A_165 = vector.broadcast %broadcast_in_dim3A_164 : f32 to vector<16xf32>
      %swap3A_166 = arith.index_cast %scan3A_120 : i32 to index
      %swap3A_167 = arith.constant 96 : index
      %swap3A_168 = tpu.vector_load %arg18[%swap3A_166, %swap3A_167] {strides = array<i32>} : memref<80x128xf32, #tpu.memory_space<vmem>>, vector<1x16xf32>,
      %swap3A_169 = vector.shape_cast %swap3A_168 : vector<1x16xf32> to vector<16xf32>
      %swap3A_170 = vector.shape_cast %broadcast_in_dim3A_165 : vector<16xf32> to vector<1x16xf32>
      tpu.vector_store %arg18[%swap3A_166, %swap3A_167], %swap3A_170 {strides = array<i32>} : memref<80x128xf32, #tpu.memory_space<vmem>>, vector<1x16xf32>,
      %broadcast_in_dim3A_171 = arith.constant 0.000000e+00 : f32
      %broadcast_in_dim3A_172 = vector.broadcast %broadcast_in_dim3A_171 : f32 to vector<16xf32>
      %swap3A_173 = arith.index_cast %scan3A_120 : i32 to index
      %swap3A_174 = arith.constant 112 : index
      %swap3A_175 = tpu.vector_load %arg18[%swap3A_173, %swap3A_174] {strides = array<i32>} : memref<80x128xf32, #tpu.memory_space<vmem>>, vector<1x16xf32>,
      %swap3A_176 = vector.shape_cast %swap3A_175 : vector<1x16xf32> to vector<16xf32>
      %swap3A_177 = vector.shape_cast %broadcast_in_dim3A_172 : vector<16xf32> to vector<1x16xf32>
      tpu.vector_store %arg18[%swap3A_173, %swap3A_174], %swap3A_177 {strides = array<i32>} : memref<80x128xf32, #tpu.memory_space<vmem>>, vector<1x16xf32>,
      %scan3A_178 = arith.constant 0 : i32
      scf.yield %scan3A_178 : i32
    }
    %scan3A_15 = arith.constant 80 : i32
    %broadcast_in_dim3A = arith.constant 0 : i32
    %broadcast_in_dim3A_16 = vector.broadcast %broadcast_in_dim3A : i32 to vector<16xi32>
    %swap3A = arith.constant 0 : index
    %swap3A_17 = tpu.vector_load %arg15[%swap3A] {strides = array<i32>} : memref<80xi32, #tpu.memory_space<vmem>>, vector<16xi32>,
    %swap3A_18 = vector.shape_cast %swap3A_17 : vector<16xi32> to vector<16xi32>
    %swap3A_19 = vector.shape_cast %broadcast_in_dim3A_16 : vector<16xi32> to vector<16xi32>
    tpu.vector_store %arg15[%swap3A], %swap3A_19 {strides = array<i32>} : memref<80xi32, #tpu.memory_space<vmem>>, vector<16xi32>,
    %broadcast_in_dim3A_20 = arith.constant 0 : i32
    %broadcast_in_dim3A_21 = vector.broadcast %broadcast_in_dim3A_20 : i32 to vector<16xi32>
    %swap3A_22 = arith.constant 0 : index
    %swap3A_23 = tpu.vector_load %arg16[%swap3A_22] {strides = array<i32>} : memref<80xi32, #tpu.memory_space<vmem>>, vector<16xi32>,
    %swap3A_24 = vector.shape_cast %swap3A_23 : vector<16xi32> to vector<16xi32>
    %swap3A_25 = vector.shape_cast %broadcast_in_dim3A_21 : vector<16xi32> to vector<16xi32>
    tpu.vector_store %arg16[%swap3A_22], %swap3A_25 {strides = array<i32>} : memref<80xi32, #tpu.memory_space<vmem>>, vector<16xi32>,
    %broadcast_in_dim3A_26 = arith.constant 0 : i32
    %broadcast_in_dim3A_27 = vector.broadcast %broadcast_in_dim3A_26 : i32 to vector<16xi32>
    %swap3A_28 = arith.constant 16 : index
    %swap3A_29 = tpu.vector_load %arg15[%swap3A_28] {strides = array<i32>} : memref<80xi32, #tpu.memory_space<vmem>>, vector<16xi32>,
    %swap3A_30 = vector.shape_cast %swap3A_29 : vector<16xi32> to vector<16xi32>
    %swap3A_31 = vector.shape_cast %broadcast_in_dim3A_27 : vector<16xi32> to vector<16xi32>
    tpu.vector_store %arg15[%swap3A_28], %swap3A_31 {strides = array<i32>} : memref<80xi32, #tpu.memory_space<vmem>>, vector<16xi32>,
    %broadcast_in_dim3A_32 = arith.constant 0 : i32
    %broadcast_in_dim3A_33 = vector.broadcast %broadcast_in_dim3A_32 : i32 to vector<16xi32>
    %swap3A_34 = arith.constant 16 : index
    %swap3A_35 = tpu.vector_load %arg16[%swap3A_34] {strides = array<i32>} : memref<80xi32, #tpu.memory_space<vmem>>, vector<16xi32>,
    %swap3A_36 = vector.shape_cast %swap3A_35 : vector<16xi32> to vector<16xi32>
    %swap3A_37 = vector.shape_cast %broadcast_in_dim3A_33 : vector<16xi32> to vector<16xi32>
    tpu.vector_store %arg16[%swap3A_34], %swap3A_37 {strides = array<i32>} : memref<80xi32, #tpu.memory_space<vmem>>, vector<16xi32>,
    %broadcast_in_dim3A_38 = arith.constant 0 : i32
    %broadcast_in_dim3A_39 = vector.broadcast %broadcast_in_dim3A_38 : i32 to vector<16xi32>
    %swap3A_40 = arith.constant 32 : index
    %swap3A_41 = tpu.vector_load %arg15[%swap3A_40] {strides = array<i32>} : memref<80xi32, #tpu.memory_space<vmem>>, vector<16xi32>,
    %swap3A_42 = vector.shape_cast %swap3A_41 : vector<16xi32> to vector<16xi32>
    %swap3A_43 = vector.shape_cast %broadcast_in_dim3A_39 : vector<16xi32> to vector<16xi32>
    tpu.vector_store %arg15[%swap3A_40], %swap3A_43 {strides = array<i32>} : memref<80xi32, #tpu.memory_space<vmem>>, vector<16xi32>,
    %broadcast_in_dim3A_44 = arith.constant 0 : i32
    %broadcast_in_dim3A_45 = vector.broadcast %broadcast_in_dim3A_44 : i32 to vector<16xi32>
    %swap3A_46 = arith.constant 32 : index
    %swap3A_47 = tpu.vector_load %arg16[%swap3A_46] {strides = array<i32>} : memref<80xi32, #tpu.memory_space<vmem>>, vector<16xi32>,
    %swap3A_48 = vector.shape_cast %swap3A_47 : vector<16xi32> to vector<16xi32>
    %swap3A_49 = vector.shape_cast %broadcast_in_dim3A_45 : vector<16xi32> to vector<16xi32>
    tpu.vector_store %arg16[%swap3A_46], %swap3A_49 {strides = array<i32>} : memref<80xi32, #tpu.memory_space<vmem>>, vector<16xi32>,
    %broadcast_in_dim3A_50 = arith.constant 0 : i32
    %broadcast_in_dim3A_51 = vector.broadcast %broadcast_in_dim3A_50 : i32 to vector<16xi32>
    %swap3A_52 = arith.constant 48 : index
    %swap3A_53 = tpu.vector_load %arg15[%swap3A_52] {strides = array<i32>} : memref<80xi32, #tpu.memory_space<vmem>>, vector<16xi32>,
    %swap3A_54 = vector.shape_cast %swap3A_53 : vector<16xi32> to vector<16xi32>
    %swap3A_55 = vector.shape_cast %broadcast_in_dim3A_51 : vector<16xi32> to vector<16xi32>
    tpu.vector_store %arg15[%swap3A_52], %swap3A_55 {strides = array<i32>} : memref<80xi32, #tpu.memory_space<vmem>>, vector<16xi32>,
    %broadcast_in_dim3A_56 = arith.constant 0 : i32
    %broadcast_in_dim3A_57 = vector.broadcast %broadcast_in_dim3A_56 : i32 to vector<16xi32>
    %swap3A_58 = arith.constant 48 : index
    %swap3A_59 = tpu.vector_load %arg16[%swap3A_58] {strides = array<i32>} : memref<80xi32, #tpu.memory_space<vmem>>, vector<16xi32>,
    %swap3A_60 = vector.shape_cast %swap3A_59 : vector<16xi32> to vector<16xi32>
    %swap3A_61 = vector.shape_cast %broadcast_in_dim3A_57 : vector<16xi32> to vector<16xi32>
    tpu.vector_store %arg16[%swap3A_58], %swap3A_61 {strides = array<i32>} : memref<80xi32, #tpu.memory_space<vmem>>, vector<16xi32>,
    %broadcast_in_dim3A_62 = arith.constant 0 : i32
    %broadcast_in_dim3A_63 = vector.broadcast %broadcast_in_dim3A_62 : i32 to vector<16xi32>
    %swap3A_64 = arith.constant 64 : index
    %swap3A_65 = tpu.vector_load %arg15[%swap3A_64] {strides = array<i32>} : memref<80xi32, #tpu.memory_space<vmem>>, vector<16xi32>,
    %swap3A_66 = vector.shape_cast %swap3A_65 : vector<16xi32> to vector<16xi32>
    %swap3A_67 = vector.shape_cast %broadcast_in_dim3A_63 : vector<16xi32> to vector<16xi32>
    tpu.vector_store %arg15[%swap3A_64], %swap3A_67 {strides = array<i32>} : memref<80xi32, #tpu.memory_space<vmem>>, vector<16xi32>,
    %broadcast_in_dim3A_68 = arith.constant 0 : i32
    %broadcast_in_dim3A_69 = vector.broadcast %broadcast_in_dim3A_68 : i32 to vector<16xi32>
    %swap3A_70 = arith.constant 64 : index
    %swap3A_71 = tpu.vector_load %arg16[%swap3A_70] {strides = array<i32>} : memref<80xi32, #tpu.memory_space<vmem>>, vector<16xi32>,
    %swap3A_72 = vector.shape_cast %swap3A_71 : vector<16xi32> to vector<16xi32>
    %swap3A_73 = vector.shape_cast %broadcast_in_dim3A_69 : vector<16xi32> to vector<16xi32>
    tpu.vector_store %arg16[%swap3A_70], %swap3A_73 {strides = array<i32>} : memref<80xi32, #tpu.memory_space<vmem>>, vector<16xi32>,
    %add3A_74 = arith.constant 0 : i32
    %add3A_75 = arith.addi %mul3A_2, %add3A_74 : i32
    "tpu.region"() ({
      %run_scoped3A = tpu.sem_alloc : memref<!tpu.dma_semaphore, #tpu.memory_space<semaphore_mem>>
      %dma_start3A = arith.constant 0 : i32
      %dma_start3A_120 = tpu.memref_slice %arg8[%add3A_75, %dma_start3A] : memref<10240x128xf32, #tpu.memory_space<vmem_shared>> -> memref<80x128xf32, #tpu.memory_space<vmem_shared>>
      %dma_start3A_121 = arith.constant 0 : i32
      %dma_start3A_122 = tpu.memref_slice %arg8[%add3A_75, %dma_start3A_121] : memref<10240x128xf32, #tpu.memory_space<vmem_shared>> -> memref<80x128xf32, #tpu.memory_space<vmem_shared>>
      tpu.enqueue_dma source(%arg17 : memref<80x128xf32, #tpu.memory_space<vmem>>) target(%dma_start3A_122 : memref<80x128xf32, #tpu.memory_space<vmem_shared>>) target_semaphore(%run_scoped3A : memref<!tpu.dma_semaphore, #tpu.memory_space<semaphore_mem>>)
      %dma_wait3A = arith.constant 0 : i32
      %dma_wait3A_123 = tpu.memref_slice %arg8[%add3A_75, %dma_wait3A] : memref<10240x128xf32, #tpu.memory_space<vmem_shared>> -> memref<80x128xf32, #tpu.memory_space<vmem_shared>>
      %dma_wait3A_124 = arith.constant 0 : i32
      %dma_wait3A_125 = tpu.memref_slice %arg8[%add3A_75, %dma_wait3A_124] : memref<10240x128xf32, #tpu.memory_space<vmem_shared>> -> memref<80x128xf32, #tpu.memory_space<vmem_shared>>
      tpu.wait_dma2 semaphore(%run_scoped3A : memref<!tpu.dma_semaphore, #tpu.memory_space<semaphore_mem>>) src(%arg17 : memref<80x128xf32, #tpu.memory_space<vmem>>) dst(%dma_wait3A_125 : memref<80x128xf32, #tpu.memory_space<vmem_shared>>)
      tpu.yield
    }) : () -> ()
    %add3A_76 = arith.constant 80 : i32
    %add3A_77 = arith.addi %mul3A_2, %add3A_76 : i32
    "tpu.region"() ({
      %run_scoped3A = tpu.sem_alloc : memref<!tpu.dma_semaphore, #tpu.memory_space<semaphore_mem>>
      %dma_start3A = arith.constant 0 : i32
      %dma_start3A_120 = tpu.memref_slice %arg8[%add3A_77, %dma_start3A] : memref<10240x128xf32, #tpu.memory_space<vmem_shared>> -> memref<80x128xf32, #tpu.memory_space<vmem_shared>>
      %dma_start3A_121 = arith.constant 0 : i32
      %dma_start3A_122 = tpu.memref_slice %arg8[%add3A_77, %dma_start3A_121] : memref<10240x128xf32, #tpu.memory_space<vmem_shared>> -> memref<80x128xf32, #tpu.memory_space<vmem_shared>>
      tpu.enqueue_dma source(%arg17 : memref<80x128xf32, #tpu.memory_space<vmem>>) target(%dma_start3A_122 : memref<80x128xf32, #tpu.memory_space<vmem_shared>>) target_semaphore(%run_scoped3A : memref<!tpu.dma_semaphore, #tpu.memory_space<semaphore_mem>>)
      %dma_wait3A = arith.constant 0 : i32
      %dma_wait3A_123 = tpu.memref_slice %arg8[%add3A_77, %dma_wait3A] : memref<10240x128xf32, #tpu.memory_space<vmem_shared>> -> memref<80x128xf32, #tpu.memory_space<vmem_shared>>
      %dma_wait3A_124 = arith.constant 0 : i32
      %dma_wait3A_125 = tpu.memref_slice %arg8[%add3A_77, %dma_wait3A_124] : memref<10240x128xf32, #tpu.memory_space<vmem_shared>> -> memref<80x128xf32, #tpu.memory_space<vmem_shared>>
      tpu.wait_dma2 semaphore(%run_scoped3A : memref<!tpu.dma_semaphore, #tpu.memory_space<semaphore_mem>>) src(%arg17 : memref<80x128xf32, #tpu.memory_space<vmem>>) dst(%dma_wait3A_125 : memref<80x128xf32, #tpu.memory_space<vmem_shared>>)
      tpu.yield
    }) : () -> ()
    %add3A_78 = arith.constant 160 : i32
    %add3A_79 = arith.addi %mul3A_2, %add3A_78 : i32
    "tpu.region"() ({
      %run_scoped3A = tpu.sem_alloc : memref<!tpu.dma_semaphore, #tpu.memory_space<semaphore_mem>>
      %dma_start3A = arith.constant 0 : i32
      %dma_start3A_120 = tpu.memref_slice %arg8[%add3A_79, %dma_start3A] : memref<10240x128xf32, #tpu.memory_space<vmem_shared>> -> memref<80x128xf32, #tpu.memory_space<vmem_shared>>
      %dma_start3A_121 = arith.constant 0 : i32
      %dma_start3A_122 = tpu.memref_slice %arg8[%add3A_79, %dma_start3A_121] : memref<10240x128xf32, #tpu.memory_space<vmem_shared>> -> memref<80x128xf32, #tpu.memory_space<vmem_shared>>
      tpu.enqueue_dma source(%arg17 : memref<80x128xf32, #tpu.memory_space<vmem>>) target(%dma_start3A_122 : memref<80x128xf32, #tpu.memory_space<vmem_shared>>) target_semaphore(%run_scoped3A : memref<!tpu.dma_semaphore, #tpu.memory_space<semaphore_mem>>)
      %dma_wait3A = arith.constant 0 : i32
      %dma_wait3A_123 = tpu.memref_slice %arg8[%add3A_79, %dma_wait3A] : memref<10240x128xf32, #tpu.memory_space<vmem_shared>> -> memref<80x128xf32, #tpu.memory_space<vmem_shared>>
      %dma_wait3A_124 = arith.constant 0 : i32
      %dma_wait3A_125 = tpu.memref_slice %arg8[%add3A_79, %dma_wait3A_124] : memref<10240x128xf32, #tpu.memory_space<vmem_shared>> -> memref<80x128xf32, #tpu.memory_space<vmem_shared>>
      tpu.wait_dma2 semaphore(%run_scoped3A : memref<!tpu.dma_semaphore, #tpu.memory_space<semaphore_mem>>) src(%arg17 : memref<80x128xf32, #tpu.memory_space<vmem>>) dst(%dma_wait3A_125 : memref<80x128xf32, #tpu.memory_space<vmem_shared>>)
      tpu.yield
    }) : () -> ()
    %add3A_80 = arith.constant 240 : i32
    %add3A_81 = arith.addi %mul3A_2, %add3A_80 : i32
    "tpu.region"() ({
      %run_scoped3A = tpu.sem_alloc : memref<!tpu.dma_semaphore, #tpu.memory_space<semaphore_mem>>
      %dma_start3A = arith.constant 0 : i32
      %dma_start3A_120 = tpu.memref_slice %arg8[%add3A_81, %dma_start3A] : memref<10240x128xf32, #tpu.memory_space<vmem_shared>> -> memref<80x128xf32, #tpu.memory_space<vmem_shared>>
      %dma_start3A_121 = arith.constant 0 : i32
      %dma_start3A_122 = tpu.memref_slice %arg8[%add3A_81, %dma_start3A_121] : memref<10240x128xf32, #tpu.memory_space<vmem_shared>> -> memref<80x128xf32, #tpu.memory_space<vmem_shared>>
      tpu.enqueue_dma source(%arg17 : memref<80x128xf32, #tpu.memory_space<vmem>>) target(%dma_start3A_122 : memref<80x128xf32, #tpu.memory_space<vmem_shared>>) target_semaphore(%run_scoped3A : memref<!tpu.dma_semaphore, #tpu.memory_space<semaphore_mem>>)
      %dma_wait3A = arith.constant 0 : i32
      %dma_wait3A_123 = tpu.memref_slice %arg8[%add3A_81, %dma_wait3A] : memref<10240x128xf32, #tpu.memory_space<vmem_shared>> -> memref<80x128xf32, #tpu.memory_space<vmem_shared>>
      %dma_wait3A_124 = arith.constant 0 : i32
      %dma_wait3A_125 = tpu.memref_slice %arg8[%add3A_81, %dma_wait3A_124] : memref<10240x128xf32, #tpu.memory_space<vmem_shared>> -> memref<80x128xf32, #tpu.memory_space<vmem_shared>>
      tpu.wait_dma2 semaphore(%run_scoped3A : memref<!tpu.dma_semaphore, #tpu.memory_space<semaphore_mem>>) src(%arg17 : memref<80x128xf32, #tpu.memory_space<vmem>>) dst(%dma_wait3A_125 : memref<80x128xf32, #tpu.memory_space<vmem_shared>>)
      tpu.yield
    }) : () -> ()
    %add3A_82 = arith.constant 320 : i32
    %add3A_83 = arith.addi %mul3A_2, %add3A_82 : i32
    "tpu.region"() ({
      %run_scoped3A = tpu.sem_alloc : memref<!tpu.dma_semaphore, #tpu.memory_space<semaphore_mem>>
      %dma_start3A = arith.constant 0 : i32
      %dma_start3A_120 = tpu.memref_slice %arg8[%add3A_83, %dma_start3A] : memref<10240x128xf32, #tpu.memory_space<vmem_shared>> -> memref<80x128xf32, #tpu.memory_space<vmem_shared>>
      %dma_start3A_121 = arith.constant 0 : i32
      %dma_start3A_122 = tpu.memref_slice %arg8[%add3A_83, %dma_start3A_121] : memref<10240x128xf32, #tpu.memory_space<vmem_shared>> -> memref<80x128xf32, #tpu.memory_space<vmem_shared>>
      tpu.enqueue_dma source(%arg17 : memref<80x128xf32, #tpu.memory_space<vmem>>) target(%dma_start3A_122 : memref<80x128xf32, #tpu.memory_space<vmem_shared>>) target_semaphore(%run_scoped3A : memref<!tpu.dma_semaphore, #tpu.memory_space<semaphore_mem>>)
      %dma_wait3A = arith.constant 0 : i32
      %dma_wait3A_123 = tpu.memref_slice %arg8[%add3A_83, %dma_wait3A] : memref<10240x128xf32, #tpu.memory_space<vmem_shared>> -> memref<80x128xf32, #tpu.memory_space<vmem_shared>>
      %dma_wait3A_124 = arith.constant 0 : i32
      %dma_wait3A_125 = tpu.memref_slice %arg8[%add3A_83, %dma_wait3A_124] : memref<10240x128xf32, #tpu.memory_space<vmem_shared>> -> memref<80x128xf32, #tpu.memory_space<vmem_shared>>
      tpu.wait_dma2 semaphore(%run_scoped3A : memref<!tpu.dma_semaphore, #tpu.memory_space<semaphore_mem>>) src(%arg17 : memref<80x128xf32, #tpu.memory_space<vmem>>) dst(%dma_wait3A_125 : memref<80x128xf32, #tpu.memory_space<vmem_shared>>)
      tpu.yield
    }) : () -> ()
    %add3A_84 = arith.constant 400 : i32
    %add3A_85 = arith.addi %mul3A_2, %add3A_84 : i32
    "tpu.region"() ({
      %run_scoped3A = tpu.sem_alloc : memref<!tpu.dma_semaphore, #tpu.memory_space<semaphore_mem>>
      %dma_start3A = arith.constant 0 : i32
      %dma_start3A_120 = tpu.memref_slice %arg8[%add3A_85, %dma_start3A] : memref<10240x128xf32, #tpu.memory_space<vmem_shared>> -> memref<80x128xf32, #tpu.memory_space<vmem_shared>>
      %dma_start3A_121 = arith.constant 0 : i32
      %dma_start3A_122 = tpu.memref_slice %arg8[%add3A_85, %dma_start3A_121] : memref<10240x128xf32, #tpu.memory_space<vmem_shared>> -> memref<80x128xf32, #tpu.memory_space<vmem_shared>>
      tpu.enqueue_dma source(%arg17 : memref<80x128xf32, #tpu.memory_space<vmem>>) target(%dma_start3A_122 : memref<80x128xf32, #tpu.memory_space<vmem_shared>>) target_semaphore(%run_scoped3A : memref<!tpu.dma_semaphore, #tpu.memory_space<semaphore_mem>>)
      %dma_wait3A = arith.constant 0 : i32
      %dma_wait3A_123 = tpu.memref_slice %arg8[%add3A_85, %dma_wait3A] : memref<10240x128xf32, #tpu.memory_space<vmem_shared>> -> memref<80x128xf32, #tpu.memory_space<vmem_shared>>
      %dma_wait3A_124 = arith.constant 0 : i32
      %dma_wait3A_125 = tpu.memref_slice %arg8[%add3A_85, %dma_wait3A_124] : memref<10240x128xf32, #tpu.memory_space<vmem_shared>> -> memref<80x128xf32, #tpu.memory_space<vmem_shared>>
      tpu.wait_dma2 semaphore(%run_scoped3A : memref<!tpu.dma_semaphore, #tpu.memory_space<semaphore_mem>>) src(%arg17 : memref<80x128xf32, #tpu.memory_space<vmem>>) dst(%dma_wait3A_125 : memref<80x128xf32, #tpu.memory_space<vmem_shared>>)
      tpu.yield
    }) : () -> ()
    %add3A_86 = arith.constant 480 : i32
    %add3A_87 = arith.addi %mul3A_2, %add3A_86 : i32
    "tpu.region"() ({
      %run_scoped3A = tpu.sem_alloc : memref<!tpu.dma_semaphore, #tpu.memory_space<semaphore_mem>>
      %dma_start3A = arith.constant 0 : i32
      %dma_start3A_120 = tpu.memref_slice %arg8[%add3A_87, %dma_start3A] : memref<10240x128xf32, #tpu.memory_space<vmem_shared>> -> memref<80x128xf32, #tpu.memory_space<vmem_shared>>
      %dma_start3A_121 = arith.constant 0 : i32
      %dma_start3A_122 = tpu.memref_slice %arg8[%add3A_87, %dma_start3A_121] : memref<10240x128xf32, #tpu.memory_space<vmem_shared>> -> memref<80x128xf32, #tpu.memory_space<vmem_shared>>
      tpu.enqueue_dma source(%arg17 : memref<80x128xf32, #tpu.memory_space<vmem>>) target(%dma_start3A_122 : memref<80x128xf32, #tpu.memory_space<vmem_shared>>) target_semaphore(%run_scoped3A : memref<!tpu.dma_semaphore, #tpu.memory_space<semaphore_mem>>)
      %dma_wait3A = arith.constant 0 : i32
      %dma_wait3A_123 = tpu.memref_slice %arg8[%add3A_87, %dma_wait3A] : memref<10240x128xf32, #tpu.memory_space<vmem_shared>> -> memref<80x128xf32, #tpu.memory_space<vmem_shared>>
      %dma_wait3A_124 = arith.constant 0 : i32
      %dma_wait3A_125 = tpu.memref_slice %arg8[%add3A_87, %dma_wait3A_124] : memref<10240x128xf32, #tpu.memory_space<vmem_shared>> -> memref<80x128xf32, #tpu.memory_space<vmem_shared>>
      tpu.wait_dma2 semaphore(%run_scoped3A : memref<!tpu.dma_semaphore, #tpu.memory_space<semaphore_mem>>) src(%arg17 : memref<80x128xf32, #tpu.memory_space<vmem>>) dst(%dma_wait3A_125 : memref<80x128xf32, #tpu.memory_space<vmem_shared>>)
      tpu.yield
    }) : () -> ()
    %add3A_88 = arith.constant 560 : i32
    %add3A_89 = arith.addi %mul3A_2, %add3A_88 : i32
    "tpu.region"() ({
      %run_scoped3A = tpu.sem_alloc : memref<!tpu.dma_semaphore, #tpu.memory_space<semaphore_mem>>
      %dma_start3A = arith.constant 0 : i32
      %dma_start3A_120 = tpu.memref_slice %arg8[%add3A_89, %dma_start3A] : memref<10240x128xf32, #tpu.memory_space<vmem_shared>> -> memref<80x128xf32, #tpu.memory_space<vmem_shared>>
      %dma_start3A_121 = arith.constant 0 : i32
      %dma_start3A_122 = tpu.memref_slice %arg8[%add3A_89, %dma_start3A_121] : memref<10240x128xf32, #tpu.memory_space<vmem_shared>> -> memref<80x128xf32, #tpu.memory_space<vmem_shared>>
      tpu.enqueue_dma source(%arg17 : memref<80x128xf32, #tpu.memory_space<vmem>>) target(%dma_start3A_122 : memref<80x128xf32, #tpu.memory_space<vmem_shared>>) target_semaphore(%run_scoped3A : memref<!tpu.dma_semaphore, #tpu.memory_space<semaphore_mem>>)
      %dma_wait3A = arith.constant 0 : i32
      %dma_wait3A_123 = tpu.memref_slice %arg8[%add3A_89, %dma_wait3A] : memref<10240x128xf32, #tpu.memory_space<vmem_shared>> -> memref<80x128xf32, #tpu.memory_space<vmem_shared>>
      %dma_wait3A_124 = arith.constant 0 : i32
      %dma_wait3A_125 = tpu.memref_slice %arg8[%add3A_89, %dma_wait3A_124] : memref<10240x128xf32, #tpu.memory_space<vmem_shared>> -> memref<80x128xf32, #tpu.memory_space<vmem_shared>>
      tpu.wait_dma2 semaphore(%run_scoped3A : memref<!tpu.dma_semaphore, #tpu.memory_space<semaphore_mem>>) src(%arg17 : memref<80x128xf32, #tpu.memory_space<vmem>>) dst(%dma_wait3A_125 : memref<80x128xf32, #tpu.memory_space<vmem_shared>>)
      tpu.yield
    }) : () -> ()
    %barrier3A = arith.constant 0 : index
    tpu.barrier barrier_id(%barrier3A)
    %mul3A_90 = arith.constant 10000 : i32
    %mul3A_91 = arith.muli %add3A, %mul3A_90 : i32
    %scan3A_92 = arith.constant 0 : i32
    %scan3A_93 = arith.constant 0 : i32
    %scan3A_94 = arith.constant 5 : i32
    %scan3A_95 = arith.addi %scan3A_93, %scan3A_94 : i32
    %scan3A_96 = arith.constant 1 : i32
    %scan3A_97 = scf.for %scan3A_120 = %scan3A_93 to %scan3A_95 step %scan3A_96 iter_args(%scan3A_121 = %scan3A_92) -> (i32)  : i32 {
      %mul3A_122 = arith.constant 2000 : i32
      %mul3A_123 = arith.muli %scan3A_120, %mul3A_122 : i32
      %add3A_124 = arith.addi %mul3A_91, %mul3A_123 : i32
      "tpu.region"() ({
        %run_scoped3A = tpu.sem_alloc : memref<!tpu.dma_semaphore, #tpu.memory_space<semaphore_mem>>
        %dma_start3A_343 = tpu.memref_slice %arg4[%add3A_124] : memref<320000xi32, #tpu.memory_space<hbm>> -> memref<2000xi32, #tpu.memory_space<hbm>>
        %dma_start3A_344 = tpu.memref_slice %arg4[%add3A_124] : memref<320000xi32, #tpu.memory_space<hbm>> -> memref<2000xi32, #tpu.memory_space<hbm>>
        tpu.enqueue_dma source(%dma_start3A_344 : memref<2000xi32, #tpu.memory_space<hbm>>) target(%arg9 : memref<2000xi32, #tpu.memory_space<vmem>>) target_semaphore(%run_scoped3A : memref<!tpu.dma_semaphore, #tpu.memory_space<semaphore_mem>>)
        %dma_wait3A_345 = tpu.memref_slice %arg4[%add3A_124] : memref<320000xi32, #tpu.memory_space<hbm>> -> memref<2000xi32, #tpu.memory_space<hbm>>
        %dma_wait3A_346 = tpu.memref_slice %arg4[%add3A_124] : memref<320000xi32, #tpu.memory_space<hbm>> -> memref<2000xi32, #tpu.memory_space<hbm>>
        tpu.wait_dma2 semaphore(%run_scoped3A : memref<!tpu.dma_semaphore, #tpu.memory_space<semaphore_mem>>) src(%dma_wait3A_346 : memref<2000xi32, #tpu.memory_space<hbm>>) dst(%arg9 : memref<2000xi32, #tpu.memory_space<vmem>>)
        tpu.yield
      }) : () -> ()
      "tpu.region"() ({
        %run_scoped3A = tpu.sem_alloc : memref<!tpu.dma_semaphore, #tpu.memory_space<semaphore_mem>>
        %dma_start3A_343 = tpu.memref_slice %arg5[%add3A_124] : memref<320000xi32, #tpu.memory_space<hbm>> -> memref<2000xi32, #tpu.memory_space<hbm>>
        %dma_start3A_344 = tpu.memref_slice %arg5[%add3A_124] : memref<320000xi32, #tpu.memory_space<hbm>> -> memref<2000xi32, #tpu.memory_space<hbm>>
        tpu.enqueue_dma source(%dma_start3A_344 : memref<2000xi32, #tpu.memory_space<hbm>>) target(%arg10 : memref<2000xi32, #tpu.memory_space<vmem>>) target_semaphore(%run_scoped3A : memref<!tpu.dma_semaphore, #tpu.memory_space<semaphore_mem>>)
        %dma_wait3A_345 = tpu.memref_slice %arg5[%add3A_124] : memref<320000xi32, #tpu.memory_space<hbm>> -> memref<2000xi32, #tpu.memory_space<hbm>>
        %dma_wait3A_346 = tpu.memref_slice %arg5[%add3A_124] : memref<320000xi32, #tpu.memory_space<hbm>> -> memref<2000xi32, #tpu.memory_space<hbm>>
        tpu.wait_dma2 semaphore(%run_scoped3A : memref<!tpu.dma_semaphore, #tpu.memory_space<semaphore_mem>>) src(%dma_wait3A_346 : memref<2000xi32, #tpu.memory_space<hbm>>) dst(%arg10 : memref<2000xi32, #tpu.memory_space<vmem>>)
        tpu.yield
      }) : () -> ()
      "tpu.region"() ({
        %run_scoped3A = tpu.sem_alloc : memref<!tpu.dma_semaphore, #tpu.memory_space<semaphore_mem>>
        %dma_start3A_343 = tpu.memref_slice %arg6[%add3A_124] : memref<320000xi32, #tpu.memory_space<hbm>> -> memref<2000xi32, #tpu.memory_space<hbm>>
        %dma_start3A_344 = tpu.memref_slice %arg6[%add3A_124] : memref<320000xi32, #tpu.memory_space<hbm>> -> memref<2000xi32, #tpu.memory_space<hbm>>
        tpu.enqueue_dma source(%dma_start3A_344 : memref<2000xi32, #tpu.memory_space<hbm>>) target(%arg11 : memref<2000xi32, #tpu.memory_space<vmem>>) target_semaphore(%run_scoped3A : memref<!tpu.dma_semaphore, #tpu.memory_space<semaphore_mem>>)
        %dma_wait3A_345 = tpu.memref_slice %arg6[%add3A_124] : memref<320000xi32, #tpu.memory_space<hbm>> -> memref<2000xi32, #tpu.memory_space<hbm>>
        %dma_wait3A_346 = tpu.memref_slice %arg6[%add3A_124] : memref<320000xi32, #tpu.memory_space<hbm>> -> memref<2000xi32, #tpu.memory_space<hbm>>
        tpu.wait_dma2 semaphore(%run_scoped3A : memref<!tpu.dma_semaphore, #tpu.memory_space<semaphore_mem>>) src(%dma_wait3A_346 : memref<2000xi32, #tpu.memory_space<hbm>>) dst(%arg11 : memref<2000xi32, #tpu.memory_space<vmem>>)
        tpu.yield
      }) : () -> ()
      %get3A = arith.constant 0 : index
      %get3A_125 = tpu.vector_load %arg9[%get3A] {strides = array<i32>} : memref<2000xi32, #tpu.memory_space<vmem>>, vector<16xi32>,
      %get3A_126 = vector.shape_cast %get3A_125 : vector<16xi32> to vector<16xi32>
      %get3A_127 = arith.constant 0 : index
      %get3A_128 = tpu.vector_load %arg10[%get3A_127] {strides = array<i32>} : memref<2000xi32, #tpu.memory_space<vmem>>, vector<16xi32>,
      %get3A_129 = vector.shape_cast %get3A_128 : vector<16xi32> to vector<16xi32>
      %get3A_130 = arith.constant 0 : index
      %get3A_131 = tpu.vector_load %arg11[%get3A_130] {strides = array<i32>} : memref<2000xi32, #tpu.memory_space<vmem>>, vector<16xi32>,
      %get3A_132 = vector.shape_cast %get3A_131 : vector<16xi32> to vector<16xi32>
      %mul3A_133 = arith.constant 10000 : i32
      %mul3A_134 = vector.broadcast %mul3A_133 : i32 to vector<16xi32>
      %mul3A_135 = arith.muli %get3A_132, %mul3A_134 : vector<16xi32>
      %add3A_136 = arith.addi %mul3A_135, %get3A_126 : vector<16xi32>
      %swap3A_137 = arith.constant 0 : index
      %swap3A_138 = tpu.vector_load %arg12[%swap3A_137] {strides = array<i32>} : memref<80xi32, #tpu.memory_space<vmem>>, vector<16xi32>,
      %swap3A_139 = vector.shape_cast %swap3A_138 : vector<16xi32> to vector<16xi32>
      %swap3A_140 = vector.shape_cast %add3A_136 : vector<16xi32> to vector<16xi32>
      tpu.vector_store %arg12[%swap3A_137], %swap3A_140 {strides = array<i32>} : memref<80xi32, #tpu.memory_space<vmem>>, vector<16xi32>,
      %mul3A_141 = arith.constant 10000 : i32
      %mul3A_142 = vector.broadcast %mul3A_141 : i32 to vector<16xi32>
      %mul3A_143 = arith.muli %get3A_132, %mul3A_142 : vector<16xi32>
      %add3A_144 = arith.addi %mul3A_143, %get3A_129 : vector<16xi32>
      %swap3A_145 = arith.constant 0 : index
      %swap3A_146 = tpu.vector_load %arg14[%swap3A_145] {strides = array<i32>} : memref<80xi32, #tpu.memory_space<vmem>>, vector<16xi32>,
      %swap3A_147 = vector.shape_cast %swap3A_146 : vector<16xi32> to vector<16xi32>
      %swap3A_148 = vector.shape_cast %add3A_144 : vector<16xi32> to vector<16xi32>
      tpu.vector_store %arg14[%swap3A_145], %swap3A_148 {strides = array<i32>} : memref<80xi32, #tpu.memory_space<vmem>>, vector<16xi32>,
      %swap3A_149 = arith.constant 0 : index
      %swap3A_150 = tpu.vector_load %arg15[%swap3A_149] {strides = array<i32>} : memref<80xi32, #tpu.memory_space<vmem>>, vector<16xi32>,
      %swap3A_151 = vector.shape_cast %swap3A_150 : vector<16xi32> to vector<16xi32>
      %swap3A_152 = vector.shape_cast %get3A_129 : vector<16xi32> to vector<16xi32>
      tpu.vector_store %arg15[%swap3A_149], %swap3A_152 {strides = array<i32>} : memref<80xi32, #tpu.memory_space<vmem>>, vector<16xi32>,
      %get3A_153 = arith.constant 16 : index
      %get3A_154 = tpu.vector_load %arg9[%get3A_153] {strides = array<i32>} : memref<2000xi32, #tpu.memory_space<vmem>>, vector<16xi32>,
      %get3A_155 = vector.shape_cast %get3A_154 : vector<16xi32> to vector<16xi32>
      %get3A_156 = arith.constant 16 : index
      %get3A_157 = tpu.vector_load %arg10[%get3A_156] {strides = array<i32>} : memref<2000xi32, #tpu.memory_space<vmem>>, vector<16xi32>,
      %get3A_158 = vector.shape_cast %get3A_157 : vector<16xi32> to vector<16xi32>
      %get3A_159 = arith.constant 16 : index
      %get3A_160 = tpu.vector_load %arg11[%get3A_159] {strides = array<i32>} : memref<2000xi32, #tpu.memory_space<vmem>>, vector<16xi32>,
      %get3A_161 = vector.shape_cast %get3A_160 : vector<16xi32> to vector<16xi32>
      %mul3A_162 = arith.constant 10000 : i32
      %mul3A_163 = vector.broadcast %mul3A_162 : i32 to vector<16xi32>
      %mul3A_164 = arith.muli %get3A_161, %mul3A_163 : vector<16xi32>
      %add3A_165 = arith.addi %mul3A_164, %get3A_155 : vector<16xi32>
      %swap3A_166 = arith.constant 16 : index
      %swap3A_167 = tpu.vector_load %arg12[%swap3A_166] {strides = array<i32>} : memref<80xi32, #tpu.memory_space<vmem>>, vector<16xi32>,
      %swap3A_168 = vector.shape_cast %swap3A_167 : vector<16xi32> to vector<16xi32>
      %swap3A_169 = vector.shape_cast %add3A_165 : vector<16xi32> to vector<16xi32>
      tpu.vector_store %arg12[%swap3A_166], %swap3A_169 {strides = array<i32>} : memref<80xi32, #tpu.memory_space<vmem>>, vector<16xi32>,
      %mul3A_170 = arith.constant 10000 : i32
      %mul3A_171 = vector.broadcast %mul3A_170 : i32 to vector<16xi32>
      %mul3A_172 = arith.muli %get3A_161, %mul3A_171 : vector<16xi32>
      %add3A_173 = arith.addi %mul3A_172, %get3A_158 : vector<16xi32>
      %swap3A_174 = arith.constant 16 : index
      %swap3A_175 = tpu.vector_load %arg14[%swap3A_174] {strides = array<i32>} : memref<80xi32, #tpu.memory_space<vmem>>, vector<16xi32>,
      %swap3A_176 = vector.shape_cast %swap3A_175 : vector<16xi32> to vector<16xi32>
      %swap3A_177 = vector.shape_cast %add3A_173 : vector<16xi32> to vector<16xi32>
      tpu.vector_store %arg14[%swap3A_174], %swap3A_177 {strides = array<i32>} : memref<80xi32, #tpu.memory_space<vmem>>, vector<16xi32>,
      %swap3A_178 = arith.constant 16 : index
      %swap3A_179 = tpu.vector_load %arg15[%swap3A_178] {strides = array<i32>} : memref<80xi32, #tpu.memory_space<vmem>>, vector<16xi32>,
      %swap3A_180 = vector.shape_cast %swap3A_179 : vector<16xi32> to vector<16xi32>
      %swap3A_181 = vector.shape_cast %get3A_158 : vector<16xi32> to vector<16xi32>
      tpu.vector_store %arg15[%swap3A_178], %swap3A_181 {strides = array<i32>} : memref<80xi32, #tpu.memory_space<vmem>>, vector<16xi32>,
      %get3A_182 = arith.constant 32 : index
      %get3A_183 = tpu.vector_load %arg9[%get3A_182] {strides = array<i32>} : memref<2000xi32, #tpu.memory_space<vmem>>, vector<16xi32>,
      %get3A_184 = vector.shape_cast %get3A_183 : vector<16xi32> to vector<16xi32>
      %get3A_185 = arith.constant 32 : index
      %get3A_186 = tpu.vector_load %arg10[%get3A_185] {strides = array<i32>} : memref<2000xi32, #tpu.memory_space<vmem>>, vector<16xi32>,
      %get3A_187 = vector.shape_cast %get3A_186 : vector<16xi32> to vector<16xi32>
      %get3A_188 = arith.constant 32 : index
      %get3A_189 = tpu.vector_load %arg11[%get3A_188] {strides = array<i32>} : memref<2000xi32, #tpu.memory_space<vmem>>, vector<16xi32>,
      %get3A_190 = vector.shape_cast %get3A_189 : vector<16xi32> to vector<16xi32>
      %mul3A_191 = arith.constant 10000 : i32
      %mul3A_192 = vector.broadcast %mul3A_191 : i32 to vector<16xi32>
      %mul3A_193 = arith.muli %get3A_190, %mul3A_192 : vector<16xi32>
      %add3A_194 = arith.addi %mul3A_193, %get3A_184 : vector<16xi32>
      %swap3A_195 = arith.constant 32 : index
      %swap3A_196 = tpu.vector_load %arg12[%swap3A_195] {strides = array<i32>} : memref<80xi32, #tpu.memory_space<vmem>>, vector<16xi32>,
      %swap3A_197 = vector.shape_cast %swap3A_196 : vector<16xi32> to vector<16xi32>
      %swap3A_198 = vector.shape_cast %add3A_194 : vector<16xi32> to vector<16xi32>
      tpu.vector_store %arg12[%swap3A_195], %swap3A_198 {strides = array<i32>} : memref<80xi32, #tpu.memory_space<vmem>>, vector<16xi32>,
      %mul3A_199 = arith.constant 10000 : i32
      %mul3A_200 = vector.broadcast %mul3A_199 : i32 to vector<16xi32>
      %mul3A_201 = arith.muli %get3A_190, %mul3A_200 : vector<16xi32>
      %add3A_202 = arith.addi %mul3A_201, %get3A_187 : vector<16xi32>
      %swap3A_203 = arith.constant 32 : index
      %swap3A_204 = tpu.vector_load %arg14[%swap3A_203] {strides = array<i32>} : memref<80xi32, #tpu.memory_space<vmem>>, vector<16xi32>,
      %swap3A_205 = vector.shape_cast %swap3A_204 : vector<16xi32> to vector<16xi32>
      %swap3A_206 = vector.shape_cast %add3A_202 : vector<16xi32> to vector<16xi32>
      tpu.vector_store %arg14[%swap3A_203], %swap3A_206 {strides = array<i32>} : memref<80xi32, #tpu.memory_space<vmem>>, vector<16xi32>,
      %swap3A_207 = arith.constant 32 : index
      %swap3A_208 = tpu.vector_load %arg15[%swap3A_207] {strides = array<i32>} : memref<80xi32, #tpu.memory_space<vmem>>, vector<16xi32>,
      %swap3A_209 = vector.shape_cast %swap3A_208 : vector<16xi32> to vector<16xi32>
      %swap3A_210 = vector.shape_cast %get3A_187 : vector<16xi32> to vector<16xi32>
      tpu.vector_store %arg15[%swap3A_207], %swap3A_210 {strides = array<i32>} : memref<80xi32, #tpu.memory_space<vmem>>, vector<16xi32>,
      %get3A_211 = arith.constant 48 : index
      %get3A_212 = tpu.vector_load %arg9[%get3A_211] {strides = array<i32>} : memref<2000xi32, #tpu.memory_space<vmem>>, vector<16xi32>,
      %get3A_213 = vector.shape_cast %get3A_212 : vector<16xi32> to vector<16xi32>
      %get3A_214 = arith.constant 48 : index
      %get3A_215 = tpu.vector_load %arg10[%get3A_214] {strides = array<i32>} : memref<2000xi32, #tpu.memory_space<vmem>>, vector<16xi32>,
      %get3A_216 = vector.shape_cast %get3A_215 : vector<16xi32> to vector<16xi32>
      %get3A_217 = arith.constant 48 : index
      %get3A_218 = tpu.vector_load %arg11[%get3A_217] {strides = array<i32>} : memref<2000xi32, #tpu.memory_space<vmem>>, vector<16xi32>,
      %get3A_219 = vector.shape_cast %get3A_218 : vector<16xi32> to vector<16xi32>
      %mul3A_220 = arith.constant 10000 : i32
      %mul3A_221 = vector.broadcast %mul3A_220 : i32 to vector<16xi32>
      %mul3A_222 = arith.muli %get3A_219, %mul3A_221 : vector<16xi32>
      %add3A_223 = arith.addi %mul3A_222, %get3A_213 : vector<16xi32>
      %swap3A_224 = arith.constant 48 : index
      %swap3A_225 = tpu.vector_load %arg12[%swap3A_224] {strides = array<i32>} : memref<80xi32, #tpu.memory_space<vmem>>, vector<16xi32>,
      %swap3A_226 = vector.shape_cast %swap3A_225 : vector<16xi32> to vector<16xi32>
      %swap3A_227 = vector.shape_cast %add3A_223 : vector<16xi32> to vector<16xi32>
      tpu.vector_store %arg12[%swap3A_224], %swap3A_227 {strides = array<i32>} : memref<80xi32, #tpu.memory_space<vmem>>, vector<16xi32>,
      %mul3A_228 = arith.constant 10000 : i32
      %mul3A_229 = vector.broadcast %mul3A_228 : i32 to vector<16xi32>
      %mul3A_230 = arith.muli %get3A_219, %mul3A_229 : vector<16xi32>
      %add3A_231 = arith.addi %mul3A_230, %get3A_216 : vector<16xi32>
      %swap3A_232 = arith.constant 48 : index
      %swap3A_233 = tpu.vector_load %arg14[%swap3A_232] {strides = array<i32>} : memref<80xi32, #tpu.memory_space<vmem>>, vector<16xi32>,
      %swap3A_234 = vector.shape_cast %swap3A_233 : vector<16xi32> to vector<16xi32>
      %swap3A_235 = vector.shape_cast %add3A_231 : vector<16xi32> to vector<16xi32>
      tpu.vector_store %arg14[%swap3A_232], %swap3A_235 {strides = array<i32>} : memref<80xi32, #tpu.memory_space<vmem>>, vector<16xi32>,
      %swap3A_236 = arith.constant 48 : index
      %swap3A_237 = tpu.vector_load %arg15[%swap3A_236] {strides = array<i32>} : memref<80xi32, #tpu.memory_space<vmem>>, vector<16xi32>,
      %swap3A_238 = vector.shape_cast %swap3A_237 : vector<16xi32> to vector<16xi32>
      %swap3A_239 = vector.shape_cast %get3A_216 : vector<16xi32> to vector<16xi32>
      tpu.vector_store %arg15[%swap3A_236], %swap3A_239 {strides = array<i32>} : memref<80xi32, #tpu.memory_space<vmem>>, vector<16xi32>,
      %get3A_240 = arith.constant 64 : index
      %get3A_241 = tpu.vector_load %arg9[%get3A_240] {strides = array<i32>} : memref<2000xi32, #tpu.memory_space<vmem>>, vector<16xi32>,
      %get3A_242 = vector.shape_cast %get3A_241 : vector<16xi32> to vector<16xi32>
      %get3A_243 = arith.constant 64 : index
      %get3A_244 = tpu.vector_load %arg10[%get3A_243] {strides = array<i32>} : memref<2000xi32, #tpu.memory_space<vmem>>, vector<16xi32>,
      %get3A_245 = vector.shape_cast %get3A_244 : vector<16xi32> to vector<16xi32>
      %get3A_246 = arith.constant 64 : index
      %get3A_247 = tpu.vector_load %arg11[%get3A_246] {strides = array<i32>} : memref<2000xi32, #tpu.memory_space<vmem>>, vector<16xi32>,
      %get3A_248 = vector.shape_cast %get3A_247 : vector<16xi32> to vector<16xi32>
      %mul3A_249 = arith.constant 10000 : i32
      %mul3A_250 = vector.broadcast %mul3A_249 : i32 to vector<16xi32>
      %mul3A_251 = arith.muli %get3A_248, %mul3A_250 : vector<16xi32>
      %add3A_252 = arith.addi %mul3A_251, %get3A_242 : vector<16xi32>
      %swap3A_253 = arith.constant 64 : index
      %swap3A_254 = tpu.vector_load %arg12[%swap3A_253] {strides = array<i32>} : memref<80xi32, #tpu.memory_space<vmem>>, vector<16xi32>,
      %swap3A_255 = vector.shape_cast %swap3A_254 : vector<16xi32> to vector<16xi32>
      %swap3A_256 = vector.shape_cast %add3A_252 : vector<16xi32> to vector<16xi32>
      tpu.vector_store %arg12[%swap3A_253], %swap3A_256 {strides = array<i32>} : memref<80xi32, #tpu.memory_space<vmem>>, vector<16xi32>,
      %mul3A_257 = arith.constant 10000 : i32
      %mul3A_258 = vector.broadcast %mul3A_257 : i32 to vector<16xi32>
      %mul3A_259 = arith.muli %get3A_248, %mul3A_258 : vector<16xi32>
      %add3A_260 = arith.addi %mul3A_259, %get3A_245 : vector<16xi32>
      %swap3A_261 = arith.constant 64 : index
      %swap3A_262 = tpu.vector_load %arg14[%swap3A_261] {strides = array<i32>} : memref<80xi32, #tpu.memory_space<vmem>>, vector<16xi32>,
      %swap3A_263 = vector.shape_cast %swap3A_262 : vector<16xi32> to vector<16xi32>
      %swap3A_264 = vector.shape_cast %add3A_260 : vector<16xi32> to vector<16xi32>
      tpu.vector_store %arg14[%swap3A_261], %swap3A_264 {strides = array<i32>} : memref<80xi32, #tpu.memory_space<vmem>>, vector<16xi32>,
      %swap3A_265 = arith.constant 64 : index
      %swap3A_266 = tpu.vector_load %arg15[%swap3A_265] {strides = array<i32>} : memref<80xi32, #tpu.memory_space<vmem>>, vector<16xi32>,
      %swap3A_267 = vector.shape_cast %swap3A_266 : vector<16xi32> to vector<16xi32>
      %swap3A_268 = vector.shape_cast %get3A_245 : vector<16xi32> to vector<16xi32>
      tpu.vector_store %arg15[%swap3A_265], %swap3A_268 {strides = array<i32>} : memref<80xi32, #tpu.memory_space<vmem>>, vector<16xi32>,
      %dma_start3A = arith.constant 0 : i32
      %dma_start3A_269 = arith.constant 0 : i32
      %dma_start3A_270 = tpu.memref_slice %arg2[%dma_start3A, %dma_start3A_269] : memref<40000x128xf32, #tpu.memory_space<hbm>> -> memref<40000x128xf32, #tpu.memory_space<hbm>>
      tpu.enqueue_indirect_dma source(%dma_start3A_270 : memref<40000x128xf32, #tpu.memory_space<hbm>>) target(%arg17 : memref<80x128xf32, #tpu.memory_space<vmem>>) offsets(%arg12 : memref<80xi32, #tpu.memory_space<vmem>>) semaphore(%arg20 : memref<!tpu.dma_semaphore, #tpu.memory_space<semaphore_mem>>)
      %dma_start3A_271 = arith.constant 0 : i32
      %dma_start3A_272 = arith.constant 0 : i32
      %dma_start3A_273 = tpu.memref_slice %arg3[%dma_start3A_271, %dma_start3A_272] : memref<40000x256xf32, #tpu.memory_space<hbm>> -> memref<40000x256xf32, #tpu.memory_space<hbm>>
      tpu.enqueue_indirect_dma source(%dma_start3A_273 : memref<40000x256xf32, #tpu.memory_space<hbm>>) target(%arg19 : memref<80x256xf32, #tpu.memory_space<vmem>>) offsets(%arg14 : memref<80xi32, #tpu.memory_space<vmem>>) semaphore(%arg22 : memref<!tpu.dma_semaphore, #tpu.memory_space<semaphore_mem>>)
      %scan3A_274 = arith.constant 0 : i32
      %scan3A_275 = arith.constant 0 : i32
      %scan3A_276 = arith.constant 80 : i32
      %scan3A_277 = arith.addi %scan3A_275, %scan3A_276 : i32
      %scan3A_278 = arith.constant 1 : i32
      %scan3A_279 = scf.for %scan3A_343 = %scan3A_275 to %scan3A_277 step %scan3A_278 iter_args(%scan3A_344 = %scan3A_274) -> (i32)  : i32 {
        %broadcast_in_dim3A_345 = arith.constant 0.000000e+00 : f32
        %broadcast_in_dim3A_346 = vector.broadcast %broadcast_in_dim3A_345 : f32 to vector<16xf32>
        %swap3A_347 = arith.index_cast %scan3A_343 : i32 to index
        %swap3A_348 = arith.constant 0 : index
        %swap3A_349 = tpu.vector_load %arg18[%swap3A_347, %swap3A_348] {strides = array<i32>} : memref<80x128xf32, #tpu.memory_space<vmem>>, vector<1x16xf32>,
        %swap3A_350 = vector.shape_cast %swap3A_349 : vector<1x16xf32> to vector<16xf32>
        %swap3A_351 = vector.shape_cast %broadcast_in_dim3A_346 : vector<16xf32> to vector<1x16xf32>
        tpu.vector_store %arg18[%swap3A_347, %swap3A_348], %swap3A_351 {strides = array<i32>} : memref<80x128xf32, #tpu.memory_space<vmem>>, vector<1x16xf32>,
        %broadcast_in_dim3A_352 = arith.constant 0.000000e+00 : f32
        %broadcast_in_dim3A_353 = vector.broadcast %broadcast_in_dim3A_352 : f32 to vector<16xf32>
        %swap3A_354 = arith.index_cast %scan3A_343 : i32 to index
        %swap3A_355 = arith.constant 16 : index
        %swap3A_356 = tpu.vector_load %arg18[%swap3A_354, %swap3A_355] {strides = array<i32>} : memref<80x128xf32, #tpu.memory_space<vmem>>, vector<1x16xf32>,
        %swap3A_357 = vector.shape_cast %swap3A_356 : vector<1x16xf32> to vector<16xf32>
        %swap3A_358 = vector.shape_cast %broadcast_in_dim3A_353 : vector<16xf32> to vector<1x16xf32>
        tpu.vector_store %arg18[%swap3A_354, %swap3A_355], %swap3A_358 {strides = array<i32>} : memref<80x128xf32, #tpu.memory_space<vmem>>, vector<1x16xf32>,
        %broadcast_in_dim3A_359 = arith.constant 0.000000e+00 : f32
        %broadcast_in_dim3A_360 = vector.broadcast %broadcast_in_dim3A_359 : f32 to vector<16xf32>
        %swap3A_361 = arith.index_cast %scan3A_343 : i32 to index
        %swap3A_362 = arith.constant 32 : index
        %swap3A_363 = tpu.vector_load %arg18[%swap3A_361, %swap3A_362] {strides = array<i32>} : memref<80x128xf32, #tpu.memory_space<vmem>>, vector<1x16xf32>,
        %swap3A_364 = vector.shape_cast %swap3A_363 : vector<1x16xf32> to vector<16xf32>
        %swap3A_365 = vector.shape_cast %broadcast_in_dim3A_360 : vector<16xf32> to vector<1x16xf32>
        tpu.vector_store %arg18[%swap3A_361, %swap3A_362], %swap3A_365 {strides = array<i32>} : memref<80x128xf32, #tpu.memory_space<vmem>>, vector<1x16xf32>,
        %broadcast_in_dim3A_366 = arith.constant 0.000000e+00 : f32
        %broadcast_in_dim3A_367 = vector.broadcast %broadcast_in_dim3A_366 : f32 to vector<16xf32>
        %swap3A_368 = arith.index_cast %scan3A_343 : i32 to index
        %swap3A_369 = arith.constant 48 : index
        %swap3A_370 = tpu.vector_load %arg18[%swap3A_368, %swap3A_369] {strides = array<i32>} : memref<80x128xf32, #tpu.memory_space<vmem>>, vector<1x16xf32>,
        %swap3A_371 = vector.shape_cast %swap3A_370 : vector<1x16xf32> to vector<16xf32>
        %swap3A_372 = vector.shape_cast %broadcast_in_dim3A_367 : vector<16xf32> to vector<1x16xf32>
        tpu.vector_store %arg18[%swap3A_368, %swap3A_369], %swap3A_372 {strides = array<i32>} : memref<80x128xf32, #tpu.memory_space<vmem>>, vector<1x16xf32>,
        %broadcast_in_dim3A_373 = arith.constant 0.000000e+00 : f32
        %broadcast_in_dim3A_374 = vector.broadcast %broadcast_in_dim3A_373 : f32 to vector<16xf32>
        %swap3A_375 = arith.index_cast %scan3A_343 : i32 to index
        %swap3A_376 = arith.constant 64 : index
        %swap3A_377 = tpu.vector_load %arg18[%swap3A_375, %swap3A_376] {strides = array<i32>} : memref<80x128xf32, #tpu.memory_space<vmem>>, vector<1x16xf32>,
        %swap3A_378 = vector.shape_cast %swap3A_377 : vector<1x16xf32> to vector<16xf32>
        %swap3A_379 = vector.shape_cast %broadcast_in_dim3A_374 : vector<16xf32> to vector<1x16xf32>
        tpu.vector_store %arg18[%swap3A_375, %swap3A_376], %swap3A_379 {strides = array<i32>} : memref<80x128xf32, #tpu.memory_space<vmem>>, vector<1x16xf32>,
        %broadcast_in_dim3A_380 = arith.constant 0.000000e+00 : f32
        %broadcast_in_dim3A_381 = vector.broadcast %broadcast_in_dim3A_380 : f32 to vector<16xf32>
        %swap3A_382 = arith.index_cast %scan3A_343 : i32 to index
        %swap3A_383 = arith.constant 80 : index
        %swap3A_384 = tpu.vector_load %arg18[%swap3A_382, %swap3A_383] {strides = array<i32>} : memref<80x128xf32, #tpu.memory_space<vmem>>, vector<1x16xf32>,
        %swap3A_385 = vector.shape_cast %swap3A_384 : vector<1x16xf32> to vector<16xf32>
        %swap3A_386 = vector.shape_cast %broadcast_in_dim3A_381 : vector<16xf32> to vector<1x16xf32>
        tpu.vector_store %arg18[%swap3A_382, %swap3A_383], %swap3A_386 {strides = array<i32>} : memref<80x128xf32, #tpu.memory_space<vmem>>, vector<1x16xf32>,
        %broadcast_in_dim3A_387 = arith.constant 0.000000e+00 : f32
        %broadcast_in_dim3A_388 = vector.broadcast %broadcast_in_dim3A_387 : f32 to vector<16xf32>
        %swap3A_389 = arith.index_cast %scan3A_343 : i32 to index
        %swap3A_390 = arith.constant 96 : index
        %swap3A_391 = tpu.vector_load %arg18[%swap3A_389, %swap3A_390] {strides = array<i32>} : memref<80x128xf32, #tpu.memory_space<vmem>>, vector<1x16xf32>,
        %swap3A_392 = vector.shape_cast %swap3A_391 : vector<1x16xf32> to vector<16xf32>
        %swap3A_393 = vector.shape_cast %broadcast_in_dim3A_388 : vector<16xf32> to vector<1x16xf32>
        tpu.vector_store %arg18[%swap3A_389, %swap3A_390], %swap3A_393 {strides = array<i32>} : memref<80x128xf32, #tpu.memory_space<vmem>>, vector<1x16xf32>,
        %broadcast_in_dim3A_394 = arith.constant 0.000000e+00 : f32
        %broadcast_in_dim3A_395 = vector.broadcast %broadcast_in_dim3A_394 : f32 to vector<16xf32>
        %swap3A_396 = arith.index_cast %scan3A_343 : i32 to index
        %swap3A_397 = arith.constant 112 : index
        %swap3A_398 = tpu.vector_load %arg18[%swap3A_396, %swap3A_397] {strides = array<i32>} : memref<80x128xf32, #tpu.memory_space<vmem>>, vector<1x16xf32>,
        %swap3A_399 = vector.shape_cast %swap3A_398 : vector<1x16xf32> to vector<16xf32>
        %swap3A_400 = vector.shape_cast %broadcast_in_dim3A_395 : vector<16xf32> to vector<1x16xf32>
        tpu.vector_store %arg18[%swap3A_396, %swap3A_397], %swap3A_400 {strides = array<i32>} : memref<80x128xf32, #tpu.memory_space<vmem>>, vector<1x16xf32>,
        %scan3A_401 = arith.constant 0 : i32
        scf.yield %scan3A_401 : i32
      }
      %scan3A_280 = arith.constant 80 : i32
      %broadcast_in_dim3A_281 = arith.constant 0 : i32
      %broadcast_in_dim3A_282 = vector.broadcast %broadcast_in_dim3A_281 : i32 to vector<16xi32>
      %swap3A_283 = arith.constant 0 : index
      %swap3A_284 = tpu.vector_load %arg16[%swap3A_283] {strides = array<i32>} : memref<80xi32, #tpu.memory_space<vmem>>, vector<16xi32>,
      %swap3A_285 = vector.shape_cast %swap3A_284 : vector<16xi32> to vector<16xi32>
      %swap3A_286 = vector.shape_cast %broadcast_in_dim3A_282 : vector<16xi32> to vector<16xi32>
      tpu.vector_store %arg16[%swap3A_283], %swap3A_286 {strides = array<i32>} : memref<80xi32, #tpu.memory_space<vmem>>, vector<16xi32>,
      %broadcast_in_dim3A_287 = arith.constant 0 : i32
      %broadcast_in_dim3A_288 = vector.broadcast %broadcast_in_dim3A_287 : i32 to vector<16xi32>
      %swap3A_289 = arith.constant 16 : index
      %swap3A_290 = tpu.vector_load %arg16[%swap3A_289] {strides = array<i32>} : memref<80xi32, #tpu.memory_space<vmem>>, vector<16xi32>,
      %swap3A_291 = vector.shape_cast %swap3A_290 : vector<16xi32> to vector<16xi32>
      %swap3A_292 = vector.shape_cast %broadcast_in_dim3A_288 : vector<16xi32> to vector<16xi32>
      tpu.vector_store %arg16[%swap3A_289], %swap3A_292 {strides = array<i32>} : memref<80xi32, #tpu.memory_space<vmem>>, vector<16xi32>,
      %broadcast_in_dim3A_293 = arith.constant 0 : i32
      %broadcast_in_dim3A_294 = vector.broadcast %broadcast_in_dim3A_293 : i32 to vector<16xi32>
      %swap3A_295 = arith.constant 32 : index
      %swap3A_296 = tpu.vector_load %arg16[%swap3A_295] {strides = array<i32>} : memref<80xi32, #tpu.memory_space<vmem>>, vector<16xi32>,
      %swap3A_297 = vector.shape_cast %swap3A_296 : vector<16xi32> to vector<16xi32>
      %swap3A_298 = vector.shape_cast %broadcast_in_dim3A_294 : vector<16xi32> to vector<16xi32>
      tpu.vector_store %arg16[%swap3A_295], %swap3A_298 {strides = array<i32>} : memref<80xi32, #tpu.memory_space<vmem>>, vector<16xi32>,
      %broadcast_in_dim3A_299 = arith.constant 0 : i32
      %broadcast_in_dim3A_300 = vector.broadcast %broadcast_in_dim3A_299 : i32 to vector<16xi32>
      %swap3A_301 = arith.constant 48 : index
      %swap3A_302 = tpu.vector_load %arg16[%swap3A_301] {strides = array<i32>} : memref<80xi32, #tpu.memory_space<vmem>>, vector<16xi32>,
      %swap3A_303 = vector.shape_cast %swap3A_302 : vector<16xi32> to vector<16xi32>
      %swap3A_304 = vector.shape_cast %broadcast_in_dim3A_300 : vector<16xi32> to vector<16xi32>
      tpu.vector_store %arg16[%swap3A_301], %swap3A_304 {strides = array<i32>} : memref<80xi32, #tpu.memory_space<vmem>>, vector<16xi32>,
      %broadcast_in_dim3A_305 = arith.constant 0 : i32
      %broadcast_in_dim3A_306 = vector.broadcast %broadcast_in_dim3A_305 : i32 to vector<16xi32>
      %swap3A_307 = arith.constant 64 : index
      %swap3A_308 = tpu.vector_load %arg16[%swap3A_307] {strides = array<i32>} : memref<80xi32, #tpu.memory_space<vmem>>, vector<16xi32>,
      %swap3A_309 = vector.shape_cast %swap3A_308 : vector<16xi32> to vector<16xi32>
      %swap3A_310 = vector.shape_cast %broadcast_in_dim3A_306 : vector<16xi32> to vector<16xi32>
      tpu.vector_store %arg16[%swap3A_307], %swap3A_310 {strides = array<i32>} : memref<80xi32, #tpu.memory_space<vmem>>, vector<16xi32>,
      %dma_start3A_311 = arith.constant 0 : i32
      %dma_start3A_312 = arith.constant 0 : i32
      %dma_start3A_313 = tpu.memref_slice %arg8[%dma_start3A_311, %dma_start3A_312] : memref<10240x128xf32, #tpu.memory_space<vmem_shared>> -> memref<10240x128xf32, #tpu.memory_space<vmem_shared>>
      tpu.enqueue_indirect_dma source(%arg18 : memref<80x128xf32, #tpu.memory_space<vmem>>) target(%dma_start3A_313 : memref<10240x128xf32, #tpu.memory_space<vmem_shared>>) offsets(%arg16 : memref<80xi32, #tpu.memory_space<vmem>>) semaphore(%arg24 : memref<!tpu.dma_semaphore, #tpu.memory_space<semaphore_mem>>) {add = true}
      %scan3A_314 = arith.constant 0 : i32
      %scan3A_315 = arith.constant 0 : i32
      %scan3A_316 = arith.constant 12 : i32
      %scan3A_317 = arith.addi %scan3A_315, %scan3A_316 : i32
      %scan3A_318 = arith.constant 1 : i32
      %scan3A_319 = scf.for %scan3A_343 = %scan3A_315 to %scan3A_317 step %scan3A_318 iter_args(%scan3A_344 = %scan3A_314) -> (i32)  : i32 {
        %mul3A_345 = arith.constant 2 : i32
        %mul3A_346 = arith.muli %mul3A_345, %scan3A_343 : i32
        %add3A_347 = arith.constant 1 : i32
        %add3A_348 = arith.addi %mul3A_346, %add3A_347 : i32
        %dma_wait3A_349 = arith.constant 0 : i32
        %dma_wait3A_350 = arith.constant 0 : i32
        %dma_wait3A_351 = tpu.memref_slice %arg3[%dma_wait3A_349, %dma_wait3A_350] : memref<40000x256xf32, #tpu.memory_space<hbm>> -> memref<40000x256xf32, #tpu.memory_space<hbm>>
        tpu.wait_indirect_dma semaphore(%arg22 : memref<!tpu.dma_semaphore, #tpu.memory_space<semaphore_mem>>) src(%dma_wait3A_351 : memref<40000x256xf32, #tpu.memory_space<hbm>>) dst(%arg19 : memref<80x256xf32, #tpu.memory_space<vmem>>)
        %dma_wait3A_352 = arith.constant 0 : i32
        %dma_wait3A_353 = arith.constant 0 : i32
        %dma_wait3A_354 = tpu.memref_slice %arg2[%dma_wait3A_352, %dma_wait3A_353] : memref<40000x128xf32, #tpu.memory_space<hbm>> -> memref<40000x128xf32, #tpu.memory_space<hbm>>
        tpu.wait_indirect_dma semaphore(%arg20 : memref<!tpu.dma_semaphore, #tpu.memory_space<semaphore_mem>>) src(%dma_wait3A_354 : memref<40000x128xf32, #tpu.memory_space<hbm>>) dst(%arg17 : memref<80x128xf32, #tpu.memory_space<vmem>>)
        %scan3A_355 = arith.constant 0 : i32
        %scan3A_356 = arith.constant 0 : i32
        %scan3A_357 = arith.constant 80 : i32
        %scan3A_358 = arith.addi %scan3A_356, %scan3A_357 : i32
        %scan3A_359 = arith.constant 2 : i32
        %scan3A_360 = scf.for %scan3A_814 = %scan3A_356 to %scan3A_358 step %scan3A_359 iter_args(%scan3A_815 = %scan3A_355) -> (i32)  : i32 {
          %get3A_816 = arith.index_cast %scan3A_814 : i32 to index
          %get3A_817 = arith.constant 0 : index
          %get3A_818 = tpu.vector_load %arg17[%get3A_816, %get3A_817] {strides = array<i32>} : memref<80x128xf32, #tpu.memory_space<vmem>>, vector<1x16xf32>,
          %get3A_819 = vector.shape_cast %get3A_818 : vector<1x16xf32> to vector<16xf32>
          %get3A_820 = arith.index_cast %scan3A_814 : i32 to index
          %get3A_821 = arith.constant 0 : index
          %get3A_822 = tpu.vector_load %arg19[%get3A_820, %get3A_821] {strides = array<i32>} : memref<80x256xf32, #tpu.memory_space<vmem>>, vector<1x16xf32>,
          %get3A_823 = vector.shape_cast %get3A_822 : vector<1x16xf32> to vector<16xf32>
          %get3A_824 = arith.index_cast %scan3A_814 : i32 to index
          %get3A_825 = arith.constant 128 : index
          %get3A_826 = tpu.vector_load %arg19[%get3A_824, %get3A_825] {strides = array<i32>} : memref<80x256xf32, #tpu.memory_space<vmem>>, vector<1x16xf32>,
          %get3A_827 = vector.shape_cast %get3A_826 : vector<1x16xf32> to vector<16xf32>
          %mul3A_828 = arith.mulf %get3A_827, %get3A_819 : vector<16xf32>
          %add3A_829 = arith.addf %mul3A_828, %get3A_823 : vector<16xf32>
          %max3A = arith.constant 0.000000e+00 : f32
          %max3A_830 = vector.broadcast %max3A : f32 to vector<16xf32>
          %max3A_831 = arith.maximumf %add3A_829, %max3A_830 : vector<16xf32>
          %swap3A_832 = arith.index_cast %scan3A_814 : i32 to index
          %swap3A_833 = arith.constant 0 : index
          %swap3A_834 = tpu.vector_load %arg17[%swap3A_832, %swap3A_833] {strides = array<i32>} : memref<80x128xf32, #tpu.memory_space<vmem>>, vector<1x16xf32>,
          %swap3A_835 = vector.shape_cast %swap3A_834 : vector<1x16xf32> to vector<16xf32>
          %swap3A_836 = vector.shape_cast %max3A_831 : vector<16xf32> to vector<1x16xf32>
          tpu.vector_store %arg17[%swap3A_832, %swap3A_833], %swap3A_836 {strides = array<i32>} : memref<80x128xf32, #tpu.memory_space<vmem>>, vector<1x16xf32>,
          %get3A_837 = arith.index_cast %scan3A_814 : i32 to index
          %get3A_838 = arith.constant 16 : index
          %get3A_839 = tpu.vector_load %arg17[%get3A_837, %get3A_838] {strides = array<i32>} : memref<80x128xf32, #tpu.memory_space<vmem>>, vector<1x16xf32>,
          %get3A_840 = vector.shape_cast %get3A_839 : vector<1x16xf32> to vector<16xf32>
          %get3A_841 = arith.index_cast %scan3A_814 : i32 to index
          %get3A_842 = arith.constant 16 : index
          %get3A_843 = tpu.vector_load %arg19[%get3A_841, %get3A_842] {strides = array<i32>} : memref<80x256xf32, #tpu.memory_space<vmem>>, vector<1x16xf32>,
          %get3A_844 = vector.shape_cast %get3A_843 : vector<1x16xf32> to vector<16xf32>
          %get3A_845 = arith.index_cast %scan3A_814 : i32 to index
          %get3A_846 = arith.constant 144 : index
          %get3A_847 = tpu.vector_load %arg19[%get3A_845, %get3A_846] {strides = array<i32>} : memref<80x256xf32, #tpu.memory_space<vmem>>, vector<1x16xf32>,
          %get3A_848 = vector.shape_cast %get3A_847 : vector<1x16xf32> to vector<16xf32>
          %mul3A_849 = arith.mulf %get3A_848, %get3A_840 : vector<16xf32>
          %add3A_850 = arith.addf %mul3A_849, %get3A_844 : vector<16xf32>
          %max3A_851 = arith.constant 0.000000e+00 : f32
          %max3A_852 = vector.broadcast %max3A_851 : f32 to vector<16xf32>
          %max3A_853 = arith.maximumf %add3A_850, %max3A_852 : vector<16xf32>
          %swap3A_854 = arith.index_cast %scan3A_814 : i32 to index
          %swap3A_855 = arith.constant 16 : index
          %swap3A_856 = tpu.vector_load %arg17[%swap3A_854, %swap3A_855] {strides = array<i32>} : memref<80x128xf32, #tpu.memory_space<vmem>>, vector<1x16xf32>,
          %swap3A_857 = vector.shape_cast %swap3A_856 : vector<1x16xf32> to vector<16xf32>
          %swap3A_858 = vector.shape_cast %max3A_853 : vector<16xf32> to vector<1x16xf32>
          tpu.vector_store %arg17[%swap3A_854, %swap3A_855], %swap3A_858 {strides = array<i32>} : memref<80x128xf32, #tpu.memory_space<vmem>>, vector<1x16xf32>,
          %get3A_859 = arith.index_cast %scan3A_814 : i32 to index
          %get3A_860 = arith.constant 32 : index
          %get3A_861 = tpu.vector_load %arg17[%get3A_859, %get3A_860] {strides = array<i32>} : memref<80x128xf32, #tpu.memory_space<vmem>>, vector<1x16xf32>,
          %get3A_862 = vector.shape_cast %get3A_861 : vector<1x16xf32> to vector<16xf32>
          %get3A_863 = arith.index_cast %scan3A_814 : i32 to index
          %get3A_864 = arith.constant 32 : index
          %get3A_865 = tpu.vector_load %arg19[%get3A_863, %get3A_864] {strides = array<i32>} : memref<80x256xf32, #tpu.memory_space<vmem>>, vector<1x16xf32>,
          %get3A_866 = vector.shape_cast %get3A_865 : vector<1x16xf32> to vector<16xf32>
          %get3A_867 = arith.index_cast %scan3A_814 : i32 to index
          %get3A_868 = arith.constant 160 : index
          %get3A_869 = tpu.vector_load %arg19[%get3A_867, %get3A_868] {strides = array<i32>} : memref<80x256xf32, #tpu.memory_space<vmem>>, vector<1x16xf32>,
          %get3A_870 = vector.shape_cast %get3A_869 : vector<1x16xf32> to vector<16xf32>
          %mul3A_871 = arith.mulf %get3A_870, %get3A_862 : vector<16xf32>
          %add3A_872 = arith.addf %mul3A_871, %get3A_866 : vector<16xf32>
          %max3A_873 = arith.constant 0.000000e+00 : f32
          %max3A_874 = vector.broadcast %max3A_873 : f32 to vector<16xf32>
          %max3A_875 = arith.maximumf %add3A_872, %max3A_874 : vector<16xf32>
          %swap3A_876 = arith.index_cast %scan3A_814 : i32 to index
          %swap3A_877 = arith.constant 32 : index
          %swap3A_878 = tpu.vector_load %arg17[%swap3A_876, %swap3A_877] {strides = array<i32>} : memref<80x128xf32, #tpu.memory_space<vmem>>, vector<1x16xf32>,
          %swap3A_879 = vector.shape_cast %swap3A_878 : vector<1x16xf32> to vector<16xf32>
          %swap3A_880 = vector.shape_cast %max3A_875 : vector<16xf32> to vector<1x16xf32>
          tpu.vector_store %arg17[%swap3A_876, %swap3A_877], %swap3A_880 {strides = array<i32>} : memref<80x128xf32, #tpu.memory_space<vmem>>, vector<1x16xf32>,
          %get3A_881 = arith.index_cast %scan3A_814 : i32 to index
          %get3A_882 = arith.constant 48 : index
          %get3A_883 = tpu.vector_load %arg17[%get3A_881, %get3A_882] {strides = array<i32>} : memref<80x128xf32, #tpu.memory_space<vmem>>, vector<1x16xf32>,
          %get3A_884 = vector.shape_cast %get3A_883 : vector<1x16xf32> to vector<16xf32>
          %get3A_885 = arith.index_cast %scan3A_814 : i32 to index
          %get3A_886 = arith.constant 48 : index
          %get3A_887 = tpu.vector_load %arg19[%get3A_885, %get3A_886] {strides = array<i32>} : memref<80x256xf32, #tpu.memory_space<vmem>>, vector<1x16xf32>,
          %get3A_888 = vector.shape_cast %get3A_887 : vector<1x16xf32> to vector<16xf32>
          %get3A_889 = arith.index_cast %scan3A_814 : i32 to index
          %get3A_890 = arith.constant 176 : index
          %get3A_891 = tpu.vector_load %arg19[%get3A_889, %get3A_890] {strides = array<i32>} : memref<80x256xf32, #tpu.memory_space<vmem>>, vector<1x16xf32>,
          %get3A_892 = vector.shape_cast %get3A_891 : vector<1x16xf32> to vector<16xf32>
          %mul3A_893 = arith.mulf %get3A_892, %get3A_884 : vector<16xf32>
          %add3A_894 = arith.addf %mul3A_893, %get3A_888 : vector<16xf32>
          %max3A_895 = arith.constant 0.000000e+00 : f32
          %max3A_896 = vector.broadcast %max3A_895 : f32 to vector<16xf32>
          %max3A_897 = arith.maximumf %add3A_894, %max3A_896 : vector<16xf32>
          %swap3A_898 = arith.index_cast %scan3A_814 : i32 to index
          %swap3A_899 = arith.constant 48 : index
          %swap3A_900 = tpu.vector_load %arg17[%swap3A_898, %swap3A_899] {strides = array<i32>} : memref<80x128xf32, #tpu.memory_space<vmem>>, vector<1x16xf32>,
          %swap3A_901 = vector.shape_cast %swap3A_900 : vector<1x16xf32> to vector<16xf32>
          %swap3A_902 = vector.shape_cast %max3A_897 : vector<16xf32> to vector<1x16xf32>
          tpu.vector_store %arg17[%swap3A_898, %swap3A_899], %swap3A_902 {strides = array<i32>} : memref<80x128xf32, #tpu.memory_space<vmem>>, vector<1x16xf32>,
          %get3A_903 = arith.index_cast %scan3A_814 : i32 to index
          %get3A_904 = arith.constant 64 : index
          %get3A_905 = tpu.vector_load %arg17[%get3A_903, %get3A_904] {strides = array<i32>} : memref<80x128xf32, #tpu.memory_space<vmem>>, vector<1x16xf32>,
          %get3A_906 = vector.shape_cast %get3A_905 : vector<1x16xf32> to vector<16xf32>
          %get3A_907 = arith.index_cast %scan3A_814 : i32 to index
          %get3A_908 = arith.constant 64 : index
          %get3A_909 = tpu.vector_load %arg19[%get3A_907, %get3A_908] {strides = array<i32>} : memref<80x256xf32, #tpu.memory_space<vmem>>, vector<1x16xf32>,
          %get3A_910 = vector.shape_cast %get3A_909 : vector<1x16xf32> to vector<16xf32>
          %get3A_911 = arith.index_cast %scan3A_814 : i32 to index
          %get3A_912 = arith.constant 192 : index
          %get3A_913 = tpu.vector_load %arg19[%get3A_911, %get3A_912] {strides = array<i32>} : memref<80x256xf32, #tpu.memory_space<vmem>>, vector<1x16xf32>,
          %get3A_914 = vector.shape_cast %get3A_913 : vector<1x16xf32> to vector<16xf32>
          %mul3A_915 = arith.mulf %get3A_914, %get3A_906 : vector<16xf32>
          %add3A_916 = arith.addf %mul3A_915, %get3A_910 : vector<16xf32>
          %max3A_917 = arith.constant 0.000000e+00 : f32
          %max3A_918 = vector.broadcast %max3A_917 : f32 to vector<16xf32>
          %max3A_919 = arith.maximumf %add3A_916, %max3A_918 : vector<16xf32>
          %swap3A_920 = arith.index_cast %scan3A_814 : i32 to index
          %swap3A_921 = arith.constant 64 : index
          %swap3A_922 = tpu.vector_load %arg17[%swap3A_920, %swap3A_921] {strides = array<i32>} : memref<80x128xf32, #tpu.memory_space<vmem>>, vector<1x16xf32>,
          %swap3A_923 = vector.shape_cast %swap3A_922 : vector<1x16xf32> to vector<16xf32>
          %swap3A_924 = vector.shape_cast %max3A_919 : vector<16xf32> to vector<1x16xf32>
          tpu.vector_store %arg17[%swap3A_920, %swap3A_921], %swap3A_924 {strides = array<i32>} : memref<80x128xf32, #tpu.memory_space<vmem>>, vector<1x16xf32>,
          %get3A_925 = arith.index_cast %scan3A_814 : i32 to index
          %get3A_926 = arith.constant 80 : index
          %get3A_927 = tpu.vector_load %arg17[%get3A_925, %get3A_926] {strides = array<i32>} : memref<80x128xf32, #tpu.memory_space<vmem>>, vector<1x16xf32>,
          %get3A_928 = vector.shape_cast %get3A_927 : vector<1x16xf32> to vector<16xf32>
          %get3A_929 = arith.index_cast %scan3A_814 : i32 to index
          %get3A_930 = arith.constant 80 : index
          %get3A_931 = tpu.vector_load %arg19[%get3A_929, %get3A_930] {strides = array<i32>} : memref<80x256xf32, #tpu.memory_space<vmem>>, vector<1x16xf32>,
          %get3A_932 = vector.shape_cast %get3A_931 : vector<1x16xf32> to vector<16xf32>
          %get3A_933 = arith.index_cast %scan3A_814 : i32 to index
          %get3A_934 = arith.constant 208 : index
          %get3A_935 = tpu.vector_load %arg19[%get3A_933, %get3A_934] {strides = array<i32>} : memref<80x256xf32, #tpu.memory_space<vmem>>, vector<1x16xf32>,
          %get3A_936 = vector.shape_cast %get3A_935 : vector<1x16xf32> to vector<16xf32>
          %mul3A_937 = arith.mulf %get3A_936, %get3A_928 : vector<16xf32>
          %add3A_938 = arith.addf %mul3A_937, %get3A_932 : vector<16xf32>
          %max3A_939 = arith.constant 0.000000e+00 : f32
          %max3A_940 = vector.broadcast %max3A_939 : f32 to vector<16xf32>
          %max3A_941 = arith.maximumf %add3A_938, %max3A_940 : vector<16xf32>
          %swap3A_942 = arith.index_cast %scan3A_814 : i32 to index
          %swap3A_943 = arith.constant 80 : index
          %swap3A_944 = tpu.vector_load %arg17[%swap3A_942, %swap3A_943] {strides = array<i32>} : memref<80x128xf32, #tpu.memory_space<vmem>>, vector<1x16xf32>,
          %swap3A_945 = vector.shape_cast %swap3A_944 : vector<1x16xf32> to vector<16xf32>
          %swap3A_946 = vector.shape_cast %max3A_941 : vector<16xf32> to vector<1x16xf32>
          tpu.vector_store %arg17[%swap3A_942, %swap3A_943], %swap3A_946 {strides = array<i32>} : memref<80x128xf32, #tpu.memory_space<vmem>>, vector<1x16xf32>,
          %get3A_947 = arith.index_cast %scan3A_814 : i32 to index
          %get3A_948 = arith.constant 96 : index
          %get3A_949 = tpu.vector_load %arg17[%get3A_947, %get3A_948] {strides = array<i32>} : memref<80x128xf32, #tpu.memory_space<vmem>>, vector<1x16xf32>,
          %get3A_950 = vector.shape_cast %get3A_949 : vector<1x16xf32> to vector<16xf32>
          %get3A_951 = arith.index_cast %scan3A_814 : i32 to index
          %get3A_952 = arith.constant 96 : index
          %get3A_953 = tpu.vector_load %arg19[%get3A_951, %get3A_952] {strides = array<i32>} : memref<80x256xf32, #tpu.memory_space<vmem>>, vector<1x16xf32>,
          %get3A_954 = vector.shape_cast %get3A_953 : vector<1x16xf32> to vector<16xf32>
          %get3A_955 = arith.index_cast %scan3A_814 : i32 to index
          %get3A_956 = arith.constant 224 : index
          %get3A_957 = tpu.vector_load %arg19[%get3A_955, %get3A_956] {strides = array<i32>} : memref<80x256xf32, #tpu.memory_space<vmem>>, vector<1x16xf32>,
          %get3A_958 = vector.shape_cast %get3A_957 : vector<1x16xf32> to vector<16xf32>
          %mul3A_959 = arith.mulf %get3A_958, %get3A_950 : vector<16xf32>
          %add3A_960 = arith.addf %mul3A_959, %get3A_954 : vector<16xf32>
          %max3A_961 = arith.constant 0.000000e+00 : f32
          %max3A_962 = vector.broadcast %max3A_961 : f32 to vector<16xf32>
          %max3A_963 = arith.maximumf %add3A_960, %max3A_962 : vector<16xf32>
          %swap3A_964 = arith.index_cast %scan3A_814 : i32 to index
          %swap3A_965 = arith.constant 96 : index
          %swap3A_966 = tpu.vector_load %arg17[%swap3A_964, %swap3A_965] {strides = array<i32>} : memref<80x128xf32, #tpu.memory_space<vmem>>, vector<1x16xf32>,
          %swap3A_967 = vector.shape_cast %swap3A_966 : vector<1x16xf32> to vector<16xf32>
          %swap3A_968 = vector.shape_cast %max3A_963 : vector<16xf32> to vector<1x16xf32>
          tpu.vector_store %arg17[%swap3A_964, %swap3A_965], %swap3A_968 {strides = array<i32>} : memref<80x128xf32, #tpu.memory_space<vmem>>, vector<1x16xf32>,
          %get3A_969 = arith.index_cast %scan3A_814 : i32 to index
          %get3A_970 = arith.constant 112 : index
          %get3A_971 = tpu.vector_load %arg17[%get3A_969, %get3A_970] {strides = array<i32>} : memref<80x128xf32, #tpu.memory_space<vmem>>, vector<1x16xf32>,
          %get3A_972 = vector.shape_cast %get3A_971 : vector<1x16xf32> to vector<16xf32>
          %get3A_973 = arith.index_cast %scan3A_814 : i32 to index
          %get3A_974 = arith.constant 112 : index
          %get3A_975 = tpu.vector_load %arg19[%get3A_973, %get3A_974] {strides = array<i32>} : memref<80x256xf32, #tpu.memory_space<vmem>>, vector<1x16xf32>,
          %get3A_976 = vector.shape_cast %get3A_975 : vector<1x16xf32> to vector<16xf32>
          %get3A_977 = arith.index_cast %scan3A_814 : i32 to index
          %get3A_978 = arith.constant 240 : index
          %get3A_979 = tpu.vector_load %arg19[%get3A_977, %get3A_978] {strides = array<i32>} : memref<80x256xf32, #tpu.memory_space<vmem>>, vector<1x16xf32>,
          %get3A_980 = vector.shape_cast %get3A_979 : vector<1x16xf32> to vector<16xf32>
          %mul3A_981 = arith.mulf %get3A_980, %get3A_972 : vector<16xf32>
          %add3A_982 = arith.addf %mul3A_981, %get3A_976 : vector<16xf32>
          %max3A_983 = arith.constant 0.000000e+00 : f32
          %max3A_984 = vector.broadcast %max3A_983 : f32 to vector<16xf32>
          %max3A_985 = arith.maximumf %add3A_982, %max3A_984 : vector<16xf32>
          %swap3A_986 = arith.index_cast %scan3A_814 : i32 to index
          %swap3A_987 = arith.constant 112 : index
          %swap3A_988 = tpu.vector_load %arg17[%swap3A_986, %swap3A_987] {strides = array<i32>} : memref<80x128xf32, #tpu.memory_space<vmem>>, vector<1x16xf32>,
          %swap3A_989 = vector.shape_cast %swap3A_988 : vector<1x16xf32> to vector<16xf32>
          %swap3A_990 = vector.shape_cast %max3A_985 : vector<16xf32> to vector<1x16xf32>
          tpu.vector_store %arg17[%swap3A_986, %swap3A_987], %swap3A_990 {strides = array<i32>} : memref<80x128xf32, #tpu.memory_space<vmem>>, vector<1x16xf32>,
          %scan3A_991 = arith.constant 0 : i32
          %scan3A_992 = arith.constant 1 : i32
          %scan3A_993 = arith.addi %scan3A_814, %scan3A_992 : i32
          %get3A_994 = arith.index_cast %scan3A_993 : i32 to index
          %get3A_995 = arith.constant 0 : index
          %get3A_996 = tpu.vector_load %arg17[%get3A_994, %get3A_995] {strides = array<i32>} : memref<80x128xf32, #tpu.memory_space<vmem>>, vector<1x16xf32>,
          %get3A_997 = vector.shape_cast %get3A_996 : vector<1x16xf32> to vector<16xf32>
          %get3A_998 = arith.index_cast %scan3A_993 : i32 to index
          %get3A_999 = arith.constant 0 : index
          %get3A_1000 = tpu.vector_load %arg19[%get3A_998, %get3A_999] {strides = array<i32>} : memref<80x256xf32, #tpu.memory_space<vmem>>, vector<1x16xf32>,
          %get3A_1001 = vector.shape_cast %get3A_1000 : vector<1x16xf32> to vector<16xf32>
          %get3A_1002 = arith.index_cast %scan3A_993 : i32 to index
          %get3A_1003 = arith.constant 128 : index
          %get3A_1004 = tpu.vector_load %arg19[%get3A_1002, %get3A_1003] {strides = array<i32>} : memref<80x256xf32, #tpu.memory_space<vmem>>, vector<1x16xf32>,
          %get3A_1005 = vector.shape_cast %get3A_1004 : vector<1x16xf32> to vector<16xf32>
          %mul3A_1006 = arith.mulf %get3A_1005, %get3A_997 : vector<16xf32>
          %add3A_1007 = arith.addf %mul3A_1006, %get3A_1001 : vector<16xf32>
          %max3A_1008 = arith.constant 0.000000e+00 : f32
          %max3A_1009 = vector.broadcast %max3A_1008 : f32 to vector<16xf32>
          %max3A_1010 = arith.maximumf %add3A_1007, %max3A_1009 : vector<16xf32>
          %swap3A_1011 = arith.index_cast %scan3A_993 : i32 to index
          %swap3A_1012 = arith.constant 0 : index
          %swap3A_1013 = tpu.vector_load %arg17[%swap3A_1011, %swap3A_1012] {strides = array<i32>} : memref<80x128xf32, #tpu.memory_space<vmem>>, vector<1x16xf32>,
          %swap3A_1014 = vector.shape_cast %swap3A_1013 : vector<1x16xf32> to vector<16xf32>
          %swap3A_1015 = vector.shape_cast %max3A_1010 : vector<16xf32> to vector<1x16xf32>
          tpu.vector_store %arg17[%swap3A_1011, %swap3A_1012], %swap3A_1015 {strides = array<i32>} : memref<80x128xf32, #tpu.memory_space<vmem>>, vector<1x16xf32>,
          %get3A_1016 = arith.index_cast %scan3A_993 : i32 to index
          %get3A_1017 = arith.constant 16 : index
          %get3A_1018 = tpu.vector_load %arg17[%get3A_1016, %get3A_1017] {strides = array<i32>} : memref<80x128xf32, #tpu.memory_space<vmem>>, vector<1x16xf32>,
          %get3A_1019 = vector.shape_cast %get3A_1018 : vector<1x16xf32> to vector<16xf32>
          %get3A_1020 = arith.index_cast %scan3A_993 : i32 to index
          %get3A_1021 = arith.constant 16 : index
          %get3A_1022 = tpu.vector_load %arg19[%get3A_1020, %get3A_1021] {strides = array<i32>} : memref<80x256xf32, #tpu.memory_space<vmem>>, vector<1x16xf32>,
          %get3A_1023 = vector.shape_cast %get3A_1022 : vector<1x16xf32> to vector<16xf32>
          %get3A_1024 = arith.index_cast %scan3A_993 : i32 to index
          %get3A_1025 = arith.constant 144 : index
          %get3A_1026 = tpu.vector_load %arg19[%get3A_1024, %get3A_1025] {strides = array<i32>} : memref<80x256xf32, #tpu.memory_space<vmem>>, vector<1x16xf32>,
          %get3A_1027 = vector.shape_cast %get3A_1026 : vector<1x16xf32> to vector<16xf32>
          %mul3A_1028 = arith.mulf %get3A_1027, %get3A_1019 : vector<16xf32>
          %add3A_1029 = arith.addf %mul3A_1028, %get3A_1023 : vector<16xf32>
          %max3A_1030 = arith.constant 0.000000e+00 : f32
          %max3A_1031 = vector.broadcast %max3A_1030 : f32 to vector<16xf32>
          %max3A_1032 = arith.maximumf %add3A_1029, %max3A_1031 : vector<16xf32>
          %swap3A_1033 = arith.index_cast %scan3A_993 : i32 to index
          %swap3A_1034 = arith.constant 16 : index
          %swap3A_1035 = tpu.vector_load %arg17[%swap3A_1033, %swap3A_1034] {strides = array<i32>} : memref<80x128xf32, #tpu.memory_space<vmem>>, vector<1x16xf32>,
          %swap3A_1036 = vector.shape_cast %swap3A_1035 : vector<1x16xf32> to vector<16xf32>
          %swap3A_1037 = vector.shape_cast %max3A_1032 : vector<16xf32> to vector<1x16xf32>
          tpu.vector_store %arg17[%swap3A_1033, %swap3A_1034], %swap3A_1037 {strides = array<i32>} : memref<80x128xf32, #tpu.memory_space<vmem>>, vector<1x16xf32>,
          %get3A_1038 = arith.index_cast %scan3A_993 : i32 to index
          %get3A_1039 = arith.constant 32 : index
          %get3A_1040 = tpu.vector_load %arg17[%get3A_1038, %get3A_1039] {strides = array<i32>} : memref<80x128xf32, #tpu.memory_space<vmem>>, vector<1x16xf32>,
          %get3A_1041 = vector.shape_cast %get3A_1040 : vector<1x16xf32> to vector<16xf32>
          %get3A_1042 = arith.index_cast %scan3A_993 : i32 to index
          %get3A_1043 = arith.constant 32 : index
          %get3A_1044 = tpu.vector_load %arg19[%get3A_1042, %get3A_1043] {strides = array<i32>} : memref<80x256xf32, #tpu.memory_space<vmem>>, vector<1x16xf32>,
          %get3A_1045 = vector.shape_cast %get3A_1044 : vector<1x16xf32> to vector<16xf32>
          %get3A_1046 = arith.index_cast %scan3A_993 : i32 to index
          %get3A_1047 = arith.constant 160 : index
          %get3A_1048 = tpu.vector_load %arg19[%get3A_1046, %get3A_1047] {strides = array<i32>} : memref<80x256xf32, #tpu.memory_space<vmem>>, vector<1x16xf32>,
          %get3A_1049 = vector.shape_cast %get3A_1048 : vector<1x16xf32> to vector<16xf32>
          %mul3A_1050 = arith.mulf %get3A_1049, %get3A_1041 : vector<16xf32>
          %add3A_1051 = arith.addf %mul3A_1050, %get3A_1045 : vector<16xf32>
          %max3A_1052 = arith.constant 0.000000e+00 : f32
          %max3A_1053 = vector.broadcast %max3A_1052 : f32 to vector<16xf32>
          %max3A_1054 = arith.maximumf %add3A_1051, %max3A_1053 : vector<16xf32>
          %swap3A_1055 = arith.index_cast %scan3A_993 : i32 to index
          %swap3A_1056 = arith.constant 32 : index
          %swap3A_1057 = tpu.vector_load %arg17[%swap3A_1055, %swap3A_1056] {strides = array<i32>} : memref<80x128xf32, #tpu.memory_space<vmem>>, vector<1x16xf32>,
          %swap3A_1058 = vector.shape_cast %swap3A_1057 : vector<1x16xf32> to vector<16xf32>
          %swap3A_1059 = vector.shape_cast %max3A_1054 : vector<16xf32> to vector<1x16xf32>
          tpu.vector_store %arg17[%swap3A_1055, %swap3A_1056], %swap3A_1059 {strides = array<i32>} : memref<80x128xf32, #tpu.memory_space<vmem>>, vector<1x16xf32>,
          %get3A_1060 = arith.index_cast %scan3A_993 : i32 to index
          %get3A_1061 = arith.constant 48 : index
          %get3A_1062 = tpu.vector_load %arg17[%get3A_1060, %get3A_1061] {strides = array<i32>} : memref<80x128xf32, #tpu.memory_space<vmem>>, vector<1x16xf32>,
          %get3A_1063 = vector.shape_cast %get3A_1062 : vector<1x16xf32> to vector<16xf32>
          %get3A_1064 = arith.index_cast %scan3A_993 : i32 to index
          %get3A_1065 = arith.constant 48 : index
          %get3A_1066 = tpu.vector_load %arg19[%get3A_1064, %get3A_1065] {strides = array<i32>} : memref<80x256xf32, #tpu.memory_space<vmem>>, vector<1x16xf32>,
          %get3A_1067 = vector.shape_cast %get3A_1066 : vector<1x16xf32> to vector<16xf32>
          %get3A_1068 = arith.index_cast %scan3A_993 : i32 to index
          %get3A_1069 = arith.constant 176 : index
          %get3A_1070 = tpu.vector_load %arg19[%get3A_1068, %get3A_1069] {strides = array<i32>} : memref<80x256xf32, #tpu.memory_space<vmem>>, vector<1x16xf32>,
          %get3A_1071 = vector.shape_cast %get3A_1070 : vector<1x16xf32> to vector<16xf32>
          %mul3A_1072 = arith.mulf %get3A_1071, %get3A_1063 : vector<16xf32>
          %add3A_1073 = arith.addf %mul3A_1072, %get3A_1067 : vector<16xf32>
          %max3A_1074 = arith.constant 0.000000e+00 : f32
          %max3A_1075 = vector.broadcast %max3A_1074 : f32 to vector<16xf32>
          %max3A_1076 = arith.maximumf %add3A_1073, %max3A_1075 : vector<16xf32>
          %swap3A_1077 = arith.index_cast %scan3A_993 : i32 to index
          %swap3A_1078 = arith.constant 48 : index
          %swap3A_1079 = tpu.vector_load %arg17[%swap3A_1077, %swap3A_1078] {strides = array<i32>} : memref<80x128xf32, #tpu.memory_space<vmem>>, vector<1x16xf32>,
          %swap3A_1080 = vector.shape_cast %swap3A_1079 : vector<1x16xf32> to vector<16xf32>
          %swap3A_1081 = vector.shape_cast %max3A_1076 : vector<16xf32> to vector<1x16xf32>
          tpu.vector_store %arg17[%swap3A_1077, %swap3A_1078], %swap3A_1081 {strides = array<i32>} : memref<80x128xf32, #tpu.memory_space<vmem>>, vector<1x16xf32>,
          %get3A_1082 = arith.index_cast %scan3A_993 : i32 to index
          %get3A_1083 = arith.constant 64 : index
          %get3A_1084 = tpu.vector_load %arg17[%get3A_1082, %get3A_1083] {strides = array<i32>} : memref<80x128xf32, #tpu.memory_space<vmem>>, vector<1x16xf32>,
          %get3A_1085 = vector.shape_cast %get3A_1084 : vector<1x16xf32> to vector<16xf32>
          %get3A_1086 = arith.index_cast %scan3A_993 : i32 to index
          %get3A_1087 = arith.constant 64 : index
          %get3A_1088 = tpu.vector_load %arg19[%get3A_1086, %get3A_1087] {strides = array<i32>} : memref<80x256xf32, #tpu.memory_space<vmem>>, vector<1x16xf32>,
          %get3A_1089 = vector.shape_cast %get3A_1088 : vector<1x16xf32> to vector<16xf32>
          %get3A_1090 = arith.index_cast %scan3A_993 : i32 to index
          %get3A_1091 = arith.constant 192 : index
          %get3A_1092 = tpu.vector_load %arg19[%get3A_1090, %get3A_1091] {strides = array<i32>} : memref<80x256xf32, #tpu.memory_space<vmem>>, vector<1x16xf32>,
          %get3A_1093 = vector.shape_cast %get3A_1092 : vector<1x16xf32> to vector<16xf32>
          %mul3A_1094 = arith.mulf %get3A_1093, %get3A_1085 : vector<16xf32>
          %add3A_1095 = arith.addf %mul3A_1094, %get3A_1089 : vector<16xf32>
          %max3A_1096 = arith.constant 0.000000e+00 : f32
          %max3A_1097 = vector.broadcast %max3A_1096 : f32 to vector<16xf32>
          %max3A_1098 = arith.maximumf %add3A_1095, %max3A_1097 : vector<16xf32>
          %swap3A_1099 = arith.index_cast %scan3A_993 : i32 to index
          %swap3A_1100 = arith.constant 64 : index
          %swap3A_1101 = tpu.vector_load %arg17[%swap3A_1099, %swap3A_1100] {strides = array<i32>} : memref<80x128xf32, #tpu.memory_space<vmem>>, vector<1x16xf32>,
          %swap3A_1102 = vector.shape_cast %swap3A_1101 : vector<1x16xf32> to vector<16xf32>
          %swap3A_1103 = vector.shape_cast %max3A_1098 : vector<16xf32> to vector<1x16xf32>
          tpu.vector_store %arg17[%swap3A_1099, %swap3A_1100], %swap3A_1103 {strides = array<i32>} : memref<80x128xf32, #tpu.memory_space<vmem>>, vector<1x16xf32>,
          %get3A_1104 = arith.index_cast %scan3A_993 : i32 to index
          %get3A_1105 = arith.constant 80 : index
          %get3A_1106 = tpu.vector_load %arg17[%get3A_1104, %get3A_1105] {strides = array<i32>} : memref<80x128xf32, #tpu.memory_space<vmem>>, vector<1x16xf32>,
          %get3A_1107 = vector.shape_cast %get3A_1106 : vector<1x16xf32> to vector<16xf32>
          %get3A_1108 = arith.index_cast %scan3A_993 : i32 to index
          %get3A_1109 = arith.constant 80 : index
          %get3A_1110 = tpu.vector_load %arg19[%get3A_1108, %get3A_1109] {strides = array<i32>} : memref<80x256xf32, #tpu.memory_space<vmem>>, vector<1x16xf32>,
          %get3A_1111 = vector.shape_cast %get3A_1110 : vector<1x16xf32> to vector<16xf32>
          %get3A_1112 = arith.index_cast %scan3A_993 : i32 to index
          %get3A_1113 = arith.constant 208 : index
          %get3A_1114 = tpu.vector_load %arg19[%get3A_1112, %get3A_1113] {strides = array<i32>} : memref<80x256xf32, #tpu.memory_space<vmem>>, vector<1x16xf32>,
          %get3A_1115 = vector.shape_cast %get3A_1114 : vector<1x16xf32> to vector<16xf32>
          %mul3A_1116 = arith.mulf %get3A_1115, %get3A_1107 : vector<16xf32>
          %add3A_1117 = arith.addf %mul3A_1116, %get3A_1111 : vector<16xf32>
          %max3A_1118 = arith.constant 0.000000e+00 : f32
          %max3A_1119 = vector.broadcast %max3A_1118 : f32 to vector<16xf32>
          %max3A_1120 = arith.maximumf %add3A_1117, %max3A_1119 : vector<16xf32>
          %swap3A_1121 = arith.index_cast %scan3A_993 : i32 to index
          %swap3A_1122 = arith.constant 80 : index
          %swap3A_1123 = tpu.vector_load %arg17[%swap3A_1121, %swap3A_1122] {strides = array<i32>} : memref<80x128xf32, #tpu.memory_space<vmem>>, vector<1x16xf32>,
          %swap3A_1124 = vector.shape_cast %swap3A_1123 : vector<1x16xf32> to vector<16xf32>
          %swap3A_1125 = vector.shape_cast %max3A_1120 : vector<16xf32> to vector<1x16xf32>
          tpu.vector_store %arg17[%swap3A_1121, %swap3A_1122], %swap3A_1125 {strides = array<i32>} : memref<80x128xf32, #tpu.memory_space<vmem>>, vector<1x16xf32>,
          %get3A_1126 = arith.index_cast %scan3A_993 : i32 to index
          %get3A_1127 = arith.constant 96 : index
          %get3A_1128 = tpu.vector_load %arg17[%get3A_1126, %get3A_1127] {strides = array<i32>} : memref<80x128xf32, #tpu.memory_space<vmem>>, vector<1x16xf32>,
          %get3A_1129 = vector.shape_cast %get3A_1128 : vector<1x16xf32> to vector<16xf32>
          %get3A_1130 = arith.index_cast %scan3A_993 : i32 to index
          %get3A_1131 = arith.constant 96 : index
          %get3A_1132 = tpu.vector_load %arg19[%get3A_1130, %get3A_1131] {strides = array<i32>} : memref<80x256xf32, #tpu.memory_space<vmem>>, vector<1x16xf32>,
          %get3A_1133 = vector.shape_cast %get3A_1132 : vector<1x16xf32> to vector<16xf32>
          %get3A_1134 = arith.index_cast %scan3A_993 : i32 to index
          %get3A_1135 = arith.constant 224 : index
          %get3A_1136 = tpu.vector_load %arg19[%get3A_1134, %get3A_1135] {strides = array<i32>} : memref<80x256xf32, #tpu.memory_space<vmem>>, vector<1x16xf32>,
          %get3A_1137 = vector.shape_cast %get3A_1136 : vector<1x16xf32> to vector<16xf32>
          %mul3A_1138 = arith.mulf %get3A_1137, %get3A_1129 : vector<16xf32>
          %add3A_1139 = arith.addf %mul3A_1138, %get3A_1133 : vector<16xf32>
          %max3A_1140 = arith.constant 0.000000e+00 : f32
          %max3A_1141 = vector.broadcast %max3A_1140 : f32 to vector<16xf32>
          %max3A_1142 = arith.maximumf %add3A_1139, %max3A_1141 : vector<16xf32>
          %swap3A_1143 = arith.index_cast %scan3A_993 : i32 to index
          %swap3A_1144 = arith.constant 96 : index
          %swap3A_1145 = tpu.vector_load %arg17[%swap3A_1143, %swap3A_1144] {strides = array<i32>} : memref<80x128xf32, #tpu.memory_space<vmem>>, vector<1x16xf32>,
          %swap3A_1146 = vector.shape_cast %swap3A_1145 : vector<1x16xf32> to vector<16xf32>
          %swap3A_1147 = vector.shape_cast %max3A_1142 : vector<16xf32> to vector<1x16xf32>
          tpu.vector_store %arg17[%swap3A_1143, %swap3A_1144], %swap3A_1147 {strides = array<i32>} : memref<80x128xf32, #tpu.memory_space<vmem>>, vector<1x16xf32>,
          %get3A_1148 = arith.index_cast %scan3A_993 : i32 to index
          %get3A_1149 = arith.constant 112 : index
          %get3A_1150 = tpu.vector_load %arg17[%get3A_1148, %get3A_1149] {strides = array<i32>} : memref<80x128xf32, #tpu.memory_space<vmem>>, vector<1x16xf32>,
          %get3A_1151 = vector.shape_cast %get3A_1150 : vector<1x16xf32> to vector<16xf32>
          %get3A_1152 = arith.index_cast %scan3A_993 : i32 to index
          %get3A_1153 = arith.constant 112 : index
          %get3A_1154 = tpu.vector_load %arg19[%get3A_1152, %get3A_1153] {strides = array<i32>} : memref<80x256xf32, #tpu.memory_space<vmem>>, vector<1x16xf32>,
          %get3A_1155 = vector.shape_cast %get3A_1154 : vector<1x16xf32> to vector<16xf32>
          %get3A_1156 = arith.index_cast %scan3A_993 : i32 to index
          %get3A_1157 = arith.constant 240 : index
          %get3A_1158 = tpu.vector_load %arg19[%get3A_1156, %get3A_1157] {strides = array<i32>} : memref<80x256xf32, #tpu.memory_space<vmem>>, vector<1x16xf32>,
          %get3A_1159 = vector.shape_cast %get3A_1158 : vector<1x16xf32> to vector<16xf32>
          %mul3A_1160 = arith.mulf %get3A_1159, %get3A_1151 : vector<16xf32>
          %add3A_1161 = arith.addf %mul3A_1160, %get3A_1155 : vector<16xf32>
          %max3A_1162 = arith.constant 0.000000e+00 : f32
          %max3A_1163 = vector.broadcast %max3A_1162 : f32 to vector<16xf32>
          %max3A_1164 = arith.maximumf %add3A_1161, %max3A_1163 : vector<16xf32>
          %swap3A_1165 = arith.index_cast %scan3A_993 : i32 to index
          %swap3A_1166 = arith.constant 112 : index
          %swap3A_1167 = tpu.vector_load %arg17[%swap3A_1165, %swap3A_1166] {strides = array<i32>} : memref<80x128xf32, #tpu.memory_space<vmem>>, vector<1x16xf32>,
          %swap3A_1168 = vector.shape_cast %swap3A_1167 : vector<1x16xf32> to vector<16xf32>
          %swap3A_1169 = vector.shape_cast %max3A_1164 : vector<16xf32> to vector<1x16xf32>
          tpu.vector_store %arg17[%swap3A_1165, %swap3A_1166], %swap3A_1169 {strides = array<i32>} : memref<80x128xf32, #tpu.memory_space<vmem>>, vector<1x16xf32>,
          %scan3A_1170 = arith.constant 0 : i32
          scf.yield %scan3A_1170 : i32
        }
        %scan3A_361 = arith.constant 80 : i32
        %dma_wait3A_362 = arith.constant 0 : i32
        %dma_wait3A_363 = arith.constant 0 : i32
        %dma_wait3A_364 = tpu.memref_slice %arg8[%dma_wait3A_362, %dma_wait3A_363] : memref<10240x128xf32, #tpu.memory_space<vmem_shared>> -> memref<10240x128xf32, #tpu.memory_space<vmem_shared>>
        tpu.wait_indirect_dma semaphore(%arg24 : memref<!tpu.dma_semaphore, #tpu.memory_space<semaphore_mem>>) src(%arg18 : memref<80x128xf32, #tpu.memory_space<vmem>>) dst(%dma_wait3A_364 : memref<10240x128xf32, #tpu.memory_space<vmem_shared>>)
        %mul3A_365 = arith.constant 80 : i32
        %mul3A_366 = arith.muli %add3A_348, %mul3A_365 : i32
        %add3A_367 = arith.constant 0 : i32
        %add3A_368 = arith.addi %mul3A_366, %add3A_367 : i32
        %get3A_369 = arith.index_cast %add3A_368 : i32 to index
        %get3A_370 = tpu.vector_load %arg9[%get3A_369] {strides = array<i32>} : memref<2000xi32, #tpu.memory_space<vmem>>, vector<16xi32>,
        %get3A_371 = vector.shape_cast %get3A_370 : vector<16xi32> to vector<16xi32>
        %mul3A_372 = arith.constant 80 : i32
        %mul3A_373 = arith.muli %add3A_348, %mul3A_372 : i32
        %add3A_374 = arith.constant 0 : i32
        %add3A_375 = arith.addi %mul3A_373, %add3A_374 : i32
        %get3A_376 = arith.index_cast %add3A_375 : i32 to index
        %get3A_377 = tpu.vector_load %arg10[%get3A_376] {strides = array<i32>} : memref<2000xi32, #tpu.memory_space<vmem>>, vector<16xi32>,
        %get3A_378 = vector.shape_cast %get3A_377 : vector<16xi32> to vector<16xi32>
        %mul3A_379 = arith.constant 80 : i32
        %mul3A_380 = arith.muli %add3A_348, %mul3A_379 : i32
        %add3A_381 = arith.constant 0 : i32
        %add3A_382 = arith.addi %mul3A_380, %add3A_381 : i32
        %get3A_383 = arith.index_cast %add3A_382 : i32 to index
        %get3A_384 = tpu.vector_load %arg11[%get3A_383] {strides = array<i32>} : memref<2000xi32, #tpu.memory_space<vmem>>, vector<16xi32>,
        %get3A_385 = vector.shape_cast %get3A_384 : vector<16xi32> to vector<16xi32>
        %mul3A_386 = arith.constant 10000 : i32
        %mul3A_387 = vector.broadcast %mul3A_386 : i32 to vector<16xi32>
        %mul3A_388 = arith.muli %get3A_385, %mul3A_387 : vector<16xi32>
        %add3A_389 = arith.addi %mul3A_388, %get3A_371 : vector<16xi32>
        %swap3A_390 = arith.constant 0 : index
        %swap3A_391 = tpu.vector_load %arg13[%swap3A_390] {strides = array<i32>} : memref<80xi32, #tpu.memory_space<vmem>>, vector<16xi32>,
        %swap3A_392 = vector.shape_cast %swap3A_391 : vector<16xi32> to vector<16xi32>
        %swap3A_393 = vector.shape_cast %add3A_389 : vector<16xi32> to vector<16xi32>
        tpu.vector_store %arg13[%swap3A_390], %swap3A_393 {strides = array<i32>} : memref<80xi32, #tpu.memory_space<vmem>>, vector<16xi32>,
        %mul3A_394 = arith.constant 10000 : i32
        %mul3A_395 = vector.broadcast %mul3A_394 : i32 to vector<16xi32>
        %mul3A_396 = arith.muli %get3A_385, %mul3A_395 : vector<16xi32>
        %add3A_397 = arith.addi %mul3A_396, %get3A_378 : vector<16xi32>
        %swap3A_398 = arith.constant 0 : index
        %swap3A_399 = tpu.vector_load %arg14[%swap3A_398] {strides = array<i32>} : memref<80xi32, #tpu.memory_space<vmem>>, vector<16xi32>,
        %swap3A_400 = vector.shape_cast %swap3A_399 : vector<16xi32> to vector<16xi32>
        %swap3A_401 = vector.shape_cast %add3A_397 : vector<16xi32> to vector<16xi32>
        tpu.vector_store %arg14[%swap3A_398], %swap3A_401 {strides = array<i32>} : memref<80xi32, #tpu.memory_space<vmem>>, vector<16xi32>,
        %swap3A_402 = arith.constant 0 : index
        %swap3A_403 = tpu.vector_load %arg16[%swap3A_402] {strides = array<i32>} : memref<80xi32, #tpu.memory_space<vmem>>, vector<16xi32>,
        %swap3A_404 = vector.shape_cast %swap3A_403 : vector<16xi32> to vector<16xi32>
        %swap3A_405 = vector.shape_cast %get3A_378 : vector<16xi32> to vector<16xi32>
        tpu.vector_store %arg16[%swap3A_402], %swap3A_405 {strides = array<i32>} : memref<80xi32, #tpu.memory_space<vmem>>, vector<16xi32>,
        %mul3A_406 = arith.constant 80 : i32
        %mul3A_407 = arith.muli %add3A_348, %mul3A_406 : i32
        %add3A_408 = arith.constant 16 : i32
        %add3A_409 = arith.addi %mul3A_407, %add3A_408 : i32
        %get3A_410 = arith.index_cast %add3A_409 : i32 to index
        %get3A_411 = tpu.vector_load %arg9[%get3A_410] {strides = array<i32>} : memref<2000xi32, #tpu.memory_space<vmem>>, vector<16xi32>,
        %get3A_412 = vector.shape_cast %get3A_411 : vector<16xi32> to vector<16xi32>
        %mul3A_413 = arith.constant 80 : i32
        %mul3A_414 = arith.muli %add3A_348, %mul3A_413 : i32
        %add3A_415 = arith.constant 16 : i32
        %add3A_416 = arith.addi %mul3A_414, %add3A_415 : i32
        %get3A_417 = arith.index_cast %add3A_416 : i32 to index
        %get3A_418 = tpu.vector_load %arg10[%get3A_417] {strides = array<i32>} : memref<2000xi32, #tpu.memory_space<vmem>>, vector<16xi32>,
        %get3A_419 = vector.shape_cast %get3A_418 : vector<16xi32> to vector<16xi32>
        %mul3A_420 = arith.constant 80 : i32
        %mul3A_421 = arith.muli %add3A_348, %mul3A_420 : i32
        %add3A_422 = arith.constant 16 : i32
        %add3A_423 = arith.addi %mul3A_421, %add3A_422 : i32
        %get3A_424 = arith.index_cast %add3A_423 : i32 to index
        %get3A_425 = tpu.vector_load %arg11[%get3A_424] {strides = array<i32>} : memref<2000xi32, #tpu.memory_space<vmem>>, vector<16xi32>,
        %get3A_426 = vector.shape_cast %get3A_425 : vector<16xi32> to vector<16xi32>
        %mul3A_427 = arith.constant 10000 : i32
        %mul3A_428 = vector.broadcast %mul3A_427 : i32 to vector<16xi32>
        %mul3A_429 = arith.muli %get3A_426, %mul3A_428 : vector<16xi32>
        %add3A_430 = arith.addi %mul3A_429, %get3A_412 : vector<16xi32>
        %swap3A_431 = arith.constant 16 : index
        %swap3A_432 = tpu.vector_load %arg13[%swap3A_431] {strides = array<i32>} : memref<80xi32, #tpu.memory_space<vmem>>, vector<16xi32>,
        %swap3A_433 = vector.shape_cast %swap3A_432 : vector<16xi32> to vector<16xi32>
        %swap3A_434 = vector.shape_cast %add3A_430 : vector<16xi32> to vector<16xi32>
        tpu.vector_store %arg13[%swap3A_431], %swap3A_434 {strides = array<i32>} : memref<80xi32, #tpu.memory_space<vmem>>, vector<16xi32>,
        %mul3A_435 = arith.constant 10000 : i32
        %mul3A_436 = vector.broadcast %mul3A_435 : i32 to vector<16xi32>
        %mul3A_437 = arith.muli %get3A_426, %mul3A_436 : vector<16xi32>
        %add3A_438 = arith.addi %mul3A_437, %get3A_419 : vector<16xi32>
        %swap3A_439 = arith.constant 16 : index
        %swap3A_440 = tpu.vector_load %arg14[%swap3A_439] {strides = array<i32>} : memref<80xi32, #tpu.memory_space<vmem>>, vector<16xi32>,
        %swap3A_441 = vector.shape_cast %swap3A_440 : vector<16xi32> to vector<16xi32>
        %swap3A_442 = vector.shape_cast %add3A_438 : vector<16xi32> to vector<16xi32>
        tpu.vector_store %arg14[%swap3A_439], %swap3A_442 {strides = array<i32>} : memref<80xi32, #tpu.memory_space<vmem>>, vector<16xi32>,
        %swap3A_443 = arith.constant 16 : index
        %swap3A_444 = tpu.vector_load %arg16[%swap3A_443] {strides = array<i32>} : memref<80xi32, #tpu.memory_space<vmem>>, vector<16xi32>,
        %swap3A_445 = vector.shape_cast %swap3A_444 : vector<16xi32> to vector<16xi32>
        %swap3A_446 = vector.shape_cast %get3A_419 : vector<16xi32> to vector<16xi32>
        tpu.vector_store %arg16[%swap3A_443], %swap3A_446 {strides = array<i32>} : memref<80xi32, #tpu.memory_space<vmem>>, vector<16xi32>,
        %mul3A_447 = arith.constant 80 : i32
        %mul3A_448 = arith.muli %add3A_348, %mul3A_447 : i32
        %add3A_449 = arith.constant 32 : i32
        %add3A_450 = arith.addi %mul3A_448, %add3A_449 : i32
        %get3A_451 = arith.index_cast %add3A_450 : i32 to index
        %get3A_452 = tpu.vector_load %arg9[%get3A_451] {strides = array<i32>} : memref<2000xi32, #tpu.memory_space<vmem>>, vector<16xi32>,
        %get3A_453 = vector.shape_cast %get3A_452 : vector<16xi32> to vector<16xi32>
        %mul3A_454 = arith.constant 80 : i32
        %mul3A_455 = arith.muli %add3A_348, %mul3A_454 : i32
        %add3A_456 = arith.constant 32 : i32
        %add3A_457 = arith.addi %mul3A_455, %add3A_456 : i32
        %get3A_458 = arith.index_cast %add3A_457 : i32 to index
        %get3A_459 = tpu.vector_load %arg10[%get3A_458] {strides = array<i32>} : memref<2000xi32, #tpu.memory_space<vmem>>, vector<16xi32>,
        %get3A_460 = vector.shape_cast %get3A_459 : vector<16xi32> to vector<16xi32>
        %mul3A_461 = arith.constant 80 : i32
        %mul3A_462 = arith.muli %add3A_348, %mul3A_461 : i32
        %add3A_463 = arith.constant 32 : i32
        %add3A_464 = arith.addi %mul3A_462, %add3A_463 : i32
        %get3A_465 = arith.index_cast %add3A_464 : i32 to index
        %get3A_466 = tpu.vector_load %arg11[%get3A_465] {strides = array<i32>} : memref<2000xi32, #tpu.memory_space<vmem>>, vector<16xi32>,
        %get3A_467 = vector.shape_cast %get3A_466 : vector<16xi32> to vector<16xi32>
        %mul3A_468 = arith.constant 10000 : i32
        %mul3A_469 = vector.broadcast %mul3A_468 : i32 to vector<16xi32>
        %mul3A_470 = arith.muli %get3A_467, %mul3A_469 : vector<16xi32>
        %add3A_471 = arith.addi %mul3A_470, %get3A_453 : vector<16xi32>
        %swap3A_472 = arith.constant 32 : index
        %swap3A_473 = tpu.vector_load %arg13[%swap3A_472] {strides = array<i32>} : memref<80xi32, #tpu.memory_space<vmem>>, vector<16xi32>,
        %swap3A_474 = vector.shape_cast %swap3A_473 : vector<16xi32> to vector<16xi32>
        %swap3A_475 = vector.shape_cast %add3A_471 : vector<16xi32> to vector<16xi32>
        tpu.vector_store %arg13[%swap3A_472], %swap3A_475 {strides = array<i32>} : memref<80xi32, #tpu.memory_space<vmem>>, vector<16xi32>,
        %mul3A_476 = arith.constant 10000 : i32
        %mul3A_477 = vector.broadcast %mul3A_476 : i32 to vector<16xi32>
        %mul3A_478 = arith.muli %get3A_467, %mul3A_477 : vector<16xi32>
        %add3A_479 = arith.addi %mul3A_478, %get3A_460 : vector<16xi32>
        %swap3A_480 = arith.constant 32 : index
        %swap3A_481 = tpu.vector_load %arg14[%swap3A_480] {strides = array<i32>} : memref<80xi32, #tpu.memory_space<vmem>>, vector<16xi32>,
        %swap3A_482 = vector.shape_cast %swap3A_481 : vector<16xi32> to vector<16xi32>
        %swap3A_483 = vector.shape_cast %add3A_479 : vector<16xi32> to vector<16xi32>
        tpu.vector_store %arg14[%swap3A_480], %swap3A_483 {strides = array<i32>} : memref<80xi32, #tpu.memory_space<vmem>>, vector<16xi32>,
        %swap3A_484 = arith.constant 32 : index
        %swap3A_485 = tpu.vector_load %arg16[%swap3A_484] {strides = array<i32>} : memref<80xi32, #tpu.memory_space<vmem>>, vector<16xi32>,
        %swap3A_486 = vector.shape_cast %swap3A_485 : vector<16xi32> to vector<16xi32>
        %swap3A_487 = vector.shape_cast %get3A_460 : vector<16xi32> to vector<16xi32>
        tpu.vector_store %arg16[%swap3A_484], %swap3A_487 {strides = array<i32>} : memref<80xi32, #tpu.memory_space<vmem>>, vector<16xi32>,
        %mul3A_488 = arith.constant 80 : i32
        %mul3A_489 = arith.muli %add3A_348, %mul3A_488 : i32
        %add3A_490 = arith.constant 48 : i32
        %add3A_491 = arith.addi %mul3A_489, %add3A_490 : i32
        %get3A_492 = arith.index_cast %add3A_491 : i32 to index
        %get3A_493 = tpu.vector_load %arg9[%get3A_492] {strides = array<i32>} : memref<2000xi32, #tpu.memory_space<vmem>>, vector<16xi32>,
        %get3A_494 = vector.shape_cast %get3A_493 : vector<16xi32> to vector<16xi32>
        %mul3A_495 = arith.constant 80 : i32
        %mul3A_496 = arith.muli %add3A_348, %mul3A_495 : i32
        %add3A_497 = arith.constant 48 : i32
        %add3A_498 = arith.addi %mul3A_496, %add3A_497 : i32
        %get3A_499 = arith.index_cast %add3A_498 : i32 to index
        %get3A_500 = tpu.vector_load %arg10[%get3A_499] {strides = array<i32>} : memref<2000xi32, #tpu.memory_space<vmem>>, vector<16xi32>,
        %get3A_501 = vector.shape_cast %get3A_500 : vector<16xi32> to vector<16xi32>
        %mul3A_502 = arith.constant 80 : i32
        %mul3A_503 = arith.muli %add3A_348, %mul3A_502 : i32
        %add3A_504 = arith.constant 48 : i32
        %add3A_505 = arith.addi %mul3A_503, %add3A_504 : i32
        %get3A_506 = arith.index_cast %add3A_505 : i32 to index
        %get3A_507 = tpu.vector_load %arg11[%get3A_506] {strides = array<i32>} : memref<2000xi32, #tpu.memory_space<vmem>>, vector<16xi32>,
        %get3A_508 = vector.shape_cast %get3A_507 : vector<16xi32> to vector<16xi32>
        %mul3A_509 = arith.constant 10000 : i32
        %mul3A_510 = vector.broadcast %mul3A_509 : i32 to vector<16xi32>
        %mul3A_511 = arith.muli %get3A_508, %mul3A_510 : vector<16xi32>
        %add3A_512 = arith.addi %mul3A_511, %get3A_494 : vector<16xi32>
        %swap3A_513 = arith.constant 48 : index
        %swap3A_514 = tpu.vector_load %arg13[%swap3A_513] {strides = array<i32>} : memref<80xi32, #tpu.memory_space<vmem>>, vector<16xi32>,
        %swap3A_515 = vector.shape_cast %swap3A_514 : vector<16xi32> to vector<16xi32>
        %swap3A_516 = vector.shape_cast %add3A_512 : vector<16xi32> to vector<16xi32>
        tpu.vector_store %arg13[%swap3A_513], %swap3A_516 {strides = array<i32>} : memref<80xi32, #tpu.memory_space<vmem>>, vector<16xi32>,
        %mul3A_517 = arith.constant 10000 : i32
        %mul3A_518 = vector.broadcast %mul3A_517 : i32 to vector<16xi32>
        %mul3A_519 = arith.muli %get3A_508, %mul3A_518 : vector<16xi32>
        %add3A_520 = arith.addi %mul3A_519, %get3A_501 : vector<16xi32>
        %swap3A_521 = arith.constant 48 : index
        %swap3A_522 = tpu.vector_load %arg14[%swap3A_521] {strides = array<i32>} : memref<80xi32, #tpu.memory_space<vmem>>, vector<16xi32>,
        %swap3A_523 = vector.shape_cast %swap3A_522 : vector<16xi32> to vector<16xi32>
        %swap3A_524 = vector.shape_cast %add3A_520 : vector<16xi32> to vector<16xi32>
        tpu.vector_store %arg14[%swap3A_521], %swap3A_524 {strides = array<i32>} : memref<80xi32, #tpu.memory_space<vmem>>, vector<16xi32>,
        %swap3A_525 = arith.constant 48 : index
        %swap3A_526 = tpu.vector_load %arg16[%swap3A_525] {strides = array<i32>} : memref<80xi32, #tpu.memory_space<vmem>>, vector<16xi32>,
        %swap3A_527 = vector.shape_cast %swap3A_526 : vector<16xi32> to vector<16xi32>
        %swap3A_528 = vector.shape_cast %get3A_501 : vector<16xi32> to vector<16xi32>
        tpu.vector_store %arg16[%swap3A_525], %swap3A_528 {strides = array<i32>} : memref<80xi32, #tpu.memory_space<vmem>>, vector<16xi32>,
        %mul3A_529 = arith.constant 80 : i32
        %mul3A_530 = arith.muli %add3A_348, %mul3A_529 : i32
        %add3A_531 = arith.constant 64 : i32
        %add3A_532 = arith.addi %mul3A_530, %add3A_531 : i32
        %get3A_533 = arith.index_cast %add3A_532 : i32 to index
        %get3A_534 = tpu.vector_load %arg9[%get3A_533] {strides = array<i32>} : memref<2000xi32, #tpu.memory_space<vmem>>, vector<16xi32>,
        %get3A_535 = vector.shape_cast %get3A_534 : vector<16xi32> to vector<16xi32>
        %mul3A_536 = arith.constant 80 : i32
        %mul3A_537 = arith.muli %add3A_348, %mul3A_536 : i32
        %add3A_538 = arith.constant 64 : i32
        %add3A_539 = arith.addi %mul3A_537, %add3A_538 : i32
        %get3A_540 = arith.index_cast %add3A_539 : i32 to index
        %get3A_541 = tpu.vector_load %arg10[%get3A_540] {strides = array<i32>} : memref<2000xi32, #tpu.memory_space<vmem>>, vector<16xi32>,
        %get3A_542 = vector.shape_cast %get3A_541 : vector<16xi32> to vector<16xi32>
        %mul3A_543 = arith.constant 80 : i32
        %mul3A_544 = arith.muli %add3A_348, %mul3A_543 : i32
        %add3A_545 = arith.constant 64 : i32
        %add3A_546 = arith.addi %mul3A_544, %add3A_545 : i32
        %get3A_547 = arith.index_cast %add3A_546 : i32 to index
        %get3A_548 = tpu.vector_load %arg11[%get3A_547] {strides = array<i32>} : memref<2000xi32, #tpu.memory_space<vmem>>, vector<16xi32>,
        %get3A_549 = vector.shape_cast %get3A_548 : vector<16xi32> to vector<16xi32>
        %mul3A_550 = arith.constant 10000 : i32
        %mul3A_551 = vector.broadcast %mul3A_550 : i32 to vector<16xi32>
        %mul3A_552 = arith.muli %get3A_549, %mul3A_551 : vector<16xi32>
        %add3A_553 = arith.addi %mul3A_552, %get3A_535 : vector<16xi32>
        %swap3A_554 = arith.constant 64 : index
        %swap3A_555 = tpu.vector_load %arg13[%swap3A_554] {strides = array<i32>} : memref<80xi32, #tpu.memory_space<vmem>>, vector<16xi32>,
        %swap3A_556 = vector.shape_cast %swap3A_555 : vector<16xi32> to vector<16xi32>
        %swap3A_557 = vector.shape_cast %add3A_553 : vector<16xi32> to vector<16xi32>
        tpu.vector_store %arg13[%swap3A_554], %swap3A_557 {strides = array<i32>} : memref<80xi32, #tpu.memory_space<vmem>>, vector<16xi32>,
        %mul3A_558 = arith.constant 10000 : i32
        %mul3A_559 = vector.broadcast %mul3A_558 : i32 to vector<16xi32>
        %mul3A_560 = arith.muli %get3A_549, %mul3A_559 : vector<16xi32>
        %add3A_561 = arith.addi %mul3A_560, %get3A_542 : vector<16xi32>
        %swap3A_562 = arith.constant 64 : index
        %swap3A_563 = tpu.vector_load %arg14[%swap3A_562] {strides = array<i32>} : memref<80xi32, #tpu.memory_space<vmem>>, vector<16xi32>,
        %swap3A_564 = vector.shape_cast %swap3A_563 : vector<16xi32> to vector<16xi32>
        %swap3A_565 = vector.shape_cast %add3A_561 : vector<16xi32> to vector<16xi32>
        tpu.vector_store %arg14[%swap3A_562], %swap3A_565 {strides = array<i32>} : memref<80xi32, #tpu.memory_space<vmem>>, vector<16xi32>,
        %swap3A_566 = arith.constant 64 : index
        %swap3A_567 = tpu.vector_load %arg16[%swap3A_566] {strides = array<i32>} : memref<80xi32, #tpu.memory_space<vmem>>, vector<16xi32>,
        %swap3A_568 = vector.shape_cast %swap3A_567 : vector<16xi32> to vector<16xi32>
        %swap3A_569 = vector.shape_cast %get3A_542 : vector<16xi32> to vector<16xi32>
        tpu.vector_store %arg16[%swap3A_566], %swap3A_569 {strides = array<i32>} : memref<80xi32, #tpu.memory_space<vmem>>, vector<16xi32>,
        %dma_start3A_570 = arith.constant 0 : i32
        %dma_start3A_571 = arith.constant 0 : i32
        %dma_start3A_572 = tpu.memref_slice %arg2[%dma_start3A_570, %dma_start3A_571] : memref<40000x128xf32, #tpu.memory_space<hbm>> -> memref<40000x128xf32, #tpu.memory_space<hbm>>
        tpu.enqueue_indirect_dma source(%dma_start3A_572 : memref<40000x128xf32, #tpu.memory_space<hbm>>) target(%arg18 : memref<80x128xf32, #tpu.memory_space<vmem>>) offsets(%arg13 : memref<80xi32, #tpu.memory_space<vmem>>) semaphore(%arg21 : memref<!tpu.dma_semaphore, #tpu.memory_space<semaphore_mem>>)
        %dma_start3A_573 = arith.constant 0 : i32
        %dma_start3A_574 = arith.constant 0 : i32
        %dma_start3A_575 = tpu.memref_slice %arg3[%dma_start3A_573, %dma_start3A_574] : memref<40000x256xf32, #tpu.memory_space<hbm>> -> memref<40000x256xf32, #tpu.memory_space<hbm>>
        tpu.enqueue_indirect_dma source(%dma_start3A_575 : memref<40000x256xf32, #tpu.memory_space<hbm>>) target(%arg19 : memref<80x256xf32, #tpu.memory_space<vmem>>) offsets(%arg14 : memref<80xi32, #tpu.memory_space<vmem>>) semaphore(%arg22 : memref<!tpu.dma_semaphore, #tpu.memory_space<semaphore_mem>>)
        %dma_start3A_576 = arith.constant 0 : i32
        %dma_start3A_577 = arith.constant 0 : i32
        %dma_start3A_578 = tpu.memref_slice %arg8[%dma_start3A_576, %dma_start3A_577] : memref<10240x128xf32, #tpu.memory_space<vmem_shared>> -> memref<10240x128xf32, #tpu.memory_space<vmem_shared>>
        tpu.enqueue_indirect_dma source(%arg17 : memref<80x128xf32, #tpu.memory_space<vmem>>) target(%dma_start3A_578 : memref<10240x128xf32, #tpu.memory_space<vmem_shared>>) offsets(%arg15 : memref<80xi32, #tpu.memory_space<vmem>>) semaphore(%arg23 : memref<!tpu.dma_semaphore, #tpu.memory_space<semaphore_mem>>) {add = true}
        %add3A_579 = arith.constant 1 : i32
        %add3A_580 = arith.addi %mul3A_346, %add3A_579 : i32
        %add3A_581 = arith.constant 2 : i32
        %add3A_582 = arith.addi %mul3A_346, %add3A_581 : i32
        %dma_wait3A_583 = arith.constant 0 : i32
        %dma_wait3A_584 = arith.constant 0 : i32
        %dma_wait3A_585 = tpu.memref_slice %arg3[%dma_wait3A_583, %dma_wait3A_584] : memref<40000x256xf32, #tpu.memory_space<hbm>> -> memref<40000x256xf32, #tpu.memory_space<hbm>>
        tpu.wait_indirect_dma semaphore(%arg22 : memref<!tpu.dma_semaphore, #tpu.memory_space<semaphore_mem>>) src(%dma_wait3A_585 : memref<40000x256xf32, #tpu.memory_space<hbm>>) dst(%arg19 : memref<80x256xf32, #tpu.memory_space<vmem>>)
        %dma_wait3A_586 = arith.constant 0 : i32
        %dma_wait3A_587 = arith.constant 0 : i32
        %dma_wait3A_588 = tpu.memref_slice %arg2[%dma_wait3A_586, %dma_wait3A_587] : memref<40000x128xf32, #tpu.memory_space<hbm>> -> memref<40000x128xf32, #tpu.memory_space<hbm>>
        tpu.wait_indirect_dma semaphore(%arg21 : memref<!tpu.dma_semaphore, #tpu.memory_space<semaphore_mem>>) src(%dma_wait3A_588 : memref<40000x128xf32, #tpu.memory_space<hbm>>) dst(%arg18 : memref<80x128xf32, #tpu.memory_space<vmem>>)
        %scan3A_589 = arith.constant 0 : i32
        %scan3A_590 = arith.constant 0 : i32
        %scan3A_591 = arith.constant 80 : i32
        %scan3A_592 = arith.addi %scan3A_590, %scan3A_591 : i32
        %scan3A_593 = arith.constant 2 : i32
        %scan3A_594 = scf.for %scan3A_814 = %scan3A_590 to %scan3A_592 step %scan3A_593 iter_args(%scan3A_815 = %scan3A_589) -> (i32)  : i32 {
          %get3A_816 = arith.index_cast %scan3A_814 : i32 to index
          %get3A_817 = arith.constant 0 : index
          %get3A_818 = tpu.vector_load %arg18[%get3A_816, %get3A_817] {strides = array<i32>} : memref<80x128xf32, #tpu.memory_space<vmem>>, vector<1x16xf32>,
          %get3A_819 = vector.shape_cast %get3A_818 : vector<1x16xf32> to vector<16xf32>
          %get3A_820 = arith.index_cast %scan3A_814 : i32 to index
          %get3A_821 = arith.constant 0 : index
          %get3A_822 = tpu.vector_load %arg19[%get3A_820, %get3A_821] {strides = array<i32>} : memref<80x256xf32, #tpu.memory_space<vmem>>, vector<1x16xf32>,
          %get3A_823 = vector.shape_cast %get3A_822 : vector<1x16xf32> to vector<16xf32>
          %get3A_824 = arith.index_cast %scan3A_814 : i32 to index
          %get3A_825 = arith.constant 128 : index
          %get3A_826 = tpu.vector_load %arg19[%get3A_824, %get3A_825] {strides = array<i32>} : memref<80x256xf32, #tpu.memory_space<vmem>>, vector<1x16xf32>,
          %get3A_827 = vector.shape_cast %get3A_826 : vector<1x16xf32> to vector<16xf32>
          %mul3A_828 = arith.mulf %get3A_827, %get3A_819 : vector<16xf32>
          %add3A_829 = arith.addf %mul3A_828, %get3A_823 : vector<16xf32>
          %max3A = arith.constant 0.000000e+00 : f32
          %max3A_830 = vector.broadcast %max3A : f32 to vector<16xf32>
          %max3A_831 = arith.maximumf %add3A_829, %max3A_830 : vector<16xf32>
          %swap3A_832 = arith.index_cast %scan3A_814 : i32 to index
          %swap3A_833 = arith.constant 0 : index
          %swap3A_834 = tpu.vector_load %arg18[%swap3A_832, %swap3A_833] {strides = array<i32>} : memref<80x128xf32, #tpu.memory_space<vmem>>, vector<1x16xf32>,
          %swap3A_835 = vector.shape_cast %swap3A_834 : vector<1x16xf32> to vector<16xf32>
          %swap3A_836 = vector.shape_cast %max3A_831 : vector<16xf32> to vector<1x16xf32>
          tpu.vector_store %arg18[%swap3A_832, %swap3A_833], %swap3A_836 {strides = array<i32>} : memref<80x128xf32, #tpu.memory_space<vmem>>, vector<1x16xf32>,
          %get3A_837 = arith.index_cast %scan3A_814 : i32 to index
          %get3A_838 = arith.constant 16 : index
          %get3A_839 = tpu.vector_load %arg18[%get3A_837, %get3A_838] {strides = array<i32>} : memref<80x128xf32, #tpu.memory_space<vmem>>, vector<1x16xf32>,
          %get3A_840 = vector.shape_cast %get3A_839 : vector<1x16xf32> to vector<16xf32>
          %get3A_841 = arith.index_cast %scan3A_814 : i32 to index
          %get3A_842 = arith.constant 16 : index
          %get3A_843 = tpu.vector_load %arg19[%get3A_841, %get3A_842] {strides = array<i32>} : memref<80x256xf32, #tpu.memory_space<vmem>>, vector<1x16xf32>,
          %get3A_844 = vector.shape_cast %get3A_843 : vector<1x16xf32> to vector<16xf32>
          %get3A_845 = arith.index_cast %scan3A_814 : i32 to index
          %get3A_846 = arith.constant 144 : index
          %get3A_847 = tpu.vector_load %arg19[%get3A_845, %get3A_846] {strides = array<i32>} : memref<80x256xf32, #tpu.memory_space<vmem>>, vector<1x16xf32>,
          %get3A_848 = vector.shape_cast %get3A_847 : vector<1x16xf32> to vector<16xf32>
          %mul3A_849 = arith.mulf %get3A_848, %get3A_840 : vector<16xf32>
          %add3A_850 = arith.addf %mul3A_849, %get3A_844 : vector<16xf32>
          %max3A_851 = arith.constant 0.000000e+00 : f32
          %max3A_852 = vector.broadcast %max3A_851 : f32 to vector<16xf32>
          %max3A_853 = arith.maximumf %add3A_850, %max3A_852 : vector<16xf32>
          %swap3A_854 = arith.index_cast %scan3A_814 : i32 to index
          %swap3A_855 = arith.constant 16 : index
          %swap3A_856 = tpu.vector_load %arg18[%swap3A_854, %swap3A_855] {strides = array<i32>} : memref<80x128xf32, #tpu.memory_space<vmem>>, vector<1x16xf32>,
          %swap3A_857 = vector.shape_cast %swap3A_856 : vector<1x16xf32> to vector<16xf32>
          %swap3A_858 = vector.shape_cast %max3A_853 : vector<16xf32> to vector<1x16xf32>
          tpu.vector_store %arg18[%swap3A_854, %swap3A_855], %swap3A_858 {strides = array<i32>} : memref<80x128xf32, #tpu.memory_space<vmem>>, vector<1x16xf32>,
          %get3A_859 = arith.index_cast %scan3A_814 : i32 to index
          %get3A_860 = arith.constant 32 : index
          %get3A_861 = tpu.vector_load %arg18[%get3A_859, %get3A_860] {strides = array<i32>} : memref<80x128xf32, #tpu.memory_space<vmem>>, vector<1x16xf32>,
          %get3A_862 = vector.shape_cast %get3A_861 : vector<1x16xf32> to vector<16xf32>
          %get3A_863 = arith.index_cast %scan3A_814 : i32 to index
          %get3A_864 = arith.constant 32 : index
          %get3A_865 = tpu.vector_load %arg19[%get3A_863, %get3A_864] {strides = array<i32>} : memref<80x256xf32, #tpu.memory_space<vmem>>, vector<1x16xf32>,
          %get3A_866 = vector.shape_cast %get3A_865 : vector<1x16xf32> to vector<16xf32>
          %get3A_867 = arith.index_cast %scan3A_814 : i32 to index
          %get3A_868 = arith.constant 160 : index
          %get3A_869 = tpu.vector_load %arg19[%get3A_867, %get3A_868] {strides = array<i32>} : memref<80x256xf32, #tpu.memory_space<vmem>>, vector<1x16xf32>,
          %get3A_870 = vector.shape_cast %get3A_869 : vector<1x16xf32> to vector<16xf32>
          %mul3A_871 = arith.mulf %get3A_870, %get3A_862 : vector<16xf32>
          %add3A_872 = arith.addf %mul3A_871, %get3A_866 : vector<16xf32>
          %max3A_873 = arith.constant 0.000000e+00 : f32
          %max3A_874 = vector.broadcast %max3A_873 : f32 to vector<16xf32>
          %max3A_875 = arith.maximumf %add3A_872, %max3A_874 : vector<16xf32>
          %swap3A_876 = arith.index_cast %scan3A_814 : i32 to index
          %swap3A_877 = arith.constant 32 : index
          %swap3A_878 = tpu.vector_load %arg18[%swap3A_876, %swap3A_877] {strides = array<i32>} : memref<80x128xf32, #tpu.memory_space<vmem>>, vector<1x16xf32>,
          %swap3A_879 = vector.shape_cast %swap3A_878 : vector<1x16xf32> to vector<16xf32>
          %swap3A_880 = vector.shape_cast %max3A_875 : vector<16xf32> to vector<1x16xf32>
          tpu.vector_store %arg18[%swap3A_876, %swap3A_877], %swap3A_880 {strides = array<i32>} : memref<80x128xf32, #tpu.memory_space<vmem>>, vector<1x16xf32>,
          %get3A_881 = arith.index_cast %scan3A_814 : i32 to index
          %get3A_882 = arith.constant 48 : index
          %get3A_883 = tpu.vector_load %arg18[%get3A_881, %get3A_882] {strides = array<i32>} : memref<80x128xf32, #tpu.memory_space<vmem>>, vector<1x16xf32>,
          %get3A_884 = vector.shape_cast %get3A_883 : vector<1x16xf32> to vector<16xf32>
          %get3A_885 = arith.index_cast %scan3A_814 : i32 to index
          %get3A_886 = arith.constant 48 : index
          %get3A_887 = tpu.vector_load %arg19[%get3A_885, %get3A_886] {strides = array<i32>} : memref<80x256xf32, #tpu.memory_space<vmem>>, vector<1x16xf32>,
          %get3A_888 = vector.shape_cast %get3A_887 : vector<1x16xf32> to vector<16xf32>
          %get3A_889 = arith.index_cast %scan3A_814 : i32 to index
          %get3A_890 = arith.constant 176 : index
          %get3A_891 = tpu.vector_load %arg19[%get3A_889, %get3A_890] {strides = array<i32>} : memref<80x256xf32, #tpu.memory_space<vmem>>, vector<1x16xf32>,
          %get3A_892 = vector.shape_cast %get3A_891 : vector<1x16xf32> to vector<16xf32>
          %mul3A_893 = arith.mulf %get3A_892, %get3A_884 : vector<16xf32>
          %add3A_894 = arith.addf %mul3A_893, %get3A_888 : vector<16xf32>
          %max3A_895 = arith.constant 0.000000e+00 : f32
          %max3A_896 = vector.broadcast %max3A_895 : f32 to vector<16xf32>
          %max3A_897 = arith.maximumf %add3A_894, %max3A_896 : vector<16xf32>
          %swap3A_898 = arith.index_cast %scan3A_814 : i32 to index
          %swap3A_899 = arith.constant 48 : index
          %swap3A_900 = tpu.vector_load %arg18[%swap3A_898, %swap3A_899] {strides = array<i32>} : memref<80x128xf32, #tpu.memory_space<vmem>>, vector<1x16xf32>,
          %swap3A_901 = vector.shape_cast %swap3A_900 : vector<1x16xf32> to vector<16xf32>
          %swap3A_902 = vector.shape_cast %max3A_897 : vector<16xf32> to vector<1x16xf32>
          tpu.vector_store %arg18[%swap3A_898, %swap3A_899], %swap3A_902 {strides = array<i32>} : memref<80x128xf32, #tpu.memory_space<vmem>>, vector<1x16xf32>,
          %get3A_903 = arith.index_cast %scan3A_814 : i32 to index
          %get3A_904 = arith.constant 64 : index
          %get3A_905 = tpu.vector_load %arg18[%get3A_903, %get3A_904] {strides = array<i32>} : memref<80x128xf32, #tpu.memory_space<vmem>>, vector<1x16xf32>,
          %get3A_906 = vector.shape_cast %get3A_905 : vector<1x16xf32> to vector<16xf32>
          %get3A_907 = arith.index_cast %scan3A_814 : i32 to index
          %get3A_908 = arith.constant 64 : index
          %get3A_909 = tpu.vector_load %arg19[%get3A_907, %get3A_908] {strides = array<i32>} : memref<80x256xf32, #tpu.memory_space<vmem>>, vector<1x16xf32>,
          %get3A_910 = vector.shape_cast %get3A_909 : vector<1x16xf32> to vector<16xf32>
          %get3A_911 = arith.index_cast %scan3A_814 : i32 to index
          %get3A_912 = arith.constant 192 : index
          %get3A_913 = tpu.vector_load %arg19[%get3A_911, %get3A_912] {strides = array<i32>} : memref<80x256xf32, #tpu.memory_space<vmem>>, vector<1x16xf32>,
          %get3A_914 = vector.shape_cast %get3A_913 : vector<1x16xf32> to vector<16xf32>
          %mul3A_915 = arith.mulf %get3A_914, %get3A_906 : vector<16xf32>
          %add3A_916 = arith.addf %mul3A_915, %get3A_910 : vector<16xf32>
          %max3A_917 = arith.constant 0.000000e+00 : f32
          %max3A_918 = vector.broadcast %max3A_917 : f32 to vector<16xf32>
          %max3A_919 = arith.maximumf %add3A_916, %max3A_918 : vector<16xf32>
          %swap3A_920 = arith.index_cast %scan3A_814 : i32 to index
          %swap3A_921 = arith.constant 64 : index
          %swap3A_922 = tpu.vector_load %arg18[%swap3A_920, %swap3A_921] {strides = array<i32>} : memref<80x128xf32, #tpu.memory_space<vmem>>, vector<1x16xf32>,
          %swap3A_923 = vector.shape_cast %swap3A_922 : vector<1x16xf32> to vector<16xf32>
          %swap3A_924 = vector.shape_cast %max3A_919 : vector<16xf32> to vector<1x16xf32>
          tpu.vector_store %arg18[%swap3A_920, %swap3A_921], %swap3A_924 {strides = array<i32>} : memref<80x128xf32, #tpu.memory_space<vmem>>, vector<1x16xf32>,
          %get3A_925 = arith.index_cast %scan3A_814 : i32 to index
          %get3A_926 = arith.constant 80 : index
          %get3A_927 = tpu.vector_load %arg18[%get3A_925, %get3A_926] {strides = array<i32>} : memref<80x128xf32, #tpu.memory_space<vmem>>, vector<1x16xf32>,
          %get3A_928 = vector.shape_cast %get3A_927 : vector<1x16xf32> to vector<16xf32>
          %get3A_929 = arith.index_cast %scan3A_814 : i32 to index
          %get3A_930 = arith.constant 80 : index
          %get3A_931 = tpu.vector_load %arg19[%get3A_929, %get3A_930] {strides = array<i32>} : memref<80x256xf32, #tpu.memory_space<vmem>>, vector<1x16xf32>,
          %get3A_932 = vector.shape_cast %get3A_931 : vector<1x16xf32> to vector<16xf32>
          %get3A_933 = arith.index_cast %scan3A_814 : i32 to index
          %get3A_934 = arith.constant 208 : index
          %get3A_935 = tpu.vector_load %arg19[%get3A_933, %get3A_934] {strides = array<i32>} : memref<80x256xf32, #tpu.memory_space<vmem>>, vector<1x16xf32>,
          %get3A_936 = vector.shape_cast %get3A_935 : vector<1x16xf32> to vector<16xf32>
          %mul3A_937 = arith.mulf %get3A_936, %get3A_928 : vector<16xf32>
          %add3A_938 = arith.addf %mul3A_937, %get3A_932 : vector<16xf32>
          %max3A_939 = arith.constant 0.000000e+00 : f32
          %max3A_940 = vector.broadcast %max3A_939 : f32 to vector<16xf32>
          %max3A_941 = arith.maximumf %add3A_938, %max3A_940 : vector<16xf32>
          %swap3A_942 = arith.index_cast %scan3A_814 : i32 to index
          %swap3A_943 = arith.constant 80 : index
          %swap3A_944 = tpu.vector_load %arg18[%swap3A_942, %swap3A_943] {strides = array<i32>} : memref<80x128xf32, #tpu.memory_space<vmem>>, vector<1x16xf32>,
          %swap3A_945 = vector.shape_cast %swap3A_944 : vector<1x16xf32> to vector<16xf32>
          %swap3A_946 = vector.shape_cast %max3A_941 : vector<16xf32> to vector<1x16xf32>
          tpu.vector_store %arg18[%swap3A_942, %swap3A_943], %swap3A_946 {strides = array<i32>} : memref<80x128xf32, #tpu.memory_space<vmem>>, vector<1x16xf32>,
          %get3A_947 = arith.index_cast %scan3A_814 : i32 to index
          %get3A_948 = arith.constant 96 : index
          %get3A_949 = tpu.vector_load %arg18[%get3A_947, %get3A_948] {strides = array<i32>} : memref<80x128xf32, #tpu.memory_space<vmem>>, vector<1x16xf32>,
          %get3A_950 = vector.shape_cast %get3A_949 : vector<1x16xf32> to vector<16xf32>
          %get3A_951 = arith.index_cast %scan3A_814 : i32 to index
          %get3A_952 = arith.constant 96 : index
          %get3A_953 = tpu.vector_load %arg19[%get3A_951, %get3A_952] {strides = array<i32>} : memref<80x256xf32, #tpu.memory_space<vmem>>, vector<1x16xf32>,
          %get3A_954 = vector.shape_cast %get3A_953 : vector<1x16xf32> to vector<16xf32>
          %get3A_955 = arith.index_cast %scan3A_814 : i32 to index
          %get3A_956 = arith.constant 224 : index
          %get3A_957 = tpu.vector_load %arg19[%get3A_955, %get3A_956] {strides = array<i32>} : memref<80x256xf32, #tpu.memory_space<vmem>>, vector<1x16xf32>,
          %get3A_958 = vector.shape_cast %get3A_957 : vector<1x16xf32> to vector<16xf32>
          %mul3A_959 = arith.mulf %get3A_958, %get3A_950 : vector<16xf32>
          %add3A_960 = arith.addf %mul3A_959, %get3A_954 : vector<16xf32>
          %max3A_961 = arith.constant 0.000000e+00 : f32
          %max3A_962 = vector.broadcast %max3A_961 : f32 to vector<16xf32>
          %max3A_963 = arith.maximumf %add3A_960, %max3A_962 : vector<16xf32>
          %swap3A_964 = arith.index_cast %scan3A_814 : i32 to index
          %swap3A_965 = arith.constant 96 : index
          %swap3A_966 = tpu.vector_load %arg18[%swap3A_964, %swap3A_965] {strides = array<i32>} : memref<80x128xf32, #tpu.memory_space<vmem>>, vector<1x16xf32>,
          %swap3A_967 = vector.shape_cast %swap3A_966 : vector<1x16xf32> to vector<16xf32>
          %swap3A_968 = vector.shape_cast %max3A_963 : vector<16xf32> to vector<1x16xf32>
          tpu.vector_store %arg18[%swap3A_964, %swap3A_965], %swap3A_968 {strides = array<i32>} : memref<80x128xf32, #tpu.memory_space<vmem>>, vector<1x16xf32>,
          %get3A_969 = arith.index_cast %scan3A_814 : i32 to index
          %get3A_970 = arith.constant 112 : index
          %get3A_971 = tpu.vector_load %arg18[%get3A_969, %get3A_970] {strides = array<i32>} : memref<80x128xf32, #tpu.memory_space<vmem>>, vector<1x16xf32>,
          %get3A_972 = vector.shape_cast %get3A_971 : vector<1x16xf32> to vector<16xf32>
          %get3A_973 = arith.index_cast %scan3A_814 : i32 to index
          %get3A_974 = arith.constant 112 : index
          %get3A_975 = tpu.vector_load %arg19[%get3A_973, %get3A_974] {strides = array<i32>} : memref<80x256xf32, #tpu.memory_space<vmem>>, vector<1x16xf32>,
          %get3A_976 = vector.shape_cast %get3A_975 : vector<1x16xf32> to vector<16xf32>
          %get3A_977 = arith.index_cast %scan3A_814 : i32 to index
          %get3A_978 = arith.constant 240 : index
          %get3A_979 = tpu.vector_load %arg19[%get3A_977, %get3A_978] {strides = array<i32>} : memref<80x256xf32, #tpu.memory_space<vmem>>, vector<1x16xf32>,
          %get3A_980 = vector.shape_cast %get3A_979 : vector<1x16xf32> to vector<16xf32>
          %mul3A_981 = arith.mulf %get3A_980, %get3A_972 : vector<16xf32>
          %add3A_982 = arith.addf %mul3A_981, %get3A_976 : vector<16xf32>
          %max3A_983 = arith.constant 0.000000e+00 : f32
          %max3A_984 = vector.broadcast %max3A_983 : f32 to vector<16xf32>
          %max3A_985 = arith.maximumf %add3A_982, %max3A_984 : vector<16xf32>
          %swap3A_986 = arith.index_cast %scan3A_814 : i32 to index
          %swap3A_987 = arith.constant 112 : index
          %swap3A_988 = tpu.vector_load %arg18[%swap3A_986, %swap3A_987] {strides = array<i32>} : memref<80x128xf32, #tpu.memory_space<vmem>>, vector<1x16xf32>,
          %swap3A_989 = vector.shape_cast %swap3A_988 : vector<1x16xf32> to vector<16xf32>
          %swap3A_990 = vector.shape_cast %max3A_985 : vector<16xf32> to vector<1x16xf32>
          tpu.vector_store %arg18[%swap3A_986, %swap3A_987], %swap3A_990 {strides = array<i32>} : memref<80x128xf32, #tpu.memory_space<vmem>>, vector<1x16xf32>,
          %scan3A_991 = arith.constant 0 : i32
          %scan3A_992 = arith.constant 1 : i32
          %scan3A_993 = arith.addi %scan3A_814, %scan3A_992 : i32
          %get3A_994 = arith.index_cast %scan3A_993 : i32 to index
          %get3A_995 = arith.constant 0 : index
          %get3A_996 = tpu.vector_load %arg18[%get3A_994, %get3A_995] {strides = array<i32>} : memref<80x128xf32, #tpu.memory_space<vmem>>, vector<1x16xf32>,
          %get3A_997 = vector.shape_cast %get3A_996 : vector<1x16xf32> to vector<16xf32>
          %get3A_998 = arith.index_cast %scan3A_993 : i32 to index
          %get3A_999 = arith.constant 0 : index
          %get3A_1000 = tpu.vector_load %arg19[%get3A_998, %get3A_999] {strides = array<i32>} : memref<80x256xf32, #tpu.memory_space<vmem>>, vector<1x16xf32>,
          %get3A_1001 = vector.shape_cast %get3A_1000 : vector<1x16xf32> to vector<16xf32>
          %get3A_1002 = arith.index_cast %scan3A_993 : i32 to index
          %get3A_1003 = arith.constant 128 : index
          %get3A_1004 = tpu.vector_load %arg19[%get3A_1002, %get3A_1003] {strides = array<i32>} : memref<80x256xf32, #tpu.memory_space<vmem>>, vector<1x16xf32>,
          %get3A_1005 = vector.shape_cast %get3A_1004 : vector<1x16xf32> to vector<16xf32>
          %mul3A_1006 = arith.mulf %get3A_1005, %get3A_997 : vector<16xf32>
          %add3A_1007 = arith.addf %mul3A_1006, %get3A_1001 : vector<16xf32>
          %max3A_1008 = arith.constant 0.000000e+00 : f32
          %max3A_1009 = vector.broadcast %max3A_1008 : f32 to vector<16xf32>
          %max3A_1010 = arith.maximumf %add3A_1007, %max3A_1009 : vector<16xf32>
          %swap3A_1011 = arith.index_cast %scan3A_993 : i32 to index
          %swap3A_1012 = arith.constant 0 : index
          %swap3A_1013 = tpu.vector_load %arg18[%swap3A_1011, %swap3A_1012] {strides = array<i32>} : memref<80x128xf32, #tpu.memory_space<vmem>>, vector<1x16xf32>,
          %swap3A_1014 = vector.shape_cast %swap3A_1013 : vector<1x16xf32> to vector<16xf32>
          %swap3A_1015 = vector.shape_cast %max3A_1010 : vector<16xf32> to vector<1x16xf32>
          tpu.vector_store %arg18[%swap3A_1011, %swap3A_1012], %swap3A_1015 {strides = array<i32>} : memref<80x128xf32, #tpu.memory_space<vmem>>, vector<1x16xf32>,
          %get3A_1016 = arith.index_cast %scan3A_993 : i32 to index
          %get3A_1017 = arith.constant 16 : index
          %get3A_1018 = tpu.vector_load %arg18[%get3A_1016, %get3A_1017] {strides = array<i32>} : memref<80x128xf32, #tpu.memory_space<vmem>>, vector<1x16xf32>,
          %get3A_1019 = vector.shape_cast %get3A_1018 : vector<1x16xf32> to vector<16xf32>
          %get3A_1020 = arith.index_cast %scan3A_993 : i32 to index
          %get3A_1021 = arith.constant 16 : index
          %get3A_1022 = tpu.vector_load %arg19[%get3A_1020, %get3A_1021] {strides = array<i32>} : memref<80x256xf32, #tpu.memory_space<vmem>>, vector<1x16xf32>,
          %get3A_1023 = vector.shape_cast %get3A_1022 : vector<1x16xf32> to vector<16xf32>
          %get3A_1024 = arith.index_cast %scan3A_993 : i32 to index
          %get3A_1025 = arith.constant 144 : index
          %get3A_1026 = tpu.vector_load %arg19[%get3A_1024, %get3A_1025] {strides = array<i32>} : memref<80x256xf32, #tpu.memory_space<vmem>>, vector<1x16xf32>,
          %get3A_1027 = vector.shape_cast %get3A_1026 : vector<1x16xf32> to vector<16xf32>
          %mul3A_1028 = arith.mulf %get3A_1027, %get3A_1019 : vector<16xf32>
          %add3A_1029 = arith.addf %mul3A_1028, %get3A_1023 : vector<16xf32>
          %max3A_1030 = arith.constant 0.000000e+00 : f32
          %max3A_1031 = vector.broadcast %max3A_1030 : f32 to vector<16xf32>
          %max3A_1032 = arith.maximumf %add3A_1029, %max3A_1031 : vector<16xf32>
          %swap3A_1033 = arith.index_cast %scan3A_993 : i32 to index
          %swap3A_1034 = arith.constant 16 : index
          %swap3A_1035 = tpu.vector_load %arg18[%swap3A_1033, %swap3A_1034] {strides = array<i32>} : memref<80x128xf32, #tpu.memory_space<vmem>>, vector<1x16xf32>,
          %swap3A_1036 = vector.shape_cast %swap3A_1035 : vector<1x16xf32> to vector<16xf32>
          %swap3A_1037 = vector.shape_cast %max3A_1032 : vector<16xf32> to vector<1x16xf32>
          tpu.vector_store %arg18[%swap3A_1033, %swap3A_1034], %swap3A_1037 {strides = array<i32>} : memref<80x128xf32, #tpu.memory_space<vmem>>, vector<1x16xf32>,
          %get3A_1038 = arith.index_cast %scan3A_993 : i32 to index
          %get3A_1039 = arith.constant 32 : index
          %get3A_1040 = tpu.vector_load %arg18[%get3A_1038, %get3A_1039] {strides = array<i32>} : memref<80x128xf32, #tpu.memory_space<vmem>>, vector<1x16xf32>,
          %get3A_1041 = vector.shape_cast %get3A_1040 : vector<1x16xf32> to vector<16xf32>
          %get3A_1042 = arith.index_cast %scan3A_993 : i32 to index
          %get3A_1043 = arith.constant 32 : index
          %get3A_1044 = tpu.vector_load %arg19[%get3A_1042, %get3A_1043] {strides = array<i32>} : memref<80x256xf32, #tpu.memory_space<vmem>>, vector<1x16xf32>,
          %get3A_1045 = vector.shape_cast %get3A_1044 : vector<1x16xf32> to vector<16xf32>
          %get3A_1046 = arith.index_cast %scan3A_993 : i32 to index
          %get3A_1047 = arith.constant 160 : index
          %get3A_1048 = tpu.vector_load %arg19[%get3A_1046, %get3A_1047] {strides = array<i32>} : memref<80x256xf32, #tpu.memory_space<vmem>>, vector<1x16xf32>,
          %get3A_1049 = vector.shape_cast %get3A_1048 : vector<1x16xf32> to vector<16xf32>
          %mul3A_1050 = arith.mulf %get3A_1049, %get3A_1041 : vector<16xf32>
          %add3A_1051 = arith.addf %mul3A_1050, %get3A_1045 : vector<16xf32>
          %max3A_1052 = arith.constant 0.000000e+00 : f32
          %max3A_1053 = vector.broadcast %max3A_1052 : f32 to vector<16xf32>
          %max3A_1054 = arith.maximumf %add3A_1051, %max3A_1053 : vector<16xf32>
          %swap3A_1055 = arith.index_cast %scan3A_993 : i32 to index
          %swap3A_1056 = arith.constant 32 : index
          %swap3A_1057 = tpu.vector_load %arg18[%swap3A_1055, %swap3A_1056] {strides = array<i32>} : memref<80x128xf32, #tpu.memory_space<vmem>>, vector<1x16xf32>,
          %swap3A_1058 = vector.shape_cast %swap3A_1057 : vector<1x16xf32> to vector<16xf32>
          %swap3A_1059 = vector.shape_cast %max3A_1054 : vector<16xf32> to vector<1x16xf32>
          tpu.vector_store %arg18[%swap3A_1055, %swap3A_1056], %swap3A_1059 {strides = array<i32>} : memref<80x128xf32, #tpu.memory_space<vmem>>, vector<1x16xf32>,
          %get3A_1060 = arith.index_cast %scan3A_993 : i32 to index
          %get3A_1061 = arith.constant 48 : index
          %get3A_1062 = tpu.vector_load %arg18[%get3A_1060, %get3A_1061] {strides = array<i32>} : memref<80x128xf32, #tpu.memory_space<vmem>>, vector<1x16xf32>,
          %get3A_1063 = vector.shape_cast %get3A_1062 : vector<1x16xf32> to vector<16xf32>
          %get3A_1064 = arith.index_cast %scan3A_993 : i32 to index
          %get3A_1065 = arith.constant 48 : index
          %get3A_1066 = tpu.vector_load %arg19[%get3A_1064, %get3A_1065] {strides = array<i32>} : memref<80x256xf32, #tpu.memory_space<vmem>>, vector<1x16xf32>,
          %get3A_1067 = vector.shape_cast %get3A_1066 : vector<1x16xf32> to vector<16xf32>
          %get3A_1068 = arith.index_cast %scan3A_993 : i32 to index
          %get3A_1069 = arith.constant 176 : index
          %get3A_1070 = tpu.vector_load %arg19[%get3A_1068, %get3A_1069] {strides = array<i32>} : memref<80x256xf32, #tpu.memory_space<vmem>>, vector<1x16xf32>,
          %get3A_1071 = vector.shape_cast %get3A_1070 : vector<1x16xf32> to vector<16xf32>
          %mul3A_1072 = arith.mulf %get3A_1071, %get3A_1063 : vector<16xf32>
          %add3A_1073 = arith.addf %mul3A_1072, %get3A_1067 : vector<16xf32>
          %max3A_1074 = arith.constant 0.000000e+00 : f32
          %max3A_1075 = vector.broadcast %max3A_1074 : f32 to vector<16xf32>
          %max3A_1076 = arith.maximumf %add3A_1073, %max3A_1075 : vector<16xf32>
          %swap3A_1077 = arith.index_cast %scan3A_993 : i32 to index
          %swap3A_1078 = arith.constant 48 : index
          %swap3A_1079 = tpu.vector_load %arg18[%swap3A_1077, %swap3A_1078] {strides = array<i32>} : memref<80x128xf32, #tpu.memory_space<vmem>>, vector<1x16xf32>,
          %swap3A_1080 = vector.shape_cast %swap3A_1079 : vector<1x16xf32> to vector<16xf32>
          %swap3A_1081 = vector.shape_cast %max3A_1076 : vector<16xf32> to vector<1x16xf32>
          tpu.vector_store %arg18[%swap3A_1077, %swap3A_1078], %swap3A_1081 {strides = array<i32>} : memref<80x128xf32, #tpu.memory_space<vmem>>, vector<1x16xf32>,
          %get3A_1082 = arith.index_cast %scan3A_993 : i32 to index
          %get3A_1083 = arith.constant 64 : index
          %get3A_1084 = tpu.vector_load %arg18[%get3A_1082, %get3A_1083] {strides = array<i32>} : memref<80x128xf32, #tpu.memory_space<vmem>>, vector<1x16xf32>,
          %get3A_1085 = vector.shape_cast %get3A_1084 : vector<1x16xf32> to vector<16xf32>
          %get3A_1086 = arith.index_cast %scan3A_993 : i32 to index
          %get3A_1087 = arith.constant 64 : index
          %get3A_1088 = tpu.vector_load %arg19[%get3A_1086, %get3A_1087] {strides = array<i32>} : memref<80x256xf32, #tpu.memory_space<vmem>>, vector<1x16xf32>,
          %get3A_1089 = vector.shape_cast %get3A_1088 : vector<1x16xf32> to vector<16xf32>
          %get3A_1090 = arith.index_cast %scan3A_993 : i32 to index
          %get3A_1091 = arith.constant 192 : index
          %get3A_1092 = tpu.vector_load %arg19[%get3A_1090, %get3A_1091] {strides = array<i32>} : memref<80x256xf32, #tpu.memory_space<vmem>>, vector<1x16xf32>,
          %get3A_1093 = vector.shape_cast %get3A_1092 : vector<1x16xf32> to vector<16xf32>
          %mul3A_1094 = arith.mulf %get3A_1093, %get3A_1085 : vector<16xf32>
          %add3A_1095 = arith.addf %mul3A_1094, %get3A_1089 : vector<16xf32>
          %max3A_1096 = arith.constant 0.000000e+00 : f32
          %max3A_1097 = vector.broadcast %max3A_1096 : f32 to vector<16xf32>
          %max3A_1098 = arith.maximumf %add3A_1095, %max3A_1097 : vector<16xf32>
          %swap3A_1099 = arith.index_cast %scan3A_993 : i32 to index
          %swap3A_1100 = arith.constant 64 : index
          %swap3A_1101 = tpu.vector_load %arg18[%swap3A_1099, %swap3A_1100] {strides = array<i32>} : memref<80x128xf32, #tpu.memory_space<vmem>>, vector<1x16xf32>,
          %swap3A_1102 = vector.shape_cast %swap3A_1101 : vector<1x16xf32> to vector<16xf32>
          %swap3A_1103 = vector.shape_cast %max3A_1098 : vector<16xf32> to vector<1x16xf32>
          tpu.vector_store %arg18[%swap3A_1099, %swap3A_1100], %swap3A_1103 {strides = array<i32>} : memref<80x128xf32, #tpu.memory_space<vmem>>, vector<1x16xf32>,
          %get3A_1104 = arith.index_cast %scan3A_993 : i32 to index
          %get3A_1105 = arith.constant 80 : index
          %get3A_1106 = tpu.vector_load %arg18[%get3A_1104, %get3A_1105] {strides = array<i32>} : memref<80x128xf32, #tpu.memory_space<vmem>>, vector<1x16xf32>,
          %get3A_1107 = vector.shape_cast %get3A_1106 : vector<1x16xf32> to vector<16xf32>
          %get3A_1108 = arith.index_cast %scan3A_993 : i32 to index
          %get3A_1109 = arith.constant 80 : index
          %get3A_1110 = tpu.vector_load %arg19[%get3A_1108, %get3A_1109] {strides = array<i32>} : memref<80x256xf32, #tpu.memory_space<vmem>>, vector<1x16xf32>,
          %get3A_1111 = vector.shape_cast %get3A_1110 : vector<1x16xf32> to vector<16xf32>
          %get3A_1112 = arith.index_cast %scan3A_993 : i32 to index
          %get3A_1113 = arith.constant 208 : index
          %get3A_1114 = tpu.vector_load %arg19[%get3A_1112, %get3A_1113] {strides = array<i32>} : memref<80x256xf32, #tpu.memory_space<vmem>>, vector<1x16xf32>,
          %get3A_1115 = vector.shape_cast %get3A_1114 : vector<1x16xf32> to vector<16xf32>
          %mul3A_1116 = arith.mulf %get3A_1115, %get3A_1107 : vector<16xf32>
          %add3A_1117 = arith.addf %mul3A_1116, %get3A_1111 : vector<16xf32>
          %max3A_1118 = arith.constant 0.000000e+00 : f32
          %max3A_1119 = vector.broadcast %max3A_1118 : f32 to vector<16xf32>
          %max3A_1120 = arith.maximumf %add3A_1117, %max3A_1119 : vector<16xf32>
          %swap3A_1121 = arith.index_cast %scan3A_993 : i32 to index
          %swap3A_1122 = arith.constant 80 : index
          %swap3A_1123 = tpu.vector_load %arg18[%swap3A_1121, %swap3A_1122] {strides = array<i32>} : memref<80x128xf32, #tpu.memory_space<vmem>>, vector<1x16xf32>,
          %swap3A_1124 = vector.shape_cast %swap3A_1123 : vector<1x16xf32> to vector<16xf32>
          %swap3A_1125 = vector.shape_cast %max3A_1120 : vector<16xf32> to vector<1x16xf32>
          tpu.vector_store %arg18[%swap3A_1121, %swap3A_1122], %swap3A_1125 {strides = array<i32>} : memref<80x128xf32, #tpu.memory_space<vmem>>, vector<1x16xf32>,
          %get3A_1126 = arith.index_cast %scan3A_993 : i32 to index
          %get3A_1127 = arith.constant 96 : index
          %get3A_1128 = tpu.vector_load %arg18[%get3A_1126, %get3A_1127] {strides = array<i32>} : memref<80x128xf32, #tpu.memory_space<vmem>>, vector<1x16xf32>,
          %get3A_1129 = vector.shape_cast %get3A_1128 : vector<1x16xf32> to vector<16xf32>
          %get3A_1130 = arith.index_cast %scan3A_993 : i32 to index
          %get3A_1131 = arith.constant 96 : index
          %get3A_1132 = tpu.vector_load %arg19[%get3A_1130, %get3A_1131] {strides = array<i32>} : memref<80x256xf32, #tpu.memory_space<vmem>>, vector<1x16xf32>,
          %get3A_1133 = vector.shape_cast %get3A_1132 : vector<1x16xf32> to vector<16xf32>
          %get3A_1134 = arith.index_cast %scan3A_993 : i32 to index
          %get3A_1135 = arith.constant 224 : index
          %get3A_1136 = tpu.vector_load %arg19[%get3A_1134, %get3A_1135] {strides = array<i32>} : memref<80x256xf32, #tpu.memory_space<vmem>>, vector<1x16xf32>,
          %get3A_1137 = vector.shape_cast %get3A_1136 : vector<1x16xf32> to vector<16xf32>
          %mul3A_1138 = arith.mulf %get3A_1137, %get3A_1129 : vector<16xf32>
          %add3A_1139 = arith.addf %mul3A_1138, %get3A_1133 : vector<16xf32>
          %max3A_1140 = arith.constant 0.000000e+00 : f32
          %max3A_1141 = vector.broadcast %max3A_1140 : f32 to vector<16xf32>
          %max3A_1142 = arith.maximumf %add3A_1139, %max3A_1141 : vector<16xf32>
          %swap3A_1143 = arith.index_cast %scan3A_993 : i32 to index
          %swap3A_1144 = arith.constant 96 : index
          %swap3A_1145 = tpu.vector_load %arg18[%swap3A_1143, %swap3A_1144] {strides = array<i32>} : memref<80x128xf32, #tpu.memory_space<vmem>>, vector<1x16xf32>,
          %swap3A_1146 = vector.shape_cast %swap3A_1145 : vector<1x16xf32> to vector<16xf32>
          %swap3A_1147 = vector.shape_cast %max3A_1142 : vector<16xf32> to vector<1x16xf32>
          tpu.vector_store %arg18[%swap3A_1143, %swap3A_1144], %swap3A_1147 {strides = array<i32>} : memref<80x128xf32, #tpu.memory_space<vmem>>, vector<1x16xf32>,
          %get3A_1148 = arith.index_cast %scan3A_993 : i32 to index
          %get3A_1149 = arith.constant 112 : index
          %get3A_1150 = tpu.vector_load %arg18[%get3A_1148, %get3A_1149] {strides = array<i32>} : memref<80x128xf32, #tpu.memory_space<vmem>>, vector<1x16xf32>,
          %get3A_1151 = vector.shape_cast %get3A_1150 : vector<1x16xf32> to vector<16xf32>
          %get3A_1152 = arith.index_cast %scan3A_993 : i32 to index
          %get3A_1153 = arith.constant 112 : index
          %get3A_1154 = tpu.vector_load %arg19[%get3A_1152, %get3A_1153] {strides = array<i32>} : memref<80x256xf32, #tpu.memory_space<vmem>>, vector<1x16xf32>,
          %get3A_1155 = vector.shape_cast %get3A_1154 : vector<1x16xf32> to vector<16xf32>
          %get3A_1156 = arith.index_cast %scan3A_993 : i32 to index
          %get3A_1157 = arith.constant 240 : index
          %get3A_1158 = tpu.vector_load %arg19[%get3A_1156, %get3A_1157] {strides = array<i32>} : memref<80x256xf32, #tpu.memory_space<vmem>>, vector<1x16xf32>,
          %get3A_1159 = vector.shape_cast %get3A_1158 : vector<1x16xf32> to vector<16xf32>
          %mul3A_1160 = arith.mulf %get3A_1159, %get3A_1151 : vector<16xf32>
          %add3A_1161 = arith.addf %mul3A_1160, %get3A_1155 : vector<16xf32>
          %max3A_1162 = arith.constant 0.000000e+00 : f32
          %max3A_1163 = vector.broadcast %max3A_1162 : f32 to vector<16xf32>
          %max3A_1164 = arith.maximumf %add3A_1161, %max3A_1163 : vector<16xf32>
          %swap3A_1165 = arith.index_cast %scan3A_993 : i32 to index
          %swap3A_1166 = arith.constant 112 : index
          %swap3A_1167 = tpu.vector_load %arg18[%swap3A_1165, %swap3A_1166] {strides = array<i32>} : memref<80x128xf32, #tpu.memory_space<vmem>>, vector<1x16xf32>,
          %swap3A_1168 = vector.shape_cast %swap3A_1167 : vector<1x16xf32> to vector<16xf32>
          %swap3A_1169 = vector.shape_cast %max3A_1164 : vector<16xf32> to vector<1x16xf32>
          tpu.vector_store %arg18[%swap3A_1165, %swap3A_1166], %swap3A_1169 {strides = array<i32>} : memref<80x128xf32, #tpu.memory_space<vmem>>, vector<1x16xf32>,
          %scan3A_1170 = arith.constant 0 : i32
          scf.yield %scan3A_1170 : i32
        }
        %scan3A_595 = arith.constant 80 : i32
        %dma_wait3A_596 = arith.constant 0 : i32
        %dma_wait3A_597 = arith.constant 0 : i32
        %dma_wait3A_598 = tpu.memref_slice %arg8[%dma_wait3A_596, %dma_wait3A_597] : memref<10240x128xf32, #tpu.memory_space<vmem_shared>> -> memref<10240x128xf32, #tpu.memory_space<vmem_shared>>
        tpu.wait_indirect_dma semaphore(%arg23 : memref<!tpu.dma_semaphore, #tpu.memory_space<semaphore_mem>>) src(%arg17 : memref<80x128xf32, #tpu.memory_space<vmem>>) dst(%dma_wait3A_598 : memref<10240x128xf32, #tpu.memory_space<vmem_shared>>)
        %mul3A_599 = arith.constant 80 : i32
        %mul3A_600 = arith.muli %add3A_582, %mul3A_599 : i32
        %add3A_601 = arith.constant 0 : i32
        %add3A_602 = arith.addi %mul3A_600, %add3A_601 : i32
        %get3A_603 = arith.index_cast %add3A_602 : i32 to index
        %get3A_604 = tpu.vector_load %arg9[%get3A_603] {strides = array<i32>} : memref<2000xi32, #tpu.memory_space<vmem>>, vector<16xi32>,
        %get3A_605 = vector.shape_cast %get3A_604 : vector<16xi32> to vector<16xi32>
        %mul3A_606 = arith.constant 80 : i32
        %mul3A_607 = arith.muli %add3A_582, %mul3A_606 : i32
        %add3A_608 = arith.constant 0 : i32
        %add3A_609 = arith.addi %mul3A_607, %add3A_608 : i32
        %get3A_610 = arith.index_cast %add3A_609 : i32 to index
        %get3A_611 = tpu.vector_load %arg10[%get3A_610] {strides = array<i32>} : memref<2000xi32, #tpu.memory_space<vmem>>, vector<16xi32>,
        %get3A_612 = vector.shape_cast %get3A_611 : vector<16xi32> to vector<16xi32>
        %mul3A_613 = arith.constant 80 : i32
        %mul3A_614 = arith.muli %add3A_582, %mul3A_613 : i32
        %add3A_615 = arith.constant 0 : i32
        %add3A_616 = arith.addi %mul3A_614, %add3A_615 : i32
        %get3A_617 = arith.index_cast %add3A_616 : i32 to index
        %get3A_618 = tpu.vector_load %arg11[%get3A_617] {strides = array<i32>} : memref<2000xi32, #tpu.memory_space<vmem>>, vector<16xi32>,
        %get3A_619 = vector.shape_cast %get3A_618 : vector<16xi32> to vector<16xi32>
        %mul3A_620 = arith.constant 10000 : i32
        %mul3A_621 = vector.broadcast %mul3A_620 : i32 to vector<16xi32>
        %mul3A_622 = arith.muli %get3A_619, %mul3A_621 : vector<16xi32>
        %add3A_623 = arith.addi %mul3A_622, %get3A_605 : vector<16xi32>
        %swap3A_624 = arith.constant 0 : index
        %swap3A_625 = tpu.vector_load %arg12[%swap3A_624] {strides = array<i32>} : memref<80xi32, #tpu.memory_space<vmem>>, vector<16xi32>,
        %swap3A_626 = vector.shape_cast %swap3A_625 : vector<16xi32> to vector<16xi32>
        %swap3A_627 = vector.shape_cast %add3A_623 : vector<16xi32> to vector<16xi32>
        tpu.vector_store %arg12[%swap3A_624], %swap3A_627 {strides = array<i32>} : memref<80xi32, #tpu.memory_space<vmem>>, vector<16xi32>,
        %mul3A_628 = arith.constant 10000 : i32
        %mul3A_629 = vector.broadcast %mul3A_628 : i32 to vector<16xi32>
        %mul3A_630 = arith.muli %get3A_619, %mul3A_629 : vector<16xi32>
        %add3A_631 = arith.addi %mul3A_630, %get3A_612 : vector<16xi32>
        %swap3A_632 = arith.constant 0 : index
        %swap3A_633 = tpu.vector_load %arg14[%swap3A_632] {strides = array<i32>} : memref<80xi32, #tpu.memory_space<vmem>>, vector<16xi32>,
        %swap3A_634 = vector.shape_cast %swap3A_633 : vector<16xi32> to vector<16xi32>
        %swap3A_635 = vector.shape_cast %add3A_631 : vector<16xi32> to vector<16xi32>
        tpu.vector_store %arg14[%swap3A_632], %swap3A_635 {strides = array<i32>} : memref<80xi32, #tpu.memory_space<vmem>>, vector<16xi32>,
        %swap3A_636 = arith.constant 0 : index
        %swap3A_637 = tpu.vector_load %arg15[%swap3A_636] {strides = array<i32>} : memref<80xi32, #tpu.memory_space<vmem>>, vector<16xi32>,
        %swap3A_638 = vector.shape_cast %swap3A_637 : vector<16xi32> to vector<16xi32>
        %swap3A_639 = vector.shape_cast %get3A_612 : vector<16xi32> to vector<16xi32>
        tpu.vector_store %arg15[%swap3A_636], %swap3A_639 {strides = array<i32>} : memref<80xi32, #tpu.memory_space<vmem>>, vector<16xi32>,
        %mul3A_640 = arith.constant 80 : i32
        %mul3A_641 = arith.muli %add3A_582, %mul3A_640 : i32
        %add3A_642 = arith.constant 16 : i32
        %add3A_643 = arith.addi %mul3A_641, %add3A_642 : i32
        %get3A_644 = arith.index_cast %add3A_643 : i32 to index
        %get3A_645 = tpu.vector_load %arg9[%get3A_644] {strides = array<i32>} : memref<2000xi32, #tpu.memory_space<vmem>>, vector<16xi32>,
        %get3A_646 = vector.shape_cast %get3A_645 : vector<16xi32> to vector<16xi32>
        %mul3A_647 = arith.constant 80 : i32
        %mul3A_648 = arith.muli %add3A_582, %mul3A_647 : i32
        %add3A_649 = arith.constant 16 : i32
        %add3A_650 = arith.addi %mul3A_648, %add3A_649 : i32
        %get3A_651 = arith.index_cast %add3A_650 : i32 to index
        %get3A_652 = tpu.vector_load %arg10[%get3A_651] {strides = array<i32>} : memref<2000xi32, #tpu.memory_space<vmem>>, vector<16xi32>,
        %get3A_653 = vector.shape_cast %get3A_652 : vector<16xi32> to vector<16xi32>
        %mul3A_654 = arith.constant 80 : i32
        %mul3A_655 = arith.muli %add3A_582, %mul3A_654 : i32
        %add3A_656 = arith.constant 16 : i32
        %add3A_657 = arith.addi %mul3A_655, %add3A_656 : i32
        %get3A_658 = arith.index_cast %add3A_657 : i32 to index
        %get3A_659 = tpu.vector_load %arg11[%get3A_658] {strides = array<i32>} : memref<2000xi32, #tpu.memory_space<vmem>>, vector<16xi32>,
        %get3A_660 = vector.shape_cast %get3A_659 : vector<16xi32> to vector<16xi32>
        %mul3A_661 = arith.constant 10000 : i32
        %mul3A_662 = vector.broadcast %mul3A_661 : i32 to vector<16xi32>
        %mul3A_663 = arith.muli %get3A_660, %mul3A_662 : vector<16xi32>
        %add3A_664 = arith.addi %mul3A_663, %get3A_646 : vector<16xi32>
        %swap3A_665 = arith.constant 16 : index
        %swap3A_666 = tpu.vector_load %arg12[%swap3A_665] {strides = array<i32>} : memref<80xi32, #tpu.memory_space<vmem>>, vector<16xi32>,
        %swap3A_667 = vector.shape_cast %swap3A_666 : vector<16xi32> to vector<16xi32>
        %swap3A_668 = vector.shape_cast %add3A_664 : vector<16xi32> to vector<16xi32>
        tpu.vector_store %arg12[%swap3A_665], %swap3A_668 {strides = array<i32>} : memref<80xi32, #tpu.memory_space<vmem>>, vector<16xi32>,
        %mul3A_669 = arith.constant 10000 : i32
        %mul3A_670 = vector.broadcast %mul3A_669 : i32 to vector<16xi32>
        %mul3A_671 = arith.muli %get3A_660, %mul3A_670 : vector<16xi32>
        %add3A_672 = arith.addi %mul3A_671, %get3A_653 : vector<16xi32>
        %swap3A_673 = arith.constant 16 : index
        %swap3A_674 = tpu.vector_load %arg14[%swap3A_673] {strides = array<i32>} : memref<80xi32, #tpu.memory_space<vmem>>, vector<16xi32>,
        %swap3A_675 = vector.shape_cast %swap3A_674 : vector<16xi32> to vector<16xi32>
        %swap3A_676 = vector.shape_cast %add3A_672 : vector<16xi32> to vector<16xi32>
        tpu.vector_store %arg14[%swap3A_673], %swap3A_676 {strides = array<i32>} : memref<80xi32, #tpu.memory_space<vmem>>, vector<16xi32>,
        %swap3A_677 = arith.constant 16 : index
        %swap3A_678 = tpu.vector_load %arg15[%swap3A_677] {strides = array<i32>} : memref<80xi32, #tpu.memory_space<vmem>>, vector<16xi32>,
        %swap3A_679 = vector.shape_cast %swap3A_678 : vector<16xi32> to vector<16xi32>
        %swap3A_680 = vector.shape_cast %get3A_653 : vector<16xi32> to vector<16xi32>
        tpu.vector_store %arg15[%swap3A_677], %swap3A_680 {strides = array<i32>} : memref<80xi32, #tpu.memory_space<vmem>>, vector<16xi32>,
        %mul3A_681 = arith.constant 80 : i32
        %mul3A_682 = arith.muli %add3A_582, %mul3A_681 : i32
        %add3A_683 = arith.constant 32 : i32
        %add3A_684 = arith.addi %mul3A_682, %add3A_683 : i32
        %get3A_685 = arith.index_cast %add3A_684 : i32 to index
        %get3A_686 = tpu.vector_load %arg9[%get3A_685] {strides = array<i32>} : memref<2000xi32, #tpu.memory_space<vmem>>, vector<16xi32>,
        %get3A_687 = vector.shape_cast %get3A_686 : vector<16xi32> to vector<16xi32>
        %mul3A_688 = arith.constant 80 : i32
        %mul3A_689 = arith.muli %add3A_582, %mul3A_688 : i32
        %add3A_690 = arith.constant 32 : i32
        %add3A_691 = arith.addi %mul3A_689, %add3A_690 : i32
        %get3A_692 = arith.index_cast %add3A_691 : i32 to index
        %get3A_693 = tpu.vector_load %arg10[%get3A_692] {strides = array<i32>} : memref<2000xi32, #tpu.memory_space<vmem>>, vector<16xi32>,
        %get3A_694 = vector.shape_cast %get3A_693 : vector<16xi32> to vector<16xi32>
        %mul3A_695 = arith.constant 80 : i32
        %mul3A_696 = arith.muli %add3A_582, %mul3A_695 : i32
        %add3A_697 = arith.constant 32 : i32
        %add3A_698 = arith.addi %mul3A_696, %add3A_697 : i32
        %get3A_699 = arith.index_cast %add3A_698 : i32 to index
        %get3A_700 = tpu.vector_load %arg11[%get3A_699] {strides = array<i32>} : memref<2000xi32, #tpu.memory_space<vmem>>, vector<16xi32>,
        %get3A_701 = vector.shape_cast %get3A_700 : vector<16xi32> to vector<16xi32>
        %mul3A_702 = arith.constant 10000 : i32
        %mul3A_703 = vector.broadcast %mul3A_702 : i32 to vector<16xi32>
        %mul3A_704 = arith.muli %get3A_701, %mul3A_703 : vector<16xi32>
        %add3A_705 = arith.addi %mul3A_704, %get3A_687 : vector<16xi32>
        %swap3A_706 = arith.constant 32 : index
        %swap3A_707 = tpu.vector_load %arg12[%swap3A_706] {strides = array<i32>} : memref<80xi32, #tpu.memory_space<vmem>>, vector<16xi32>,
        %swap3A_708 = vector.shape_cast %swap3A_707 : vector<16xi32> to vector<16xi32>
        %swap3A_709 = vector.shape_cast %add3A_705 : vector<16xi32> to vector<16xi32>
        tpu.vector_store %arg12[%swap3A_706], %swap3A_709 {strides = array<i32>} : memref<80xi32, #tpu.memory_space<vmem>>, vector<16xi32>,
        %mul3A_710 = arith.constant 10000 : i32
        %mul3A_711 = vector.broadcast %mul3A_710 : i32 to vector<16xi32>
        %mul3A_712 = arith.muli %get3A_701, %mul3A_711 : vector<16xi32>
        %add3A_713 = arith.addi %mul3A_712, %get3A_694 : vector<16xi32>
        %swap3A_714 = arith.constant 32 : index
        %swap3A_715 = tpu.vector_load %arg14[%swap3A_714] {strides = array<i32>} : memref<80xi32, #tpu.memory_space<vmem>>, vector<16xi32>,
        %swap3A_716 = vector.shape_cast %swap3A_715 : vector<16xi32> to vector<16xi32>
        %swap3A_717 = vector.shape_cast %add3A_713 : vector<16xi32> to vector<16xi32>
        tpu.vector_store %arg14[%swap3A_714], %swap3A_717 {strides = array<i32>} : memref<80xi32, #tpu.memory_space<vmem>>, vector<16xi32>,
        %swap3A_718 = arith.constant 32 : index
        %swap3A_719 = tpu.vector_load %arg15[%swap3A_718] {strides = array<i32>} : memref<80xi32, #tpu.memory_space<vmem>>, vector<16xi32>,
        %swap3A_720 = vector.shape_cast %swap3A_719 : vector<16xi32> to vector<16xi32>
        %swap3A_721 = vector.shape_cast %get3A_694 : vector<16xi32> to vector<16xi32>
        tpu.vector_store %arg15[%swap3A_718], %swap3A_721 {strides = array<i32>} : memref<80xi32, #tpu.memory_space<vmem>>, vector<16xi32>,
        %mul3A_722 = arith.constant 80 : i32
        %mul3A_723 = arith.muli %add3A_582, %mul3A_722 : i32
        %add3A_724 = arith.constant 48 : i32
        %add3A_725 = arith.addi %mul3A_723, %add3A_724 : i32
        %get3A_726 = arith.index_cast %add3A_725 : i32 to index
        %get3A_727 = tpu.vector_load %arg9[%get3A_726] {strides = array<i32>} : memref<2000xi32, #tpu.memory_space<vmem>>, vector<16xi32>,
        %get3A_728 = vector.shape_cast %get3A_727 : vector<16xi32> to vector<16xi32>
        %mul3A_729 = arith.constant 80 : i32
        %mul3A_730 = arith.muli %add3A_582, %mul3A_729 : i32
        %add3A_731 = arith.constant 48 : i32
        %add3A_732 = arith.addi %mul3A_730, %add3A_731 : i32
        %get3A_733 = arith.index_cast %add3A_732 : i32 to index
        %get3A_734 = tpu.vector_load %arg10[%get3A_733] {strides = array<i32>} : memref<2000xi32, #tpu.memory_space<vmem>>, vector<16xi32>,
        %get3A_735 = vector.shape_cast %get3A_734 : vector<16xi32> to vector<16xi32>
        %mul3A_736 = arith.constant 80 : i32
        %mul3A_737 = arith.muli %add3A_582, %mul3A_736 : i32
        %add3A_738 = arith.constant 48 : i32
        %add3A_739 = arith.addi %mul3A_737, %add3A_738 : i32
        %get3A_740 = arith.index_cast %add3A_739 : i32 to index
        %get3A_741 = tpu.vector_load %arg11[%get3A_740] {strides = array<i32>} : memref<2000xi32, #tpu.memory_space<vmem>>, vector<16xi32>,
        %get3A_742 = vector.shape_cast %get3A_741 : vector<16xi32> to vector<16xi32>
        %mul3A_743 = arith.constant 10000 : i32
        %mul3A_744 = vector.broadcast %mul3A_743 : i32 to vector<16xi32>
        %mul3A_745 = arith.muli %get3A_742, %mul3A_744 : vector<16xi32>
        %add3A_746 = arith.addi %mul3A_745, %get3A_728 : vector<16xi32>
        %swap3A_747 = arith.constant 48 : index
        %swap3A_748 = tpu.vector_load %arg12[%swap3A_747] {strides = array<i32>} : memref<80xi32, #tpu.memory_space<vmem>>, vector<16xi32>,
        %swap3A_749 = vector.shape_cast %swap3A_748 : vector<16xi32> to vector<16xi32>
        %swap3A_750 = vector.shape_cast %add3A_746 : vector<16xi32> to vector<16xi32>
        tpu.vector_store %arg12[%swap3A_747], %swap3A_750 {strides = array<i32>} : memref<80xi32, #tpu.memory_space<vmem>>, vector<16xi32>,
        %mul3A_751 = arith.constant 10000 : i32
        %mul3A_752 = vector.broadcast %mul3A_751 : i32 to vector<16xi32>
        %mul3A_753 = arith.muli %get3A_742, %mul3A_752 : vector<16xi32>
        %add3A_754 = arith.addi %mul3A_753, %get3A_735 : vector<16xi32>
        %swap3A_755 = arith.constant 48 : index
        %swap3A_756 = tpu.vector_load %arg14[%swap3A_755] {strides = array<i32>} : memref<80xi32, #tpu.memory_space<vmem>>, vector<16xi32>,
        %swap3A_757 = vector.shape_cast %swap3A_756 : vector<16xi32> to vector<16xi32>
        %swap3A_758 = vector.shape_cast %add3A_754 : vector<16xi32> to vector<16xi32>
        tpu.vector_store %arg14[%swap3A_755], %swap3A_758 {strides = array<i32>} : memref<80xi32, #tpu.memory_space<vmem>>, vector<16xi32>,
        %swap3A_759 = arith.constant 48 : index
        %swap3A_760 = tpu.vector_load %arg15[%swap3A_759] {strides = array<i32>} : memref<80xi32, #tpu.memory_space<vmem>>, vector<16xi32>,
        %swap3A_761 = vector.shape_cast %swap3A_760 : vector<16xi32> to vector<16xi32>
        %swap3A_762 = vector.shape_cast %get3A_735 : vector<16xi32> to vector<16xi32>
        tpu.vector_store %arg15[%swap3A_759], %swap3A_762 {strides = array<i32>} : memref<80xi32, #tpu.memory_space<vmem>>, vector<16xi32>,
        %mul3A_763 = arith.constant 80 : i32
        %mul3A_764 = arith.muli %add3A_582, %mul3A_763 : i32
        %add3A_765 = arith.constant 64 : i32
        %add3A_766 = arith.addi %mul3A_764, %add3A_765 : i32
        %get3A_767 = arith.index_cast %add3A_766 : i32 to index
        %get3A_768 = tpu.vector_load %arg9[%get3A_767] {strides = array<i32>} : memref<2000xi32, #tpu.memory_space<vmem>>, vector<16xi32>,
        %get3A_769 = vector.shape_cast %get3A_768 : vector<16xi32> to vector<16xi32>
        %mul3A_770 = arith.constant 80 : i32
        %mul3A_771 = arith.muli %add3A_582, %mul3A_770 : i32
        %add3A_772 = arith.constant 64 : i32
        %add3A_773 = arith.addi %mul3A_771, %add3A_772 : i32
        %get3A_774 = arith.index_cast %add3A_773 : i32 to index
        %get3A_775 = tpu.vector_load %arg10[%get3A_774] {strides = array<i32>} : memref<2000xi32, #tpu.memory_space<vmem>>, vector<16xi32>,
        %get3A_776 = vector.shape_cast %get3A_775 : vector<16xi32> to vector<16xi32>
        %mul3A_777 = arith.constant 80 : i32
        %mul3A_778 = arith.muli %add3A_582, %mul3A_777 : i32
        %add3A_779 = arith.constant 64 : i32
        %add3A_780 = arith.addi %mul3A_778, %add3A_779 : i32
        %get3A_781 = arith.index_cast %add3A_780 : i32 to index
        %get3A_782 = tpu.vector_load %arg11[%get3A_781] {strides = array<i32>} : memref<2000xi32, #tpu.memory_space<vmem>>, vector<16xi32>,
        %get3A_783 = vector.shape_cast %get3A_782 : vector<16xi32> to vector<16xi32>
        %mul3A_784 = arith.constant 10000 : i32
        %mul3A_785 = vector.broadcast %mul3A_784 : i32 to vector<16xi32>
        %mul3A_786 = arith.muli %get3A_783, %mul3A_785 : vector<16xi32>
        %add3A_787 = arith.addi %mul3A_786, %get3A_769 : vector<16xi32>
        %swap3A_788 = arith.constant 64 : index
        %swap3A_789 = tpu.vector_load %arg12[%swap3A_788] {strides = array<i32>} : memref<80xi32, #tpu.memory_space<vmem>>, vector<16xi32>,
        %swap3A_790 = vector.shape_cast %swap3A_789 : vector<16xi32> to vector<16xi32>
        %swap3A_791 = vector.shape_cast %add3A_787 : vector<16xi32> to vector<16xi32>
        tpu.vector_store %arg12[%swap3A_788], %swap3A_791 {strides = array<i32>} : memref<80xi32, #tpu.memory_space<vmem>>, vector<16xi32>,
        %mul3A_792 = arith.constant 10000 : i32
        %mul3A_793 = vector.broadcast %mul3A_792 : i32 to vector<16xi32>
        %mul3A_794 = arith.muli %get3A_783, %mul3A_793 : vector<16xi32>
        %add3A_795 = arith.addi %mul3A_794, %get3A_776 : vector<16xi32>
        %swap3A_796 = arith.constant 64 : index
        %swap3A_797 = tpu.vector_load %arg14[%swap3A_796] {strides = array<i32>} : memref<80xi32, #tpu.memory_space<vmem>>, vector<16xi32>,
        %swap3A_798 = vector.shape_cast %swap3A_797 : vector<16xi32> to vector<16xi32>
        %swap3A_799 = vector.shape_cast %add3A_795 : vector<16xi32> to vector<16xi32>
        tpu.vector_store %arg14[%swap3A_796], %swap3A_799 {strides = array<i32>} : memref<80xi32, #tpu.memory_space<vmem>>, vector<16xi32>,
        %swap3A_800 = arith.constant 64 : index
        %swap3A_801 = tpu.vector_load %arg15[%swap3A_800] {strides = array<i32>} : memref<80xi32, #tpu.memory_space<vmem>>, vector<16xi32>,
        %swap3A_802 = vector.shape_cast %swap3A_801 : vector<16xi32> to vector<16xi32>
        %swap3A_803 = vector.shape_cast %get3A_776 : vector<16xi32> to vector<16xi32>
        tpu.vector_store %arg15[%swap3A_800], %swap3A_803 {strides = array<i32>} : memref<80xi32, #tpu.memory_space<vmem>>, vector<16xi32>,
        %dma_start3A_804 = arith.constant 0 : i32
        %dma_start3A_805 = arith.constant 0 : i32
        %dma_start3A_806 = tpu.memref_slice %arg2[%dma_start3A_804, %dma_start3A_805] : memref<40000x128xf32, #tpu.memory_space<hbm>> -> memref<40000x128xf32, #tpu.memory_space<hbm>>
        tpu.enqueue_indirect_dma source(%dma_start3A_806 : memref<40000x128xf32, #tpu.memory_space<hbm>>) target(%arg17 : memref<80x128xf32, #tpu.memory_space<vmem>>) offsets(%arg12 : memref<80xi32, #tpu.memory_space<vmem>>) semaphore(%arg20 : memref<!tpu.dma_semaphore, #tpu.memory_space<semaphore_mem>>)
        %dma_start3A_807 = arith.constant 0 : i32
        %dma_start3A_808 = arith.constant 0 : i32
        %dma_start3A_809 = tpu.memref_slice %arg3[%dma_start3A_807, %dma_start3A_808] : memref<40000x256xf32, #tpu.memory_space<hbm>> -> memref<40000x256xf32, #tpu.memory_space<hbm>>
        tpu.enqueue_indirect_dma source(%dma_start3A_809 : memref<40000x256xf32, #tpu.memory_space<hbm>>) target(%arg19 : memref<80x256xf32, #tpu.memory_space<vmem>>) offsets(%arg14 : memref<80xi32, #tpu.memory_space<vmem>>) semaphore(%arg22 : memref<!tpu.dma_semaphore, #tpu.memory_space<semaphore_mem>>)
        %dma_start3A_810 = arith.constant 0 : i32
        %dma_start3A_811 = arith.constant 0 : i32
        %dma_start3A_812 = tpu.memref_slice %arg8[%dma_start3A_810, %dma_start3A_811] : memref<10240x128xf32, #tpu.memory_space<vmem_shared>> -> memref<10240x128xf32, #tpu.memory_space<vmem_shared>>
        tpu.enqueue_indirect_dma source(%arg18 : memref<80x128xf32, #tpu.memory_space<vmem>>) target(%dma_start3A_812 : memref<10240x128xf32, #tpu.memory_space<vmem_shared>>) offsets(%arg16 : memref<80xi32, #tpu.memory_space<vmem>>) semaphore(%arg24 : memref<!tpu.dma_semaphore, #tpu.memory_space<semaphore_mem>>) {add = true}
        %scan3A_813 = arith.constant 0 : i32
        scf.yield %scan3A_813 : i32
      }
      %scan3A_320 = arith.constant 12 : i32
      %dma_wait3A = arith.constant 0 : i32
      %dma_wait3A_321 = arith.constant 0 : i32
      %dma_wait3A_322 = tpu.memref_slice %arg3[%dma_wait3A, %dma_wait3A_321] : memref<40000x256xf32, #tpu.memory_space<hbm>> -> memref<40000x256xf32, #tpu.memory_space<hbm>>
      tpu.wait_indirect_dma semaphore(%arg22 : memref<!tpu.dma_semaphore, #tpu.memory_space<semaphore_mem>>) src(%dma_wait3A_322 : memref<40000x256xf32, #tpu.memory_space<hbm>>) dst(%arg19 : memref<80x256xf32, #tpu.memory_space<vmem>>)
      %dma_wait3A_323 = arith.constant 0 : i32
      %dma_wait3A_324 = arith.constant 0 : i32
      %dma_wait3A_325 = tpu.memref_slice %arg2[%dma_wait3A_323, %dma_wait3A_324] : memref<40000x128xf32, #tpu.memory_space<hbm>> -> memref<40000x128xf32, #tpu.memory_space<hbm>>
      tpu.wait_indirect_dma semaphore(%arg20 : memref<!tpu.dma_semaphore, #tpu.memory_space<semaphore_mem>>) src(%dma_wait3A_325 : memref<40000x128xf32, #tpu.memory_space<hbm>>) dst(%arg17 : memref<80x128xf32, #tpu.memory_space<vmem>>)
      %scan3A_326 = arith.constant 0 : i32
      %scan3A_327 = arith.constant 0 : i32
      %scan3A_328 = arith.constant 80 : i32
      %scan3A_329 = arith.addi %scan3A_327, %scan3A_328 : i32
      %scan3A_330 = arith.constant 2 : i32
      %scan3A_331 = scf.for %scan3A_343 = %scan3A_327 to %scan3A_329 step %scan3A_330 iter_args(%scan3A_344 = %scan3A_326) -> (i32)  : i32 {
        %get3A_345 = arith.index_cast %scan3A_343 : i32 to index
        %get3A_346 = arith.constant 0 : index
        %get3A_347 = tpu.vector_load %arg17[%get3A_345, %get3A_346] {strides = array<i32>} : memref<80x128xf32, #tpu.memory_space<vmem>>, vector<1x16xf32>,
        %get3A_348 = vector.shape_cast %get3A_347 : vector<1x16xf32> to vector<16xf32>
        %get3A_349 = arith.index_cast %scan3A_343 : i32 to index
        %get3A_350 = arith.constant 0 : index
        %get3A_351 = tpu.vector_load %arg19[%get3A_349, %get3A_350] {strides = array<i32>} : memref<80x256xf32, #tpu.memory_space<vmem>>, vector<1x16xf32>,
        %get3A_352 = vector.shape_cast %get3A_351 : vector<1x16xf32> to vector<16xf32>
        %get3A_353 = arith.index_cast %scan3A_343 : i32 to index
        %get3A_354 = arith.constant 128 : index
        %get3A_355 = tpu.vector_load %arg19[%get3A_353, %get3A_354] {strides = array<i32>} : memref<80x256xf32, #tpu.memory_space<vmem>>, vector<1x16xf32>,
        %get3A_356 = vector.shape_cast %get3A_355 : vector<1x16xf32> to vector<16xf32>
        %mul3A_357 = arith.mulf %get3A_356, %get3A_348 : vector<16xf32>
        %add3A_358 = arith.addf %mul3A_357, %get3A_352 : vector<16xf32>
        %max3A = arith.constant 0.000000e+00 : f32
        %max3A_359 = vector.broadcast %max3A : f32 to vector<16xf32>
        %max3A_360 = arith.maximumf %add3A_358, %max3A_359 : vector<16xf32>
        %swap3A_361 = arith.index_cast %scan3A_343 : i32 to index
        %swap3A_362 = arith.constant 0 : index
        %swap3A_363 = tpu.vector_load %arg17[%swap3A_361, %swap3A_362] {strides = array<i32>} : memref<80x128xf32, #tpu.memory_space<vmem>>, vector<1x16xf32>,
        %swap3A_364 = vector.shape_cast %swap3A_363 : vector<1x16xf32> to vector<16xf32>
        %swap3A_365 = vector.shape_cast %max3A_360 : vector<16xf32> to vector<1x16xf32>
        tpu.vector_store %arg17[%swap3A_361, %swap3A_362], %swap3A_365 {strides = array<i32>} : memref<80x128xf32, #tpu.memory_space<vmem>>, vector<1x16xf32>,
        %get3A_366 = arith.index_cast %scan3A_343 : i32 to index
        %get3A_367 = arith.constant 16 : index
        %get3A_368 = tpu.vector_load %arg17[%get3A_366, %get3A_367] {strides = array<i32>} : memref<80x128xf32, #tpu.memory_space<vmem>>, vector<1x16xf32>,
        %get3A_369 = vector.shape_cast %get3A_368 : vector<1x16xf32> to vector<16xf32>
        %get3A_370 = arith.index_cast %scan3A_343 : i32 to index
        %get3A_371 = arith.constant 16 : index
        %get3A_372 = tpu.vector_load %arg19[%get3A_370, %get3A_371] {strides = array<i32>} : memref<80x256xf32, #tpu.memory_space<vmem>>, vector<1x16xf32>,
        %get3A_373 = vector.shape_cast %get3A_372 : vector<1x16xf32> to vector<16xf32>
        %get3A_374 = arith.index_cast %scan3A_343 : i32 to index
        %get3A_375 = arith.constant 144 : index
        %get3A_376 = tpu.vector_load %arg19[%get3A_374, %get3A_375] {strides = array<i32>} : memref<80x256xf32, #tpu.memory_space<vmem>>, vector<1x16xf32>,
        %get3A_377 = vector.shape_cast %get3A_376 : vector<1x16xf32> to vector<16xf32>
        %mul3A_378 = arith.mulf %get3A_377, %get3A_369 : vector<16xf32>
        %add3A_379 = arith.addf %mul3A_378, %get3A_373 : vector<16xf32>
        %max3A_380 = arith.constant 0.000000e+00 : f32
        %max3A_381 = vector.broadcast %max3A_380 : f32 to vector<16xf32>
        %max3A_382 = arith.maximumf %add3A_379, %max3A_381 : vector<16xf32>
        %swap3A_383 = arith.index_cast %scan3A_343 : i32 to index
        %swap3A_384 = arith.constant 16 : index
        %swap3A_385 = tpu.vector_load %arg17[%swap3A_383, %swap3A_384] {strides = array<i32>} : memref<80x128xf32, #tpu.memory_space<vmem>>, vector<1x16xf32>,
        %swap3A_386 = vector.shape_cast %swap3A_385 : vector<1x16xf32> to vector<16xf32>
        %swap3A_387 = vector.shape_cast %max3A_382 : vector<16xf32> to vector<1x16xf32>
        tpu.vector_store %arg17[%swap3A_383, %swap3A_384], %swap3A_387 {strides = array<i32>} : memref<80x128xf32, #tpu.memory_space<vmem>>, vector<1x16xf32>,
        %get3A_388 = arith.index_cast %scan3A_343 : i32 to index
        %get3A_389 = arith.constant 32 : index
        %get3A_390 = tpu.vector_load %arg17[%get3A_388, %get3A_389] {strides = array<i32>} : memref<80x128xf32, #tpu.memory_space<vmem>>, vector<1x16xf32>,
        %get3A_391 = vector.shape_cast %get3A_390 : vector<1x16xf32> to vector<16xf32>
        %get3A_392 = arith.index_cast %scan3A_343 : i32 to index
        %get3A_393 = arith.constant 32 : index
        %get3A_394 = tpu.vector_load %arg19[%get3A_392, %get3A_393] {strides = array<i32>} : memref<80x256xf32, #tpu.memory_space<vmem>>, vector<1x16xf32>,
        %get3A_395 = vector.shape_cast %get3A_394 : vector<1x16xf32> to vector<16xf32>
        %get3A_396 = arith.index_cast %scan3A_343 : i32 to index
        %get3A_397 = arith.constant 160 : index
        %get3A_398 = tpu.vector_load %arg19[%get3A_396, %get3A_397] {strides = array<i32>} : memref<80x256xf32, #tpu.memory_space<vmem>>, vector<1x16xf32>,
        %get3A_399 = vector.shape_cast %get3A_398 : vector<1x16xf32> to vector<16xf32>
        %mul3A_400 = arith.mulf %get3A_399, %get3A_391 : vector<16xf32>
        %add3A_401 = arith.addf %mul3A_400, %get3A_395 : vector<16xf32>
        %max3A_402 = arith.constant 0.000000e+00 : f32
        %max3A_403 = vector.broadcast %max3A_402 : f32 to vector<16xf32>
        %max3A_404 = arith.maximumf %add3A_401, %max3A_403 : vector<16xf32>
        %swap3A_405 = arith.index_cast %scan3A_343 : i32 to index
        %swap3A_406 = arith.constant 32 : index
        %swap3A_407 = tpu.vector_load %arg17[%swap3A_405, %swap3A_406] {strides = array<i32>} : memref<80x128xf32, #tpu.memory_space<vmem>>, vector<1x16xf32>,
        %swap3A_408 = vector.shape_cast %swap3A_407 : vector<1x16xf32> to vector<16xf32>
        %swap3A_409 = vector.shape_cast %max3A_404 : vector<16xf32> to vector<1x16xf32>
        tpu.vector_store %arg17[%swap3A_405, %swap3A_406], %swap3A_409 {strides = array<i32>} : memref<80x128xf32, #tpu.memory_space<vmem>>, vector<1x16xf32>,
        %get3A_410 = arith.index_cast %scan3A_343 : i32 to index
        %get3A_411 = arith.constant 48 : index
        %get3A_412 = tpu.vector_load %arg17[%get3A_410, %get3A_411] {strides = array<i32>} : memref<80x128xf32, #tpu.memory_space<vmem>>, vector<1x16xf32>,
        %get3A_413 = vector.shape_cast %get3A_412 : vector<1x16xf32> to vector<16xf32>
        %get3A_414 = arith.index_cast %scan3A_343 : i32 to index
        %get3A_415 = arith.constant 48 : index
        %get3A_416 = tpu.vector_load %arg19[%get3A_414, %get3A_415] {strides = array<i32>} : memref<80x256xf32, #tpu.memory_space<vmem>>, vector<1x16xf32>,
        %get3A_417 = vector.shape_cast %get3A_416 : vector<1x16xf32> to vector<16xf32>
        %get3A_418 = arith.index_cast %scan3A_343 : i32 to index
        %get3A_419 = arith.constant 176 : index
        %get3A_420 = tpu.vector_load %arg19[%get3A_418, %get3A_419] {strides = array<i32>} : memref<80x256xf32, #tpu.memory_space<vmem>>, vector<1x16xf32>,
        %get3A_421 = vector.shape_cast %get3A_420 : vector<1x16xf32> to vector<16xf32>
        %mul3A_422 = arith.mulf %get3A_421, %get3A_413 : vector<16xf32>
        %add3A_423 = arith.addf %mul3A_422, %get3A_417 : vector<16xf32>
        %max3A_424 = arith.constant 0.000000e+00 : f32
        %max3A_425 = vector.broadcast %max3A_424 : f32 to vector<16xf32>
        %max3A_426 = arith.maximumf %add3A_423, %max3A_425 : vector<16xf32>
        %swap3A_427 = arith.index_cast %scan3A_343 : i32 to index
        %swap3A_428 = arith.constant 48 : index
        %swap3A_429 = tpu.vector_load %arg17[%swap3A_427, %swap3A_428] {strides = array<i32>} : memref<80x128xf32, #tpu.memory_space<vmem>>, vector<1x16xf32>,
        %swap3A_430 = vector.shape_cast %swap3A_429 : vector<1x16xf32> to vector<16xf32>
        %swap3A_431 = vector.shape_cast %max3A_426 : vector<16xf32> to vector<1x16xf32>
        tpu.vector_store %arg17[%swap3A_427, %swap3A_428], %swap3A_431 {strides = array<i32>} : memref<80x128xf32, #tpu.memory_space<vmem>>, vector<1x16xf32>,
        %get3A_432 = arith.index_cast %scan3A_343 : i32 to index
        %get3A_433 = arith.constant 64 : index
        %get3A_434 = tpu.vector_load %arg17[%get3A_432, %get3A_433] {strides = array<i32>} : memref<80x128xf32, #tpu.memory_space<vmem>>, vector<1x16xf32>,
        %get3A_435 = vector.shape_cast %get3A_434 : vector<1x16xf32> to vector<16xf32>
        %get3A_436 = arith.index_cast %scan3A_343 : i32 to index
        %get3A_437 = arith.constant 64 : index
        %get3A_438 = tpu.vector_load %arg19[%get3A_436, %get3A_437] {strides = array<i32>} : memref<80x256xf32, #tpu.memory_space<vmem>>, vector<1x16xf32>,
        %get3A_439 = vector.shape_cast %get3A_438 : vector<1x16xf32> to vector<16xf32>
        %get3A_440 = arith.index_cast %scan3A_343 : i32 to index
        %get3A_441 = arith.constant 192 : index
        %get3A_442 = tpu.vector_load %arg19[%get3A_440, %get3A_441] {strides = array<i32>} : memref<80x256xf32, #tpu.memory_space<vmem>>, vector<1x16xf32>,
        %get3A_443 = vector.shape_cast %get3A_442 : vector<1x16xf32> to vector<16xf32>
        %mul3A_444 = arith.mulf %get3A_443, %get3A_435 : vector<16xf32>
        %add3A_445 = arith.addf %mul3A_444, %get3A_439 : vector<16xf32>
        %max3A_446 = arith.constant 0.000000e+00 : f32
        %max3A_447 = vector.broadcast %max3A_446 : f32 to vector<16xf32>
        %max3A_448 = arith.maximumf %add3A_445, %max3A_447 : vector<16xf32>
        %swap3A_449 = arith.index_cast %scan3A_343 : i32 to index
        %swap3A_450 = arith.constant 64 : index
        %swap3A_451 = tpu.vector_load %arg17[%swap3A_449, %swap3A_450] {strides = array<i32>} : memref<80x128xf32, #tpu.memory_space<vmem>>, vector<1x16xf32>,
        %swap3A_452 = vector.shape_cast %swap3A_451 : vector<1x16xf32> to vector<16xf32>
        %swap3A_453 = vector.shape_cast %max3A_448 : vector<16xf32> to vector<1x16xf32>
        tpu.vector_store %arg17[%swap3A_449, %swap3A_450], %swap3A_453 {strides = array<i32>} : memref<80x128xf32, #tpu.memory_space<vmem>>, vector<1x16xf32>,
        %get3A_454 = arith.index_cast %scan3A_343 : i32 to index
        %get3A_455 = arith.constant 80 : index
        %get3A_456 = tpu.vector_load %arg17[%get3A_454, %get3A_455] {strides = array<i32>} : memref<80x128xf32, #tpu.memory_space<vmem>>, vector<1x16xf32>,
        %get3A_457 = vector.shape_cast %get3A_456 : vector<1x16xf32> to vector<16xf32>
        %get3A_458 = arith.index_cast %scan3A_343 : i32 to index
        %get3A_459 = arith.constant 80 : index
        %get3A_460 = tpu.vector_load %arg19[%get3A_458, %get3A_459] {strides = array<i32>} : memref<80x256xf32, #tpu.memory_space<vmem>>, vector<1x16xf32>,
        %get3A_461 = vector.shape_cast %get3A_460 : vector<1x16xf32> to vector<16xf32>
        %get3A_462 = arith.index_cast %scan3A_343 : i32 to index
        %get3A_463 = arith.constant 208 : index
        %get3A_464 = tpu.vector_load %arg19[%get3A_462, %get3A_463] {strides = array<i32>} : memref<80x256xf32, #tpu.memory_space<vmem>>, vector<1x16xf32>,
        %get3A_465 = vector.shape_cast %get3A_464 : vector<1x16xf32> to vector<16xf32>
        %mul3A_466 = arith.mulf %get3A_465, %get3A_457 : vector<16xf32>
        %add3A_467 = arith.addf %mul3A_466, %get3A_461 : vector<16xf32>
        %max3A_468 = arith.constant 0.000000e+00 : f32
        %max3A_469 = vector.broadcast %max3A_468 : f32 to vector<16xf32>
        %max3A_470 = arith.maximumf %add3A_467, %max3A_469 : vector<16xf32>
        %swap3A_471 = arith.index_cast %scan3A_343 : i32 to index
        %swap3A_472 = arith.constant 80 : index
        %swap3A_473 = tpu.vector_load %arg17[%swap3A_471, %swap3A_472] {strides = array<i32>} : memref<80x128xf32, #tpu.memory_space<vmem>>, vector<1x16xf32>,
        %swap3A_474 = vector.shape_cast %swap3A_473 : vector<1x16xf32> to vector<16xf32>
        %swap3A_475 = vector.shape_cast %max3A_470 : vector<16xf32> to vector<1x16xf32>
        tpu.vector_store %arg17[%swap3A_471, %swap3A_472], %swap3A_475 {strides = array<i32>} : memref<80x128xf32, #tpu.memory_space<vmem>>, vector<1x16xf32>,
        %get3A_476 = arith.index_cast %scan3A_343 : i32 to index
        %get3A_477 = arith.constant 96 : index
        %get3A_478 = tpu.vector_load %arg17[%get3A_476, %get3A_477] {strides = array<i32>} : memref<80x128xf32, #tpu.memory_space<vmem>>, vector<1x16xf32>,
        %get3A_479 = vector.shape_cast %get3A_478 : vector<1x16xf32> to vector<16xf32>
        %get3A_480 = arith.index_cast %scan3A_343 : i32 to index
        %get3A_481 = arith.constant 96 : index
        %get3A_482 = tpu.vector_load %arg19[%get3A_480, %get3A_481] {strides = array<i32>} : memref<80x256xf32, #tpu.memory_space<vmem>>, vector<1x16xf32>,
        %get3A_483 = vector.shape_cast %get3A_482 : vector<1x16xf32> to vector<16xf32>
        %get3A_484 = arith.index_cast %scan3A_343 : i32 to index
        %get3A_485 = arith.constant 224 : index
        %get3A_486 = tpu.vector_load %arg19[%get3A_484, %get3A_485] {strides = array<i32>} : memref<80x256xf32, #tpu.memory_space<vmem>>, vector<1x16xf32>,
        %get3A_487 = vector.shape_cast %get3A_486 : vector<1x16xf32> to vector<16xf32>
        %mul3A_488 = arith.mulf %get3A_487, %get3A_479 : vector<16xf32>
        %add3A_489 = arith.addf %mul3A_488, %get3A_483 : vector<16xf32>
        %max3A_490 = arith.constant 0.000000e+00 : f32
        %max3A_491 = vector.broadcast %max3A_490 : f32 to vector<16xf32>
        %max3A_492 = arith.maximumf %add3A_489, %max3A_491 : vector<16xf32>
        %swap3A_493 = arith.index_cast %scan3A_343 : i32 to index
        %swap3A_494 = arith.constant 96 : index
        %swap3A_495 = tpu.vector_load %arg17[%swap3A_493, %swap3A_494] {strides = array<i32>} : memref<80x128xf32, #tpu.memory_space<vmem>>, vector<1x16xf32>,
        %swap3A_496 = vector.shape_cast %swap3A_495 : vector<1x16xf32> to vector<16xf32>
        %swap3A_497 = vector.shape_cast %max3A_492 : vector<16xf32> to vector<1x16xf32>
        tpu.vector_store %arg17[%swap3A_493, %swap3A_494], %swap3A_497 {strides = array<i32>} : memref<80x128xf32, #tpu.memory_space<vmem>>, vector<1x16xf32>,
        %get3A_498 = arith.index_cast %scan3A_343 : i32 to index
        %get3A_499 = arith.constant 112 : index
        %get3A_500 = tpu.vector_load %arg17[%get3A_498, %get3A_499] {strides = array<i32>} : memref<80x128xf32, #tpu.memory_space<vmem>>, vector<1x16xf32>,
        %get3A_501 = vector.shape_cast %get3A_500 : vector<1x16xf32> to vector<16xf32>
        %get3A_502 = arith.index_cast %scan3A_343 : i32 to index
        %get3A_503 = arith.constant 112 : index
        %get3A_504 = tpu.vector_load %arg19[%get3A_502, %get3A_503] {strides = array<i32>} : memref<80x256xf32, #tpu.memory_space<vmem>>, vector<1x16xf32>,
        %get3A_505 = vector.shape_cast %get3A_504 : vector<1x16xf32> to vector<16xf32>
        %get3A_506 = arith.index_cast %scan3A_343 : i32 to index
        %get3A_507 = arith.constant 240 : index
        %get3A_508 = tpu.vector_load %arg19[%get3A_506, %get3A_507] {strides = array<i32>} : memref<80x256xf32, #tpu.memory_space<vmem>>, vector<1x16xf32>,
        %get3A_509 = vector.shape_cast %get3A_508 : vector<1x16xf32> to vector<16xf32>
        %mul3A_510 = arith.mulf %get3A_509, %get3A_501 : vector<16xf32>
        %add3A_511 = arith.addf %mul3A_510, %get3A_505 : vector<16xf32>
        %max3A_512 = arith.constant 0.000000e+00 : f32
        %max3A_513 = vector.broadcast %max3A_512 : f32 to vector<16xf32>
        %max3A_514 = arith.maximumf %add3A_511, %max3A_513 : vector<16xf32>
        %swap3A_515 = arith.index_cast %scan3A_343 : i32 to index
        %swap3A_516 = arith.constant 112 : index
        %swap3A_517 = tpu.vector_load %arg17[%swap3A_515, %swap3A_516] {strides = array<i32>} : memref<80x128xf32, #tpu.memory_space<vmem>>, vector<1x16xf32>,
        %swap3A_518 = vector.shape_cast %swap3A_517 : vector<1x16xf32> to vector<16xf32>
        %swap3A_519 = vector.shape_cast %max3A_514 : vector<16xf32> to vector<1x16xf32>
        tpu.vector_store %arg17[%swap3A_515, %swap3A_516], %swap3A_519 {strides = array<i32>} : memref<80x128xf32, #tpu.memory_space<vmem>>, vector<1x16xf32>,
        %scan3A_520 = arith.constant 0 : i32
        %scan3A_521 = arith.constant 1 : i32
        %scan3A_522 = arith.addi %scan3A_343, %scan3A_521 : i32
        %get3A_523 = arith.index_cast %scan3A_522 : i32 to index
        %get3A_524 = arith.constant 0 : index
        %get3A_525 = tpu.vector_load %arg17[%get3A_523, %get3A_524] {strides = array<i32>} : memref<80x128xf32, #tpu.memory_space<vmem>>, vector<1x16xf32>,
        %get3A_526 = vector.shape_cast %get3A_525 : vector<1x16xf32> to vector<16xf32>
        %get3A_527 = arith.index_cast %scan3A_522 : i32 to index
        %get3A_528 = arith.constant 0 : index
        %get3A_529 = tpu.vector_load %arg19[%get3A_527, %get3A_528] {strides = array<i32>} : memref<80x256xf32, #tpu.memory_space<vmem>>, vector<1x16xf32>,
        %get3A_530 = vector.shape_cast %get3A_529 : vector<1x16xf32> to vector<16xf32>
        %get3A_531 = arith.index_cast %scan3A_522 : i32 to index
        %get3A_532 = arith.constant 128 : index
        %get3A_533 = tpu.vector_load %arg19[%get3A_531, %get3A_532] {strides = array<i32>} : memref<80x256xf32, #tpu.memory_space<vmem>>, vector<1x16xf32>,
        %get3A_534 = vector.shape_cast %get3A_533 : vector<1x16xf32> to vector<16xf32>
        %mul3A_535 = arith.mulf %get3A_534, %get3A_526 : vector<16xf32>
        %add3A_536 = arith.addf %mul3A_535, %get3A_530 : vector<16xf32>
        %max3A_537 = arith.constant 0.000000e+00 : f32
        %max3A_538 = vector.broadcast %max3A_537 : f32 to vector<16xf32>
        %max3A_539 = arith.maximumf %add3A_536, %max3A_538 : vector<16xf32>
        %swap3A_540 = arith.index_cast %scan3A_522 : i32 to index
        %swap3A_541 = arith.constant 0 : index
        %swap3A_542 = tpu.vector_load %arg17[%swap3A_540, %swap3A_541] {strides = array<i32>} : memref<80x128xf32, #tpu.memory_space<vmem>>, vector<1x16xf32>,
        %swap3A_543 = vector.shape_cast %swap3A_542 : vector<1x16xf32> to vector<16xf32>
        %swap3A_544 = vector.shape_cast %max3A_539 : vector<16xf32> to vector<1x16xf32>
        tpu.vector_store %arg17[%swap3A_540, %swap3A_541], %swap3A_544 {strides = array<i32>} : memref<80x128xf32, #tpu.memory_space<vmem>>, vector<1x16xf32>,
        %get3A_545 = arith.index_cast %scan3A_522 : i32 to index
        %get3A_546 = arith.constant 16 : index
        %get3A_547 = tpu.vector_load %arg17[%get3A_545, %get3A_546] {strides = array<i32>} : memref<80x128xf32, #tpu.memory_space<vmem>>, vector<1x16xf32>,
        %get3A_548 = vector.shape_cast %get3A_547 : vector<1x16xf32> to vector<16xf32>
        %get3A_549 = arith.index_cast %scan3A_522 : i32 to index
        %get3A_550 = arith.constant 16 : index
        %get3A_551 = tpu.vector_load %arg19[%get3A_549, %get3A_550] {strides = array<i32>} : memref<80x256xf32, #tpu.memory_space<vmem>>, vector<1x16xf32>,
        %get3A_552 = vector.shape_cast %get3A_551 : vector<1x16xf32> to vector<16xf32>
        %get3A_553 = arith.index_cast %scan3A_522 : i32 to index
        %get3A_554 = arith.constant 144 : index
        %get3A_555 = tpu.vector_load %arg19[%get3A_553, %get3A_554] {strides = array<i32>} : memref<80x256xf32, #tpu.memory_space<vmem>>, vector<1x16xf32>,
        %get3A_556 = vector.shape_cast %get3A_555 : vector<1x16xf32> to vector<16xf32>
        %mul3A_557 = arith.mulf %get3A_556, %get3A_548 : vector<16xf32>
        %add3A_558 = arith.addf %mul3A_557, %get3A_552 : vector<16xf32>
        %max3A_559 = arith.constant 0.000000e+00 : f32
        %max3A_560 = vector.broadcast %max3A_559 : f32 to vector<16xf32>
        %max3A_561 = arith.maximumf %add3A_558, %max3A_560 : vector<16xf32>
        %swap3A_562 = arith.index_cast %scan3A_522 : i32 to index
        %swap3A_563 = arith.constant 16 : index
        %swap3A_564 = tpu.vector_load %arg17[%swap3A_562, %swap3A_563] {strides = array<i32>} : memref<80x128xf32, #tpu.memory_space<vmem>>, vector<1x16xf32>,
        %swap3A_565 = vector.shape_cast %swap3A_564 : vector<1x16xf32> to vector<16xf32>
        %swap3A_566 = vector.shape_cast %max3A_561 : vector<16xf32> to vector<1x16xf32>
        tpu.vector_store %arg17[%swap3A_562, %swap3A_563], %swap3A_566 {strides = array<i32>} : memref<80x128xf32, #tpu.memory_space<vmem>>, vector<1x16xf32>,
        %get3A_567 = arith.index_cast %scan3A_522 : i32 to index
        %get3A_568 = arith.constant 32 : index
        %get3A_569 = tpu.vector_load %arg17[%get3A_567, %get3A_568] {strides = array<i32>} : memref<80x128xf32, #tpu.memory_space<vmem>>, vector<1x16xf32>,
        %get3A_570 = vector.shape_cast %get3A_569 : vector<1x16xf32> to vector<16xf32>
        %get3A_571 = arith.index_cast %scan3A_522 : i32 to index
        %get3A_572 = arith.constant 32 : index
        %get3A_573 = tpu.vector_load %arg19[%get3A_571, %get3A_572] {strides = array<i32>} : memref<80x256xf32, #tpu.memory_space<vmem>>, vector<1x16xf32>,
        %get3A_574 = vector.shape_cast %get3A_573 : vector<1x16xf32> to vector<16xf32>
        %get3A_575 = arith.index_cast %scan3A_522 : i32 to index
        %get3A_576 = arith.constant 160 : index
        %get3A_577 = tpu.vector_load %arg19[%get3A_575, %get3A_576] {strides = array<i32>} : memref<80x256xf32, #tpu.memory_space<vmem>>, vector<1x16xf32>,
        %get3A_578 = vector.shape_cast %get3A_577 : vector<1x16xf32> to vector<16xf32>
        %mul3A_579 = arith.mulf %get3A_578, %get3A_570 : vector<16xf32>
        %add3A_580 = arith.addf %mul3A_579, %get3A_574 : vector<16xf32>
        %max3A_581 = arith.constant 0.000000e+00 : f32
        %max3A_582 = vector.broadcast %max3A_581 : f32 to vector<16xf32>
        %max3A_583 = arith.maximumf %add3A_580, %max3A_582 : vector<16xf32>
        %swap3A_584 = arith.index_cast %scan3A_522 : i32 to index
        %swap3A_585 = arith.constant 32 : index
        %swap3A_586 = tpu.vector_load %arg17[%swap3A_584, %swap3A_585] {strides = array<i32>} : memref<80x128xf32, #tpu.memory_space<vmem>>, vector<1x16xf32>,
        %swap3A_587 = vector.shape_cast %swap3A_586 : vector<1x16xf32> to vector<16xf32>
        %swap3A_588 = vector.shape_cast %max3A_583 : vector<16xf32> to vector<1x16xf32>
        tpu.vector_store %arg17[%swap3A_584, %swap3A_585], %swap3A_588 {strides = array<i32>} : memref<80x128xf32, #tpu.memory_space<vmem>>, vector<1x16xf32>,
        %get3A_589 = arith.index_cast %scan3A_522 : i32 to index
        %get3A_590 = arith.constant 48 : index
        %get3A_591 = tpu.vector_load %arg17[%get3A_589, %get3A_590] {strides = array<i32>} : memref<80x128xf32, #tpu.memory_space<vmem>>, vector<1x16xf32>,
        %get3A_592 = vector.shape_cast %get3A_591 : vector<1x16xf32> to vector<16xf32>
        %get3A_593 = arith.index_cast %scan3A_522 : i32 to index
        %get3A_594 = arith.constant 48 : index
        %get3A_595 = tpu.vector_load %arg19[%get3A_593, %get3A_594] {strides = array<i32>} : memref<80x256xf32, #tpu.memory_space<vmem>>, vector<1x16xf32>,
        %get3A_596 = vector.shape_cast %get3A_595 : vector<1x16xf32> to vector<16xf32>
        %get3A_597 = arith.index_cast %scan3A_522 : i32 to index
        %get3A_598 = arith.constant 176 : index
        %get3A_599 = tpu.vector_load %arg19[%get3A_597, %get3A_598] {strides = array<i32>} : memref<80x256xf32, #tpu.memory_space<vmem>>, vector<1x16xf32>,
        %get3A_600 = vector.shape_cast %get3A_599 : vector<1x16xf32> to vector<16xf32>
        %mul3A_601 = arith.mulf %get3A_600, %get3A_592 : vector<16xf32>
        %add3A_602 = arith.addf %mul3A_601, %get3A_596 : vector<16xf32>
        %max3A_603 = arith.constant 0.000000e+00 : f32
        %max3A_604 = vector.broadcast %max3A_603 : f32 to vector<16xf32>
        %max3A_605 = arith.maximumf %add3A_602, %max3A_604 : vector<16xf32>
        %swap3A_606 = arith.index_cast %scan3A_522 : i32 to index
        %swap3A_607 = arith.constant 48 : index
        %swap3A_608 = tpu.vector_load %arg17[%swap3A_606, %swap3A_607] {strides = array<i32>} : memref<80x128xf32, #tpu.memory_space<vmem>>, vector<1x16xf32>,
        %swap3A_609 = vector.shape_cast %swap3A_608 : vector<1x16xf32> to vector<16xf32>
        %swap3A_610 = vector.shape_cast %max3A_605 : vector<16xf32> to vector<1x16xf32>
        tpu.vector_store %arg17[%swap3A_606, %swap3A_607], %swap3A_610 {strides = array<i32>} : memref<80x128xf32, #tpu.memory_space<vmem>>, vector<1x16xf32>,
        %get3A_611 = arith.index_cast %scan3A_522 : i32 to index
        %get3A_612 = arith.constant 64 : index
        %get3A_613 = tpu.vector_load %arg17[%get3A_611, %get3A_612] {strides = array<i32>} : memref<80x128xf32, #tpu.memory_space<vmem>>, vector<1x16xf32>,
        %get3A_614 = vector.shape_cast %get3A_613 : vector<1x16xf32> to vector<16xf32>
        %get3A_615 = arith.index_cast %scan3A_522 : i32 to index
        %get3A_616 = arith.constant 64 : index
        %get3A_617 = tpu.vector_load %arg19[%get3A_615, %get3A_616] {strides = array<i32>} : memref<80x256xf32, #tpu.memory_space<vmem>>, vector<1x16xf32>,
        %get3A_618 = vector.shape_cast %get3A_617 : vector<1x16xf32> to vector<16xf32>
        %get3A_619 = arith.index_cast %scan3A_522 : i32 to index
        %get3A_620 = arith.constant 192 : index
        %get3A_621 = tpu.vector_load %arg19[%get3A_619, %get3A_620] {strides = array<i32>} : memref<80x256xf32, #tpu.memory_space<vmem>>, vector<1x16xf32>,
        %get3A_622 = vector.shape_cast %get3A_621 : vector<1x16xf32> to vector<16xf32>
        %mul3A_623 = arith.mulf %get3A_622, %get3A_614 : vector<16xf32>
        %add3A_624 = arith.addf %mul3A_623, %get3A_618 : vector<16xf32>
        %max3A_625 = arith.constant 0.000000e+00 : f32
        %max3A_626 = vector.broadcast %max3A_625 : f32 to vector<16xf32>
        %max3A_627 = arith.maximumf %add3A_624, %max3A_626 : vector<16xf32>
        %swap3A_628 = arith.index_cast %scan3A_522 : i32 to index
        %swap3A_629 = arith.constant 64 : index
        %swap3A_630 = tpu.vector_load %arg17[%swap3A_628, %swap3A_629] {strides = array<i32>} : memref<80x128xf32, #tpu.memory_space<vmem>>, vector<1x16xf32>,
        %swap3A_631 = vector.shape_cast %swap3A_630 : vector<1x16xf32> to vector<16xf32>
        %swap3A_632 = vector.shape_cast %max3A_627 : vector<16xf32> to vector<1x16xf32>
        tpu.vector_store %arg17[%swap3A_628, %swap3A_629], %swap3A_632 {strides = array<i32>} : memref<80x128xf32, #tpu.memory_space<vmem>>, vector<1x16xf32>,
        %get3A_633 = arith.index_cast %scan3A_522 : i32 to index
        %get3A_634 = arith.constant 80 : index
        %get3A_635 = tpu.vector_load %arg17[%get3A_633, %get3A_634] {strides = array<i32>} : memref<80x128xf32, #tpu.memory_space<vmem>>, vector<1x16xf32>,
        %get3A_636 = vector.shape_cast %get3A_635 : vector<1x16xf32> to vector<16xf32>
        %get3A_637 = arith.index_cast %scan3A_522 : i32 to index
        %get3A_638 = arith.constant 80 : index
        %get3A_639 = tpu.vector_load %arg19[%get3A_637, %get3A_638] {strides = array<i32>} : memref<80x256xf32, #tpu.memory_space<vmem>>, vector<1x16xf32>,
        %get3A_640 = vector.shape_cast %get3A_639 : vector<1x16xf32> to vector<16xf32>
        %get3A_641 = arith.index_cast %scan3A_522 : i32 to index
        %get3A_642 = arith.constant 208 : index
        %get3A_643 = tpu.vector_load %arg19[%get3A_641, %get3A_642] {strides = array<i32>} : memref<80x256xf32, #tpu.memory_space<vmem>>, vector<1x16xf32>,
        %get3A_644 = vector.shape_cast %get3A_643 : vector<1x16xf32> to vector<16xf32>
        %mul3A_645 = arith.mulf %get3A_644, %get3A_636 : vector<16xf32>
        %add3A_646 = arith.addf %mul3A_645, %get3A_640 : vector<16xf32>
        %max3A_647 = arith.constant 0.000000e+00 : f32
        %max3A_648 = vector.broadcast %max3A_647 : f32 to vector<16xf32>
        %max3A_649 = arith.maximumf %add3A_646, %max3A_648 : vector<16xf32>
        %swap3A_650 = arith.index_cast %scan3A_522 : i32 to index
        %swap3A_651 = arith.constant 80 : index
        %swap3A_652 = tpu.vector_load %arg17[%swap3A_650, %swap3A_651] {strides = array<i32>} : memref<80x128xf32, #tpu.memory_space<vmem>>, vector<1x16xf32>,
        %swap3A_653 = vector.shape_cast %swap3A_652 : vector<1x16xf32> to vector<16xf32>
        %swap3A_654 = vector.shape_cast %max3A_649 : vector<16xf32> to vector<1x16xf32>
        tpu.vector_store %arg17[%swap3A_650, %swap3A_651], %swap3A_654 {strides = array<i32>} : memref<80x128xf32, #tpu.memory_space<vmem>>, vector<1x16xf32>,
        %get3A_655 = arith.index_cast %scan3A_522 : i32 to index
        %get3A_656 = arith.constant 96 : index
        %get3A_657 = tpu.vector_load %arg17[%get3A_655, %get3A_656] {strides = array<i32>} : memref<80x128xf32, #tpu.memory_space<vmem>>, vector<1x16xf32>,
        %get3A_658 = vector.shape_cast %get3A_657 : vector<1x16xf32> to vector<16xf32>
        %get3A_659 = arith.index_cast %scan3A_522 : i32 to index
        %get3A_660 = arith.constant 96 : index
        %get3A_661 = tpu.vector_load %arg19[%get3A_659, %get3A_660] {strides = array<i32>} : memref<80x256xf32, #tpu.memory_space<vmem>>, vector<1x16xf32>,
        %get3A_662 = vector.shape_cast %get3A_661 : vector<1x16xf32> to vector<16xf32>
        %get3A_663 = arith.index_cast %scan3A_522 : i32 to index
        %get3A_664 = arith.constant 224 : index
        %get3A_665 = tpu.vector_load %arg19[%get3A_663, %get3A_664] {strides = array<i32>} : memref<80x256xf32, #tpu.memory_space<vmem>>, vector<1x16xf32>,
        %get3A_666 = vector.shape_cast %get3A_665 : vector<1x16xf32> to vector<16xf32>
        %mul3A_667 = arith.mulf %get3A_666, %get3A_658 : vector<16xf32>
        %add3A_668 = arith.addf %mul3A_667, %get3A_662 : vector<16xf32>
        %max3A_669 = arith.constant 0.000000e+00 : f32
        %max3A_670 = vector.broadcast %max3A_669 : f32 to vector<16xf32>
        %max3A_671 = arith.maximumf %add3A_668, %max3A_670 : vector<16xf32>
        %swap3A_672 = arith.index_cast %scan3A_522 : i32 to index
        %swap3A_673 = arith.constant 96 : index
        %swap3A_674 = tpu.vector_load %arg17[%swap3A_672, %swap3A_673] {strides = array<i32>} : memref<80x128xf32, #tpu.memory_space<vmem>>, vector<1x16xf32>,
        %swap3A_675 = vector.shape_cast %swap3A_674 : vector<1x16xf32> to vector<16xf32>
        %swap3A_676 = vector.shape_cast %max3A_671 : vector<16xf32> to vector<1x16xf32>
        tpu.vector_store %arg17[%swap3A_672, %swap3A_673], %swap3A_676 {strides = array<i32>} : memref<80x128xf32, #tpu.memory_space<vmem>>, vector<1x16xf32>,
        %get3A_677 = arith.index_cast %scan3A_522 : i32 to index
        %get3A_678 = arith.constant 112 : index
        %get3A_679 = tpu.vector_load %arg17[%get3A_677, %get3A_678] {strides = array<i32>} : memref<80x128xf32, #tpu.memory_space<vmem>>, vector<1x16xf32>,
        %get3A_680 = vector.shape_cast %get3A_679 : vector<1x16xf32> to vector<16xf32>
        %get3A_681 = arith.index_cast %scan3A_522 : i32 to index
        %get3A_682 = arith.constant 112 : index
        %get3A_683 = tpu.vector_load %arg19[%get3A_681, %get3A_682] {strides = array<i32>} : memref<80x256xf32, #tpu.memory_space<vmem>>, vector<1x16xf32>,
        %get3A_684 = vector.shape_cast %get3A_683 : vector<1x16xf32> to vector<16xf32>
        %get3A_685 = arith.index_cast %scan3A_522 : i32 to index
        %get3A_686 = arith.constant 240 : index
        %get3A_687 = tpu.vector_load %arg19[%get3A_685, %get3A_686] {strides = array<i32>} : memref<80x256xf32, #tpu.memory_space<vmem>>, vector<1x16xf32>,
        %get3A_688 = vector.shape_cast %get3A_687 : vector<1x16xf32> to vector<16xf32>
        %mul3A_689 = arith.mulf %get3A_688, %get3A_680 : vector<16xf32>
        %add3A_690 = arith.addf %mul3A_689, %get3A_684 : vector<16xf32>
        %max3A_691 = arith.constant 0.000000e+00 : f32
        %max3A_692 = vector.broadcast %max3A_691 : f32 to vector<16xf32>
        %max3A_693 = arith.maximumf %add3A_690, %max3A_692 : vector<16xf32>
        %swap3A_694 = arith.index_cast %scan3A_522 : i32 to index
        %swap3A_695 = arith.constant 112 : index
        %swap3A_696 = tpu.vector_load %arg17[%swap3A_694, %swap3A_695] {strides = array<i32>} : memref<80x128xf32, #tpu.memory_space<vmem>>, vector<1x16xf32>,
        %swap3A_697 = vector.shape_cast %swap3A_696 : vector<1x16xf32> to vector<16xf32>
        %swap3A_698 = vector.shape_cast %max3A_693 : vector<16xf32> to vector<1x16xf32>
        tpu.vector_store %arg17[%swap3A_694, %swap3A_695], %swap3A_698 {strides = array<i32>} : memref<80x128xf32, #tpu.memory_space<vmem>>, vector<1x16xf32>,
        %scan3A_699 = arith.constant 0 : i32
        scf.yield %scan3A_699 : i32
      }
      %scan3A_332 = arith.constant 80 : i32
      %dma_wait3A_333 = arith.constant 0 : i32
      %dma_wait3A_334 = arith.constant 0 : i32
      %dma_wait3A_335 = tpu.memref_slice %arg8[%dma_wait3A_333, %dma_wait3A_334] : memref<10240x128xf32, #tpu.memory_space<vmem_shared>> -> memref<10240x128xf32, #tpu.memory_space<vmem_shared>>
      tpu.wait_indirect_dma semaphore(%arg24 : memref<!tpu.dma_semaphore, #tpu.memory_space<semaphore_mem>>) src(%arg18 : memref<80x128xf32, #tpu.memory_space<vmem>>) dst(%dma_wait3A_335 : memref<10240x128xf32, #tpu.memory_space<vmem_shared>>)
      %dma_start3A_336 = arith.constant 0 : i32
      %dma_start3A_337 = arith.constant 0 : i32
      %dma_start3A_338 = tpu.memref_slice %arg8[%dma_start3A_336, %dma_start3A_337] : memref<10240x128xf32, #tpu.memory_space<vmem_shared>> -> memref<10240x128xf32, #tpu.memory_space<vmem_shared>>
      tpu.enqueue_indirect_dma source(%arg17 : memref<80x128xf32, #tpu.memory_space<vmem>>) target(%dma_start3A_338 : memref<10240x128xf32, #tpu.memory_space<vmem_shared>>) offsets(%arg15 : memref<80xi32, #tpu.memory_space<vmem>>) semaphore(%arg23 : memref<!tpu.dma_semaphore, #tpu.memory_space<semaphore_mem>>) {add = true}
      %dma_wait3A_339 = arith.constant 0 : i32
      %dma_wait3A_340 = arith.constant 0 : i32
      %dma_wait3A_341 = tpu.memref_slice %arg8[%dma_wait3A_339, %dma_wait3A_340] : memref<10240x128xf32, #tpu.memory_space<vmem_shared>> -> memref<10240x128xf32, #tpu.memory_space<vmem_shared>>
      tpu.wait_indirect_dma semaphore(%arg23 : memref<!tpu.dma_semaphore, #tpu.memory_space<semaphore_mem>>) src(%arg17 : memref<80x128xf32, #tpu.memory_space<vmem>>) dst(%dma_wait3A_341 : memref<10240x128xf32, #tpu.memory_space<vmem_shared>>)
      %scan3A_342 = arith.constant 0 : i32
      scf.yield %scan3A_342 : i32
    }
    %scan3A_98 = arith.constant 5 : i32
    %barrier3A_99 = arith.constant 0 : index
    tpu.barrier barrier_id(%barrier3A_99)
    %add3A_100 = arith.constant 0 : i32
    %add3A_101 = arith.addi %mul3A_2, %add3A_100 : i32
    %add3A_102 = arith.constant 0 : i32
    %add3A_103 = arith.addi %mul3A_2, %add3A_102 : i32
    "tpu.region"() ({
      %run_scoped3A = tpu.sem_alloc : memref<!tpu.dma_semaphore, #tpu.memory_space<semaphore_mem>>
      %dma_start3A = arith.constant 0 : i32
      %dma_start3A_120 = tpu.memref_slice %arg7[%arg0, %add3A_103, %dma_start3A] : memref<2x10240x128xf32, #tpu.memory_space<hbm>> -> memref<1x128x128xf32, #tpu.memory_space<hbm>>
      %dma_start3A_121 = tpu.memref_squeeze %dma_start3A_120 : memref<1x128x128xf32, #tpu.memory_space<hbm>> -> memref<128x128xf32, #tpu.memory_space<hbm>>
      %dma_start3A_122 = arith.constant 0 : i32
      %dma_start3A_123 = tpu.memref_slice %arg8[%add3A_101, %dma_start3A_122] : memref<10240x128xf32, #tpu.memory_space<vmem_shared>> -> memref<128x128xf32, #tpu.memory_space<vmem_shared>>
      tpu.enqueue_dma source(%dma_start3A_123 : memref<128x128xf32, #tpu.memory_space<vmem_shared>>) target(%dma_start3A_121 : memref<128x128xf32, #tpu.memory_space<hbm>>) target_semaphore(%run_scoped3A : memref<!tpu.dma_semaphore, #tpu.memory_space<semaphore_mem>>)
      %dma_wait3A = arith.constant 0 : i32
      %dma_wait3A_124 = tpu.memref_slice %arg7[%arg0, %add3A_103, %dma_wait3A] : memref<2x10240x128xf32, #tpu.memory_space<hbm>> -> memref<1x128x128xf32, #tpu.memory_space<hbm>>
      %dma_wait3A_125 = tpu.memref_squeeze %dma_wait3A_124 : memref<1x128x128xf32, #tpu.memory_space<hbm>> -> memref<128x128xf32, #tpu.memory_space<hbm>>
      %dma_wait3A_126 = arith.constant 0 : i32
      %dma_wait3A_127 = tpu.memref_slice %arg8[%add3A_101, %dma_wait3A_126] : memref<10240x128xf32, #tpu.memory_space<vmem_shared>> -> memref<128x128xf32, #tpu.memory_space<vmem_shared>>
      tpu.wait_dma2 semaphore(%run_scoped3A : memref<!tpu.dma_semaphore, #tpu.memory_space<semaphore_mem>>) src(%dma_wait3A_127 : memref<128x128xf32, #tpu.memory_space<vmem_shared>>) dst(%dma_wait3A_125 : memref<128x128xf32, #tpu.memory_space<hbm>>)
      tpu.yield
    }) : () -> ()
    %add3A_104 = arith.constant 128 : i32
    %add3A_105 = arith.addi %mul3A_2, %add3A_104 : i32
    %add3A_106 = arith.constant 128 : i32
    %add3A_107 = arith.addi %mul3A_2, %add3A_106 : i32
    "tpu.region"() ({
      %run_scoped3A = tpu.sem_alloc : memref<!tpu.dma_semaphore, #tpu.memory_space<semaphore_mem>>
      %dma_start3A = arith.constant 0 : i32
      %dma_start3A_120 = tpu.memref_slice %arg7[%arg0, %add3A_107, %dma_start3A] : memref<2x10240x128xf32, #tpu.memory_space<hbm>> -> memref<1x128x128xf32, #tpu.memory_space<hbm>>
      %dma_start3A_121 = tpu.memref_squeeze %dma_start3A_120 : memref<1x128x128xf32, #tpu.memory_space<hbm>> -> memref<128x128xf32, #tpu.memory_space<hbm>>
      %dma_start3A_122 = arith.constant 0 : i32
      %dma_start3A_123 = tpu.memref_slice %arg8[%add3A_105, %dma_start3A_122] : memref<10240x128xf32, #tpu.memory_space<vmem_shared>> -> memref<128x128xf32, #tpu.memory_space<vmem_shared>>
      tpu.enqueue_dma source(%dma_start3A_123 : memref<128x128xf32, #tpu.memory_space<vmem_shared>>) target(%dma_start3A_121 : memref<128x128xf32, #tpu.memory_space<hbm>>) target_semaphore(%run_scoped3A : memref<!tpu.dma_semaphore, #tpu.memory_space<semaphore_mem>>)
      %dma_wait3A = arith.constant 0 : i32
      %dma_wait3A_124 = tpu.memref_slice %arg7[%arg0, %add3A_107, %dma_wait3A] : memref<2x10240x128xf32, #tpu.memory_space<hbm>> -> memref<1x128x128xf32, #tpu.memory_space<hbm>>
      %dma_wait3A_125 = tpu.memref_squeeze %dma_wait3A_124 : memref<1x128x128xf32, #tpu.memory_space<hbm>> -> memref<128x128xf32, #tpu.memory_space<hbm>>
      %dma_wait3A_126 = arith.constant 0 : i32
      %dma_wait3A_127 = tpu.memref_slice %arg8[%add3A_105, %dma_wait3A_126] : memref<10240x128xf32, #tpu.memory_space<vmem_shared>> -> memref<128x128xf32, #tpu.memory_space<vmem_shared>>
      tpu.wait_dma2 semaphore(%run_scoped3A : memref<!tpu.dma_semaphore, #tpu.memory_space<semaphore_mem>>) src(%dma_wait3A_127 : memref<128x128xf32, #tpu.memory_space<vmem_shared>>) dst(%dma_wait3A_125 : memref<128x128xf32, #tpu.memory_space<hbm>>)
      tpu.yield
    }) : () -> ()
    %add3A_108 = arith.constant 256 : i32
    %add3A_109 = arith.addi %mul3A_2, %add3A_108 : i32
    %add3A_110 = arith.constant 256 : i32
    %add3A_111 = arith.addi %mul3A_2, %add3A_110 : i32
    "tpu.region"() ({
      %run_scoped3A = tpu.sem_alloc : memref<!tpu.dma_semaphore, #tpu.memory_space<semaphore_mem>>
      %dma_start3A = arith.constant 0 : i32
      %dma_start3A_120 = tpu.memref_slice %arg7[%arg0, %add3A_111, %dma_start3A] : memref<2x10240x128xf32, #tpu.memory_space<hbm>> -> memref<1x128x128xf32, #tpu.memory_space<hbm>>
      %dma_start3A_121 = tpu.memref_squeeze %dma_start3A_120 : memref<1x128x128xf32, #tpu.memory_space<hbm>> -> memref<128x128xf32, #tpu.memory_space<hbm>>
      %dma_start3A_122 = arith.constant 0 : i32
      %dma_start3A_123 = tpu.memref_slice %arg8[%add3A_109, %dma_start3A_122] : memref<10240x128xf32, #tpu.memory_space<vmem_shared>> -> memref<128x128xf32, #tpu.memory_space<vmem_shared>>
      tpu.enqueue_dma source(%dma_start3A_123 : memref<128x128xf32, #tpu.memory_space<vmem_shared>>) target(%dma_start3A_121 : memref<128x128xf32, #tpu.memory_space<hbm>>) target_semaphore(%run_scoped3A : memref<!tpu.dma_semaphore, #tpu.memory_space<semaphore_mem>>)
      %dma_wait3A = arith.constant 0 : i32
      %dma_wait3A_124 = tpu.memref_slice %arg7[%arg0, %add3A_111, %dma_wait3A] : memref<2x10240x128xf32, #tpu.memory_space<hbm>> -> memref<1x128x128xf32, #tpu.memory_space<hbm>>
      %dma_wait3A_125 = tpu.memref_squeeze %dma_wait3A_124 : memref<1x128x128xf32, #tpu.memory_space<hbm>> -> memref<128x128xf32, #tpu.memory_space<hbm>>
      %dma_wait3A_126 = arith.constant 0 : i32
      %dma_wait3A_127 = tpu.memref_slice %arg8[%add3A_109, %dma_wait3A_126] : memref<10240x128xf32, #tpu.memory_space<vmem_shared>> -> memref<128x128xf32, #tpu.memory_space<vmem_shared>>
      tpu.wait_dma2 semaphore(%run_scoped3A : memref<!tpu.dma_semaphore, #tpu.memory_space<semaphore_mem>>) src(%dma_wait3A_127 : memref<128x128xf32, #tpu.memory_space<vmem_shared>>) dst(%dma_wait3A_125 : memref<128x128xf32, #tpu.memory_space<hbm>>)
      tpu.yield
    }) : () -> ()
    %add3A_112 = arith.constant 384 : i32
    %add3A_113 = arith.addi %mul3A_2, %add3A_112 : i32
    %add3A_114 = arith.constant 384 : i32
    %add3A_115 = arith.addi %mul3A_2, %add3A_114 : i32
    "tpu.region"() ({
      %run_scoped3A = tpu.sem_alloc : memref<!tpu.dma_semaphore, #tpu.memory_space<semaphore_mem>>
      %dma_start3A = arith.constant 0 : i32
      %dma_start3A_120 = tpu.memref_slice %arg7[%arg0, %add3A_115, %dma_start3A] : memref<2x10240x128xf32, #tpu.memory_space<hbm>> -> memref<1x128x128xf32, #tpu.memory_space<hbm>>
      %dma_start3A_121 = tpu.memref_squeeze %dma_start3A_120 : memref<1x128x128xf32, #tpu.memory_space<hbm>> -> memref<128x128xf32, #tpu.memory_space<hbm>>
      %dma_start3A_122 = arith.constant 0 : i32
      %dma_start3A_123 = tpu.memref_slice %arg8[%add3A_113, %dma_start3A_122] : memref<10240x128xf32, #tpu.memory_space<vmem_shared>> -> memref<128x128xf32, #tpu.memory_space<vmem_shared>>
      tpu.enqueue_dma source(%dma_start3A_123 : memref<128x128xf32, #tpu.memory_space<vmem_shared>>) target(%dma_start3A_121 : memref<128x128xf32, #tpu.memory_space<hbm>>) target_semaphore(%run_scoped3A : memref<!tpu.dma_semaphore, #tpu.memory_space<semaphore_mem>>)
      %dma_wait3A = arith.constant 0 : i32
      %dma_wait3A_124 = tpu.memref_slice %arg7[%arg0, %add3A_115, %dma_wait3A] : memref<2x10240x128xf32, #tpu.memory_space<hbm>> -> memref<1x128x128xf32, #tpu.memory_space<hbm>>
      %dma_wait3A_125 = tpu.memref_squeeze %dma_wait3A_124 : memref<1x128x128xf32, #tpu.memory_space<hbm>> -> memref<128x128xf32, #tpu.memory_space<hbm>>
      %dma_wait3A_126 = arith.constant 0 : i32
      %dma_wait3A_127 = tpu.memref_slice %arg8[%add3A_113, %dma_wait3A_126] : memref<10240x128xf32, #tpu.memory_space<vmem_shared>> -> memref<128x128xf32, #tpu.memory_space<vmem_shared>>
      tpu.wait_dma2 semaphore(%run_scoped3A : memref<!tpu.dma_semaphore, #tpu.memory_space<semaphore_mem>>) src(%dma_wait3A_127 : memref<128x128xf32, #tpu.memory_space<vmem_shared>>) dst(%dma_wait3A_125 : memref<128x128xf32, #tpu.memory_space<hbm>>)
      tpu.yield
    }) : () -> ()
    %add3A_116 = arith.constant 512 : i32
    %add3A_117 = arith.addi %mul3A_2, %add3A_116 : i32
    %add3A_118 = arith.constant 512 : i32
    %add3A_119 = arith.addi %mul3A_2, %add3A_118 : i32
    "tpu.region"() ({
      %run_scoped3A = tpu.sem_alloc : memref<!tpu.dma_semaphore, #tpu.memory_space<semaphore_mem>>
      %dma_start3A = arith.constant 0 : i32
      %dma_start3A_120 = tpu.memref_slice %arg7[%arg0, %add3A_119, %dma_start3A] : memref<2x10240x128xf32, #tpu.memory_space<hbm>> -> memref<1x128x128xf32, #tpu.memory_space<hbm>>
      %dma_start3A_121 = tpu.memref_squeeze %dma_start3A_120 : memref<1x128x128xf32, #tpu.memory_space<hbm>> -> memref<128x128xf32, #tpu.memory_space<hbm>>
      %dma_start3A_122 = arith.constant 0 : i32
      %dma_start3A_123 = tpu.memref_slice %arg8[%add3A_117, %dma_start3A_122] : memref<10240x128xf32, #tpu.memory_space<vmem_shared>> -> memref<128x128xf32, #tpu.memory_space<vmem_shared>>
      tpu.enqueue_dma source(%dma_start3A_123 : memref<128x128xf32, #tpu.memory_space<vmem_shared>>) target(%dma_start3A_121 : memref<128x128xf32, #tpu.memory_space<hbm>>) target_semaphore(%run_scoped3A : memref<!tpu.dma_semaphore, #tpu.memory_space<semaphore_mem>>)
      %dma_wait3A = arith.constant 0 : i32
      %dma_wait3A_124 = tpu.memref_slice %arg7[%arg0, %add3A_119, %dma_wait3A] : memref<2x10240x128xf32, #tpu.memory_space<hbm>> -> memref<1x128x128xf32, #tpu.memory_space<hbm>>
      %dma_wait3A_125 = tpu.memref_squeeze %dma_wait3A_124 : memref<1x128x128xf32, #tpu.memory_space<hbm>> -> memref<128x128xf32, #tpu.memory_space<hbm>>
      %dma_wait3A_126 = arith.constant 0 : i32
      %dma_wait3A_127 = tpu.memref_slice %arg8[%add3A_117, %dma_wait3A_126] : memref<10240x128xf32, #tpu.memory_space<vmem_shared>> -> memref<128x128xf32, #tpu.memory_space<vmem_shared>>
      tpu.wait_dma2 semaphore(%run_scoped3A : memref<!tpu.dma_semaphore, #tpu.memory_space<semaphore_mem>>) src(%dma_wait3A_127 : memref<128x128xf32, #tpu.memory_space<vmem_shared>>) dst(%dma_wait3A_125 : memref<128x128xf32, #tpu.memory_space<hbm>>)
      tpu.yield
    }) : () -> ()
    return
  }
}

module attributes {stable_mosaic.version = 14 : i64} {
  func.func @_dense0_body(%arg0: i32, %arg1: memref<1000x128xf32, #tpu.memory_space<vmem>>, %arg2: memref<4x128x128xf32, #tpu.memory_space<vmem>>, %arg3: memref<4x256x128xf32, #tpu.memory_space<vmem>>, %arg4: memref<1024xf32, #tpu.memory_space<vmem>>, %arg5: memref<128x128xf32, #tpu.memory_space<vmem>>, %arg6: memref<256x128xf32, #tpu.memory_space<vmem>>, %arg7: memref<256xf32, #tpu.memory_space<vmem>>, %arg8: memref<1x8x1000xf32, #tpu.memory_space<vmem>>, %arg9: memref<4x1000x128xf32, #tpu.memory_space<vmem>>, %arg10: memref<4x1000x256xf32, #tpu.memory_space<vmem>>, %arg11: memref<1000x128xf32, #tpu.memory_space<vmem>>) attributes {dimension_semantics = [#tpu.dimension_semantics<arbitrary>], iteration_bounds = array<i64: 10>, scalar_prefetch = 0 : i64, scratch_operands = 0 : i64, tpu.core_type = #tpu.core_type<tc>, window_params = [{transform_indices = @transform_0, window_bounds = array<i64: 1000, 128>}, {pipeline_mode = #tpu.pipeline_mode<synchronous>, transform_indices = @transform_1, window_bounds = array<i64: 4, 128, 128>}, {pipeline_mode = #tpu.pipeline_mode<synchronous>, transform_indices = @transform_2, window_bounds = array<i64: 4, 256, 128>}, {pipeline_mode = #tpu.pipeline_mode<synchronous>, transform_indices = @transform_3, window_bounds = array<i64: 1024>}, {pipeline_mode = #tpu.pipeline_mode<synchronous>, transform_indices = @transform_4, window_bounds = array<i64: 128, 128>}, {pipeline_mode = #tpu.pipeline_mode<synchronous>, transform_indices = @transform_5, window_bounds = array<i64: 256, 128>}, {pipeline_mode = #tpu.pipeline_mode<synchronous>, transform_indices = @transform_6, window_bounds = array<i64: 256>}, {transform_indices = @transform_7, window_bounds = array<i64: 1, 8, 1000>}, {transform_indices = @transform_8, window_bounds = array<i64: 4, 1000, 128>}, {transform_indices = @transform_9, window_bounds = array<i64: 4, 1000, 256>}, {transform_indices = @transform_10, window_bounds = array<i64: 1000, 128>}]} {
    %get3A = arith.constant 0 : index
    %get3A_0 = arith.constant 0 : index
    %get3A_1 = vector.load %arg1[%get3A, %get3A_0] : memref<1000x128xf32, #tpu.memory_space<vmem>>, vector<1000x128xf32>
    %get3A_2 = arith.constant 0 : index
    %get3A_3 = arith.constant 0 : index
    %get3A_4 = vector.load %arg6[%get3A_2, %get3A_3] : memref<256x128xf32, #tpu.memory_space<vmem>>, vector<256x128xf32>
    %dot_general3A = arith.constant dense<0.000000e+00> : vector<1000x256xf32>
    %dot_general3A_5 = tpu.matmul %get3A_1, %get3A_4, %dot_general3A {dimension_numbers = #tpu.dot_dimension_numbers<[1], [1], [0], [0], [0, 0, 1, 0], [], []>, transpose_lhs_hint = false} : vector<1000x128xf32>, vector<256x128xf32>, vector<1000x256xf32> -> vector<1000x256xf32>
    %get3A_6 = arith.constant 0 : index
    %get3A_7 = vector.load %arg7[%get3A_6] : memref<256xf32, #tpu.memory_space<vmem>>, vector<256xf32>
    %broadcast_in_dim3A = vector.shape_cast %get3A_7 : vector<256xf32> to vector<1x256xf32>
    %add3A = vector.broadcast %broadcast_in_dim3A : vector<1x256xf32> to vector<1000x256xf32>
    %add3A_8 = arith.addf %dot_general3A_5, %add3A : vector<1000x256xf32>
    %slice3A = vector.extract_strided_slice %add3A_8 {offsets = [0, 0], sizes = [1000, 128], strides = [1, 1]} : vector<1000x256xf32> to vector<1000x128xf32>
    %slice3A_9 = vector.extract_strided_slice %add3A_8 {offsets = [0, 128], sizes = [1000, 128], strides = [1, 1]} : vector<1000x256xf32> to vector<1000x128xf32>
    %get3A_10 = arith.constant 0 : index
    %get3A_11 = arith.constant 0 : index
    %get3A_12 = vector.load %arg5[%get3A_10, %get3A_11] : memref<128x128xf32, #tpu.memory_space<vmem>>, vector<128x128xf32>
    %dot_general3A_13 = arith.constant dense<0.000000e+00> : vector<1000x128xf32>
    %dot_general3A_14 = tpu.matmul %get3A_1, %get3A_12, %dot_general3A_13 {dimension_numbers = #tpu.dot_dimension_numbers<[1], [1], [0], [0], [0, 0, 1, 0], [], []>, transpose_lhs_hint = false} : vector<1000x128xf32>, vector<128x128xf32>, vector<1000x128xf32> -> vector<1000x128xf32>
    %mul3A = arith.mulf %slice3A_9, %dot_general3A_14 : vector<1000x128xf32>
    %add3A_15 = arith.addf %mul3A, %slice3A : vector<1000x128xf32>
    %max3A = arith.constant 0.000000e+00 : f32
    %max3A_16 = vector.broadcast %max3A : f32 to vector<1000x128xf32>
    %max3A_17 = arith.maximumf %add3A_15, %max3A_16 : vector<1000x128xf32>
    %swap3A = arith.constant 0 : index
    %swap3A_18 = arith.constant 0 : index
    %swap3A_19 = vector.load %arg11[%swap3A, %swap3A_18] : memref<1000x128xf32, #tpu.memory_space<vmem>>, vector<1000x128xf32>
    tpu.vector_store %arg11[%swap3A, %swap3A_18], %max3A_17 {strides = array<i32>} : memref<1000x128xf32, #tpu.memory_space<vmem>>, vector<1000x128xf32>,
    %get3A_20 = arith.constant 0 : index
    %get3A_21 = arith.constant 0 : index
    %get3A_22 = arith.constant 0 : index
    %get3A_23 = vector.load %arg2[%get3A_20, %get3A_21, %get3A_22] : memref<4x128x128xf32, #tpu.memory_space<vmem>>, vector<1x128x128xf32>
    %get3A_24 = vector.shape_cast %get3A_23 : vector<1x128x128xf32> to vector<128x128xf32>
    %dot_general3A_25 = arith.constant dense<0.000000e+00> : vector<1000x128xf32>
    %dot_general3A_26 = tpu.matmul %get3A_1, %get3A_24, %dot_general3A_25 {dimension_numbers = #tpu.dot_dimension_numbers<[1], [1], [0], [0], [0, 0, 1, 0], [], []>, transpose_lhs_hint = false} : vector<1000x128xf32>, vector<128x128xf32>, vector<1000x128xf32> -> vector<1000x128xf32>
    %swap3A_27 = arith.constant 0 : index
    %swap3A_28 = arith.constant 0 : index
    %swap3A_29 = arith.constant 0 : index
    %swap3A_30 = vector.load %arg9[%swap3A_27, %swap3A_28, %swap3A_29] : memref<4x1000x128xf32, #tpu.memory_space<vmem>>, vector<1x1000x128xf32>
    %swap3A_31 = vector.shape_cast %swap3A_30 : vector<1x1000x128xf32> to vector<1000x128xf32>
    %swap3A_32 = vector.shape_cast %dot_general3A_26 : vector<1000x128xf32> to vector<1x1000x128xf32>
    tpu.vector_store %arg9[%swap3A_27, %swap3A_28, %swap3A_29], %swap3A_32 {strides = array<i32>} : memref<4x1000x128xf32, #tpu.memory_space<vmem>>, vector<1x1000x128xf32>,
    %get3A_33 = arith.constant 0 : index
    %get3A_34 = arith.constant 0 : index
    %get3A_35 = arith.constant 0 : index
    %get3A_36 = vector.load %arg3[%get3A_33, %get3A_34, %get3A_35] : memref<4x256x128xf32, #tpu.memory_space<vmem>>, vector<1x256x128xf32>
    %get3A_37 = vector.shape_cast %get3A_36 : vector<1x256x128xf32> to vector<256x128xf32>
    %dot_general3A_38 = arith.constant dense<0.000000e+00> : vector<1000x256xf32>
    %dot_general3A_39 = tpu.matmul %get3A_1, %get3A_37, %dot_general3A_38 {dimension_numbers = #tpu.dot_dimension_numbers<[1], [1], [0], [0], [0, 0, 1, 0], [], []>, transpose_lhs_hint = false} : vector<1000x128xf32>, vector<256x128xf32>, vector<1000x256xf32> -> vector<1000x256xf32>
    %get3A_40 = arith.constant 0 : index
    %get3A_41 = vector.load %arg4[%get3A_40] : memref<1024xf32, #tpu.memory_space<vmem>>, vector<256xf32>
    %broadcast_in_dim3A_42 = vector.shape_cast %get3A_41 : vector<256xf32> to vector<1x256xf32>
    %add3A_43 = vector.broadcast %broadcast_in_dim3A_42 : vector<1x256xf32> to vector<1000x256xf32>
    %add3A_44 = arith.addf %dot_general3A_39, %add3A_43 : vector<1000x256xf32>
    %get3A_45 = arith.constant 0 : index
    %get3A_46 = arith.constant 0 : index
    %get3A_47 = arith.constant 0 : index
    %get3A_48 = vector.load %arg8[%get3A_45, %get3A_46, %get3A_47] : memref<1x8x1000xf32, #tpu.memory_space<vmem>>, vector<1x1x1000xf32>
    %get3A_49 = vector.shape_cast %get3A_48 : vector<1x1x1000xf32> to vector<1000xf32>
    %get3A_50 = arith.constant 0 : index
    %get3A_51 = arith.constant 4 : index
    %get3A_52 = arith.constant 0 : index
    %get3A_53 = vector.load %arg8[%get3A_50, %get3A_51, %get3A_52] : memref<1x8x1000xf32, #tpu.memory_space<vmem>>, vector<1x1x1000xf32>
    %get3A_54 = vector.shape_cast %get3A_53 : vector<1x1x1000xf32> to vector<1000xf32>
    %add3A_55 = arith.addf %get3A_49, %get3A_54 : vector<1000xf32>
    %max3A_56 = arith.constant 1.000000e+00 : f32
    %max3A_57 = vector.broadcast %max3A_56 : f32 to vector<1000xf32>
    %max3A_58 = arith.maximumf %add3A_55, %max3A_57 : vector<1000xf32>
    %div3A = arith.constant 1.000000e+00 : f32
    %div3A_59 = vector.broadcast %div3A : f32 to vector<1000xf32>
    %div3A_60 = arith.divf %div3A_59, %max3A_58 : vector<1000xf32>
    %broadcast_in_dim3A_61 = vector.shape_cast %div3A_60 : vector<1000xf32> to vector<1000x1xf32>
    %mul3A_62 = vector.broadcast %broadcast_in_dim3A_61 : vector<1000x1xf32> to vector<1000x256xf32>
    %mul3A_63 = arith.mulf %add3A_44, %mul3A_62 : vector<1000x256xf32>
    %swap3A_64 = arith.constant 0 : index
    %swap3A_65 = arith.constant 0 : index
    %swap3A_66 = arith.constant 0 : index
    %swap3A_67 = vector.load %arg10[%swap3A_64, %swap3A_65, %swap3A_66] : memref<4x1000x256xf32, #tpu.memory_space<vmem>>, vector<1x1000x256xf32>
    %swap3A_68 = vector.shape_cast %swap3A_67 : vector<1x1000x256xf32> to vector<1000x256xf32>
    %swap3A_69 = vector.shape_cast %mul3A_63 : vector<1000x256xf32> to vector<1x1000x256xf32>
    tpu.vector_store %arg10[%swap3A_64, %swap3A_65, %swap3A_66], %swap3A_69 {strides = array<i32>} : memref<4x1000x256xf32, #tpu.memory_space<vmem>>, vector<1x1000x256xf32>,
    %get3A_70 = arith.constant 1 : index
    %get3A_71 = arith.constant 0 : index
    %get3A_72 = arith.constant 0 : index
    %get3A_73 = vector.load %arg2[%get3A_70, %get3A_71, %get3A_72] : memref<4x128x128xf32, #tpu.memory_space<vmem>>, vector<1x128x128xf32>
    %get3A_74 = vector.shape_cast %get3A_73 : vector<1x128x128xf32> to vector<128x128xf32>
    %dot_general3A_75 = arith.constant dense<0.000000e+00> : vector<1000x128xf32>
    %dot_general3A_76 = tpu.matmul %get3A_1, %get3A_74, %dot_general3A_75 {dimension_numbers = #tpu.dot_dimension_numbers<[1], [1], [0], [0], [0, 0, 1, 0], [], []>, transpose_lhs_hint = false} : vector<1000x128xf32>, vector<128x128xf32>, vector<1000x128xf32> -> vector<1000x128xf32>
    %swap3A_77 = arith.constant 1 : index
    %swap3A_78 = arith.constant 0 : index
    %swap3A_79 = arith.constant 0 : index
    %swap3A_80 = vector.load %arg9[%swap3A_77, %swap3A_78, %swap3A_79] : memref<4x1000x128xf32, #tpu.memory_space<vmem>>, vector<1x1000x128xf32>
    %swap3A_81 = vector.shape_cast %swap3A_80 : vector<1x1000x128xf32> to vector<1000x128xf32>
    %swap3A_82 = vector.shape_cast %dot_general3A_76 : vector<1000x128xf32> to vector<1x1000x128xf32>
    tpu.vector_store %arg9[%swap3A_77, %swap3A_78, %swap3A_79], %swap3A_82 {strides = array<i32>} : memref<4x1000x128xf32, #tpu.memory_space<vmem>>, vector<1x1000x128xf32>,
    %get3A_83 = arith.constant 1 : index
    %get3A_84 = arith.constant 0 : index
    %get3A_85 = arith.constant 0 : index
    %get3A_86 = vector.load %arg3[%get3A_83, %get3A_84, %get3A_85] : memref<4x256x128xf32, #tpu.memory_space<vmem>>, vector<1x256x128xf32>
    %get3A_87 = vector.shape_cast %get3A_86 : vector<1x256x128xf32> to vector<256x128xf32>
    %dot_general3A_88 = arith.constant dense<0.000000e+00> : vector<1000x256xf32>
    %dot_general3A_89 = tpu.matmul %get3A_1, %get3A_87, %dot_general3A_88 {dimension_numbers = #tpu.dot_dimension_numbers<[1], [1], [0], [0], [0, 0, 1, 0], [], []>, transpose_lhs_hint = false} : vector<1000x128xf32>, vector<256x128xf32>, vector<1000x256xf32> -> vector<1000x256xf32>
    %get3A_90 = arith.constant 256 : index
    %get3A_91 = vector.load %arg4[%get3A_90] : memref<1024xf32, #tpu.memory_space<vmem>>, vector<256xf32>
    %broadcast_in_dim3A_92 = vector.shape_cast %get3A_91 : vector<256xf32> to vector<1x256xf32>
    %add3A_93 = vector.broadcast %broadcast_in_dim3A_92 : vector<1x256xf32> to vector<1000x256xf32>
    %add3A_94 = arith.addf %dot_general3A_89, %add3A_93 : vector<1000x256xf32>
    %get3A_95 = arith.constant 0 : index
    %get3A_96 = arith.constant 1 : index
    %get3A_97 = arith.constant 0 : index
    %get3A_98 = vector.load %arg8[%get3A_95, %get3A_96, %get3A_97] : memref<1x8x1000xf32, #tpu.memory_space<vmem>>, vector<1x1x1000xf32>
    %get3A_99 = vector.shape_cast %get3A_98 : vector<1x1x1000xf32> to vector<1000xf32>
    %get3A_100 = arith.constant 0 : index
    %get3A_101 = arith.constant 5 : index
    %get3A_102 = arith.constant 0 : index
    %get3A_103 = vector.load %arg8[%get3A_100, %get3A_101, %get3A_102] : memref<1x8x1000xf32, #tpu.memory_space<vmem>>, vector<1x1x1000xf32>
    %get3A_104 = vector.shape_cast %get3A_103 : vector<1x1x1000xf32> to vector<1000xf32>
    %add3A_105 = arith.addf %get3A_99, %get3A_104 : vector<1000xf32>
    %max3A_106 = arith.constant 1.000000e+00 : f32
    %max3A_107 = vector.broadcast %max3A_106 : f32 to vector<1000xf32>
    %max3A_108 = arith.maximumf %add3A_105, %max3A_107 : vector<1000xf32>
    %div3A_109 = arith.constant 1.000000e+00 : f32
    %div3A_110 = vector.broadcast %div3A_109 : f32 to vector<1000xf32>
    %div3A_111 = arith.divf %div3A_110, %max3A_108 : vector<1000xf32>
    %broadcast_in_dim3A_112 = vector.shape_cast %div3A_111 : vector<1000xf32> to vector<1000x1xf32>
    %mul3A_113 = vector.broadcast %broadcast_in_dim3A_112 : vector<1000x1xf32> to vector<1000x256xf32>
    %mul3A_114 = arith.mulf %add3A_94, %mul3A_113 : vector<1000x256xf32>
    %swap3A_115 = arith.constant 1 : index
    %swap3A_116 = arith.constant 0 : index
    %swap3A_117 = arith.constant 0 : index
    %swap3A_118 = vector.load %arg10[%swap3A_115, %swap3A_116, %swap3A_117] : memref<4x1000x256xf32, #tpu.memory_space<vmem>>, vector<1x1000x256xf32>
    %swap3A_119 = vector.shape_cast %swap3A_118 : vector<1x1000x256xf32> to vector<1000x256xf32>
    %swap3A_120 = vector.shape_cast %mul3A_114 : vector<1000x256xf32> to vector<1x1000x256xf32>
    tpu.vector_store %arg10[%swap3A_115, %swap3A_116, %swap3A_117], %swap3A_120 {strides = array<i32>} : memref<4x1000x256xf32, #tpu.memory_space<vmem>>, vector<1x1000x256xf32>,
    %get3A_121 = arith.constant 2 : index
    %get3A_122 = arith.constant 0 : index
    %get3A_123 = arith.constant 0 : index
    %get3A_124 = vector.load %arg2[%get3A_121, %get3A_122, %get3A_123] : memref<4x128x128xf32, #tpu.memory_space<vmem>>, vector<1x128x128xf32>
    %get3A_125 = vector.shape_cast %get3A_124 : vector<1x128x128xf32> to vector<128x128xf32>
    %dot_general3A_126 = arith.constant dense<0.000000e+00> : vector<1000x128xf32>
    %dot_general3A_127 = tpu.matmul %get3A_1, %get3A_125, %dot_general3A_126 {dimension_numbers = #tpu.dot_dimension_numbers<[1], [1], [0], [0], [0, 0, 1, 0], [], []>, transpose_lhs_hint = false} : vector<1000x128xf32>, vector<128x128xf32>, vector<1000x128xf32> -> vector<1000x128xf32>
    %swap3A_128 = arith.constant 2 : index
    %swap3A_129 = arith.constant 0 : index
    %swap3A_130 = arith.constant 0 : index
    %swap3A_131 = vector.load %arg9[%swap3A_128, %swap3A_129, %swap3A_130] : memref<4x1000x128xf32, #tpu.memory_space<vmem>>, vector<1x1000x128xf32>
    %swap3A_132 = vector.shape_cast %swap3A_131 : vector<1x1000x128xf32> to vector<1000x128xf32>
    %swap3A_133 = vector.shape_cast %dot_general3A_127 : vector<1000x128xf32> to vector<1x1000x128xf32>
    tpu.vector_store %arg9[%swap3A_128, %swap3A_129, %swap3A_130], %swap3A_133 {strides = array<i32>} : memref<4x1000x128xf32, #tpu.memory_space<vmem>>, vector<1x1000x128xf32>,
    %get3A_134 = arith.constant 2 : index
    %get3A_135 = arith.constant 0 : index
    %get3A_136 = arith.constant 0 : index
    %get3A_137 = vector.load %arg3[%get3A_134, %get3A_135, %get3A_136] : memref<4x256x128xf32, #tpu.memory_space<vmem>>, vector<1x256x128xf32>
    %get3A_138 = vector.shape_cast %get3A_137 : vector<1x256x128xf32> to vector<256x128xf32>
    %dot_general3A_139 = arith.constant dense<0.000000e+00> : vector<1000x256xf32>
    %dot_general3A_140 = tpu.matmul %get3A_1, %get3A_138, %dot_general3A_139 {dimension_numbers = #tpu.dot_dimension_numbers<[1], [1], [0], [0], [0, 0, 1, 0], [], []>, transpose_lhs_hint = false} : vector<1000x128xf32>, vector<256x128xf32>, vector<1000x256xf32> -> vector<1000x256xf32>
    %get3A_141 = arith.constant 512 : index
    %get3A_142 = vector.load %arg4[%get3A_141] : memref<1024xf32, #tpu.memory_space<vmem>>, vector<256xf32>
    %broadcast_in_dim3A_143 = vector.shape_cast %get3A_142 : vector<256xf32> to vector<1x256xf32>
    %add3A_144 = vector.broadcast %broadcast_in_dim3A_143 : vector<1x256xf32> to vector<1000x256xf32>
    %add3A_145 = arith.addf %dot_general3A_140, %add3A_144 : vector<1000x256xf32>
    %get3A_146 = arith.constant 0 : index
    %get3A_147 = arith.constant 2 : index
    %get3A_148 = arith.constant 0 : index
    %get3A_149 = vector.load %arg8[%get3A_146, %get3A_147, %get3A_148] : memref<1x8x1000xf32, #tpu.memory_space<vmem>>, vector<1x1x1000xf32>
    %get3A_150 = vector.shape_cast %get3A_149 : vector<1x1x1000xf32> to vector<1000xf32>
    %get3A_151 = arith.constant 0 : index
    %get3A_152 = arith.constant 6 : index
    %get3A_153 = arith.constant 0 : index
    %get3A_154 = vector.load %arg8[%get3A_151, %get3A_152, %get3A_153] : memref<1x8x1000xf32, #tpu.memory_space<vmem>>, vector<1x1x1000xf32>
    %get3A_155 = vector.shape_cast %get3A_154 : vector<1x1x1000xf32> to vector<1000xf32>
    %add3A_156 = arith.addf %get3A_150, %get3A_155 : vector<1000xf32>
    %max3A_157 = arith.constant 1.000000e+00 : f32
    %max3A_158 = vector.broadcast %max3A_157 : f32 to vector<1000xf32>
    %max3A_159 = arith.maximumf %add3A_156, %max3A_158 : vector<1000xf32>
    %div3A_160 = arith.constant 1.000000e+00 : f32
    %div3A_161 = vector.broadcast %div3A_160 : f32 to vector<1000xf32>
    %div3A_162 = arith.divf %div3A_161, %max3A_159 : vector<1000xf32>
    %broadcast_in_dim3A_163 = vector.shape_cast %div3A_162 : vector<1000xf32> to vector<1000x1xf32>
    %mul3A_164 = vector.broadcast %broadcast_in_dim3A_163 : vector<1000x1xf32> to vector<1000x256xf32>
    %mul3A_165 = arith.mulf %add3A_145, %mul3A_164 : vector<1000x256xf32>
    %swap3A_166 = arith.constant 2 : index
    %swap3A_167 = arith.constant 0 : index
    %swap3A_168 = arith.constant 0 : index
    %swap3A_169 = vector.load %arg10[%swap3A_166, %swap3A_167, %swap3A_168] : memref<4x1000x256xf32, #tpu.memory_space<vmem>>, vector<1x1000x256xf32>
    %swap3A_170 = vector.shape_cast %swap3A_169 : vector<1x1000x256xf32> to vector<1000x256xf32>
    %swap3A_171 = vector.shape_cast %mul3A_165 : vector<1000x256xf32> to vector<1x1000x256xf32>
    tpu.vector_store %arg10[%swap3A_166, %swap3A_167, %swap3A_168], %swap3A_171 {strides = array<i32>} : memref<4x1000x256xf32, #tpu.memory_space<vmem>>, vector<1x1000x256xf32>,
    %get3A_172 = arith.constant 3 : index
    %get3A_173 = arith.constant 0 : index
    %get3A_174 = arith.constant 0 : index
    %get3A_175 = vector.load %arg2[%get3A_172, %get3A_173, %get3A_174] : memref<4x128x128xf32, #tpu.memory_space<vmem>>, vector<1x128x128xf32>
    %get3A_176 = vector.shape_cast %get3A_175 : vector<1x128x128xf32> to vector<128x128xf32>
    %dot_general3A_177 = arith.constant dense<0.000000e+00> : vector<1000x128xf32>
    %dot_general3A_178 = tpu.matmul %get3A_1, %get3A_176, %dot_general3A_177 {dimension_numbers = #tpu.dot_dimension_numbers<[1], [1], [0], [0], [0, 0, 1, 0], [], []>, transpose_lhs_hint = false} : vector<1000x128xf32>, vector<128x128xf32>, vector<1000x128xf32> -> vector<1000x128xf32>
    %swap3A_179 = arith.constant 3 : index
    %swap3A_180 = arith.constant 0 : index
    %swap3A_181 = arith.constant 0 : index
    %swap3A_182 = vector.load %arg9[%swap3A_179, %swap3A_180, %swap3A_181] : memref<4x1000x128xf32, #tpu.memory_space<vmem>>, vector<1x1000x128xf32>
    %swap3A_183 = vector.shape_cast %swap3A_182 : vector<1x1000x128xf32> to vector<1000x128xf32>
    %swap3A_184 = vector.shape_cast %dot_general3A_178 : vector<1000x128xf32> to vector<1x1000x128xf32>
    tpu.vector_store %arg9[%swap3A_179, %swap3A_180, %swap3A_181], %swap3A_184 {strides = array<i32>} : memref<4x1000x128xf32, #tpu.memory_space<vmem>>, vector<1x1000x128xf32>,
    %get3A_185 = arith.constant 3 : index
    %get3A_186 = arith.constant 0 : index
    %get3A_187 = arith.constant 0 : index
    %get3A_188 = vector.load %arg3[%get3A_185, %get3A_186, %get3A_187] : memref<4x256x128xf32, #tpu.memory_space<vmem>>, vector<1x256x128xf32>
    %get3A_189 = vector.shape_cast %get3A_188 : vector<1x256x128xf32> to vector<256x128xf32>
    %dot_general3A_190 = arith.constant dense<0.000000e+00> : vector<1000x256xf32>
    %dot_general3A_191 = tpu.matmul %get3A_1, %get3A_189, %dot_general3A_190 {dimension_numbers = #tpu.dot_dimension_numbers<[1], [1], [0], [0], [0, 0, 1, 0], [], []>, transpose_lhs_hint = false} : vector<1000x128xf32>, vector<256x128xf32>, vector<1000x256xf32> -> vector<1000x256xf32>
    %get3A_192 = arith.constant 768 : index
    %get3A_193 = vector.load %arg4[%get3A_192] : memref<1024xf32, #tpu.memory_space<vmem>>, vector<256xf32>
    %broadcast_in_dim3A_194 = vector.shape_cast %get3A_193 : vector<256xf32> to vector<1x256xf32>
    %add3A_195 = vector.broadcast %broadcast_in_dim3A_194 : vector<1x256xf32> to vector<1000x256xf32>
    %add3A_196 = arith.addf %dot_general3A_191, %add3A_195 : vector<1000x256xf32>
    %get3A_197 = arith.constant 0 : index
    %get3A_198 = arith.constant 3 : index
    %get3A_199 = arith.constant 0 : index
    %get3A_200 = vector.load %arg8[%get3A_197, %get3A_198, %get3A_199] : memref<1x8x1000xf32, #tpu.memory_space<vmem>>, vector<1x1x1000xf32>
    %get3A_201 = vector.shape_cast %get3A_200 : vector<1x1x1000xf32> to vector<1000xf32>
    %get3A_202 = arith.constant 0 : index
    %get3A_203 = arith.constant 7 : index
    %get3A_204 = arith.constant 0 : index
    %get3A_205 = vector.load %arg8[%get3A_202, %get3A_203, %get3A_204] : memref<1x8x1000xf32, #tpu.memory_space<vmem>>, vector<1x1x1000xf32>
    %get3A_206 = vector.shape_cast %get3A_205 : vector<1x1x1000xf32> to vector<1000xf32>
    %add3A_207 = arith.addf %get3A_201, %get3A_206 : vector<1000xf32>
    %max3A_208 = arith.constant 1.000000e+00 : f32
    %max3A_209 = vector.broadcast %max3A_208 : f32 to vector<1000xf32>
    %max3A_210 = arith.maximumf %add3A_207, %max3A_209 : vector<1000xf32>
    %div3A_211 = arith.constant 1.000000e+00 : f32
    %div3A_212 = vector.broadcast %div3A_211 : f32 to vector<1000xf32>
    %div3A_213 = arith.divf %div3A_212, %max3A_210 : vector<1000xf32>
    %broadcast_in_dim3A_214 = vector.shape_cast %div3A_213 : vector<1000xf32> to vector<1000x1xf32>
    %mul3A_215 = vector.broadcast %broadcast_in_dim3A_214 : vector<1000x1xf32> to vector<1000x256xf32>
    %mul3A_216 = arith.mulf %add3A_196, %mul3A_215 : vector<1000x256xf32>
    %swap3A_217 = arith.constant 3 : index
    %swap3A_218 = arith.constant 0 : index
    %swap3A_219 = arith.constant 0 : index
    %swap3A_220 = vector.load %arg10[%swap3A_217, %swap3A_218, %swap3A_219] : memref<4x1000x256xf32, #tpu.memory_space<vmem>>, vector<1x1000x256xf32>
    %swap3A_221 = vector.shape_cast %swap3A_220 : vector<1x1000x256xf32> to vector<1000x256xf32>
    %swap3A_222 = vector.shape_cast %mul3A_216 : vector<1000x256xf32> to vector<1x1000x256xf32>
    tpu.vector_store %arg10[%swap3A_217, %swap3A_218, %swap3A_219], %swap3A_222 {strides = array<i32>} : memref<4x1000x256xf32, #tpu.memory_space<vmem>>, vector<1x1000x256xf32>,
    return
  }
  func.func @transform_0(%arg0: i32) -> (i32, i32) {
    %c0_i32 = arith.constant 0 : i32
    %c0_i32_0 = arith.constant 0 : i32
    return %arg0, %c0_i32 : i32, i32
  }
  func.func @transform_1(%arg0: i32) -> (i32, i32, i32) {
    %c0_i32 = arith.constant 0 : i32
    %c0_i32_0 = arith.constant 0 : i32
    %c0_i32_1 = arith.constant 0 : i32
    %c0_i32_2 = arith.constant 0 : i32
    return %c0_i32, %c0_i32_0, %c0_i32_1 : i32, i32, i32
  }
  func.func @transform_2(%arg0: i32) -> (i32, i32, i32) {
    %c0_i32 = arith.constant 0 : i32
    %c0_i32_0 = arith.constant 0 : i32
    %c0_i32_1 = arith.constant 0 : i32
    %c0_i32_2 = arith.constant 0 : i32
    return %c0_i32, %c0_i32_0, %c0_i32_1 : i32, i32, i32
  }
  func.func @transform_3(%arg0: i32) -> i32 {
    %c0_i32 = arith.constant 0 : i32
    %c0_i32_0 = arith.constant 0 : i32
    return %c0_i32 : i32
  }
  func.func @transform_4(%arg0: i32) -> (i32, i32) {
    %c0_i32 = arith.constant 0 : i32
    %c0_i32_0 = arith.constant 0 : i32
    %c0_i32_1 = arith.constant 0 : i32
    return %c0_i32, %c0_i32_0 : i32, i32
  }
  func.func @transform_5(%arg0: i32) -> (i32, i32) {
    %c0_i32 = arith.constant 0 : i32
    %c0_i32_0 = arith.constant 0 : i32
    %c0_i32_1 = arith.constant 0 : i32
    return %c0_i32, %c0_i32_0 : i32, i32
  }
  func.func @transform_6(%arg0: i32) -> i32 {
    %c0_i32 = arith.constant 0 : i32
    %c0_i32_0 = arith.constant 0 : i32
    return %c0_i32 : i32
  }
  func.func @transform_7(%arg0: i32) -> (i32, i32, i32) {
    %c0_i32 = arith.constant 0 : i32
    %c0_i32_0 = arith.constant 0 : i32
    %c0_i32_1 = arith.constant 0 : i32
    return %arg0, %c0_i32, %c0_i32_0 : i32, i32, i32
  }
  func.func @transform_8(%arg0: i32) -> (i32, i32, i32) {
    %c0_i32 = arith.constant 0 : i32
    %c0_i32_0 = arith.constant 0 : i32
    %c0_i32_1 = arith.constant 0 : i32
    return %c0_i32, %arg0, %c0_i32_0 : i32, i32, i32
  }
  func.func @transform_9(%arg0: i32) -> (i32, i32, i32) {
    %c0_i32 = arith.constant 0 : i32
    %c0_i32_0 = arith.constant 0 : i32
    %c0_i32_1 = arith.constant 0 : i32
    return %c0_i32, %arg0, %c0_i32_0 : i32, i32, i32
  }
  func.func @transform_10(%arg0: i32) -> (i32, i32) {
    %c0_i32 = arith.constant 0 : i32
    %c0_i32_0 = arith.constant 0 : i32
    return %arg0, %c0_i32 : i32, i32
  }
}

module attributes {stable_mosaic.version = 14 : i64} {
  func.func @_bn_body(%arg0: memref<2x10000x128xf32, #tpu.memory_space<vmem>>, %arg1: memref<10000x128xf32, #tpu.memory_space<vmem>>, %arg2: memref<128xf32, #tpu.memory_space<vmem>>, %arg3: memref<128xf32, #tpu.memory_space<vmem>>, %arg4: memref<10000x128xf32, #tpu.memory_space<vmem>>) attributes {dimension_semantics = [], scalar_prefetch = 0 : i64, scratch_operands = 0 : i64, tpu.core_type = #tpu.core_type<tc>} {
    %get3A = arith.constant 0 : index
    %get3A_0 = arith.constant 0 : index
    %get3A_1 = vector.load %arg1[%get3A, %get3A_0] : memref<10000x128xf32, #tpu.memory_space<vmem>>, vector<10000x128xf32>
    %get3A_2 = arith.constant 0 : index
    %get3A_3 = arith.constant 0 : index
    %get3A_4 = arith.constant 0 : index
    %get3A_5 = vector.load %arg0[%get3A_2, %get3A_3, %get3A_4] : memref<2x10000x128xf32, #tpu.memory_space<vmem>>, vector<1x10000x128xf32>
    %get3A_6 = vector.shape_cast %get3A_5 : vector<1x10000x128xf32> to vector<10000x128xf32>
    %add3A = arith.addf %get3A_1, %get3A_6 : vector<10000x128xf32>
    %get3A_7 = arith.constant 1 : index
    %get3A_8 = arith.constant 0 : index
    %get3A_9 = arith.constant 0 : index
    %get3A_10 = vector.load %arg0[%get3A_7, %get3A_8, %get3A_9] : memref<2x10000x128xf32, #tpu.memory_space<vmem>>, vector<1x10000x128xf32>
    %get3A_11 = vector.shape_cast %get3A_10 : vector<1x10000x128xf32> to vector<10000x128xf32>
    %add3A_12 = arith.addf %add3A, %get3A_11 : vector<10000x128xf32>
    %reduce_sum3A = arith.constant dense<0.000000e+00> : vector<128xf32>
    %reduce_sum3A_13 = vector.multi_reduction <add>, %add3A_12, %reduce_sum3A [0] : vector<10000x128xf32> to vector<128xf32>
    %div3A = arith.constant 1.000000e+04 : f32
    %div3A_14 = vector.broadcast %div3A : f32 to vector<128xf32>
    %div3A_15 = arith.divf %reduce_sum3A_13, %div3A_14 : vector<128xf32>
    %broadcast_in_dim3A = vector.shape_cast %div3A_15 : vector<128xf32> to vector<1x128xf32>
    %sub3A = vector.broadcast %broadcast_in_dim3A : vector<1x128xf32> to vector<10000x128xf32>
    %sub3A_16 = arith.subf %add3A_12, %sub3A : vector<10000x128xf32>
    %integer_pow3A = arith.mulf %sub3A_16, %sub3A_16 : vector<10000x128xf32>
    %reduce_sum3A_17 = arith.constant dense<0.000000e+00> : vector<128xf32>
    %reduce_sum3A_18 = vector.multi_reduction <add>, %integer_pow3A, %reduce_sum3A_17 [0] : vector<10000x128xf32> to vector<128xf32>
    %div3A_19 = arith.constant 1.000000e+04 : f32
    %div3A_20 = vector.broadcast %div3A_19 : f32 to vector<128xf32>
    %div3A_21 = arith.divf %reduce_sum3A_18, %div3A_20 : vector<128xf32>
    %get3A_22 = arith.constant 0 : index
    %get3A_23 = vector.load %arg2[%get3A_22] : memref<128xf32, #tpu.memory_space<vmem>>, vector<128xf32>
    %add3A_24 = arith.constant 9.99999974E-6 : f32
    %add3A_25 = vector.broadcast %add3A_24 : f32 to vector<128xf32>
    %add3A_26 = arith.addf %div3A_21, %add3A_25 : vector<128xf32>
    %rsqrt3A = math.rsqrt %add3A_26 : vector<128xf32>
    %mul3A = arith.mulf %get3A_23, %rsqrt3A : vector<128xf32>
    %broadcast_in_dim3A_27 = vector.shape_cast %div3A_15 : vector<128xf32> to vector<1x128xf32>
    %sub3A_28 = vector.broadcast %broadcast_in_dim3A_27 : vector<1x128xf32> to vector<10000x128xf32>
    %sub3A_29 = arith.subf %add3A_12, %sub3A_28 : vector<10000x128xf32>
    %broadcast_in_dim3A_30 = vector.shape_cast %mul3A : vector<128xf32> to vector<1x128xf32>
    %mul3A_31 = vector.broadcast %broadcast_in_dim3A_30 : vector<1x128xf32> to vector<10000x128xf32>
    %mul3A_32 = arith.mulf %sub3A_29, %mul3A_31 : vector<10000x128xf32>
    %get3A_33 = arith.constant 0 : index
    %get3A_34 = vector.load %arg3[%get3A_33] : memref<128xf32, #tpu.memory_space<vmem>>, vector<128xf32>
    %broadcast_in_dim3A_35 = vector.shape_cast %get3A_34 : vector<128xf32> to vector<1x128xf32>
    %add3A_36 = vector.broadcast %broadcast_in_dim3A_35 : vector<1x128xf32> to vector<10000x128xf32>
    %add3A_37 = arith.addf %mul3A_32, %add3A_36 : vector<10000x128xf32>
    %swap3A = arith.constant 0 : index
    %swap3A_38 = arith.constant 0 : index
    %swap3A_39 = vector.load %arg4[%swap3A, %swap3A_38] : memref<10000x128xf32, #tpu.memory_space<vmem>>, vector<10000x128xf32>
    tpu.vector_store %arg4[%swap3A, %swap3A_38], %add3A_37 {strides = array<i32>} : memref<10000x128xf32, #tpu.memory_space<vmem>>, vector<10000x128xf32>,
    return
  }
}

module attributes {stable_mosaic.version = 14 : i64} {
  func.func @_dense1_body(%arg0: i32, %arg1: memref<1000x128xf32, #tpu.memory_space<vmem>>, %arg2: memref<4x64x128xf32, #tpu.memory_space<vmem>>, %arg3: memref<4x128x128xf32, #tpu.memory_space<vmem>>, %arg4: memref<512xf32, #tpu.memory_space<vmem>>, %arg5: memref<64x128xf32, #tpu.memory_space<vmem>>, %arg6: memref<128x128xf32, #tpu.memory_space<vmem>>, %arg7: memref<128xf32, #tpu.memory_space<vmem>>, %arg8: memref<1x8x1000xf32, #tpu.memory_space<vmem>>, %arg9: memref<4x1000x128xf32, #tpu.memory_space<vmem>>, %arg10: memref<1000x64xf32, #tpu.memory_space<vmem>>) attributes {dimension_semantics = [#tpu.dimension_semantics<arbitrary>], iteration_bounds = array<i64: 10>, scalar_prefetch = 0 : i64, scratch_operands = 0 : i64, tpu.core_type = #tpu.core_type<tc>, window_params = [{transform_indices = @transform_0, window_bounds = array<i64: 1000, 128>}, {pipeline_mode = #tpu.pipeline_mode<synchronous>, transform_indices = @transform_1, window_bounds = array<i64: 4, 64, 128>}, {pipeline_mode = #tpu.pipeline_mode<synchronous>, transform_indices = @transform_2, window_bounds = array<i64: 4, 128, 128>}, {pipeline_mode = #tpu.pipeline_mode<synchronous>, transform_indices = @transform_3, window_bounds = array<i64: 512>}, {pipeline_mode = #tpu.pipeline_mode<synchronous>, transform_indices = @transform_4, window_bounds = array<i64: 64, 128>}, {pipeline_mode = #tpu.pipeline_mode<synchronous>, transform_indices = @transform_5, window_bounds = array<i64: 128, 128>}, {pipeline_mode = #tpu.pipeline_mode<synchronous>, transform_indices = @transform_6, window_bounds = array<i64: 128>}, {transform_indices = @transform_7, window_bounds = array<i64: 1, 8, 1000>}, {transform_indices = @transform_8, window_bounds = array<i64: 4, 1000, 128>}, {transform_indices = @transform_9, window_bounds = array<i64: 1000, 64>}]} {
    %get3A = arith.constant 0 : index
    %get3A_0 = arith.constant 0 : index
    %get3A_1 = vector.load %arg1[%get3A, %get3A_0] : memref<1000x128xf32, #tpu.memory_space<vmem>>, vector<1000x128xf32>
    %get3A_2 = arith.constant 0 : index
    %get3A_3 = arith.constant 0 : index
    %get3A_4 = vector.load %arg6[%get3A_2, %get3A_3] : memref<128x128xf32, #tpu.memory_space<vmem>>, vector<128x128xf32>
    %dot_general3A = arith.constant dense<0.000000e+00> : vector<1000x128xf32>
    %dot_general3A_5 = tpu.matmul %get3A_1, %get3A_4, %dot_general3A {dimension_numbers = #tpu.dot_dimension_numbers<[1], [1], [0], [0], [0, 0, 1, 0], [], []>, transpose_lhs_hint = false} : vector<1000x128xf32>, vector<128x128xf32>, vector<1000x128xf32> -> vector<1000x128xf32>
    %get3A_6 = arith.constant 0 : index
    %get3A_7 = vector.load %arg7[%get3A_6] : memref<128xf32, #tpu.memory_space<vmem>>, vector<128xf32>
    %broadcast_in_dim3A = vector.shape_cast %get3A_7 : vector<128xf32> to vector<1x128xf32>
    %add3A = vector.broadcast %broadcast_in_dim3A : vector<1x128xf32> to vector<1000x128xf32>
    %add3A_8 = arith.addf %dot_general3A_5, %add3A : vector<1000x128xf32>
    %slice3A = vector.extract_strided_slice %add3A_8 {offsets = [0, 0], sizes = [1000, 64], strides = [1, 1]} : vector<1000x128xf32> to vector<1000x64xf32>
    %slice3A_9 = vector.extract_strided_slice %add3A_8 {offsets = [0, 64], sizes = [1000, 64], strides = [1, 1]} : vector<1000x128xf32> to vector<1000x64xf32>
    %get3A_10 = arith.constant 0 : index
    %get3A_11 = arith.constant 0 : index
    %get3A_12 = vector.load %arg5[%get3A_10, %get3A_11] : memref<64x128xf32, #tpu.memory_space<vmem>>, vector<64x128xf32>
    %dot_general3A_13 = arith.constant dense<0.000000e+00> : vector<1000x64xf32>
    %dot_general3A_14 = tpu.matmul %get3A_1, %get3A_12, %dot_general3A_13 {dimension_numbers = #tpu.dot_dimension_numbers<[1], [1], [0], [0], [0, 0, 1, 0], [], []>, transpose_lhs_hint = false} : vector<1000x128xf32>, vector<64x128xf32>, vector<1000x64xf32> -> vector<1000x64xf32>
    %mul3A = arith.mulf %slice3A_9, %dot_general3A_14 : vector<1000x64xf32>
    %add3A_15 = arith.addf %mul3A, %slice3A : vector<1000x64xf32>
    %get3A_16 = arith.constant 0 : index
    %get3A_17 = arith.constant 0 : index
    %get3A_18 = arith.constant 0 : index
    %get3A_19 = vector.load %arg3[%get3A_16, %get3A_17, %get3A_18] : memref<4x128x128xf32, #tpu.memory_space<vmem>>, vector<1x128x128xf32>
    %get3A_20 = vector.shape_cast %get3A_19 : vector<1x128x128xf32> to vector<128x128xf32>
    %dot_general3A_21 = arith.constant dense<0.000000e+00> : vector<1000x128xf32>
    %dot_general3A_22 = tpu.matmul %get3A_1, %get3A_20, %dot_general3A_21 {dimension_numbers = #tpu.dot_dimension_numbers<[1], [1], [0], [0], [0, 0, 1, 0], [], []>, transpose_lhs_hint = false} : vector<1000x128xf32>, vector<128x128xf32>, vector<1000x128xf32> -> vector<1000x128xf32>
    %get3A_23 = arith.constant 0 : index
    %get3A_24 = vector.load %arg4[%get3A_23] : memref<512xf32, #tpu.memory_space<vmem>>, vector<128xf32>
    %broadcast_in_dim3A_25 = vector.shape_cast %get3A_24 : vector<128xf32> to vector<1x128xf32>
    %add3A_26 = vector.broadcast %broadcast_in_dim3A_25 : vector<1x128xf32> to vector<1000x128xf32>
    %add3A_27 = arith.addf %dot_general3A_22, %add3A_26 : vector<1000x128xf32>
    %slice3A_28 = vector.extract_strided_slice %add3A_27 {offsets = [0, 0], sizes = [1000, 64], strides = [1, 1]} : vector<1000x128xf32> to vector<1000x64xf32>
    %slice3A_29 = vector.extract_strided_slice %add3A_27 {offsets = [0, 64], sizes = [1000, 64], strides = [1, 1]} : vector<1000x128xf32> to vector<1000x64xf32>
    %get3A_30 = arith.constant 0 : index
    %get3A_31 = arith.constant 0 : index
    %get3A_32 = arith.constant 0 : index
    %get3A_33 = vector.load %arg8[%get3A_30, %get3A_31, %get3A_32] : memref<1x8x1000xf32, #tpu.memory_space<vmem>>, vector<1x1x1000xf32>
    %get3A_34 = vector.shape_cast %get3A_33 : vector<1x1x1000xf32> to vector<1000xf32>
    %get3A_35 = arith.constant 0 : index
    %get3A_36 = arith.constant 4 : index
    %get3A_37 = arith.constant 0 : index
    %get3A_38 = vector.load %arg8[%get3A_35, %get3A_36, %get3A_37] : memref<1x8x1000xf32, #tpu.memory_space<vmem>>, vector<1x1x1000xf32>
    %get3A_39 = vector.shape_cast %get3A_38 : vector<1x1x1000xf32> to vector<1000xf32>
    %add3A_40 = arith.addf %get3A_34, %get3A_39 : vector<1000xf32>
    %max3A = arith.constant 1.000000e+00 : f32
    %max3A_41 = vector.broadcast %max3A : f32 to vector<1000xf32>
    %max3A_42 = arith.maximumf %add3A_40, %max3A_41 : vector<1000xf32>
    %div3A = arith.constant 1.000000e+00 : f32
    %div3A_43 = vector.broadcast %div3A : f32 to vector<1000xf32>
    %div3A_44 = arith.divf %div3A_43, %max3A_42 : vector<1000xf32>
    %min3A = arith.constant 1.000000e+00 : f32
    %min3A_45 = vector.broadcast %min3A : f32 to vector<1000xf32>
    %min3A_46 = arith.minimumf %add3A_40, %min3A_45 : vector<1000xf32>
    %get3A_47 = arith.constant 0 : index
    %get3A_48 = arith.constant 0 : index
    %get3A_49 = arith.constant 0 : index
    %get3A_50 = vector.load %arg2[%get3A_47, %get3A_48, %get3A_49] : memref<4x64x128xf32, #tpu.memory_space<vmem>>, vector<1x64x128xf32>
    %get3A_51 = vector.shape_cast %get3A_50 : vector<1x64x128xf32> to vector<64x128xf32>
    %dot_general3A_52 = arith.constant dense<0.000000e+00> : vector<1000x64xf32>
    %dot_general3A_53 = tpu.matmul %get3A_1, %get3A_51, %dot_general3A_52 {dimension_numbers = #tpu.dot_dimension_numbers<[1], [1], [0], [0], [0, 0, 1, 0], [], []>, transpose_lhs_hint = false} : vector<1000x128xf32>, vector<64x128xf32>, vector<1000x64xf32> -> vector<1000x64xf32>
    %broadcast_in_dim3A_54 = vector.shape_cast %div3A_44 : vector<1000xf32> to vector<1000x1xf32>
    %mul3A_55 = vector.broadcast %broadcast_in_dim3A_54 : vector<1000x1xf32> to vector<1000x64xf32>
    %mul3A_56 = arith.mulf %slice3A_29, %mul3A_55 : vector<1000x64xf32>
    %concatenate3A = tpu.concatenate %dot_general3A_53, %mul3A_56 in 1 : vector<1000x64xf32>, vector<1000x64xf32> -> vector<1000x128xf32>
    %swap3A = arith.constant 0 : index
    %swap3A_57 = arith.constant 0 : index
    %swap3A_58 = arith.constant 0 : index
    %swap3A_59 = vector.load %arg9[%swap3A, %swap3A_57, %swap3A_58] : memref<4x1000x128xf32, #tpu.memory_space<vmem>>, vector<1x1000x128xf32>
    %swap3A_60 = vector.shape_cast %swap3A_59 : vector<1x1000x128xf32> to vector<1000x128xf32>
    %swap3A_61 = vector.shape_cast %concatenate3A : vector<1000x128xf32> to vector<1x1000x128xf32>
    tpu.vector_store %arg9[%swap3A, %swap3A_57, %swap3A_58], %swap3A_61 {strides = array<i32>} : memref<4x1000x128xf32, #tpu.memory_space<vmem>>, vector<1x1000x128xf32>,
    %broadcast_in_dim3A_62 = vector.shape_cast %min3A_46 : vector<1000xf32> to vector<1000x1xf32>
    %mul3A_63 = vector.broadcast %broadcast_in_dim3A_62 : vector<1000x1xf32> to vector<1000x64xf32>
    %mul3A_64 = arith.mulf %slice3A_28, %mul3A_63 : vector<1000x64xf32>
    %add3A_65 = arith.addf %add3A_15, %mul3A_64 : vector<1000x64xf32>
    %get3A_66 = arith.constant 1 : index
    %get3A_67 = arith.constant 0 : index
    %get3A_68 = arith.constant 0 : index
    %get3A_69 = vector.load %arg3[%get3A_66, %get3A_67, %get3A_68] : memref<4x128x128xf32, #tpu.memory_space<vmem>>, vector<1x128x128xf32>
    %get3A_70 = vector.shape_cast %get3A_69 : vector<1x128x128xf32> to vector<128x128xf32>
    %dot_general3A_71 = arith.constant dense<0.000000e+00> : vector<1000x128xf32>
    %dot_general3A_72 = tpu.matmul %get3A_1, %get3A_70, %dot_general3A_71 {dimension_numbers = #tpu.dot_dimension_numbers<[1], [1], [0], [0], [0, 0, 1, 0], [], []>, transpose_lhs_hint = false} : vector<1000x128xf32>, vector<128x128xf32>, vector<1000x128xf32> -> vector<1000x128xf32>
    %get3A_73 = arith.constant 128 : index
    %get3A_74 = vector.load %arg4[%get3A_73] : memref<512xf32, #tpu.memory_space<vmem>>, vector<128xf32>
    %broadcast_in_dim3A_75 = vector.shape_cast %get3A_74 : vector<128xf32> to vector<1x128xf32>
    %add3A_76 = vector.broadcast %broadcast_in_dim3A_75 : vector<1x128xf32> to vector<1000x128xf32>
    %add3A_77 = arith.addf %dot_general3A_72, %add3A_76 : vector<1000x128xf32>
    %slice3A_78 = vector.extract_strided_slice %add3A_77 {offsets = [0, 0], sizes = [1000, 64], strides = [1, 1]} : vector<1000x128xf32> to vector<1000x64xf32>
    %slice3A_79 = vector.extract_strided_slice %add3A_77 {offsets = [0, 64], sizes = [1000, 64], strides = [1, 1]} : vector<1000x128xf32> to vector<1000x64xf32>
    %get3A_80 = arith.constant 0 : index
    %get3A_81 = arith.constant 1 : index
    %get3A_82 = arith.constant 0 : index
    %get3A_83 = vector.load %arg8[%get3A_80, %get3A_81, %get3A_82] : memref<1x8x1000xf32, #tpu.memory_space<vmem>>, vector<1x1x1000xf32>
    %get3A_84 = vector.shape_cast %get3A_83 : vector<1x1x1000xf32> to vector<1000xf32>
    %get3A_85 = arith.constant 0 : index
    %get3A_86 = arith.constant 5 : index
    %get3A_87 = arith.constant 0 : index
    %get3A_88 = vector.load %arg8[%get3A_85, %get3A_86, %get3A_87] : memref<1x8x1000xf32, #tpu.memory_space<vmem>>, vector<1x1x1000xf32>
    %get3A_89 = vector.shape_cast %get3A_88 : vector<1x1x1000xf32> to vector<1000xf32>
    %add3A_90 = arith.addf %get3A_84, %get3A_89 : vector<1000xf32>
    %max3A_91 = arith.constant 1.000000e+00 : f32
    %max3A_92 = vector.broadcast %max3A_91 : f32 to vector<1000xf32>
    %max3A_93 = arith.maximumf %add3A_90, %max3A_92 : vector<1000xf32>
    %div3A_94 = arith.constant 1.000000e+00 : f32
    %div3A_95 = vector.broadcast %div3A_94 : f32 to vector<1000xf32>
    %div3A_96 = arith.divf %div3A_95, %max3A_93 : vector<1000xf32>
    %min3A_97 = arith.constant 1.000000e+00 : f32
    %min3A_98 = vector.broadcast %min3A_97 : f32 to vector<1000xf32>
    %min3A_99 = arith.minimumf %add3A_90, %min3A_98 : vector<1000xf32>
    %get3A_100 = arith.constant 1 : index
    %get3A_101 = arith.constant 0 : index
    %get3A_102 = arith.constant 0 : index
    %get3A_103 = vector.load %arg2[%get3A_100, %get3A_101, %get3A_102] : memref<4x64x128xf32, #tpu.memory_space<vmem>>, vector<1x64x128xf32>
    %get3A_104 = vector.shape_cast %get3A_103 : vector<1x64x128xf32> to vector<64x128xf32>
    %dot_general3A_105 = arith.constant dense<0.000000e+00> : vector<1000x64xf32>
    %dot_general3A_106 = tpu.matmul %get3A_1, %get3A_104, %dot_general3A_105 {dimension_numbers = #tpu.dot_dimension_numbers<[1], [1], [0], [0], [0, 0, 1, 0], [], []>, transpose_lhs_hint = false} : vector<1000x128xf32>, vector<64x128xf32>, vector<1000x64xf32> -> vector<1000x64xf32>
    %broadcast_in_dim3A_107 = vector.shape_cast %div3A_96 : vector<1000xf32> to vector<1000x1xf32>
    %mul3A_108 = vector.broadcast %broadcast_in_dim3A_107 : vector<1000x1xf32> to vector<1000x64xf32>
    %mul3A_109 = arith.mulf %slice3A_79, %mul3A_108 : vector<1000x64xf32>
    %concatenate3A_110 = tpu.concatenate %dot_general3A_106, %mul3A_109 in 1 : vector<1000x64xf32>, vector<1000x64xf32> -> vector<1000x128xf32>
    %swap3A_111 = arith.constant 1 : index
    %swap3A_112 = arith.constant 0 : index
    %swap3A_113 = arith.constant 0 : index
    %swap3A_114 = vector.load %arg9[%swap3A_111, %swap3A_112, %swap3A_113] : memref<4x1000x128xf32, #tpu.memory_space<vmem>>, vector<1x1000x128xf32>
    %swap3A_115 = vector.shape_cast %swap3A_114 : vector<1x1000x128xf32> to vector<1000x128xf32>
    %swap3A_116 = vector.shape_cast %concatenate3A_110 : vector<1000x128xf32> to vector<1x1000x128xf32>
    tpu.vector_store %arg9[%swap3A_111, %swap3A_112, %swap3A_113], %swap3A_116 {strides = array<i32>} : memref<4x1000x128xf32, #tpu.memory_space<vmem>>, vector<1x1000x128xf32>,
    %broadcast_in_dim3A_117 = vector.shape_cast %min3A_99 : vector<1000xf32> to vector<1000x1xf32>
    %mul3A_118 = vector.broadcast %broadcast_in_dim3A_117 : vector<1000x1xf32> to vector<1000x64xf32>
    %mul3A_119 = arith.mulf %slice3A_78, %mul3A_118 : vector<1000x64xf32>
    %add3A_120 = arith.addf %add3A_65, %mul3A_119 : vector<1000x64xf32>
    %get3A_121 = arith.constant 2 : index
    %get3A_122 = arith.constant 0 : index
    %get3A_123 = arith.constant 0 : index
    %get3A_124 = vector.load %arg3[%get3A_121, %get3A_122, %get3A_123] : memref<4x128x128xf32, #tpu.memory_space<vmem>>, vector<1x128x128xf32>
    %get3A_125 = vector.shape_cast %get3A_124 : vector<1x128x128xf32> to vector<128x128xf32>
    %dot_general3A_126 = arith.constant dense<0.000000e+00> : vector<1000x128xf32>
    %dot_general3A_127 = tpu.matmul %get3A_1, %get3A_125, %dot_general3A_126 {dimension_numbers = #tpu.dot_dimension_numbers<[1], [1], [0], [0], [0, 0, 1, 0], [], []>, transpose_lhs_hint = false} : vector<1000x128xf32>, vector<128x128xf32>, vector<1000x128xf32> -> vector<1000x128xf32>
    %get3A_128 = arith.constant 256 : index
    %get3A_129 = vector.load %arg4[%get3A_128] : memref<512xf32, #tpu.memory_space<vmem>>, vector<128xf32>
    %broadcast_in_dim3A_130 = vector.shape_cast %get3A_129 : vector<128xf32> to vector<1x128xf32>
    %add3A_131 = vector.broadcast %broadcast_in_dim3A_130 : vector<1x128xf32> to vector<1000x128xf32>
    %add3A_132 = arith.addf %dot_general3A_127, %add3A_131 : vector<1000x128xf32>
    %slice3A_133 = vector.extract_strided_slice %add3A_132 {offsets = [0, 0], sizes = [1000, 64], strides = [1, 1]} : vector<1000x128xf32> to vector<1000x64xf32>
    %slice3A_134 = vector.extract_strided_slice %add3A_132 {offsets = [0, 64], sizes = [1000, 64], strides = [1, 1]} : vector<1000x128xf32> to vector<1000x64xf32>
    %get3A_135 = arith.constant 0 : index
    %get3A_136 = arith.constant 2 : index
    %get3A_137 = arith.constant 0 : index
    %get3A_138 = vector.load %arg8[%get3A_135, %get3A_136, %get3A_137] : memref<1x8x1000xf32, #tpu.memory_space<vmem>>, vector<1x1x1000xf32>
    %get3A_139 = vector.shape_cast %get3A_138 : vector<1x1x1000xf32> to vector<1000xf32>
    %get3A_140 = arith.constant 0 : index
    %get3A_141 = arith.constant 6 : index
    %get3A_142 = arith.constant 0 : index
    %get3A_143 = vector.load %arg8[%get3A_140, %get3A_141, %get3A_142] : memref<1x8x1000xf32, #tpu.memory_space<vmem>>, vector<1x1x1000xf32>
    %get3A_144 = vector.shape_cast %get3A_143 : vector<1x1x1000xf32> to vector<1000xf32>
    %add3A_145 = arith.addf %get3A_139, %get3A_144 : vector<1000xf32>
    %max3A_146 = arith.constant 1.000000e+00 : f32
    %max3A_147 = vector.broadcast %max3A_146 : f32 to vector<1000xf32>
    %max3A_148 = arith.maximumf %add3A_145, %max3A_147 : vector<1000xf32>
    %div3A_149 = arith.constant 1.000000e+00 : f32
    %div3A_150 = vector.broadcast %div3A_149 : f32 to vector<1000xf32>
    %div3A_151 = arith.divf %div3A_150, %max3A_148 : vector<1000xf32>
    %min3A_152 = arith.constant 1.000000e+00 : f32
    %min3A_153 = vector.broadcast %min3A_152 : f32 to vector<1000xf32>
    %min3A_154 = arith.minimumf %add3A_145, %min3A_153 : vector<1000xf32>
    %get3A_155 = arith.constant 2 : index
    %get3A_156 = arith.constant 0 : index
    %get3A_157 = arith.constant 0 : index
    %get3A_158 = vector.load %arg2[%get3A_155, %get3A_156, %get3A_157] : memref<4x64x128xf32, #tpu.memory_space<vmem>>, vector<1x64x128xf32>
    %get3A_159 = vector.shape_cast %get3A_158 : vector<1x64x128xf32> to vector<64x128xf32>
    %dot_general3A_160 = arith.constant dense<0.000000e+00> : vector<1000x64xf32>
    %dot_general3A_161 = tpu.matmul %get3A_1, %get3A_159, %dot_general3A_160 {dimension_numbers = #tpu.dot_dimension_numbers<[1], [1], [0], [0], [0, 0, 1, 0], [], []>, transpose_lhs_hint = false} : vector<1000x128xf32>, vector<64x128xf32>, vector<1000x64xf32> -> vector<1000x64xf32>
    %broadcast_in_dim3A_162 = vector.shape_cast %div3A_151 : vector<1000xf32> to vector<1000x1xf32>
    %mul3A_163 = vector.broadcast %broadcast_in_dim3A_162 : vector<1000x1xf32> to vector<1000x64xf32>
    %mul3A_164 = arith.mulf %slice3A_134, %mul3A_163 : vector<1000x64xf32>
    %concatenate3A_165 = tpu.concatenate %dot_general3A_161, %mul3A_164 in 1 : vector<1000x64xf32>, vector<1000x64xf32> -> vector<1000x128xf32>
    %swap3A_166 = arith.constant 2 : index
    %swap3A_167 = arith.constant 0 : index
    %swap3A_168 = arith.constant 0 : index
    %swap3A_169 = vector.load %arg9[%swap3A_166, %swap3A_167, %swap3A_168] : memref<4x1000x128xf32, #tpu.memory_space<vmem>>, vector<1x1000x128xf32>
    %swap3A_170 = vector.shape_cast %swap3A_169 : vector<1x1000x128xf32> to vector<1000x128xf32>
    %swap3A_171 = vector.shape_cast %concatenate3A_165 : vector<1000x128xf32> to vector<1x1000x128xf32>
    tpu.vector_store %arg9[%swap3A_166, %swap3A_167, %swap3A_168], %swap3A_171 {strides = array<i32>} : memref<4x1000x128xf32, #tpu.memory_space<vmem>>, vector<1x1000x128xf32>,
    %broadcast_in_dim3A_172 = vector.shape_cast %min3A_154 : vector<1000xf32> to vector<1000x1xf32>
    %mul3A_173 = vector.broadcast %broadcast_in_dim3A_172 : vector<1000x1xf32> to vector<1000x64xf32>
    %mul3A_174 = arith.mulf %slice3A_133, %mul3A_173 : vector<1000x64xf32>
    %add3A_175 = arith.addf %add3A_120, %mul3A_174 : vector<1000x64xf32>
    %get3A_176 = arith.constant 3 : index
    %get3A_177 = arith.constant 0 : index
    %get3A_178 = arith.constant 0 : index
    %get3A_179 = vector.load %arg3[%get3A_176, %get3A_177, %get3A_178] : memref<4x128x128xf32, #tpu.memory_space<vmem>>, vector<1x128x128xf32>
    %get3A_180 = vector.shape_cast %get3A_179 : vector<1x128x128xf32> to vector<128x128xf32>
    %dot_general3A_181 = arith.constant dense<0.000000e+00> : vector<1000x128xf32>
    %dot_general3A_182 = tpu.matmul %get3A_1, %get3A_180, %dot_general3A_181 {dimension_numbers = #tpu.dot_dimension_numbers<[1], [1], [0], [0], [0, 0, 1, 0], [], []>, transpose_lhs_hint = false} : vector<1000x128xf32>, vector<128x128xf32>, vector<1000x128xf32> -> vector<1000x128xf32>
    %get3A_183 = arith.constant 384 : index
    %get3A_184 = vector.load %arg4[%get3A_183] : memref<512xf32, #tpu.memory_space<vmem>>, vector<128xf32>
    %broadcast_in_dim3A_185 = vector.shape_cast %get3A_184 : vector<128xf32> to vector<1x128xf32>
    %add3A_186 = vector.broadcast %broadcast_in_dim3A_185 : vector<1x128xf32> to vector<1000x128xf32>
    %add3A_187 = arith.addf %dot_general3A_182, %add3A_186 : vector<1000x128xf32>
    %slice3A_188 = vector.extract_strided_slice %add3A_187 {offsets = [0, 0], sizes = [1000, 64], strides = [1, 1]} : vector<1000x128xf32> to vector<1000x64xf32>
    %slice3A_189 = vector.extract_strided_slice %add3A_187 {offsets = [0, 64], sizes = [1000, 64], strides = [1, 1]} : vector<1000x128xf32> to vector<1000x64xf32>
    %get3A_190 = arith.constant 0 : index
    %get3A_191 = arith.constant 3 : index
    %get3A_192 = arith.constant 0 : index
    %get3A_193 = vector.load %arg8[%get3A_190, %get3A_191, %get3A_192] : memref<1x8x1000xf32, #tpu.memory_space<vmem>>, vector<1x1x1000xf32>
    %get3A_194 = vector.shape_cast %get3A_193 : vector<1x1x1000xf32> to vector<1000xf32>
    %get3A_195 = arith.constant 0 : index
    %get3A_196 = arith.constant 7 : index
    %get3A_197 = arith.constant 0 : index
    %get3A_198 = vector.load %arg8[%get3A_195, %get3A_196, %get3A_197] : memref<1x8x1000xf32, #tpu.memory_space<vmem>>, vector<1x1x1000xf32>
    %get3A_199 = vector.shape_cast %get3A_198 : vector<1x1x1000xf32> to vector<1000xf32>
    %add3A_200 = arith.addf %get3A_194, %get3A_199 : vector<1000xf32>
    %max3A_201 = arith.constant 1.000000e+00 : f32
    %max3A_202 = vector.broadcast %max3A_201 : f32 to vector<1000xf32>
    %max3A_203 = arith.maximumf %add3A_200, %max3A_202 : vector<1000xf32>
    %div3A_204 = arith.constant 1.000000e+00 : f32
    %div3A_205 = vector.broadcast %div3A_204 : f32 to vector<1000xf32>
    %div3A_206 = arith.divf %div3A_205, %max3A_203 : vector<1000xf32>
    %min3A_207 = arith.constant 1.000000e+00 : f32
    %min3A_208 = vector.broadcast %min3A_207 : f32 to vector<1000xf32>
    %min3A_209 = arith.minimumf %add3A_200, %min3A_208 : vector<1000xf32>
    %get3A_210 = arith.constant 3 : index
    %get3A_211 = arith.constant 0 : index
    %get3A_212 = arith.constant 0 : index
    %get3A_213 = vector.load %arg2[%get3A_210, %get3A_211, %get3A_212] : memref<4x64x128xf32, #tpu.memory_space<vmem>>, vector<1x64x128xf32>
    %get3A_214 = vector.shape_cast %get3A_213 : vector<1x64x128xf32> to vector<64x128xf32>
    %dot_general3A_215 = arith.constant dense<0.000000e+00> : vector<1000x64xf32>
    %dot_general3A_216 = tpu.matmul %get3A_1, %get3A_214, %dot_general3A_215 {dimension_numbers = #tpu.dot_dimension_numbers<[1], [1], [0], [0], [0, 0, 1, 0], [], []>, transpose_lhs_hint = false} : vector<1000x128xf32>, vector<64x128xf32>, vector<1000x64xf32> -> vector<1000x64xf32>
    %broadcast_in_dim3A_217 = vector.shape_cast %div3A_206 : vector<1000xf32> to vector<1000x1xf32>
    %mul3A_218 = vector.broadcast %broadcast_in_dim3A_217 : vector<1000x1xf32> to vector<1000x64xf32>
    %mul3A_219 = arith.mulf %slice3A_189, %mul3A_218 : vector<1000x64xf32>
    %concatenate3A_220 = tpu.concatenate %dot_general3A_216, %mul3A_219 in 1 : vector<1000x64xf32>, vector<1000x64xf32> -> vector<1000x128xf32>
    %swap3A_221 = arith.constant 3 : index
    %swap3A_222 = arith.constant 0 : index
    %swap3A_223 = arith.constant 0 : index
    %swap3A_224 = vector.load %arg9[%swap3A_221, %swap3A_222, %swap3A_223] : memref<4x1000x128xf32, #tpu.memory_space<vmem>>, vector<1x1000x128xf32>
    %swap3A_225 = vector.shape_cast %swap3A_224 : vector<1x1000x128xf32> to vector<1000x128xf32>
    %swap3A_226 = vector.shape_cast %concatenate3A_220 : vector<1000x128xf32> to vector<1x1000x128xf32>
    tpu.vector_store %arg9[%swap3A_221, %swap3A_222, %swap3A_223], %swap3A_226 {strides = array<i32>} : memref<4x1000x128xf32, #tpu.memory_space<vmem>>, vector<1x1000x128xf32>,
    %broadcast_in_dim3A_227 = vector.shape_cast %min3A_209 : vector<1000xf32> to vector<1000x1xf32>
    %mul3A_228 = vector.broadcast %broadcast_in_dim3A_227 : vector<1000x1xf32> to vector<1000x64xf32>
    %mul3A_229 = arith.mulf %slice3A_188, %mul3A_228 : vector<1000x64xf32>
    %add3A_230 = arith.addf %add3A_175, %mul3A_229 : vector<1000x64xf32>
    %swap3A_231 = arith.constant 0 : index
    %swap3A_232 = arith.constant 0 : index
    %swap3A_233 = vector.load %arg10[%swap3A_231, %swap3A_232] : memref<1000x64xf32, #tpu.memory_space<vmem>>, vector<1000x64xf32>
    tpu.vector_store %arg10[%swap3A_231, %swap3A_232], %add3A_230 {strides = array<i32>} : memref<1000x64xf32, #tpu.memory_space<vmem>>, vector<1000x64xf32>,
    return
  }
  func.func @transform_0(%arg0: i32) -> (i32, i32) {
    %c0_i32 = arith.constant 0 : i32
    %c0_i32_0 = arith.constant 0 : i32
    return %arg0, %c0_i32 : i32, i32
  }
  func.func @transform_1(%arg0: i32) -> (i32, i32, i32) {
    %c0_i32 = arith.constant 0 : i32
    %c0_i32_0 = arith.constant 0 : i32
    %c0_i32_1 = arith.constant 0 : i32
    %c0_i32_2 = arith.constant 0 : i32
    return %c0_i32, %c0_i32_0, %c0_i32_1 : i32, i32, i32
  }
  func.func @transform_2(%arg0: i32) -> (i32, i32, i32) {
    %c0_i32 = arith.constant 0 : i32
    %c0_i32_0 = arith.constant 0 : i32
    %c0_i32_1 = arith.constant 0 : i32
    %c0_i32_2 = arith.constant 0 : i32
    return %c0_i32, %c0_i32_0, %c0_i32_1 : i32, i32, i32
  }
  func.func @transform_3(%arg0: i32) -> i32 {
    %c0_i32 = arith.constant 0 : i32
    %c0_i32_0 = arith.constant 0 : i32
    return %c0_i32 : i32
  }
  func.func @transform_4(%arg0: i32) -> (i32, i32) {
    %c0_i32 = arith.constant 0 : i32
    %c0_i32_0 = arith.constant 0 : i32
    %c0_i32_1 = arith.constant 0 : i32
    return %c0_i32, %c0_i32_0 : i32, i32
  }
  func.func @transform_5(%arg0: i32) -> (i32, i32) {
    %c0_i32 = arith.constant 0 : i32
    %c0_i32_0 = arith.constant 0 : i32
    %c0_i32_1 = arith.constant 0 : i32
    return %c0_i32, %c0_i32_0 : i32, i32
  }
  func.func @transform_6(%arg0: i32) -> i32 {
    %c0_i32 = arith.constant 0 : i32
    %c0_i32_0 = arith.constant 0 : i32
    return %c0_i32 : i32
  }
  func.func @transform_7(%arg0: i32) -> (i32, i32, i32) {
    %c0_i32 = arith.constant 0 : i32
    %c0_i32_0 = arith.constant 0 : i32
    %c0_i32_1 = arith.constant 0 : i32
    return %arg0, %c0_i32, %c0_i32_0 : i32, i32, i32
  }
  func.func @transform_8(%arg0: i32) -> (i32, i32, i32) {
    %c0_i32 = arith.constant 0 : i32
    %c0_i32_0 = arith.constant 0 : i32
    %c0_i32_1 = arith.constant 0 : i32
    return %c0_i32, %arg0, %c0_i32_0 : i32, i32, i32
  }
  func.func @transform_9(%arg0: i32) -> (i32, i32) {
    %c0_i32 = arith.constant 0 : i32
    %c0_i32_0 = arith.constant 0 : i32
    return %arg0, %c0_i32 : i32, i32
  }
}

module attributes {stable_mosaic.version = 14 : i64} {
  func.func @_final_body(%arg0: memref<2x10000x64xf32, #tpu.memory_space<vmem>>, %arg1: memref<10000x64xf32, #tpu.memory_space<vmem>>, %arg2: memref<10000x64xf32, #tpu.memory_space<vmem>>) attributes {dimension_semantics = [], scalar_prefetch = 0 : i64, scratch_operands = 0 : i64, tpu.core_type = #tpu.core_type<tc>} {
    %get3A = arith.constant 0 : index
    %get3A_0 = arith.constant 0 : index
    %get3A_1 = vector.load %arg1[%get3A, %get3A_0] : memref<10000x64xf32, #tpu.memory_space<vmem>>, vector<10000x64xf32>
    %get3A_2 = arith.constant 0 : index
    %get3A_3 = arith.constant 0 : index
    %get3A_4 = arith.constant 0 : index
    %get3A_5 = vector.load %arg0[%get3A_2, %get3A_3, %get3A_4] : memref<2x10000x64xf32, #tpu.memory_space<vmem>>, vector<1x10000x64xf32>
    %get3A_6 = vector.shape_cast %get3A_5 : vector<1x10000x64xf32> to vector<10000x64xf32>
    %add3A = arith.addf %get3A_1, %get3A_6 : vector<10000x64xf32>
    %get3A_7 = arith.constant 1 : index
    %get3A_8 = arith.constant 0 : index
    %get3A_9 = arith.constant 0 : index
    %get3A_10 = vector.load %arg0[%get3A_7, %get3A_8, %get3A_9] : memref<2x10000x64xf32, #tpu.memory_space<vmem>>, vector<1x10000x64xf32>
    %get3A_11 = vector.shape_cast %get3A_10 : vector<1x10000x64xf32> to vector<10000x64xf32>
    %add3A_12 = arith.addf %add3A, %get3A_11 : vector<10000x64xf32>
    %swap3A = arith.constant 0 : index
    %swap3A_13 = arith.constant 0 : index
    %swap3A_14 = vector.load %arg2[%swap3A, %swap3A_13] : memref<10000x64xf32, #tpu.memory_space<vmem>>, vector<10000x64xf32>
    tpu.vector_store %arg2[%swap3A, %swap3A_13], %add3A_12 {strides = array<i32>} : memref<10000x64xf32, #tpu.memory_space<vmem>>, vector<10000x64xf32>,
    return
  }
}

</mosaic_0001>

<sc_bundles>
// kernel: kernel.12.cloned.1.call-start
scs
__scs_entry_jumppad:
0x0: {  	(pc) =	sbr.rel $0x88, $3  }
0x1: {  	(tag) =	ssettag $0x0;
	lr =	simm.s32 $0x1  }
0x2: {  	[smem:$0x3F90] =	sst lr;
	_ =	strace $0xD0000000  }
0x3: {  	_ = 	snop  }
0x4: {  	_ = 	snop  }
0x5: {  	_ = 	snop  }
0x6: {  	_ = 	snop  }
0x7: {  	_ = 	snop  }
__scs_overlays_trampoline_lowered:
0x8: {  	[smem:$0x3F9F] =	sst s0  }
0x9: {  	[smem:$0x3FA0] =	sst s1  }
0xa: {  	[smem:$0x3FA1] =	sst s2  }
0xb: {  	[smem:$0x3FA2] =	sst s3  }
0xc: {  	[smem:$0x3FA3] =	sst s4  }
0xd: {  	[smem:$0x3FA4] =	sst s5  }
0xe: {  	[smem:$0x3FA5] =	sst s6  }
0xf: {  	[smem:$0x3FA6] =	sst s7  }
0x10: {  	[smem:$0x3FA7] =	sst s8  }
0x11: {  	[smem:$0x3FA8] =	sst s9;
	s0 =	simm.s32 @!p0 $0x0  }
0x12: {  	s1 =	sld [smem:$0x3F8E];
	s0 =	simm.s32 @p0 $0x1  }
0x13: {  	[smem:$0x3FA9] =	sst s0;
	s0 =	simm.s32 @!p1 $0x0  }
0x14: {  	s2 =	sld [smem:$0x3F8D];
	s0 =	simm.s32 @p1 $0x1  }
0x15: {  	[smem:$0x3FAA] =	sst s0;
	s0 =	simm.s32 @!p2 $0x0  }
0x16: {  	s3 =	sld [smem:$0x3FDB];
	s0 =	simm.s32 @p2 $0x1  }
0x17: {  	s4 =	simm.s32 $0x1BF5;
	[smem:$0x3FAC] =	sst s0  }
0x18: {  	s0 =	sld [smem:$0x3F8F];
	_ =	swait.ge [sflag:s4], $0x0  }
0x19: {  	s7 =	sld [smem:$0x3F90]  }
0x1a: {  	s8 =	sadd.s32 $0xFFFFE003, lr  }
0x1b: {  	s9 =	sadd.s32 $0xFFFFFEF7, lr;
	s5 =	simm.s32 $0xFFFFFFFF;
	p2 =	slt.u32 s8, $0xFFFFF086  }
0x1c: {  	p1 =	slt.u32 s9, $0xF7A;
	s5 =	simm.s32 @!p2 $0x0  }
0x1d: {  	s5 =	simm.s32 @p1 $0x1;
	p0 =	seq.s32 s7, s2  }
0x1e: {  	s7 =	smul.u32 @!p0 $0xF7A, s2;
	p2 =	seq.s32 @!p0 s5, $0x0  }
0x1f: {  	s9 =	smul.u32 $0xF7A, s1;
	s8 =	simm.s32 @!p0 $0x1BF5;
	p2 =	por !p2, p0  }
0x20: {  	[sflag:s8] =	ssyncset.s32 @!p0 $0xFFFFF086;
	s6 =	sadd.s32 @!p0 s3, s7;
	s7 =	simm.s32 @!p0 $0x108  }
0x21: {  	s3 =	sadd.s32 s3, s9;
	s6 =	sadd.s32 @!p0 $0x88, s6;
	s7 =	simm.s32 @p2 $0x1082  }
0x22: {  	[simem:s7], [sflag:s8] =	dma.local @!p0 [hbm:s6], $0xF7A  }
0x23: {  	s9 =	sor.u32 $0xD0000000, s2;
	s6 =	simm.s32 $0x108;
	_ =	swait.ge @!p0 [sflag:s8], $0x0  }
0x24: {  	s3 =	sadd.s32 $0x88, s3;
	s6 =	simm.s32 @!p1 $0x1082;
	[sflag:s4] =	ssyncset.s32 $0xFFFFF086  }
0x25: {  	[simem:s6], [sflag:s4] =	dma.local [hbm:s3], $0xF7A  }
0x26: {  	[smem:$0x3F90] =	sst s1;
	(tag) =	ssettag s2;
	_ =	strace s9  }
0x27: {  	s1 =	sld [smem:$0x3FA0]  }
0x28: {  	s2 =	sld [smem:$0x3FA1]  }
0x29: {  	s4 =	sld [smem:$0x3FA3]  }
0x2a: {  	p0 =	seq.s32 s5, $0x0;
	s5 =	sld [smem:$0x3FA4]  }
0x2b: {  	s6 =	sld [smem:$0x3FA5]  }
0x2c: {  	s7 =	sld [smem:$0x3FA6]  }
0x2d: {  	s3 =	simm.s32 $0x108;
	s8 =	sld [smem:$0x3FA7]  }
0x2e: {  	s3 =	simm.s32 @!p0 $0x1082;
	s9 =	sld [smem:$0x3FA8]  }
0x2f: {  	lr =	sadd.s32 s0, s3;
	s0 =	sld [smem:$0x3F9F]  }
0x30: {  	s3 =	sld [smem:$0x3FA2]  }
0x31: {  	[smem:$0x3FAB] =	sst s10  }
0x32: {  	s10 =	sld [smem:$0x3FA9];
	_ =	sdelay $0x3  }
0x33: {  	p0 =	seq.s32 s10, $0x1;
	s10 =	sld [smem:$0x3FAB];
	_ =	sdelay $0x3  }
0x34: {  	[smem:$0x3FAB] =	sst s10  }
0x35: {  	s10 =	sld [smem:$0x3FAA];
	_ =	sdelay $0x3  }
0x36: {  	p1 =	seq.s32 s10, $0x1;
	s10 =	sld [smem:$0x3FAB];
	_ =	sdelay $0x3  }
0x37: {  	[smem:$0x3FAB] =	sst s10  }
0x38: {  	s10 =	sld [smem:$0x3FAC]  }
0x39: {  	_ = 	snop;
	(pc) =	sbr.ind lr, $3  }
0x3a: {  	_ = 	snop  }
0x3b: {  	_ = 	snop  }
0x3c: {  	p2 =	seq.s32 s10, $0x1;
	s10 =	sld [smem:$0x3FAB]  }
0x3d: {  	_ =	shalt  }
0x3e: {  	_ =	shalt  }
0x3f: {  	_ =	shalt  }
0x40: {  	_ =	shalt  }
0x41: {  	_ =	shalt  }
0x42: {  	_ =	shalt  }
0x43: {  	_ =	shalt  }
0x44: {  	_ =	shalt  }
0x45: {  	_ =	shalt  }
0x46: {  	_ =	shalt  }
0x47: {  	_ =	shalt  }
0x48: {  	_ =	shalt  }
0x49: {  	_ =	shalt  }
0x4a: {  	_ =	shalt  }
0x4b: {  	_ =	shalt  }
0x4c: {  	_ =	shalt  }
0x4d: {  	_ =	shalt  }
0x4e: {  	_ =	shalt  }
0x4f: {  	_ =	shalt  }
0x50: {  	_ =	shalt  }
0x51: {  	_ =	shalt  }
0x52: {  	_ =	shalt  }
0x53: {  	_ =	shalt  }
0x54: {  	_ =	shalt  }
0x55: {  	_ =	shalt  }
0x56: {  	_ =	shalt  }
0x57: {  	_ =	shalt  }
0x58: {  	_ =	shalt  }
0x59: {  	_ =	shalt  }
0x5a: {  	_ =	shalt  }
0x5b: {  	_ =	shalt  }
0x5c: {  	_ =	shalt  }
0x5d: {  	_ =	shalt  }
0x5e: {  	_ =	shalt  }
0x5f: {  	_ =	shalt  }
0x60: {  	_ =	shalt  }
0x61: {  	_ =	shalt  }
0x62: {  	_ =	shalt  }
0x63: {  	_ =	shalt  }
0x64: {  	_ =	shalt  }
0x65: {  	_ =	shalt  }
0x66: {  	_ =	shalt  }
0x67: {  	_ =	shalt  }
0x68: {  	_ =	shalt  }
0x69: {  	_ =	shalt  }
0x6a: {  	_ =	shalt  }
0x6b: {  	_ =	shalt  }
0x6c: {  	_ =	shalt  }
0x6d: {  	_ =	shalt  }
0x6e: {  	_ =	shalt  }
0x6f: {  	_ =	shalt  }
0x70: {  	_ =	shalt  }
0x71: {  	_ =	shalt  }
0x72: {  	_ =	shalt  }
0x73: {  	_ =	shalt  }
0x74: {  	_ =	shalt  }
0x75: {  	_ =	shalt  }
0x76: {  	_ =	shalt  }
0x77: {  	_ =	shalt  }
0x78: {  	_ =	shalt  }
0x79: {  	_ =	shalt  }
0x7a: {  	_ =	shalt  }
0x7b: {  	_ =	shalt  }
0x7c: {  	_ =	shalt  }
0x7d: {  	_ =	shalt  }
0x7e: {  	_ =	shalt  }
0x7f: {  	_ =	shalt  }
0x80: {  	_ =	shalt  }
0x81: {  	_ =	shalt  }
0x82: {  	_ =	shalt  }
0x83: {  	_ =	shalt  }
0x84: {  	_ =	shalt  }
0x85: {  	_ =	shalt  }
0x86: {  	_ =	shalt  }
0x87: {  	_ =	shalt  }
.Lfunc_end0:
.L_simem_size_0:
called_computation.1_lowered:
.L_overlay_start_0:
0x88: {  	s2 =	sld [smem:$0x3FD9]  }
0x89: {  	s3 =	sld [smem:$0x3FFE];
	_ =	sdelay $0x1  }
0x8a: {  	s1 =	srdreg.scid  }
0x8b: {  	s0 =	sand.u32 $0x1, s1  }
0x8c: {  	s17 =	sshll.u32 s0, $0xA;
	s2 =	sadd.s32 s3, s2  }
0x8d: {  	s2 =	sadd.s32 s2, s17  }
0x8e: {  	[smem:$0x3FB7] =	sst s2  }
0x8f: {  	_ = 	snop  }
0x90: {  	s2 =	sld [smem:$0x3FC7]  }
0x91: {  	s18 =	sld [smem:$0x3FD0];
	(tm) =	ssettm $0x1  }
0x92: {  	s4 =	sld [smem:$0x3FFB];
	_ =	sdelay $0x3  }
0x93: {  	_ =	strace s4  }
0x94: {  	s4 =	sld [smem:$0x3FFC];
	_ =	sdelay $0x3  }
0x95: {  	_ =	strace s4  }
0x96: {  	s4 =	sld [smem:$0x3FFD];
	_ =	sdelay $0x3  }
0x97: {  	_ =	strace s4  }
0x98: {  	_ =	strace $0x8FFFFFFF  }
0x99: {  	s19 =	sld [smem:$0x3FDB];
	_ =	sdelay $0x1  }
0x9a: {  	s5 =	simm.s32 $_scs_section_size  }
0x9b: {  	s6 =	simm.s32 $_size__tile_overlayer_lowered;
	s7 =	simm.s32 $_tile_overlayer_lowered  }
0x9c: {  	s22 =	simm.s32 $0x1BFF;
	s21 =	sshll.u32 s7, $0x1;
	s4 =	sadd.s32 s5, s19  }
0x9d: {  	s8 =	simm.s32 $0x0;
	s20 =	sshll.u32 s6, $0x1;
	s6 =	sadd.s32 s21, s4  }
0x9e: {  	[timem:s8], [sflag:s22] =	dma.local [hbm:s6], s20  }
0x9f: {  	_ =	swait.ge [sflag:s22], s20  }
0xa0: {  	s5 =	ssub.s32 $0x0, s20;
	[sflag:s22] =	ssyncset.done $0x0  }
0xa1: {  	[sflag:s22] =	ssyncadd.s32 s5;
	_ =	sdelay $0x1  }
0xa2: {  	s23 =	simm.s32 $0x1B8B  }
0xa3: {  	_ =	swait.ge [sflag:s23], $0x1  }
0xa4: {  	[sflag:s23] =	ssyncset.done $0x0  }
0xa5: {  	s25 =	simm.s32 $0x1B8E;
	s24 =	sld [smem:$0x3FFE];
	[sflag:s23] =	ssyncadd.s32 $0xFFFFFFFF  }
0xa6: {  	s26 =	simm.s32 $execute0_lowered;
	[smem:$0x3FD2] =	sst s25  }
0xa7: {  	s6 =	sshll.u32 s26, $0x1;
	_ =	strace $0x80000049;
	[dreg:$0x1] =	wrdreg $0xFFFFFFFF  }
0xa8: {  	s28 =	simm.s32 $_size_execute0_lowered;
	s4 =	sadd.s32 s4, s6;
	[dreg:$0x0] =	wrdreg $0x0  }
0xa9: {  	s6 =	sshll.u32 s28, $0x1;
	[dreg:$0x2] =	wrdreg s4  }
0xaa: {  	[dreg:$0x3] =	wrdreg s6  }
0xab: {  	[dreg:$0x4] =	wrdreg $0xC0  }
0xac: {  	_ =	task [dreg:s8], $0x5FFFF  }
0xad: {  	[dreg:$0x1] =	wrdreg $0xFFFFFFFF  }
0xae: {  	[dreg:$0x0] =	wrdreg $0x60  }
0xaf: {  	[dreg:$0x2] =	wrdreg s24  }
0xb0: {  	[dreg:$0x3] =	wrdreg s18  }
0xb1: {  	[dreg:$0x4] =	wrdreg s2  }
0xb2: {  	[dreg:$0x5] =	wrdreg $0x0  }
0xb3: {  	[dreg:$0x6] =	wrdreg $0x9  }
0xb4: {  	_ =	task.clear_ibuf [dreg:s8], $0x7FFFF;
	_ =	strace $0x90000049  }
0xb5: {  	s29 =	simm.s32 $0x9;
	_ =	strace $0x8000004B  }
0xb6: {  	_ =	swait.ge [sflag:s29], $0x1  }
0xb7: {  	[sflag:s29] =	ssyncadd.s32 $0xFFFFFFFF  }
0xb8: {  	_ =	strace $0x9000004B  }
0xb9: {  	_ =	sfence  }
0xba: {  	s30 =	sld [smem:$0x0];
	_ =	sdelay $0x2  }
0xbb: {  	s31 =	sshll.u32 s1, $0xD;
	s1 =	sshrl.u32 s1, $0x2  }
0xbc: {  	s3 =	sand.u32 $0x4000, s31;
	s1 =	sadd.s32 s1, s30  }
0xbd: {  	s0 =	sor.u32 s3, s0;
	s1 =	sshll.u32 s1, $0x11  }
0xbe: {  	s0 =	sor.u32 s1, s0  }
0xbf: {  	s0 =	sadd.s32 $0x8F2B, s0  }
0xc0: {  	[sflag:s0] =	ssyncadd.remote.s32 $0x1  }
0xc1: {  	_ =	sfence.sel $0xFFFF  }
0xc2: {  	[dreg:$0x0] =	wrdreg $0xFFFFFFFF;
	(pc) =	sbr.abs _section_cstart, $3  }
0xc3: {  	[dreg:$0x1] =	wrdreg $0xFFFFFFFF  }
0xc4: {  	_ =	task.clear_ibuf [dreg:s8], $0x2FFFF;
	_ =	strace $0x9FFFFFFF  }
0xc5: {  	(tm) =	ssettm $0x7FFFFFFF  }
tec
execute0_lowered:
.L_overlay_start_1:
0x0: {  	(tag) =	ssettag $0x1  }
0x1: {  	s0 =	rddreg [dreg:$0x0]  }
0x2: {  	s13 =	rddreg [dreg:$0x3];
	s4 =	simm.s32 $0x0;
	s1 =	srdreg.scid  }
0x3: {  	s9 =	stileid.u32;
	s29 =	simm.s32 $0x15A80;
	s28 =	simm.s32 $0x5  }
0x4: {  	s31 =	simm.s32 $0x4;
	[smem:$0x7FF] =	sst s4;
	s1 =	sand.u32 $0x1, s1  }
0x5: {  	s6 =	sadd.s32 $0xCA00, s0;
	s7 =	sadd.s32 $0xA8E00, s0;
	s5 =	smul.u32 $0x50000, s9  }
0x6: {  	s8 =	sadd.s32 $0x2C00, s0;
	s0 =	sadd.s32 $0x1E1600, s0;
	s23 =	smul.u32 $0x14000, s9  }
0x7: {  	_ =	strace $0x8000004A;
	s2 =	ssub.s32 $0x2, s1;
	[dreg:$0x5] =	wrdreg s8  }
0x8: {  	s22 =	sshll.u32 s1, $0x4;
	s1 =	smul.u32 $0x140000, s1;
	s3 =	sshrl.u32 s2, $0x1  }
0x9: {  	s5 =	sshrl.u32 s5, $0x2;
	s25 =	sadd.s32 $0x4000, s23;
	s14 =	sadd.s32 $0xC000, s23  }
0xa: {  	s8 =	sadd.s32 $0x10000, s23;
	s2 =	ssub.s32 s2, s3;
	s3 =	sor.u32 s9, s22  }
0xb: {  	s20 =	sadd.s32 s5, s13;
	s30 =	sadd.s32 s23, s1;
	s10 =	sadd.s32 s1, s25  }
0xc: {  	s18 =	sadd.s32 s25, s13;
	s5 =	sadd.s32 $0x2800, s20;
	[dreg:$0x6] =	wrdreg s20  }
0xd: {  	s21 =	sadd.s32 s14, s13;
	s24 =	sadd.s32 $0x5000, s20;
	[dreg:$0x7] =	wrdreg s5  }
0xe: {  	s22 =	sadd.s32 s8, s13;
	s26 =	sadd.s32 $0x7800, s20;
	[dreg:$0x8] =	wrdreg s24  }
0xf: {  	s11 =	sadd.s32 $0xA000, s20;
	s9 =	sshrl.u32 s30, $0x3;
	[dreg:$0x9] =	wrdreg s26  }
0x10: {  	s10 =	sshrl.u32 s10, $0x3;
	s16 =	sadd.s32 $0xC800, s20;
	[dreg:$0xa] =	wrdreg s11  }
0x11: {  	s17 =	smul.u32 $0x2710, s3;
	s2 =	smax.u32 s2, $0x1;
	[dreg:$0x10] =	wrdreg s16  }
0x12: {  	s25 =	sshrl.u32 s22, $0x3;
	s30 =	sadd.s32 $0x11800, s20;
	[dreg:$0x12] =	wrdreg s2  }
0x13: {  	s22 =	simm.s32 $0x1F280;
	s9 =	sadd.s32 s0, s9;
	[dreg:$0x16] =	wrdreg s25  }
0x14: {  	s10 =	sadd.s32 s0, s10;
	s11 =	sadd.s32 $0x8000, s23;
	[dreg:$0x18] =	wrdreg s30  }
0x15: {  	s24 =	sshrl.u32 s21, $0x3;
	s26 =	sadd.s32 $0xF000, s20;
	[dreg:$0xb] =	wrdreg s9  }
0x16: {  	s16 =	simm.s32 $0x1CA80;
	s21 =	simm.s32 $0x1EA80;
	[dreg:$0xc] =	wrdreg s10  }
0x17: {  	s25 =	simm.s32 $0x3;
	s2 =	simm.s32 $0x2;
	[dreg:$0x11] =	wrdreg s17  }
0x18: {  	s12 =	sadd.s32 s1, s11;
	s19 =	sadd.s32 s11, s13;
	[dreg:$0x15] =	wrdreg s24  }
0x19: {  	[dreg:$0x17] =	wrdreg s26;
	s17 =	simm.s32 $0x1D280;
	s24 =	simm.s32 $0x18280  }
0x1a: {  	s26 =	simm.s32 $0x1;
	s10 =	sshrl.u32 s12, $0x3;
	s12 =	sadd.s32 s1, s14  }
0x1b: {  	s1 =	sadd.s32 s1, s8;
	s23 =	sshrl.u32 s19, $0x3;
	s14 =	simm.s32 $0x1BA80  }
0x1c: {  	s19 =	simm.s32 $0x1E280;
	s10 =	sadd.s32 s0, s10;
	s15 =	sshrl.u32 s12, $0x3  }
0x1d: {  	s1 =	sshrl.u32 s1, $0x3;
	s12 =	smov.u32 s13;
	[dreg:$0x14] =	wrdreg s23  }
0x1e: {  	s13 =	simm.s32 $0x1B280;
	[dreg:$0xd] =	wrdreg s10;
	s10 =	sadd.s32 s0, s15  }
0x1f: {  	v0 =	vimm.f32 $0.0e+00;
	v4 =	vlaneseq.u32;
	s0 =	sadd.s32 s0, s1;
	s15 =	simm.s32 $0x1C280;
	[dreg:$0xe] =	wrdreg s10  }
0x20: {  	v1 =	vimm.s32 $0x0;
	vm0 =	vmmov $0xffff;
	v3 =	vshrl.u32 v4, $0x3;
	s1 =	simm.s32 $0x0;
	[dreg:$0xf] =	wrdreg s0;
	s0 =	sshrl.u32 s18, $0x3  }
0x21: {  	v2 =	vand.u32 $0x7, v4;
	v4 =	vor.u32 $0x8, v4;
	v3 =	vmul.u32 $0x8, v3;
	s10 =	simm.s32 $0x50;
	s18 =	simm.s32 $0x1DA80;
	[dreg:$0x13] =	wrdreg s0  }
.LBB2_1:
0x22: {  	[dreg:$0x19] =	wrdreg s1;
	s0 =	simm.s32 $0x0;
	s1 =	simm.s32 $0x200  }
.LBB2_2:
0x23: {  	p0 =	sne.s32 s1, $0x9E00;
	[tilespmem:s0+$0x15AF0] =	vst v0  }
0x24: {  	[tilespmem:s0+$0x15A80] =	vst v0  }
0x25: {  	[tilespmem:s0+$0x15A90] =	vst v0  }
.Ltmp0:
0x26: {  	[tilespmem:s0+$0x15AA0] =	vst v0;
	(pc) =	sbr.rel @p0 .LBB2_2-.Ltmp0, $4  }
0x27: {  	[tilespmem:s0+$0x15AB0] =	vst v0  }
0x28: {  	[tilespmem:s0+$0x15AC0] =	vst v0  }
0x29: {  	[tilespmem:s0+$0x15AD0] =	vst v0  }
0x2a: {  	[tilespmem:s0+$0x15AE0] =	vst v0;
	s0 =	sshra.s32 s1, $0x2;
	s1 =	sadd.s32 $0x200, s1  }
0x2b: {  	[tilespmem:s0+$0x15AF0] =	vst v0  }
0x2c: {  	[tilespmem:s0+$0x15A80] =	vst v0  }
0x2d: {  	[tilespmem:s0+$0x15A90] =	vst v0  }
0x2e: {  	[tilespmem:s0+$0x15AA0] =	vst v0  }
0x2f: {  	[tilespmem:s0+$0x15AB0] =	vst v0  }
0x30: {  	[tilespmem:s0+$0x15AC0] =	vst v0  }
0x31: {  	[tilespmem:s0+$0x15AD0] =	vst v0  }
0x32: {  	[tilespmem:s0+$0x15AE0] =	vst v0;
	s0 =	simm.s32 $0x0;
	s1 =	simm.s32 $0x200  }
.LBB2_4:
0x33: {  	p0 =	sne.s32 s1, $0x9E00;
	[tilespmem:s0+$0x182F0] =	vst v0  }
0x34: {  	[tilespmem:s0+$0x18280] =	vst v0  }
0x35: {  	[tilespmem:s0+$0x18290] =	vst v0  }
.Ltmp1:
0x36: {  	[tilespmem:s0+$0x182A0] =	vst v0;
	(pc) =	sbr.rel @p0 .LBB2_4-.Ltmp1, $4  }
0x37: {  	[tilespmem:s0+$0x182B0] =	vst v0  }
0x38: {  	[tilespmem:s0+$0x182C0] =	vst v0  }
0x39: {  	[tilespmem:s0+$0x182D0] =	vst v0  }
0x3a: {  	[tilespmem:s0+$0x182E0] =	vst v0;
	s0 =	sshra.s32 s1, $0x2;
	s1 =	sadd.s32 $0x200, s1  }
0x3b: {  	[tilespmem:s0+$0x182F0] =	vst v0  }
0x3c: {  	[tilespmem:s0+$0x18280] =	vst v0  }
0x3d: {  	[tilespmem:s0+$0x18290] =	vst v0  }
0x3e: {  	[tilespmem:s0+$0x182A0] =	vst v0  }
0x3f: {  	[tilespmem:s0+$0x182B0] =	vst v0  }
0x40: {  	[tilespmem:s0+$0x182C0] =	vst v0  }
0x41: {  	[tilespmem:s0+$0x182D0] =	vst v0  }
0x42: {  	[tilespmem:s0+$0x182E0] =	vst v0  }
0x43: {  	[tilespmem:$0x15980] =	vst v1  }
0x44: {  	[tilespmem:$0x15A00] =	vst v1  }
0x45: {  	[tilespmem:$0x15990] =	vst v1  }
0x46: {  	[tilespmem:$0x15A10] =	vst v1  }
0x47: {  	[tilespmem:$0x159A0] =	vst v1  }
0x48: {  	[tilespmem:$0x15A20] =	vst v1  }
0x49: {  	[tilespmem:$0x159B0] =	vst v1  }
0x4a: {  	[tilespmem:$0x15A30] =	vst v1  }
0x4b: {  	[tilespmem:$0x159C0] =	vst v1  }
0x4c: {  	s1 =	simm.s32 $0x6;
	[tilespmem:$0x15A40] =	vst v1  }
0x4d: {  	[spmem:s20] =	stream.linear.scatter [tilespmem:s29], [sflag:$0x6], $0x2800, $0x38;
	[tilespmem:$0x1FA80] =	vst v63  }
0x4e: {  	_ =	swait.ge [sflag:s1], $0x2800  }
0x4f: {  	[sflag:s1] =	ssyncset.done $0x0  }
0x50: {  	s5 =	rddreg [dreg:$0x7];
	[sflag:s1] =	ssyncadd.s32 $0xFFFFD800  }
0x51: {  	[spmem:s5] =	stream.linear.scatter [tilespmem:s29], [sflag:$0x6], $0x2800, $0x38;
	[tilespmem:$0x1FA80] =	vst v63  }
0x52: {  	_ =	swait.ge [sflag:s1], $0x2800  }
0x53: {  	[sflag:s1] =	ssyncset.done $0x0  }
0x54: {  	s8 =	rddreg [dreg:$0x8];
	[sflag:s1] =	ssyncadd.s32 $0xFFFFD800  }
0x55: {  	[spmem:s8] =	stream.linear.scatter [tilespmem:s29], [sflag:$0x6], $0x2800, $0x38;
	[tilespmem:$0x1FA80] =	vst v63  }
0x56: {  	_ =	swait.ge [sflag:s1], $0x2800  }
0x57: {  	[sflag:s1] =	ssyncset.done $0x0  }
0x58: {  	s9 =	rddreg [dreg:$0x9];
	[sflag:s1] =	ssyncadd.s32 $0xFFFFD800  }
0x59: {  	[spmem:s9] =	stream.linear.scatter [tilespmem:s29], [sflag:$0x6], $0x2800, $0x38;
	[tilespmem:$0x1FA80] =	vst v63  }
0x5a: {  	_ =	swait.ge [sflag:s1], $0x2800  }
0x5b: {  	[sflag:s1] =	ssyncset.done $0x0  }
0x5c: {  	s11 =	rddreg [dreg:$0xa];
	[sflag:s1] =	ssyncadd.s32 $0xFFFFD800  }
0x5d: {  	[spmem:s11] =	stream.linear.scatter [tilespmem:s29], [sflag:$0x6], $0x2800, $0x38;
	[tilespmem:$0x1FA80] =	vst v63  }
0x5e: {  	_ =	swait.ge [sflag:s1], $0x2800  }
0x5f: {  	[sflag:s1] =	ssyncset.done $0x0  }
0x60: {  	s20 =	rddreg [dreg:$0x10];
	[sflag:s1] =	ssyncadd.s32 $0xFFFFD800  }
0x61: {  	[spmem:s20] =	stream.linear.scatter [tilespmem:s29], [sflag:$0x6], $0x2800, $0x38;
	[tilespmem:$0x1FA80] =	vst v63  }
0x62: {  	_ =	swait.ge [sflag:s1], $0x2800  }
0x63: {  	[sflag:s1] =	ssyncset.done $0x0  }
0x64: {  	s23 =	rddreg [dreg:$0x17];
	[sflag:s1] =	ssyncadd.s32 $0xFFFFD800  }
0x65: {  	[spmem:s23] =	stream.linear.scatter [tilespmem:s29], [sflag:$0x6], $0x2800, $0x38;
	[tilespmem:$0x1FA80] =	vst v63  }
0x66: {  	_ =	swait.ge [sflag:s1], $0x2800  }
0x67: {  	[sflag:s1] =	ssyncset.done $0x0  }
0x68: {  	s30 =	rddreg [dreg:$0x18];
	[sflag:s1] =	ssyncadd.s32 $0xFFFFD800  }
0x69: {  	[spmem:s30] =	stream.linear.scatter [tilespmem:s29], [sflag:$0x6], $0x2800, $0x38;
	[tilespmem:$0x1FA80] =	vst v63  }
0x6a: {  	_ =	swait.ge [sflag:s1], $0x2800  }
0x6b: {  	[sflag:s1] =	ssyncset.done $0x0  }
0x6c: {  	[sflag:s1] =	ssyncadd.s32 $0xFFFFD800  }
0x6d: {  	s0 =	simm.s32 $0x0;
	[bflag:$0x0] =	sbarrier.arrive $0xFFFF  }
.LBB2_6:
0x6e: {  	s20 =	smul.u32 $0x7D0, s0  }
0x6f: {  	s1 =	rddreg [dreg:$0x11]  }
0x70: {  	[dreg:$0x1a] =	wrdreg s0;
	s0 =	sadd.s32 s1, s20  }
0x71: {  	s23 =	rddreg [dreg:$0x1];
	s3 =	simm.s32 $0x14000;
	s0 =	sshrl.u32 s0, $0x3  }
0x72: {  	s8 =	simm.s32 $0x0;
	s30 =	simm.s32 $0x6;
	s1 =	sadd.s32 s23, s0  }
0x73: {  	[tilespmem:s3], [sflag:$0x6] =	stream.linear.gather [hbm4b:s1+s8], $0x7D0, $0x38;
	[tilespmem:$0x1FA80] =	vst v63  }
0x74: {  	_ =	swait.ge [sflag:s30], $0x7D0  }
0x75: {  	[sflag:s30] =	ssyncset.done $0x0;
	s9 =	rddreg [dreg:$0x5]  }
0x76: {  	s5 =	simm.s32 $0x14800;
	[sflag:s30] =	ssyncadd.s32 $0xFFFFF830;
	s1 =	sadd.s32 s9, s0  }
0x77: {  	[tilespmem:s5], [sflag:$0x6] =	stream.linear.gather [hbm4b:s1+s8], $0x7D0, $0x38;
	[tilespmem:$0x1FA80] =	vst v63  }
0x78: {  	_ =	swait.ge [sflag:s30], $0x7D0  }
0x79: {  	[sflag:s30] =	ssyncset.done $0x0  }
0x7a: {  	[sflag:s30] =	ssyncadd.s32 $0xFFFFF830  }
0x7b: {  	s11 =	rddreg [dreg:$0x2]  }
0x7c: {  	s20 =	simm.s32 $0x15000;
	s0 =	sadd.s32 s11, s0  }
0x7d: {  	[tilespmem:s20], [sflag:$0x6] =	stream.linear.gather [hbm4b:s0+s8], $0x7D0, $0x38;
	[tilespmem:$0x1FA80] =	vst v63  }
0x7e: {  	_ =	swait.ge [sflag:s30], $0x7D0  }
0x7f: {  	[sflag:s30] =	ssyncset.done $0x0  }
0x80: {  	[sflag:s30] =	ssyncadd.s32 $0xFFFFF830  }
0x81: {  	v5 =	vld [tilespmem:$0x15000]  }
0x82: {  	v6 =	vld [tilespmem:$0x14000]  }
0x83: {  	v7 =	vld [tilespmem:$0x14800]  }
0x84: {  	v8 =	vld [tilespmem:$0x15010]  }
0x85: {  	v9 =	vld [tilespmem:$0x14010]  }
0x86: {  	v10 =	vld [tilespmem:$0x14810]  }
0x87: {  	v11 =	vld [tilespmem:$0x15020];
	v5 =	vmul.u32 $0x2710, v5  }
0x88: {  	v12 =	vld [tilespmem:$0x14020]  }
0x89: {  	v58 =	vld [tilespmem:$0x14820];
	[tilespmem:$0x15980] =	vst v7;
	v6 =	vadd.s32 v6, v5  }
0x8a: {  	v60 =	vld [tilespmem:$0x14830];
	v5 =	vadd.s32 v7, v5;
	[tilespmem:$0x15800] =	vst v6;
	v6 =	vmul.u32 $0x2710, v8  }
0x8b: {  	[tilespmem:$0x15900] =	vst v5;
	v5 =	vld [tilespmem:$0x15030]  }
0x8c: {  	v59 =	vld [tilespmem:$0x14030];
	[tilespmem:$0x15990] =	vst v10;
	v7 =	vadd.s32 v9, v6;
	v6 =	vadd.s32 v10, v6  }
0x8d: {  	[tilespmem:$0x15910] =	vst v6;
	v6 =	vld [tilespmem:$0x15040]  }
0x8e: {  	[tilespmem:$0x15810] =	vst v7;
	v7 =	vmul.u32 $0x2710, v11  }
0x8f: {  	v62 =	vld [tilespmem:$0x14040];
	[tilespmem:$0x159A0] =	vst v58  }
0x90: {  	[tilespmem:$0x159B0] =	vst v60;
	v61 =	vadd.s32 v12, v7;
	v7 =	vadd.s32 v58, v7;
	v5 =	vmul.u32 $0x2710, v5  }
0x91: {  	[tilespmem:$0x15920] =	vst v7;
	v7 =	vld [tilespmem:$0x14840]  }
0x92: {  	[tilespmem:$0x15820] =	vst v61;
	v63 =	vadd.s32 v59, v5;
	v6 =	vmul.u32 $0x2710, v6  }
0x93: {  	v5 =	vadd.s32 v60, v5;
	[tilespmem:$0x15830] =	vst v63  }
0x94: {  	[tilespmem:$0x15930] =	vst v5;
	v5 =	vadd.s32 v62, v6  }
0x95: {  	[tilespmem:$0x15840] =	vst v5  }
0x96: {  	v5 =	vadd.s32 v7, v6;
	[tilespmem:$0x159C0] =	vst v7  }
0x97: {  	s23 =	simm.s32 $0x15800;
	[tilespmem:$0x15940] =	vst v5  }
0x98: {  	[tilespmem:s29], [sflag:$0x1] =	stream.indirect.gather [hbm4b:s6+s10], $0x80, s23, s10, $0xb8;
	[tilespmem:$0x1FA80] =	vst v63  }
0x99: {  	v5 =	vld [tilespmem:$0x15900];
	_ =	sdelay $0x4  }
0x9a: {  	v6 =	vshll.u32 v5, $0x1  }
0x9b: {  	v5 =	vand.u32 $0x7, v5;
	v6 =	vand.u32 $0xFFFFFFF0, v6  }
0x9c: {  	v5 =	vor.u32 v5, v6  }
0x9d: {  	v6 =	vperm.xlane v5, v2;
	_ =	sdelay $0x1  }
0x9e: {  	v5 =	vperm.xlane v5, v4;
	v6 =	vadd.s32 v3, v6;
	_ =	sdelay $0x1  }
0x9f: {  	v5 =	vadd.s32 v3, v5;
	_ =	sdelay $0x1  }
0xa0: {  	s30 =	simm.s32 $0x1AA80  }
0xa1: {  	[tilespmem:s30], [sflag:$0x3] =	stream.indirect_vreg.gather [hbm4b:s7+s8], $0x80, v6, vm0, $0xb8;
	[tilespmem:$0x1FA80] =	vst v63  }
0xa2: {  	_ = 	snop  }
0xa3: {  	[tilespmem:s13], [sflag:$0x3] =	stream.indirect_vreg.gather [hbm4b:s7+s8], $0x80, v5, vm0, $0xb8;
	[tilespmem:$0x1FA80] =	vst v63  }
0xa4: {  	v5 =	vld [tilespmem:$0x15910];
	_ =	sdelay $0x4  }
0xa5: {  	v6 =	vshll.u32 v5, $0x1  }
0xa6: {  	v5 =	vand.u32 $0x7, v5;
	v6 =	vand.u32 $0xFFFFFFF0, v6  }
0xa7: {  	v5 =	vor.u32 v5, v6  }
0xa8: {  	v6 =	vperm.xlane v5, v2;
	_ =	sdelay $0x1  }
0xa9: {  	v5 =	vperm.xlane v5, v4;
	v6 =	vadd.s32 v3, v6;
	_ =	sdelay $0x1  }
0xaa: {  	v5 =	vadd.s32 v3, v5;
	_ =	sdelay $0x2  }
0xab: {  	[tilespmem:s14], [sflag:$0x3] =	stream.indirect_vreg.gather [hbm4b:s7+s8], $0x80, v6, vm0, $0xb8;
	[tilespmem:$0x1FA80] =	vst v63  }
0xac: {  	_ = 	snop  }
0xad: {  	[tilespmem:s15], [sflag:$0x3] =	stream.indirect_vreg.gather [hbm4b:s7+s8], $0x80, v5, vm0, $0xb8;
	[tilespmem:$0x1FA80] =	vst v63  }
0xae: {  	v5 =	vld [tilespmem:$0x15920];
	_ =	sdelay $0x4  }
0xaf: {  	v6 =	vshll.u32 v5, $0x1  }
0xb0: {  	v5 =	vand.u32 $0x7, v5;
	v6 =	vand.u32 $0xFFFFFFF0, v6  }
0xb1: {  	v5 =	vor.u32 v5, v6  }
0xb2: {  	v6 =	vperm.xlane v5, v2;
	_ =	sdelay $0x1  }
0xb3: {  	v5 =	vperm.xlane v5, v4;
	v6 =	vadd.s32 v3, v6;
	_ =	sdelay $0x1  }
0xb4: {  	v5 =	vadd.s32 v3, v5;
	_ =	sdelay $0x2  }
0xb5: {  	[tilespmem:s16], [sflag:$0x3] =	stream.indirect_vreg.gather [hbm4b:s7+s8], $0x80, v6, vm0, $0xb8;
	[tilespmem:$0x1FA80] =	vst v63  }
0xb6: {  	_ = 	snop  }
0xb7: {  	[tilespmem:s17], [sflag:$0x3] =	stream.indirect_vreg.gather [hbm4b:s7+s8], $0x80, v5, vm0, $0xb8;
	[tilespmem:$0x1FA80] =	vst v63  }
0xb8: {  	v5 =	vld [tilespmem:$0x15930];
	_ =	sdelay $0x4  }
0xb9: {  	v6 =	vshll.u32 v5, $0x1  }
0xba: {  	v5 =	vand.u32 $0x7, v5;
	v6 =	vand.u32 $0xFFFFFFF0, v6  }
0xbb: {  	v5 =	vor.u32 v5, v6  }
0xbc: {  	v6 =	vperm.xlane v5, v2;
	_ =	sdelay $0x1  }
0xbd: {  	v5 =	vperm.xlane v5, v4;
	v6 =	vadd.s32 v3, v6;
	_ =	sdelay $0x1  }
0xbe: {  	v5 =	vadd.s32 v3, v5;
	_ =	sdelay $0x2  }
0xbf: {  	[tilespmem:s18], [sflag:$0x3] =	stream.indirect_vreg.gather [hbm4b:s7+s8], $0x80, v6, vm0, $0xb8;
	[tilespmem:$0x1FA80] =	vst v63  }
0xc0: {  	_ = 	snop  }
0xc1: {  	[tilespmem:s19], [sflag:$0x3] =	stream.indirect_vreg.gather [hbm4b:s7+s8], $0x80, v5, vm0, $0xb8;
	[tilespmem:$0x1FA80] =	vst v63  }
0xc2: {  	v5 =	vld [tilespmem:$0x15940];
	_ =	sdelay $0x4  }
0xc3: {  	v6 =	vshll.u32 v5, $0x1  }
0xc4: {  	v5 =	vand.u32 $0x7, v5;
	v6 =	vand.u32 $0xFFFFFFF0, v6  }
0xc5: {  	v5 =	vor.u32 v5, v6  }
0xc6: {  	v6 =	vperm.xlane v5, v2;
	_ =	sdelay $0x1  }
0xc7: {  	v5 =	vperm.xlane v5, v4;
	v6 =	vadd.s32 v3, v6;
	_ =	sdelay $0x1  }
0xc8: {  	v5 =	vadd.s32 v3, v5;
	_ =	sdelay $0x2  }
0xc9: {  	[tilespmem:s21], [sflag:$0x3] =	stream.indirect_vreg.gather [hbm4b:s7+s8], $0x80, v6, vm0, $0xb8;
	[tilespmem:$0x1FA80] =	vst v63  }
0xca: {  	s1 =	simm.s32 $0x200;
	s0 =	simm.s32 $0x0  }
0xcb: {  	[tilespmem:s22], [sflag:$0x3] =	stream.indirect_vreg.gather [hbm4b:s7+s8], $0x80, v5, vm0, $0xb8;
	[tilespmem:$0x1FA80] =	vst v63  }
.LBB2_7:
0xcc: {  	p0 =	sne.s32 s1, $0x9E00;
	[tilespmem:s0+$0x182F0] =	vst v0  }
0xcd: {  	[tilespmem:s0+$0x18280] =	vst v0  }
0xce: {  	[tilespmem:s0+$0x18290] =	vst v0  }
.Ltmp2:
0xcf: {  	[tilespmem:s0+$0x182A0] =	vst v0;
	(pc) =	sbr.rel @p0 .LBB2_7-.Ltmp2, $4  }
0xd0: {  	[tilespmem:s0+$0x182B0] =	vst v0  }
0xd1: {  	[tilespmem:s0+$0x182C0] =	vst v0  }
0xd2: {  	[tilespmem:s0+$0x182D0] =	vst v0  }
0xd3: {  	[tilespmem:s0+$0x182E0] =	vst v0;
	s0 =	sshra.s32 s1, $0x2;
	s1 =	sadd.s32 $0x200, s1  }
0xd4: {  	[tilespmem:s0+$0x182F0] =	vst v0  }
0xd5: {  	[tilespmem:s0+$0x18280] =	vst v0  }
0xd6: {  	[tilespmem:s0+$0x18290] =	vst v0  }
0xd7: {  	[tilespmem:s0+$0x182A0] =	vst v0  }
0xd8: {  	[tilespmem:s0+$0x182B0] =	vst v0  }
0xd9: {  	[tilespmem:s0+$0x182C0] =	vst v0  }
0xda: {  	[tilespmem:s0+$0x182D0] =	vst v0  }
0xdb: {  	[tilespmem:s0+$0x182E0] =	vst v0  }
0xdc: {  	[tilespmem:$0x15A00] =	vst v1  }
0xdd: {  	[tilespmem:$0x15A10] =	vst v1  }
0xde: {  	[tilespmem:$0x15A20] =	vst v1  }
0xdf: {  	[tilespmem:$0x15A30] =	vst v1  }
0xe0: {  	s30 =	simm.s32 $0x15A00;
	s8 =	simm.s32 $0x0;
	s20 =	simm.s32 $0x0;
	[tilespmem:$0x15A40] =	vst v1  }
0xe1: {  	[spmem:s12] =	stream.indirect.scatter.add.f32 [tilespmem:s24], [sflag:$0x5], $0x80, s30, s10, $0xb8;
	[tilespmem:$0x1FA80] =	vst v63  }
.LBB2_9:
0xe2: {  	_ =	swait.ge [sflag:s25], $0x5000  }
0xe3: {  	[sflag:s25] =	ssyncset.done $0x0  }
0xe4: {  	[sflag:s25] =	ssyncadd.s32 $0xFFFFB000  }
0xe5: {  	_ =	swait.ge [sflag:s26], $0x2800  }
0xe6: {  	s0 =	sand.u32 $0x7800, s8;
	s30 =	simm.s32 $0x15B00;
	[sflag:s26] =	ssyncset.done $0x0  }
0xe7: {  	s1 =	sand.u32 $0x300, s8;
	s0 =	sadd.s32 $0x1AA80, s0;
	[sflag:s26] =	ssyncadd.s32 $0xFFFFD800  }
0xe8: {  	s1 =	sadd.s32 s1, s0;
	v5 =	vld [tilespmem:s30+$0xFFFFFF80]  }
0xe9: {  	v6 =	vld [tilespmem:s1+$0x400];
	_ =	sdelay $0x1  }
0xea: {  	v7 =	vld [tilespmem:s1+$0x0];
	_ =	sdelay $0x2  }
0xeb: {  	v5 =	vmul.f32 v6, v5;
	_ =	sdelay $0x1  }
0xec: {  	v5 =	vadd.f32 v5, v7;
	_ =	sdelay $0x1  }
0xed: {  	v5 =	vmax.f32 v5, $0.0e+00  }
0xee: {  	[tilespmem:s30+$0xFFFFFF80] =	vst v5;
	v5 =	vld [tilespmem:s30+$0xFFFFFF90]  }
0xef: {  	v6 =	vld [tilespmem:s1+$0x410];
	_ =	sdelay $0x1  }
0xf0: {  	v7 =	vld [tilespmem:s1+$0x10];
	_ =	sdelay $0x2  }
0xf1: {  	v5 =	vmul.f32 v6, v5;
	_ =	sdelay $0x1  }
0xf2: {  	v5 =	vadd.f32 v5, v7;
	_ =	sdelay $0x1  }
0xf3: {  	v5 =	vmax.f32 v5, $0.0e+00  }
0xf4: {  	[tilespmem:s30+$0xFFFFFF90] =	vst v5;
	v5 =	vld [tilespmem:s30+$0xFFFFFFA0]  }
0xf5: {  	v6 =	vld [tilespmem:s1+$0x420];
	_ =	sdelay $0x1  }
0xf6: {  	v7 =	vld [tilespmem:s1+$0x20];
	_ =	sdelay $0x2  }
0xf7: {  	v5 =	vmul.f32 v6, v5;
	_ =	sdelay $0x1  }
0xf8: {  	v5 =	vadd.f32 v5, v7;
	_ =	sdelay $0x1  }
0xf9: {  	v5 =	vmax.f32 v5, $0.0e+00  }
0xfa: {  	[tilespmem:s30+$0xFFFFFFA0] =	vst v5;
	v5 =	vld [tilespmem:s30+$0xFFFFFFB0]  }
0xfb: {  	v6 =	vld [tilespmem:s1+$0x430];
	_ =	sdelay $0x1  }
0xfc: {  	v7 =	vld [tilespmem:s1+$0x30];
	_ =	sdelay $0x2  }
0xfd: {  	v5 =	vmul.f32 v6, v5;
	_ =	sdelay $0x1  }
0xfe: {  	v5 =	vadd.f32 v5, v7;
	_ =	sdelay $0x1  }
0xff: {  	v5 =	vmax.f32 v5, $0.0e+00  }
0x100: {  	[tilespmem:s30+$0xFFFFFFB0] =	vst v5;
	v5 =	vld [tilespmem:s30+$0xFFFFFFC0]  }
0x101: {  	v6 =	vld [tilespmem:s1+$0x440];
	_ =	sdelay $0x1  }
0x102: {  	v7 =	vld [tilespmem:s1+$0x40];
	_ =	sdelay $0x2  }
0x103: {  	v5 =	vmul.f32 v6, v5;
	_ =	sdelay $0x1  }
0x104: {  	v5 =	vadd.f32 v5, v7;
	_ =	sdelay $0x1  }
0x105: {  	v5 =	vmax.f32 v5, $0.0e+00  }
0x106: {  	[tilespmem:s30+$0xFFFFFFC0] =	vst v5;
	v5 =	vld [tilespmem:s30+$0xFFFFFFD0]  }
0x107: {  	v6 =	vld [tilespmem:s1+$0x450];
	_ =	sdelay $0x1  }
0x108: {  	v7 =	vld [tilespmem:s1+$0x50];
	_ =	sdelay $0x2  }
0x109: {  	v5 =	vmul.f32 v6, v5;
	_ =	sdelay $0x1  }
0x10a: {  	v5 =	vadd.f32 v5, v7;
	_ =	sdelay $0x1  }
0x10b: {  	v5 =	vmax.f32 v5, $0.0e+00  }
0x10c: {  	[tilespmem:s30+$0xFFFFFFD0] =	vst v5;
	v5 =	vld [tilespmem:s30+$0xFFFFFFE0]  }
0x10d: {  	v6 =	vld [tilespmem:s1+$0x460];
	_ =	sdelay $0x1  }
0x10e: {  	v7 =	vld [tilespmem:s1+$0x60];
	_ =	sdelay $0x2  }
0x10f: {  	v5 =	vmul.f32 v6, v5;
	_ =	sdelay $0x1  }
0x110: {  	v5 =	vadd.f32 v5, v7;
	_ =	sdelay $0x1  }
0x111: {  	v5 =	vmax.f32 v5, $0.0e+00  }
0x112: {  	[tilespmem:s30+$0xFFFFFFE0] =	vst v5;
	v5 =	vld [tilespmem:s30+$0xFFFFFFF0]  }
0x113: {  	v6 =	vld [tilespmem:s1+$0x470];
	_ =	sdelay $0x1  }
0x114: {  	v7 =	vld [tilespmem:s1+$0x70];
	_ =	sdelay $0x2  }
0x115: {  	v5 =	vmul.f32 v6, v5;
	_ =	sdelay $0x1  }
0x116: {  	v5 =	vadd.f32 v5, v7  }
0x117: {  	s11 =	simm.s32 $0x80  }
0x118: {  	s1 =	sand.u32 $0x380, s11;
	v5 =	vmax.f32 v5, $0.0e+00  }
0x119: {  	s0 =	sadd.s32 s1, s0;
	[tilespmem:s30+$0xFFFFFFF0] =	vst v5;
	v5 =	vld [tilespmem:s30+$0x0]  }
0x11a: {  	v6 =	vld [tilespmem:s0+$0x400];
	_ =	sdelay $0x1  }
0x11b: {  	v7 =	vld [tilespmem:s0+$0x0];
	_ =	sdelay $0x2  }
0x11c: {  	v5 =	vmul.f32 v6, v5;
	_ =	sdelay $0x1  }
0x11d: {  	v5 =	vadd.f32 v5, v7;
	_ =	sdelay $0x1  }
0x11e: {  	v5 =	vmax.f32 v5, $0.0e+00  }
0x11f: {  	[tilespmem:s30+$0x0] =	vst v5;
	v5 =	vld [tilespmem:s30+$0x10]  }
0x120: {  	v6 =	vld [tilespmem:s0+$0x410];
	_ =	sdelay $0x1  }
0x121: {  	v7 =	vld [tilespmem:s0+$0x10];
	_ =	sdelay $0x2  }
0x122: {  	v5 =	vmul.f32 v6, v5;
	_ =	sdelay $0x1  }
0x123: {  	v5 =	vadd.f32 v5, v7;
	_ =	sdelay $0x1  }
0x124: {  	v5 =	vmax.f32 v5, $0.0e+00  }
0x125: {  	[tilespmem:s30+$0x10] =	vst v5;
	v5 =	vld [tilespmem:s30+$0x20]  }
0x126: {  	v6 =	vld [tilespmem:s0+$0x420];
	_ =	sdelay $0x1  }
0x127: {  	v7 =	vld [tilespmem:s0+$0x20];
	_ =	sdelay $0x2  }
0x128: {  	v5 =	vmul.f32 v6, v5;
	_ =	sdelay $0x1  }
0x129: {  	v5 =	vadd.f32 v5, v7;
	_ =	sdelay $0x1  }
0x12a: {  	v5 =	vmax.f32 v5, $0.0e+00  }
0x12b: {  	[tilespmem:s30+$0x20] =	vst v5;
	v5 =	vld [tilespmem:s30+$0x30]  }
0x12c: {  	v6 =	vld [tilespmem:s0+$0x430];
	_ =	sdelay $0x1  }
0x12d: {  	v7 =	vld [tilespmem:s0+$0x30];
	_ =	sdelay $0x2  }
0x12e: {  	v5 =	vmul.f32 v6, v5;
	_ =	sdelay $0x1  }
0x12f: {  	v5 =	vadd.f32 v5, v7;
	_ =	sdelay $0x1  }
0x130: {  	v5 =	vmax.f32 v5, $0.0e+00  }
0x131: {  	[tilespmem:s30+$0x30] =	vst v5;
	v5 =	vld [tilespmem:s30+$0x40]  }
0x132: {  	v6 =	vld [tilespmem:s0+$0x440];
	_ =	sdelay $0x1  }
0x133: {  	v7 =	vld [tilespmem:s0+$0x40];
	_ =	sdelay $0x2  }
0x134: {  	v5 =	vmul.f32 v6, v5;
	_ =	sdelay $0x1  }
0x135: {  	v5 =	vadd.f32 v5, v7;
	_ =	sdelay $0x1  }
0x136: {  	v5 =	vmax.f32 v5, $0.0e+00  }
0x137: {  	[tilespmem:s30+$0x40] =	vst v5;
	v5 =	vld [tilespmem:s30+$0x50]  }
0x138: {  	v6 =	vld [tilespmem:s0+$0x450];
	_ =	sdelay $0x1  }
0x139: {  	v7 =	vld [tilespmem:s0+$0x50];
	_ =	sdelay $0x2  }
0x13a: {  	v5 =	vmul.f32 v6, v5;
	_ =	sdelay $0x1  }
0x13b: {  	v5 =	vadd.f32 v5, v7;
	_ =	sdelay $0x1  }
0x13c: {  	v5 =	vmax.f32 v5, $0.0e+00  }
0x13d: {  	[tilespmem:s30+$0x50] =	vst v5;
	v5 =	vld [tilespmem:s30+$0x60]  }
0x13e: {  	v6 =	vld [tilespmem:s0+$0x460];
	_ =	sdelay $0x1  }
0x13f: {  	v7 =	vld [tilespmem:s0+$0x60];
	_ =	sdelay $0x2  }
0x140: {  	v5 =	vmul.f32 v6, v5;
	_ =	sdelay $0x1  }
0x141: {  	v5 =	vadd.f32 v5, v7;
	_ =	sdelay $0x1  }
0x142: {  	v5 =	vmax.f32 v5, $0.0e+00  }
0x143: {  	[tilespmem:s30+$0x60] =	vst v5;
	v5 =	vld [tilespmem:s30+$0x70]  }
0x144: {  	v6 =	vld [tilespmem:s0+$0x470];
	_ =	sdelay $0x1  }
0x145: {  	v7 =	vld [tilespmem:s0+$0x70];
	_ =	sdelay $0x2  }
0x146: {  	v5 =	vmul.f32 v6, v5  }
0x147: {  	s9 =	simm.s32 $0x200  }
0x148: {  	s23 =	sand.u32 $0x7800, s9;
	v5 =	vadd.f32 v5, v7  }
0x149: {  	s5 =	simm.s32 $0x100;
	s23 =	sadd.s32 $0x1AA80, s23  }
0x14a: {  	s11 =	simm.s32 $0x2;
	s1 =	sand.u32 $0x300, s5;
	s0 =	simm.s32 $0x15C00;
	v5 =	vmax.f32 v5, $0.0e+00  }
.LBB2_10:
0x14b: {  	s11 =	sadd.s32 $0x2, s11;
	v6 =	vld [tilespmem:s0+$0xFFFFFF80];
	s1 =	sadd.s32 s1, s23;
	[tilespmem:s30+$0x70] =	vst v5;
	s30 =	smov.u32 s0  }
0x14c: {  	p0 =	slt.u32 s11, $0x4E;
	v5 =	vld [tilespmem:s1+$0x400];
	_ =	sdelay $0x1  }
0x14d: {  	v7 =	vld [tilespmem:s1+$0x0];
	_ =	sdelay $0x2  }
0x14e: {  	v5 =	vmul.f32 v5, v6;
	_ =	sdelay $0x1  }
0x14f: {  	v5 =	vadd.f32 v5, v7;
	_ =	sdelay $0x1  }
0x150: {  	v5 =	vmax.f32 v5, $0.0e+00  }
0x151: {  	[tilespmem:s0+$0xFFFFFF80] =	vst v5;
	v5 =	vld [tilespmem:s0+$0xFFFFFF90]  }
0x152: {  	v6 =	vld [tilespmem:s1+$0x410];
	_ =	sdelay $0x1  }
0x153: {  	v7 =	vld [tilespmem:s1+$0x10];
	_ =	sdelay $0x2  }
0x154: {  	v5 =	vmul.f32 v6, v5;
	_ =	sdelay $0x1  }
0x155: {  	v5 =	vadd.f32 v5, v7;
	_ =	sdelay $0x1  }
0x156: {  	v5 =	vmax.f32 v5, $0.0e+00  }
0x157: {  	[tilespmem:s0+$0xFFFFFF90] =	vst v5;
	v5 =	vld [tilespmem:s0+$0xFFFFFFA0]  }
0x158: {  	v6 =	vld [tilespmem:s1+$0x420];
	_ =	sdelay $0x1  }
0x159: {  	v7 =	vld [tilespmem:s1+$0x20];
	_ =	sdelay $0x2  }
0x15a: {  	v5 =	vmul.f32 v6, v5;
	_ =	sdelay $0x1  }
0x15b: {  	v5 =	vadd.f32 v5, v7;
	_ =	sdelay $0x1  }
0x15c: {  	v5 =	vmax.f32 v5, $0.0e+00  }
0x15d: {  	[tilespmem:s0+$0xFFFFFFA0] =	vst v5;
	v5 =	vld [tilespmem:s0+$0xFFFFFFB0]  }
0x15e: {  	v6 =	vld [tilespmem:s1+$0x430];
	_ =	sdelay $0x1  }
0x15f: {  	v7 =	vld [tilespmem:s1+$0x30];
	_ =	sdelay $0x2  }
0x160: {  	v5 =	vmul.f32 v6, v5;
	_ =	sdelay $0x1  }
0x161: {  	v5 =	vadd.f32 v5, v7;
	_ =	sdelay $0x1  }
0x162: {  	v5 =	vmax.f32 v5, $0.0e+00  }
0x163: {  	[tilespmem:s0+$0xFFFFFFB0] =	vst v5;
	v5 =	vld [tilespmem:s0+$0xFFFFFFC0]  }
0x164: {  	v6 =	vld [tilespmem:s1+$0x440];
	_ =	sdelay $0x1  }
0x165: {  	v7 =	vld [tilespmem:s1+$0x40];
	_ =	sdelay $0x2  }
0x166: {  	v5 =	vmul.f32 v6, v5;
	_ =	sdelay $0x1  }
0x167: {  	v5 =	vadd.f32 v5, v7;
	_ =	sdelay $0x1  }
0x168: {  	v5 =	vmax.f32 v5, $0.0e+00  }
0x169: {  	[tilespmem:s0+$0xFFFFFFC0] =	vst v5;
	v5 =	vld [tilespmem:s0+$0xFFFFFFD0]  }
0x16a: {  	v6 =	vld [tilespmem:s1+$0x450];
	_ =	sdelay $0x1  }
0x16b: {  	v7 =	vld [tilespmem:s1+$0x50];
	_ =	sdelay $0x2  }
0x16c: {  	v5 =	vmul.f32 v6, v5;
	_ =	sdelay $0x1  }
0x16d: {  	v5 =	vadd.f32 v5, v7;
	_ =	sdelay $0x1  }
0x16e: {  	v5 =	vmax.f32 v5, $0.0e+00  }
0x16f: {  	[tilespmem:s0+$0xFFFFFFD0] =	vst v5;
	v5 =	vld [tilespmem:s0+$0xFFFFFFE0]  }
0x170: {  	v6 =	vld [tilespmem:s1+$0x460];
	_ =	sdelay $0x1  }
0x171: {  	v7 =	vld [tilespmem:s1+$0x60];
	_ =	sdelay $0x2  }
0x172: {  	v5 =	vmul.f32 v6, v5;
	_ =	sdelay $0x1  }
0x173: {  	v5 =	vadd.f32 v5, v7;
	_ =	sdelay $0x1  }
0x174: {  	v5 =	vmax.f32 v5, $0.0e+00  }
0x175: {  	[tilespmem:s0+$0xFFFFFFE0] =	vst v5;
	v5 =	vld [tilespmem:s0+$0xFFFFFFF0]  }
0x176: {  	v6 =	vld [tilespmem:s1+$0x470];
	_ =	sdelay $0x1  }
0x177: {  	v7 =	vld [tilespmem:s1+$0x70];
	_ =	sdelay $0x2  }
0x178: {  	v5 =	vmul.f32 v6, v5;
	_ =	sdelay $0x1  }
0x179: {  	v5 =	vadd.f32 v5, v7  }
0x17a: {  	s1 =	sadd.s32 $0x80, s5  }
0x17b: {  	s1 =	sand.u32 $0x380, s1;
	v5 =	vmax.f32 v5, $0.0e+00  }
0x17c: {  	s1 =	sadd.s32 s1, s23;
	[tilespmem:s0+$0xFFFFFFF0] =	vst v5;
	v5 =	vld [tilespmem:s0+$0x0]  }
0x17d: {  	v6 =	vld [tilespmem:s1+$0x400];
	_ =	sdelay $0x1  }
0x17e: {  	v7 =	vld [tilespmem:s1+$0x0];
	_ =	sdelay $0x2  }
0x17f: {  	v5 =	vmul.f32 v6, v5;
	_ =	sdelay $0x1  }
0x180: {  	v5 =	vadd.f32 v5, v7;
	_ =	sdelay $0x1  }
0x181: {  	v5 =	vmax.f32 v5, $0.0e+00  }
0x182: {  	[tilespmem:s0+$0x0] =	vst v5;
	v5 =	vld [tilespmem:s0+$0x10]  }
0x183: {  	v6 =	vld [tilespmem:s1+$0x410]  }
0x184: {  	v7 =	vld [tilespmem:s1+$0x10];
	_ =	sdelay $0x3  }
0x185: {  	v5 =	vmul.f32 v6, v5;
	_ =	sdelay $0x1  }
0x186: {  	v5 =	vadd.f32 v5, v7;
	_ =	sdelay $0x1  }
0x187: {  	v5 =	vmax.f32 v5, $0.0e+00  }
0x188: {  	[tilespmem:s0+$0x10] =	vst v5;
	v5 =	vld [tilespmem:s0+$0x20]  }
0x189: {  	v6 =	vld [tilespmem:s1+$0x420]  }
0x18a: {  	v7 =	vld [tilespmem:s1+$0x20];
	_ =	sdelay $0x3  }
0x18b: {  	v5 =	vmul.f32 v6, v5;
	_ =	sdelay $0x1  }
0x18c: {  	v5 =	vadd.f32 v5, v7;
	_ =	sdelay $0x1  }
0x18d: {  	v5 =	vmax.f32 v5, $0.0e+00  }
0x18e: {  	[tilespmem:s0+$0x20] =	vst v5;
	v5 =	vld [tilespmem:s0+$0x30]  }
0x18f: {  	v6 =	vld [tilespmem:s1+$0x430]  }
0x190: {  	v7 =	vld [tilespmem:s1+$0x30];
	_ =	sdelay $0x3  }
0x191: {  	v5 =	vmul.f32 v6, v5;
	_ =	sdelay $0x1  }
0x192: {  	v5 =	vadd.f32 v5, v7;
	_ =	sdelay $0x1  }
0x193: {  	v5 =	vmax.f32 v5, $0.0e+00  }
0x194: {  	[tilespmem:s0+$0x30] =	vst v5;
	v5 =	vld [tilespmem:s0+$0x40]  }
0x195: {  	v6 =	vld [tilespmem:s1+$0x440]  }
0x196: {  	v7 =	vld [tilespmem:s1+$0x40];
	_ =	sdelay $0x3  }
0x197: {  	v5 =	vmul.f32 v6, v5;
	_ =	sdelay $0x1  }
0x198: {  	v5 =	vadd.f32 v5, v7;
	_ =	sdelay $0x1  }
0x199: {  	v5 =	vmax.f32 v5, $0.0e+00  }
0x19a: {  	[tilespmem:s0+$0x40] =	vst v5;
	v5 =	vld [tilespmem:s0+$0x50]  }
0x19b: {  	v6 =	vld [tilespmem:s1+$0x450]  }
0x19c: {  	v7 =	vld [tilespmem:s1+$0x50];
	_ =	sdelay $0x3  }
0x19d: {  	v5 =	vmul.f32 v6, v5;
	_ =	sdelay $0x1  }
0x19e: {  	v5 =	vadd.f32 v5, v7;
	_ =	sdelay $0x1  }
0x19f: {  	v5 =	vmax.f32 v5, $0.0e+00  }
0x1a0: {  	[tilespmem:s0+$0x50] =	vst v5;
	v5 =	vld [tilespmem:s0+$0x60]  }
0x1a1: {  	v6 =	vld [tilespmem:s1+$0x460]  }
0x1a2: {  	v7 =	vld [tilespmem:s1+$0x60];
	_ =	sdelay $0x3  }
0x1a3: {  	v5 =	vmul.f32 v6, v5;
	_ =	sdelay $0x1  }
0x1a4: {  	v5 =	vadd.f32 v5, v7;
	_ =	sdelay $0x1  }
0x1a5: {  	v5 =	vmax.f32 v5, $0.0e+00  }
0x1a6: {  	[tilespmem:s0+$0x60] =	vst v5;
	v5 =	vld [tilespmem:s0+$0x70]  }
0x1a7: {  	v6 =	vld [tilespmem:s1+$0x470]  }
0x1a8: {  	v7 =	vld [tilespmem:s1+$0x70];
	_ =	sdelay $0x3  }
.Ltmp3:
0x1a9: {  	v5 =	vmul.f32 v6, v5;
	(pc) =	sbr.rel @p0 .LBB2_10-.Ltmp3, $4  }
0x1aa: {  	_ = 	snop  }
0x1ab: {  	s9 =	sadd.s32 $0x200, s9;
	v5 =	vadd.f32 v5, v7  }
0x1ac: {  	s3 =	sand.u32 $0x7800, s9;
	s5 =	sadd.s32 $0x100, s5  }
0x1ad: {  	s23 =	sadd.s32 $0x1AA80, s3;
	s0 =	sadd.s32 $0x100, s0;
	s1 =	sand.u32 $0x300, s5;
	v5 =	vmax.f32 v5, $0.0e+00  }
0x1ae: {  	v6 =	vld [tilespmem:s0+$0xFFFFFF80];
	s1 =	sadd.s32 s1, s23;
	[tilespmem:s30+$0x70] =	vst v5  }
0x1af: {  	v5 =	vld [tilespmem:s1+$0x400];
	_ =	sdelay $0x1  }
0x1b0: {  	v7 =	vld [tilespmem:s1+$0x0];
	_ =	sdelay $0x2  }
0x1b1: {  	v5 =	vmul.f32 v5, v6;
	_ =	sdelay $0x1  }
0x1b2: {  	v5 =	vadd.f32 v5, v7;
	_ =	sdelay $0x1  }
0x1b3: {  	v5 =	vmax.f32 v5, $0.0e+00  }
0x1b4: {  	[tilespmem:s0+$0xFFFFFF80] =	vst v5;
	v5 =	vld [tilespmem:s0+$0xFFFFFF90]  }
0x1b5: {  	v6 =	vld [tilespmem:s1+$0x410];
	_ =	sdelay $0x1  }
0x1b6: {  	v7 =	vld [tilespmem:s1+$0x10];
	_ =	sdelay $0x2  }
0x1b7: {  	v5 =	vmul.f32 v6, v5;
	_ =	sdelay $0x1  }
0x1b8: {  	v5 =	vadd.f32 v5, v7;
	_ =	sdelay $0x1  }
0x1b9: {  	v5 =	vmax.f32 v5, $0.0e+00  }
0x1ba: {  	[tilespmem:s0+$0xFFFFFF90] =	vst v5;
	v5 =	vld [tilespmem:s0+$0xFFFFFFA0]  }
0x1bb: {  	v6 =	vld [tilespmem:s1+$0x420];
	_ =	sdelay $0x1  }
0x1bc: {  	v7 =	vld [tilespmem:s1+$0x20];
	_ =	sdelay $0x2  }
0x1bd: {  	v5 =	vmul.f32 v6, v5;
	_ =	sdelay $0x1  }
0x1be: {  	v5 =	vadd.f32 v5, v7;
	_ =	sdelay $0x1  }
0x1bf: {  	v5 =	vmax.f32 v5, $0.0e+00  }
0x1c0: {  	[tilespmem:s0+$0xFFFFFFA0] =	vst v5;
	v5 =	vld [tilespmem:s0+$0xFFFFFFB0]  }
0x1c1: {  	v6 =	vld [tilespmem:s1+$0x430];
	_ =	sdelay $0x1  }
0x1c2: {  	v7 =	vld [tilespmem:s1+$0x30];
	_ =	sdelay $0x2  }
0x1c3: {  	v5 =	vmul.f32 v6, v5;
	_ =	sdelay $0x1  }
0x1c4: {  	v5 =	vadd.f32 v5, v7;
	_ =	sdelay $0x1  }
0x1c5: {  	v5 =	vmax.f32 v5, $0.0e+00  }
0x1c6: {  	[tilespmem:s0+$0xFFFFFFB0] =	vst v5;
	v5 =	vld [tilespmem:s0+$0xFFFFFFC0]  }
0x1c7: {  	v6 =	vld [tilespmem:s1+$0x440];
	_ =	sdelay $0x1  }
0x1c8: {  	v7 =	vld [tilespmem:s1+$0x40];
	_ =	sdelay $0x2  }
0x1c9: {  	v5 =	vmul.f32 v6, v5;
	_ =	sdelay $0x1  }
0x1ca: {  	v5 =	vadd.f32 v5, v7;
	_ =	sdelay $0x1  }
0x1cb: {  	v5 =	vmax.f32 v5, $0.0e+00  }
0x1cc: {  	[tilespmem:s0+$0xFFFFFFC0] =	vst v5;
	v5 =	vld [tilespmem:s0+$0xFFFFFFD0]  }
0x1cd: {  	v6 =	vld [tilespmem:s1+$0x450];
	_ =	sdelay $0x1  }
0x1ce: {  	v7 =	vld [tilespmem:s1+$0x50];
	_ =	sdelay $0x2  }
0x1cf: {  	v5 =	vmul.f32 v6, v5;
	_ =	sdelay $0x1  }
0x1d0: {  	v5 =	vadd.f32 v5, v7;
	_ =	sdelay $0x1  }
0x1d1: {  	v5 =	vmax.f32 v5, $0.0e+00  }
0x1d2: {  	[tilespmem:s0+$0xFFFFFFD0] =	vst v5;
	v5 =	vld [tilespmem:s0+$0xFFFFFFE0]  }
0x1d3: {  	v6 =	vld [tilespmem:s1+$0x460];
	_ =	sdelay $0x1  }
0x1d4: {  	v7 =	vld [tilespmem:s1+$0x60];
	_ =	sdelay $0x2  }
0x1d5: {  	v5 =	vmul.f32 v6, v5;
	_ =	sdelay $0x1  }
0x1d6: {  	v5 =	vadd.f32 v5, v7;
	_ =	sdelay $0x1  }
0x1d7: {  	v5 =	vmax.f32 v5, $0.0e+00  }
0x1d8: {  	[tilespmem:s0+$0xFFFFFFE0] =	vst v5;
	v5 =	vld [tilespmem:s0+$0xFFFFFFF0]  }
0x1d9: {  	v6 =	vld [tilespmem:s1+$0x470];
	_ =	sdelay $0x1  }
0x1da: {  	v7 =	vld [tilespmem:s1+$0x70];
	_ =	sdelay $0x2  }
0x1db: {  	v5 =	vmul.f32 v6, v5;
	_ =	sdelay $0x1  }
0x1dc: {  	v5 =	vadd.f32 v5, v7  }
0x1dd: {  	s11 =	sadd.s32 $0x80, s5  }
0x1de: {  	s1 =	sand.u32 $0x380, s11;
	v5 =	vmax.f32 v5, $0.0e+00  }
0x1df: {  	s1 =	sadd.s32 s1, s23;
	[tilespmem:s0+$0xFFFFFFF0] =	vst v5;
	v5 =	vld [tilespmem:s0+$0x0]  }
0x1e0: {  	v6 =	vld [tilespmem:s1+$0x400];
	_ =	sdelay $0x1  }
0x1e1: {  	v7 =	vld [tilespmem:s1+$0x0];
	_ =	sdelay $0x2  }
0x1e2: {  	v5 =	vmul.f32 v6, v5;
	_ =	sdelay $0x1  }
0x1e3: {  	v5 =	vadd.f32 v5, v7;
	_ =	sdelay $0x1  }
0x1e4: {  	v5 =	vmax.f32 v5, $0.0e+00  }
0x1e5: {  	[tilespmem:s0+$0x0] =	vst v5;
	v5 =	vld [tilespmem:s0+$0x10]  }
0x1e6: {  	v6 =	vld [tilespmem:s1+$0x410];
	_ =	sdelay $0x1  }
0x1e7: {  	v7 =	vld [tilespmem:s1+$0x10];
	_ =	sdelay $0x2  }
0x1e8: {  	v5 =	vmul.f32 v6, v5;
	_ =	sdelay $0x1  }
0x1e9: {  	v5 =	vadd.f32 v5, v7;
	_ =	sdelay $0x1  }
0x1ea: {  	v5 =	vmax.f32 v5, $0.0e+00  }
0x1eb: {  	[tilespmem:s0+$0x10] =	vst v5;
	v5 =	vld [tilespmem:s0+$0x20]  }
0x1ec: {  	v6 =	vld [tilespmem:s1+$0x420];
	_ =	sdelay $0x1  }
0x1ed: {  	v7 =	vld [tilespmem:s1+$0x20];
	_ =	sdelay $0x2  }
0x1ee: {  	v5 =	vmul.f32 v6, v5;
	_ =	sdelay $0x1  }
0x1ef: {  	v5 =	vadd.f32 v5, v7;
	_ =	sdelay $0x1  }
0x1f0: {  	v5 =	vmax.f32 v5, $0.0e+00  }
0x1f1: {  	[tilespmem:s0+$0x20] =	vst v5;
	v5 =	vld [tilespmem:s0+$0x30]  }
0x1f2: {  	v6 =	vld [tilespmem:s1+$0x430];
	_ =	sdelay $0x1  }
0x1f3: {  	v7 =	vld [tilespmem:s1+$0x30];
	_ =	sdelay $0x2  }
0x1f4: {  	v5 =	vmul.f32 v6, v5;
	_ =	sdelay $0x1  }
0x1f5: {  	v5 =	vadd.f32 v5, v7;
	_ =	sdelay $0x1  }
0x1f6: {  	v5 =	vmax.f32 v5, $0.0e+00  }
0x1f7: {  	[tilespmem:s0+$0x30] =	vst v5;
	v5 =	vld [tilespmem:s0+$0x40]  }
0x1f8: {  	v6 =	vld [tilespmem:s1+$0x440];
	_ =	sdelay $0x1  }
0x1f9: {  	v7 =	vld [tilespmem:s1+$0x40];
	_ =	sdelay $0x2  }
0x1fa: {  	v5 =	vmul.f32 v6, v5;
	_ =	sdelay $0x1  }
0x1fb: {  	v5 =	vadd.f32 v5, v7;
	_ =	sdelay $0x1  }
0x1fc: {  	v5 =	vmax.f32 v5, $0.0e+00  }
0x1fd: {  	[tilespmem:s0+$0x40] =	vst v5;
	v5 =	vld [tilespmem:s0+$0x50]  }
0x1fe: {  	v6 =	vld [tilespmem:s1+$0x450];
	_ =	sdelay $0x1  }
0x1ff: {  	v7 =	vld [tilespmem:s1+$0x50];
	_ =	sdelay $0x2  }
0x200: {  	v5 =	vmul.f32 v6, v5;
	_ =	sdelay $0x1  }
0x201: {  	v5 =	vadd.f32 v5, v7;
	_ =	sdelay $0x1  }
0x202: {  	v5 =	vmax.f32 v5, $0.0e+00  }
0x203: {  	[tilespmem:s0+$0x50] =	vst v5;
	v5 =	vld [tilespmem:s0+$0x60]  }
0x204: {  	v6 =	vld [tilespmem:s1+$0x460];
	_ =	sdelay $0x1  }
0x205: {  	v7 =	vld [tilespmem:s1+$0x60];
	_ =	sdelay $0x2  }
0x206: {  	v5 =	vmul.f32 v6, v5;
	_ =	sdelay $0x1  }
0x207: {  	v5 =	vadd.f32 v5, v7;
	_ =	sdelay $0x1  }
0x208: {  	v5 =	vmax.f32 v5, $0.0e+00  }
0x209: {  	[tilespmem:s0+$0x60] =	vst v5;
	v5 =	vld [tilespmem:s0+$0x70]  }
0x20a: {  	v6 =	vld [tilespmem:s1+$0x470];
	_ =	sdelay $0x1  }
0x20b: {  	v7 =	vld [tilespmem:s1+$0x70];
	_ =	sdelay $0x2  }
0x20c: {  	v5 =	vmul.f32 v6, v5;
	_ =	sdelay $0x1  }
0x20d: {  	v5 =	vadd.f32 v5, v7;
	_ =	sdelay $0x1  }
0x20e: {  	v5 =	vmax.f32 v5, $0.0e+00  }
0x20f: {  	[tilespmem:s0+$0x70] =	vst v5  }
0x210: {  	_ =	swait.ge [sflag:s28], $0x2800  }
0x211: {  	s30 =	smul.u32 $0xA0, s20;
	[sflag:s28] =	ssyncset.done $0x0  }
0x212: {  	[sflag:s28] =	ssyncadd.s32 $0xFFFFD800  }
0x213: {  	v5 =	vld [tilespmem:s30+$0x15050]  }
0x214: {  	v6 =	vld [tilespmem:s30+$0x14050]  }
0x215: {  	v7 =	vld [tilespmem:s30+$0x14850];
	_ =	sdelay $0x2  }
0x216: {  	v5 =	vmul.u32 $0x2710, v5;
	_ =	sdelay $0x1  }
0x217: {  	[tilespmem:$0x15A00] =	vst v7;
	v6 =	vadd.s32 v6, v5  }
0x218: {  	v5 =	vadd.s32 v7, v5;
	[tilespmem:$0x15880] =	vst v6  }
0x219: {  	[tilespmem:$0x15900] =	vst v5  }
0x21a: {  	v5 =	vld [tilespmem:s30+$0x15060]  }
0x21b: {  	v6 =	vld [tilespmem:s30+$0x14060]  }
0x21c: {  	v7 =	vld [tilespmem:s30+$0x14860];
	_ =	sdelay $0x2  }
0x21d: {  	v5 =	vmul.u32 $0x2710, v5;
	_ =	sdelay $0x1  }
0x21e: {  	[tilespmem:$0x15A10] =	vst v7;
	v6 =	vadd.s32 v6, v5  }
0x21f: {  	v5 =	vadd.s32 v7, v5;
	[tilespmem:$0x15890] =	vst v6  }
0x220: {  	[tilespmem:$0x15910] =	vst v5  }
0x221: {  	v5 =	vld [tilespmem:s30+$0x15070]  }
0x222: {  	v6 =	vld [tilespmem:s30+$0x14070]  }
0x223: {  	v7 =	vld [tilespmem:s30+$0x14870];
	_ =	sdelay $0x2  }
0x224: {  	v5 =	vmul.u32 $0x2710, v5;
	_ =	sdelay $0x1  }
0x225: {  	[tilespmem:$0x15A20] =	vst v7;
	v6 =	vadd.s32 v6, v5  }
0x226: {  	v5 =	vadd.s32 v7, v5;
	[tilespmem:$0x158A0] =	vst v6  }
0x227: {  	s1 =	sand.u32 $0xFE0, s30;
	[tilespmem:$0x15920] =	vst v5  }
0x228: {  	v5 =	vld [tilespmem:s1+$0x15080]  }
0x229: {  	v6 =	vld [tilespmem:s1+$0x14080]  }
0x22a: {  	v7 =	vld [tilespmem:s1+$0x14880];
	_ =	sdelay $0x2  }
0x22b: {  	v5 =	vmul.u32 $0x2710, v5;
	_ =	sdelay $0x1  }
0x22c: {  	[tilespmem:$0x15A30] =	vst v7;
	v6 =	vadd.s32 v6, v5  }
0x22d: {  	v5 =	vadd.s32 v7, v5;
	[tilespmem:$0x158B0] =	vst v6  }
0x22e: {  	[tilespmem:$0x15930] =	vst v5  }
0x22f: {  	v5 =	vld [tilespmem:s30+$0x15090]  }
0x230: {  	v6 =	vld [tilespmem:s30+$0x14090]  }
0x231: {  	v7 =	vld [tilespmem:s30+$0x14890];
	_ =	sdelay $0x2  }
0x232: {  	v5 =	vmul.u32 $0x2710, v5;
	_ =	sdelay $0x1  }
0x233: {  	[tilespmem:$0x15A40] =	vst v7;
	v6 =	vadd.s32 v6, v5  }
0x234: {  	v5 =	vadd.s32 v7, v5;
	[tilespmem:$0x158C0] =	vst v6  }
0x235: {  	s3 =	simm.s32 $0x15880;
	[tilespmem:$0x15940] =	vst v5  }
0x236: {  	[tilespmem:s24], [sflag:$0x2] =	stream.indirect.gather [hbm4b:s6+s10], $0x80, s3, s10, $0xb8;
	[tilespmem:$0x1FA80] =	vst v63  }
0x237: {  	v5 =	vld [tilespmem:$0x15900];
	_ =	sdelay $0x4  }
0x238: {  	v6 =	vshll.u32 v5, $0x1  }
0x239: {  	v5 =	vand.u32 $0x7, v5;
	v6 =	vand.u32 $0xFFFFFFF0, v6  }
0x23a: {  	v5 =	vor.u32 v5, v6  }
0x23b: {  	v6 =	vperm.xlane v5, v2;
	_ =	sdelay $0x1  }
0x23c: {  	v5 =	vperm.xlane v5, v4;
	v6 =	vadd.s32 v3, v6;
	_ =	sdelay $0x1  }
0x23d: {  	v5 =	vadd.s32 v3, v5;
	_ =	sdelay $0x1  }
0x23e: {  	s5 =	simm.s32 $0x0;
	s9 =	simm.s32 $0x1AA80  }
0x23f: {  	[tilespmem:s9], [sflag:$0x3] =	stream.indirect_vreg.gather [hbm4b:s7+s5], $0x80, v6, vm0, $0xb8;
	[tilespmem:$0x1FA80] =	vst v63  }
0x240: {  	_ = 	snop  }
0x241: {  	[tilespmem:s13], [sflag:$0x3] =	stream.indirect_vreg.gather [hbm4b:s7+s5], $0x80, v5, vm0, $0xb8;
	[tilespmem:$0x1FA80] =	vst v63  }
0x242: {  	v5 =	vld [tilespmem:$0x15910];
	_ =	sdelay $0x4  }
0x243: {  	v6 =	vshll.u32 v5, $0x1  }
0x244: {  	v5 =	vand.u32 $0x7, v5;
	v6 =	vand.u32 $0xFFFFFFF0, v6  }
0x245: {  	v5 =	vor.u32 v5, v6  }
0x246: {  	v6 =	vperm.xlane v5, v2;
	_ =	sdelay $0x1  }
0x247: {  	v5 =	vperm.xlane v5, v4;
	v6 =	vadd.s32 v3, v6;
	_ =	sdelay $0x1  }
0x248: {  	v5 =	vadd.s32 v3, v5;
	_ =	sdelay $0x2  }
0x249: {  	[tilespmem:s14], [sflag:$0x3] =	stream.indirect_vreg.gather [hbm4b:s7+s5], $0x80, v6, vm0, $0xb8;
	[tilespmem:$0x1FA80] =	vst v63  }
0x24a: {  	_ = 	snop  }
0x24b: {  	[tilespmem:s15], [sflag:$0x3] =	stream.indirect_vreg.gather [hbm4b:s7+s5], $0x80, v5, vm0, $0xb8;
	[tilespmem:$0x1FA80] =	vst v63  }
0x24c: {  	v5 =	vld [tilespmem:$0x15920];
	_ =	sdelay $0x4  }
0x24d: {  	v6 =	vshll.u32 v5, $0x1  }
0x24e: {  	v5 =	vand.u32 $0x7, v5;
	v6 =	vand.u32 $0xFFFFFFF0, v6  }
0x24f: {  	v5 =	vor.u32 v5, v6  }
0x250: {  	v6 =	vperm.xlane v5, v2;
	_ =	sdelay $0x1  }
0x251: {  	v5 =	vperm.xlane v5, v4;
	v6 =	vadd.s32 v3, v6;
	_ =	sdelay $0x1  }
0x252: {  	v5 =	vadd.s32 v3, v5;
	_ =	sdelay $0x2  }
0x253: {  	[tilespmem:s16], [sflag:$0x3] =	stream.indirect_vreg.gather [hbm4b:s7+s5], $0x80, v6, vm0, $0xb8;
	[tilespmem:$0x1FA80] =	vst v63  }
0x254: {  	_ = 	snop  }
0x255: {  	[tilespmem:s17], [sflag:$0x3] =	stream.indirect_vreg.gather [hbm4b:s7+s5], $0x80, v5, vm0, $0xb8;
	[tilespmem:$0x1FA80] =	vst v63  }
0x256: {  	v5 =	vld [tilespmem:$0x15930];
	_ =	sdelay $0x4  }
0x257: {  	v6 =	vshll.u32 v5, $0x1  }
0x258: {  	v5 =	vand.u32 $0x7, v5;
	v6 =	vand.u32 $0xFFFFFFF0, v6  }
0x259: {  	v5 =	vor.u32 v5, v6  }
0x25a: {  	v6 =	vperm.xlane v5, v2;
	_ =	sdelay $0x1  }
0x25b: {  	v5 =	vperm.xlane v5, v4;
	v6 =	vadd.s32 v3, v6;
	_ =	sdelay $0x1  }
0x25c: {  	v5 =	vadd.s32 v3, v5;
	_ =	sdelay $0x2  }
0x25d: {  	[tilespmem:s18], [sflag:$0x3] =	stream.indirect_vreg.gather [hbm4b:s7+s5], $0x80, v6, vm0, $0xb8;
	[tilespmem:$0x1FA80] =	vst v63  }
0x25e: {  	_ = 	snop  }
0x25f: {  	[tilespmem:s19], [sflag:$0x3] =	stream.indirect_vreg.gather [hbm4b:s7+s5], $0x80, v5, vm0, $0xb8;
	[tilespmem:$0x1FA80] =	vst v63  }
0x260: {  	v5 =	vld [tilespmem:$0x15940];
	_ =	sdelay $0x4  }
0x261: {  	v6 =	vshll.u32 v5, $0x1  }
0x262: {  	v5 =	vand.u32 $0x7, v5;
	v6 =	vand.u32 $0xFFFFFFF0, v6  }
0x263: {  	v5 =	vor.u32 v5, v6  }
0x264: {  	v6 =	vperm.xlane v5, v2;
	_ =	sdelay $0x1  }
0x265: {  	v5 =	vperm.xlane v5, v4;
	v6 =	vadd.s32 v3, v6;
	_ =	sdelay $0x1  }
0x266: {  	v5 =	vadd.s32 v3, v5;
	_ =	sdelay $0x2  }
0x267: {  	[tilespmem:s21], [sflag:$0x3] =	stream.indirect_vreg.gather [hbm4b:s7+s5], $0x80, v6, vm0, $0xb8;
	[tilespmem:$0x1FA80] =	vst v63  }
0x268: {  	_ = 	snop  }
0x269: {  	[tilespmem:s22], [sflag:$0x3] =	stream.indirect_vreg.gather [hbm4b:s7+s5], $0x80, v5, vm0, $0xb8;
	[tilespmem:$0x1FA80] =	vst v63  }
0x26a: {  	s11 =	simm.s32 $0x15980  }
0x26b: {  	[spmem:s12] =	stream.indirect.scatter.add.f32 [tilespmem:s29], [sflag:$0x4], $0x80, s11, s10, $0xb8;
	[tilespmem:$0x1FA80] =	vst v63  }
0x26c: {  	_ =	swait.ge [sflag:s25], $0x5000  }
0x26d: {  	[sflag:s25] =	ssyncset.done $0x0  }
0x26e: {  	[sflag:s25] =	ssyncadd.s32 $0xFFFFB000  }
0x26f: {  	_ =	swait.ge [sflag:s2], $0x2800  }
0x270: {  	s0 =	simm.s32 $0x18300;
	s3 =	sand.u32 $0x7800, s5;
	[sflag:s2] =	ssyncset.done $0x0  }
0x271: {  	s1 =	sand.u32 $0x300, s5;
	s3 =	sadd.s32 $0x1AA80, s3;
	[sflag:s2] =	ssyncadd.s32 $0xFFFFD800  }
0x272: {  	s1 =	sadd.s32 s1, s3;
	v5 =	vld [tilespmem:s0+$0xFFFFFF80]  }
0x273: {  	v6 =	vld [tilespmem:s1+$0x400];
	_ =	sdelay $0x1  }
0x274: {  	v7 =	vld [tilespmem:s1+$0x0];
	_ =	sdelay $0x2  }
0x275: {  	v5 =	vmul.f32 v6, v5;
	_ =	sdelay $0x1  }
0x276: {  	v5 =	vadd.f32 v5, v7;
	_ =	sdelay $0x1  }
0x277: {  	v5 =	vmax.f32 v5, $0.0e+00  }
0x278: {  	[tilespmem:s0+$0xFFFFFF80] =	vst v5;
	v5 =	vld [tilespmem:s0+$0xFFFFFF90]  }
0x279: {  	v6 =	vld [tilespmem:s1+$0x410];
	_ =	sdelay $0x1  }
0x27a: {  	v7 =	vld [tilespmem:s1+$0x10];
	_ =	sdelay $0x2  }
0x27b: {  	v5 =	vmul.f32 v6, v5;
	_ =	sdelay $0x1  }
0x27c: {  	v5 =	vadd.f32 v5, v7;
	_ =	sdelay $0x1  }
0x27d: {  	v5 =	vmax.f32 v5, $0.0e+00  }
0x27e: {  	[tilespmem:s0+$0xFFFFFF90] =	vst v5;
	v5 =	vld [tilespmem:s0+$0xFFFFFFA0]  }
0x27f: {  	v6 =	vld [tilespmem:s1+$0x420];
	_ =	sdelay $0x1  }
0x280: {  	v7 =	vld [tilespmem:s1+$0x20];
	_ =	sdelay $0x2  }
0x281: {  	v5 =	vmul.f32 v6, v5;
	_ =	sdelay $0x1  }
0x282: {  	v5 =	vadd.f32 v5, v7;
	_ =	sdelay $0x1  }
0x283: {  	v5 =	vmax.f32 v5, $0.0e+00  }
0x284: {  	[tilespmem:s0+$0xFFFFFFA0] =	vst v5;
	v5 =	vld [tilespmem:s0+$0xFFFFFFB0]  }
0x285: {  	v6 =	vld [tilespmem:s1+$0x430];
	_ =	sdelay $0x1  }
0x286: {  	v7 =	vld [tilespmem:s1+$0x30];
	_ =	sdelay $0x2  }
0x287: {  	v5 =	vmul.f32 v6, v5;
	_ =	sdelay $0x1  }
0x288: {  	v5 =	vadd.f32 v5, v7;
	_ =	sdelay $0x1  }
0x289: {  	v5 =	vmax.f32 v5, $0.0e+00  }
0x28a: {  	[tilespmem:s0+$0xFFFFFFB0] =	vst v5;
	v5 =	vld [tilespmem:s0+$0xFFFFFFC0]  }
0x28b: {  	v6 =	vld [tilespmem:s1+$0x440];
	_ =	sdelay $0x1  }
0x28c: {  	v7 =	vld [tilespmem:s1+$0x40];
	_ =	sdelay $0x2  }
0x28d: {  	v5 =	vmul.f32 v6, v5;
	_ =	sdelay $0x1  }
0x28e: {  	v5 =	vadd.f32 v5, v7;
	_ =	sdelay $0x1  }
0x28f: {  	v5 =	vmax.f32 v5, $0.0e+00  }
0x290: {  	[tilespmem:s0+$0xFFFFFFC0] =	vst v5;
	v5 =	vld [tilespmem:s0+$0xFFFFFFD0]  }
0x291: {  	v6 =	vld [tilespmem:s1+$0x450];
	_ =	sdelay $0x1  }
0x292: {  	v7 =	vld [tilespmem:s1+$0x50];
	_ =	sdelay $0x2  }
0x293: {  	v5 =	vmul.f32 v6, v5;
	_ =	sdelay $0x1  }
0x294: {  	v5 =	vadd.f32 v5, v7;
	_ =	sdelay $0x1  }
0x295: {  	v5 =	vmax.f32 v5, $0.0e+00  }
0x296: {  	[tilespmem:s0+$0xFFFFFFD0] =	vst v5;
	v5 =	vld [tilespmem:s0+$0xFFFFFFE0]  }
0x297: {  	v6 =	vld [tilespmem:s1+$0x460];
	_ =	sdelay $0x1  }
0x298: {  	v7 =	vld [tilespmem:s1+$0x60];
	_ =	sdelay $0x2  }
0x299: {  	v5 =	vmul.f32 v6, v5;
	_ =	sdelay $0x1  }
0x29a: {  	v5 =	vadd.f32 v5, v7;
	_ =	sdelay $0x1  }
0x29b: {  	v5 =	vmax.f32 v5, $0.0e+00  }
0x29c: {  	[tilespmem:s0+$0xFFFFFFE0] =	vst v5;
	v5 =	vld [tilespmem:s0+$0xFFFFFFF0]  }
0x29d: {  	v6 =	vld [tilespmem:s1+$0x470];
	_ =	sdelay $0x1  }
0x29e: {  	v7 =	vld [tilespmem:s1+$0x70];
	_ =	sdelay $0x2  }
0x29f: {  	v5 =	vmul.f32 v6, v5;
	_ =	sdelay $0x1  }
0x2a0: {  	v5 =	vadd.f32 v5, v7  }
0x2a1: {  	s23 =	simm.s32 $0x80  }
0x2a2: {  	s1 =	sand.u32 $0x380, s23;
	v5 =	vmax.f32 v5, $0.0e+00  }
0x2a3: {  	s1 =	sadd.s32 s1, s3;
	[tilespmem:s0+$0xFFFFFFF0] =	vst v5;
	v5 =	vld [tilespmem:s0+$0x0]  }
0x2a4: {  	v6 =	vld [tilespmem:s1+$0x400];
	_ =	sdelay $0x1  }
0x2a5: {  	v7 =	vld [tilespmem:s1+$0x0];
	_ =	sdelay $0x2  }
0x2a6: {  	v5 =	vmul.f32 v6, v5;
	_ =	sdelay $0x1  }
0x2a7: {  	v5 =	vadd.f32 v5, v7;
	_ =	sdelay $0x1  }
0x2a8: {  	v5 =	vmax.f32 v5, $0.0e+00  }
0x2a9: {  	[tilespmem:s0+$0x0] =	vst v5;
	v5 =	vld [tilespmem:s0+$0x10]  }
0x2aa: {  	v6 =	vld [tilespmem:s1+$0x410];
	_ =	sdelay $0x1  }
0x2ab: {  	v7 =	vld [tilespmem:s1+$0x10];
	_ =	sdelay $0x2  }
0x2ac: {  	v5 =	vmul.f32 v6, v5;
	_ =	sdelay $0x1  }
0x2ad: {  	v5 =	vadd.f32 v5, v7;
	_ =	sdelay $0x1  }
0x2ae: {  	v5 =	vmax.f32 v5, $0.0e+00  }
0x2af: {  	[tilespmem:s0+$0x10] =	vst v5;
	v5 =	vld [tilespmem:s0+$0x20]  }
0x2b0: {  	v6 =	vld [tilespmem:s1+$0x420];
	_ =	sdelay $0x1  }
0x2b1: {  	v7 =	vld [tilespmem:s1+$0x20];
	_ =	sdelay $0x2  }
0x2b2: {  	v5 =	vmul.f32 v6, v5;
	_ =	sdelay $0x1  }
0x2b3: {  	v5 =	vadd.f32 v5, v7;
	_ =	sdelay $0x1  }
0x2b4: {  	v5 =	vmax.f32 v5, $0.0e+00  }
0x2b5: {  	[tilespmem:s0+$0x20] =	vst v5;
	v5 =	vld [tilespmem:s0+$0x30]  }
0x2b6: {  	v6 =	vld [tilespmem:s1+$0x430];
	_ =	sdelay $0x1  }
0x2b7: {  	v7 =	vld [tilespmem:s1+$0x30];
	_ =	sdelay $0x2  }
0x2b8: {  	v5 =	vmul.f32 v6, v5;
	_ =	sdelay $0x1  }
0x2b9: {  	v5 =	vadd.f32 v5, v7;
	_ =	sdelay $0x1  }
0x2ba: {  	v5 =	vmax.f32 v5, $0.0e+00  }
0x2bb: {  	[tilespmem:s0+$0x30] =	vst v5;
	v5 =	vld [tilespmem:s0+$0x40]  }
0x2bc: {  	v6 =	vld [tilespmem:s1+$0x440];
	_ =	sdelay $0x1  }
0x2bd: {  	v7 =	vld [tilespmem:s1+$0x40];
	_ =	sdelay $0x2  }
0x2be: {  	v5 =	vmul.f32 v6, v5;
	_ =	sdelay $0x1  }
0x2bf: {  	v5 =	vadd.f32 v5, v7;
	_ =	sdelay $0x1  }
0x2c0: {  	v5 =	vmax.f32 v5, $0.0e+00  }
0x2c1: {  	[tilespmem:s0+$0x40] =	vst v5;
	v5 =	vld [tilespmem:s0+$0x50]  }
0x2c2: {  	v6 =	vld [tilespmem:s1+$0x450];
	_ =	sdelay $0x1  }
0x2c3: {  	v7 =	vld [tilespmem:s1+$0x50];
	_ =	sdelay $0x2  }
0x2c4: {  	v5 =	vmul.f32 v6, v5;
	_ =	sdelay $0x1  }
0x2c5: {  	v5 =	vadd.f32 v5, v7;
	_ =	sdelay $0x1  }
0x2c6: {  	v5 =	vmax.f32 v5, $0.0e+00  }
0x2c7: {  	[tilespmem:s0+$0x50] =	vst v5;
	v5 =	vld [tilespmem:s0+$0x60]  }
0x2c8: {  	v6 =	vld [tilespmem:s1+$0x460];
	_ =	sdelay $0x1  }
0x2c9: {  	v7 =	vld [tilespmem:s1+$0x60];
	_ =	sdelay $0x2  }
0x2ca: {  	v5 =	vmul.f32 v6, v5;
	_ =	sdelay $0x1  }
0x2cb: {  	v5 =	vadd.f32 v5, v7;
	_ =	sdelay $0x1  }
0x2cc: {  	v5 =	vmax.f32 v5, $0.0e+00  }
0x2cd: {  	[tilespmem:s0+$0x60] =	vst v5;
	v5 =	vld [tilespmem:s0+$0x70]  }
0x2ce: {  	v6 =	vld [tilespmem:s1+$0x470];
	_ =	sdelay $0x1  }
0x2cf: {  	v7 =	vld [tilespmem:s1+$0x70];
	_ =	sdelay $0x2  }
0x2d0: {  	v5 =	vmul.f32 v6, v5;
	_ =	sdelay $0x1  }
0x2d1: {  	s11 =	simm.s32 $0x200;
	v5 =	vadd.f32 v5, v7  }
0x2d2: {  	s9 =	simm.s32 $0x100;
	s5 =	sand.u32 $0x7800, s11;
	s23 =	simm.s32 $0x2  }
0x2d3: {  	s3 =	sand.u32 $0x300, s9;
	s1 =	sadd.s32 $0x1AA80, s5;
	s5 =	simm.s32 $0x18400;
	v5 =	vmax.f32 v5, $0.0e+00  }
.LBB2_12:
0x2d4: {  	s23 =	sadd.s32 $0x2, s23;
	v6 =	vld [tilespmem:s5+$0xFFFFFF80];
	s3 =	sadd.s32 s3, s1;
	[tilespmem:s0+$0x70] =	vst v5;
	s0 =	smov.u32 s5  }
0x2d5: {  	p0 =	slt.u32 s23, $0x4E;
	v5 =	vld [tilespmem:s3+$0x400];
	_ =	sdelay $0x1  }
0x2d6: {  	v7 =	vld [tilespmem:s3+$0x0];
	_ =	sdelay $0x2  }
0x2d7: {  	v5 =	vmul.f32 v5, v6;
	_ =	sdelay $0x1  }
0x2d8: {  	v5 =	vadd.f32 v5, v7;
	_ =	sdelay $0x1  }
0x2d9: {  	v5 =	vmax.f32 v5, $0.0e+00  }
0x2da: {  	[tilespmem:s5+$0xFFFFFF80] =	vst v5;
	v5 =	vld [tilespmem:s5+$0xFFFFFF90]  }
0x2db: {  	v6 =	vld [tilespmem:s3+$0x410];
	_ =	sdelay $0x1  }
0x2dc: {  	v7 =	vld [tilespmem:s3+$0x10];
	_ =	sdelay $0x2  }
0x2dd: {  	v5 =	vmul.f32 v6, v5;
	_ =	sdelay $0x1  }
0x2de: {  	v5 =	vadd.f32 v5, v7;
	_ =	sdelay $0x1  }
0x2df: {  	v5 =	vmax.f32 v5, $0.0e+00  }
0x2e0: {  	[tilespmem:s5+$0xFFFFFF90] =	vst v5;
	v5 =	vld [tilespmem:s5+$0xFFFFFFA0]  }
0x2e1: {  	v6 =	vld [tilespmem:s3+$0x420];
	_ =	sdelay $0x1  }
0x2e2: {  	v7 =	vld [tilespmem:s3+$0x20];
	_ =	sdelay $0x2  }
0x2e3: {  	v5 =	vmul.f32 v6, v5;
	_ =	sdelay $0x1  }
0x2e4: {  	v5 =	vadd.f32 v5, v7;
	_ =	sdelay $0x1  }
0x2e5: {  	v5 =	vmax.f32 v5, $0.0e+00  }
0x2e6: {  	[tilespmem:s5+$0xFFFFFFA0] =	vst v5;
	v5 =	vld [tilespmem:s5+$0xFFFFFFB0]  }
0x2e7: {  	v6 =	vld [tilespmem:s3+$0x430];
	_ =	sdelay $0x1  }
0x2e8: {  	v7 =	vld [tilespmem:s3+$0x30];
	_ =	sdelay $0x2  }
0x2e9: {  	v5 =	vmul.f32 v6, v5;
	_ =	sdelay $0x1  }
0x2ea: {  	v5 =	vadd.f32 v5, v7;
	_ =	sdelay $0x1  }
0x2eb: {  	v5 =	vmax.f32 v5, $0.0e+00  }
0x2ec: {  	[tilespmem:s5+$0xFFFFFFB0] =	vst v5;
	v5 =	vld [tilespmem:s5+$0xFFFFFFC0]  }
0x2ed: {  	v6 =	vld [tilespmem:s3+$0x440];
	_ =	sdelay $0x1  }
0x2ee: {  	v7 =	vld [tilespmem:s3+$0x40];
	_ =	sdelay $0x2  }
0x2ef: {  	v5 =	vmul.f32 v6, v5;
	_ =	sdelay $0x1  }
0x2f0: {  	v5 =	vadd.f32 v5, v7;
	_ =	sdelay $0x1  }
0x2f1: {  	v5 =	vmax.f32 v5, $0.0e+00  }
0x2f2: {  	[tilespmem:s5+$0xFFFFFFC0] =	vst v5;
	v5 =	vld [tilespmem:s5+$0xFFFFFFD0]  }
0x2f3: {  	v6 =	vld [tilespmem:s3+$0x450];
	_ =	sdelay $0x1  }
0x2f4: {  	v7 =	vld [tilespmem:s3+$0x50];
	_ =	sdelay $0x2  }
0x2f5: {  	v5 =	vmul.f32 v6, v5;
	_ =	sdelay $0x1  }
0x2f6: {  	v5 =	vadd.f32 v5, v7;
	_ =	sdelay $0x1  }
0x2f7: {  	v5 =	vmax.f32 v5, $0.0e+00  }
0x2f8: {  	[tilespmem:s5+$0xFFFFFFD0] =	vst v5;
	v5 =	vld [tilespmem:s5+$0xFFFFFFE0]  }
0x2f9: {  	v6 =	vld [tilespmem:s3+$0x460];
	_ =	sdelay $0x1  }
0x2fa: {  	v7 =	vld [tilespmem:s3+$0x60];
	_ =	sdelay $0x2  }
0x2fb: {  	v5 =	vmul.f32 v6, v5;
	_ =	sdelay $0x1  }
0x2fc: {  	v5 =	vadd.f32 v5, v7;
	_ =	sdelay $0x1  }
0x2fd: {  	v5 =	vmax.f32 v5, $0.0e+00  }
0x2fe: {  	[tilespmem:s5+$0xFFFFFFE0] =	vst v5;
	v5 =	vld [tilespmem:s5+$0xFFFFFFF0]  }
0x2ff: {  	v6 =	vld [tilespmem:s3+$0x470];
	_ =	sdelay $0x1  }
0x300: {  	v7 =	vld [tilespmem:s3+$0x70];
	_ =	sdelay $0x2  }
0x301: {  	v5 =	vmul.f32 v6, v5;
	_ =	sdelay $0x1  }
0x302: {  	v5 =	vadd.f32 v5, v7  }
0x303: {  	s3 =	sadd.s32 $0x80, s9  }
0x304: {  	s3 =	sand.u32 $0x380, s3;
	v5 =	vmax.f32 v5, $0.0e+00  }
0x305: {  	s1 =	sadd.s32 s3, s1;
	[tilespmem:s5+$0xFFFFFFF0] =	vst v5;
	v5 =	vld [tilespmem:s5+$0x0]  }
0x306: {  	v6 =	vld [tilespmem:s1+$0x400];
	_ =	sdelay $0x1  }
0x307: {  	v7 =	vld [tilespmem:s1+$0x0];
	_ =	sdelay $0x2  }
0x308: {  	v5 =	vmul.f32 v6, v5;
	_ =	sdelay $0x1  }
0x309: {  	v5 =	vadd.f32 v5, v7;
	_ =	sdelay $0x1  }
0x30a: {  	v5 =	vmax.f32 v5, $0.0e+00  }
0x30b: {  	[tilespmem:s5+$0x0] =	vst v5;
	v5 =	vld [tilespmem:s5+$0x10]  }
0x30c: {  	v6 =	vld [tilespmem:s1+$0x410]  }
0x30d: {  	v7 =	vld [tilespmem:s1+$0x10];
	_ =	sdelay $0x3  }
0x30e: {  	v5 =	vmul.f32 v6, v5;
	_ =	sdelay $0x1  }
0x30f: {  	v5 =	vadd.f32 v5, v7;
	_ =	sdelay $0x1  }
0x310: {  	v5 =	vmax.f32 v5, $0.0e+00  }
0x311: {  	[tilespmem:s5+$0x10] =	vst v5;
	v5 =	vld [tilespmem:s5+$0x20]  }
0x312: {  	v6 =	vld [tilespmem:s1+$0x420]  }
0x313: {  	v7 =	vld [tilespmem:s1+$0x20];
	_ =	sdelay $0x3  }
0x314: {  	v5 =	vmul.f32 v6, v5;
	_ =	sdelay $0x1  }
0x315: {  	v5 =	vadd.f32 v5, v7;
	_ =	sdelay $0x1  }
0x316: {  	v5 =	vmax.f32 v5, $0.0e+00  }
0x317: {  	[tilespmem:s5+$0x20] =	vst v5;
	v5 =	vld [tilespmem:s5+$0x30]  }
0x318: {  	v6 =	vld [tilespmem:s1+$0x430]  }
0x319: {  	v7 =	vld [tilespmem:s1+$0x30];
	_ =	sdelay $0x3  }
0x31a: {  	v5 =	vmul.f32 v6, v5;
	_ =	sdelay $0x1  }
0x31b: {  	v5 =	vadd.f32 v5, v7;
	_ =	sdelay $0x1  }
0x31c: {  	v5 =	vmax.f32 v5, $0.0e+00  }
0x31d: {  	[tilespmem:s5+$0x30] =	vst v5;
	v5 =	vld [tilespmem:s5+$0x40]  }
0x31e: {  	v6 =	vld [tilespmem:s1+$0x440]  }
0x31f: {  	v7 =	vld [tilespmem:s1+$0x40];
	_ =	sdelay $0x3  }
0x320: {  	v5 =	vmul.f32 v6, v5;
	_ =	sdelay $0x1  }
0x321: {  	v5 =	vadd.f32 v5, v7;
	_ =	sdelay $0x1  }
0x322: {  	v5 =	vmax.f32 v5, $0.0e+00  }
0x323: {  	[tilespmem:s5+$0x40] =	vst v5;
	v5 =	vld [tilespmem:s5+$0x50]  }
0x324: {  	v6 =	vld [tilespmem:s1+$0x450]  }
0x325: {  	v7 =	vld [tilespmem:s1+$0x50];
	_ =	sdelay $0x3  }
0x326: {  	v5 =	vmul.f32 v6, v5;
	_ =	sdelay $0x1  }
0x327: {  	v5 =	vadd.f32 v5, v7;
	_ =	sdelay $0x1  }
0x328: {  	v5 =	vmax.f32 v5, $0.0e+00  }
0x329: {  	[tilespmem:s5+$0x50] =	vst v5;
	v5 =	vld [tilespmem:s5+$0x60]  }
0x32a: {  	v6 =	vld [tilespmem:s1+$0x460]  }
0x32b: {  	v7 =	vld [tilespmem:s1+$0x60];
	_ =	sdelay $0x3  }
0x32c: {  	v5 =	vmul.f32 v6, v5;
	_ =	sdelay $0x1  }
0x32d: {  	v5 =	vadd.f32 v5, v7;
	_ =	sdelay $0x1  }
0x32e: {  	v5 =	vmax.f32 v5, $0.0e+00  }
0x32f: {  	[tilespmem:s5+$0x60] =	vst v5;
	v5 =	vld [tilespmem:s5+$0x70]  }
0x330: {  	v6 =	vld [tilespmem:s1+$0x470]  }
0x331: {  	v7 =	vld [tilespmem:s1+$0x70];
	_ =	sdelay $0x3  }
.Ltmp4:
0x332: {  	v5 =	vmul.f32 v6, v5;
	(pc) =	sbr.rel @p0 .LBB2_12-.Ltmp4, $4  }
0x333: {  	_ = 	snop  }
0x334: {  	s11 =	sadd.s32 $0x200, s11;
	v5 =	vadd.f32 v5, v7  }
0x335: {  	s9 =	sadd.s32 $0x100, s9;
	s1 =	sand.u32 $0x7800, s11  }
0x336: {  	s3 =	sand.u32 $0x300, s9;
	s5 =	sadd.s32 $0x100, s5;
	s1 =	sadd.s32 $0x1AA80, s1;
	v5 =	vmax.f32 v5, $0.0e+00  }
0x337: {  	[tilespmem:s0+$0x70] =	vst v5;
	v5 =	vld [tilespmem:s5+$0xFFFFFF80];
	s3 =	sadd.s32 s3, s1  }
0x338: {  	v6 =	vld [tilespmem:s3+$0x400];
	_ =	sdelay $0x1  }
0x339: {  	v7 =	vld [tilespmem:s3+$0x0];
	_ =	sdelay $0x2  }
0x33a: {  	v5 =	vmul.f32 v6, v5;
	_ =	sdelay $0x1  }
0x33b: {  	v5 =	vadd.f32 v5, v7;
	_ =	sdelay $0x1  }
0x33c: {  	v5 =	vmax.f32 v5, $0.0e+00  }
0x33d: {  	[tilespmem:s5+$0xFFFFFF80] =	vst v5;
	v5 =	vld [tilespmem:s5+$0xFFFFFF90]  }
0x33e: {  	v6 =	vld [tilespmem:s3+$0x410];
	_ =	sdelay $0x1  }
0x33f: {  	v7 =	vld [tilespmem:s3+$0x10];
	_ =	sdelay $0x2  }
0x340: {  	v5 =	vmul.f32 v6, v5;
	_ =	sdelay $0x1  }
0x341: {  	v5 =	vadd.f32 v5, v7;
	_ =	sdelay $0x1  }
0x342: {  	v5 =	vmax.f32 v5, $0.0e+00  }
0x343: {  	[tilespmem:s5+$0xFFFFFF90] =	vst v5;
	v5 =	vld [tilespmem:s5+$0xFFFFFFA0]  }
0x344: {  	v6 =	vld [tilespmem:s3+$0x420];
	_ =	sdelay $0x1  }
0x345: {  	v7 =	vld [tilespmem:s3+$0x20];
	_ =	sdelay $0x2  }
0x346: {  	v5 =	vmul.f32 v6, v5;
	_ =	sdelay $0x1  }
0x347: {  	v5 =	vadd.f32 v5, v7;
	_ =	sdelay $0x1  }
0x348: {  	v5 =	vmax.f32 v5, $0.0e+00  }
0x349: {  	[tilespmem:s5+$0xFFFFFFA0] =	vst v5;
	v5 =	vld [tilespmem:s5+$0xFFFFFFB0]  }
0x34a: {  	v6 =	vld [tilespmem:s3+$0x430];
	_ =	sdelay $0x1  }
0x34b: {  	v7 =	vld [tilespmem:s3+$0x30];
	_ =	sdelay $0x2  }
0x34c: {  	v5 =	vmul.f32 v6, v5;
	_ =	sdelay $0x1  }
0x34d: {  	v5 =	vadd.f32 v5, v7;
	_ =	sdelay $0x1  }
0x34e: {  	v5 =	vmax.f32 v5, $0.0e+00  }
0x34f: {  	[tilespmem:s5+$0xFFFFFFB0] =	vst v5;
	v5 =	vld [tilespmem:s5+$0xFFFFFFC0]  }
0x350: {  	v6 =	vld [tilespmem:s3+$0x440];
	_ =	sdelay $0x1  }
0x351: {  	v7 =	vld [tilespmem:s3+$0x40];
	_ =	sdelay $0x2  }
0x352: {  	v5 =	vmul.f32 v6, v5;
	_ =	sdelay $0x1  }
0x353: {  	v5 =	vadd.f32 v5, v7;
	_ =	sdelay $0x1  }
0x354: {  	v5 =	vmax.f32 v5, $0.0e+00  }
0x355: {  	[tilespmem:s5+$0xFFFFFFC0] =	vst v5;
	v5 =	vld [tilespmem:s5+$0xFFFFFFD0]  }
0x356: {  	v6 =	vld [tilespmem:s3+$0x450];
	_ =	sdelay $0x1  }
0x357: {  	v7 =	vld [tilespmem:s3+$0x50];
	_ =	sdelay $0x2  }
0x358: {  	v5 =	vmul.f32 v6, v5;
	_ =	sdelay $0x1  }
0x359: {  	v5 =	vadd.f32 v5, v7;
	_ =	sdelay $0x1  }
0x35a: {  	v5 =	vmax.f32 v5, $0.0e+00  }
0x35b: {  	[tilespmem:s5+$0xFFFFFFD0] =	vst v5;
	v5 =	vld [tilespmem:s5+$0xFFFFFFE0]  }
0x35c: {  	v6 =	vld [tilespmem:s3+$0x460];
	_ =	sdelay $0x1  }
0x35d: {  	v7 =	vld [tilespmem:s3+$0x60];
	_ =	sdelay $0x2  }
0x35e: {  	v5 =	vmul.f32 v6, v5;
	_ =	sdelay $0x1  }
0x35f: {  	v5 =	vadd.f32 v5, v7;
	_ =	sdelay $0x1  }
0x360: {  	v5 =	vmax.f32 v5, $0.0e+00  }
0x361: {  	[tilespmem:s5+$0xFFFFFFE0] =	vst v5;
	v5 =	vld [tilespmem:s5+$0xFFFFFFF0]  }
0x362: {  	v6 =	vld [tilespmem:s3+$0x470];
	_ =	sdelay $0x1  }
0x363: {  	v7 =	vld [tilespmem:s3+$0x70];
	_ =	sdelay $0x2  }
0x364: {  	v5 =	vmul.f32 v6, v5;
	_ =	sdelay $0x1  }
0x365: {  	v5 =	vadd.f32 v5, v7  }
0x366: {  	s9 =	sadd.s32 $0x80, s9  }
0x367: {  	s0 =	sand.u32 $0x380, s9;
	v5 =	vmax.f32 v5, $0.0e+00  }
0x368: {  	s0 =	sadd.s32 s0, s1;
	[tilespmem:s5+$0xFFFFFFF0] =	vst v5;
	v5 =	vld [tilespmem:s5+$0x0]  }
0x369: {  	v6 =	vld [tilespmem:s0+$0x400];
	_ =	sdelay $0x1  }
0x36a: {  	v7 =	vld [tilespmem:s0+$0x0];
	_ =	sdelay $0x2  }
0x36b: {  	v5 =	vmul.f32 v6, v5;
	_ =	sdelay $0x1  }
0x36c: {  	v5 =	vadd.f32 v5, v7;
	_ =	sdelay $0x1  }
0x36d: {  	v5 =	vmax.f32 v5, $0.0e+00  }
0x36e: {  	[tilespmem:s5+$0x0] =	vst v5;
	v5 =	vld [tilespmem:s5+$0x10]  }
0x36f: {  	v6 =	vld [tilespmem:s0+$0x410];
	_ =	sdelay $0x1  }
0x370: {  	v7 =	vld [tilespmem:s0+$0x10];
	_ =	sdelay $0x2  }
0x371: {  	v5 =	vmul.f32 v6, v5;
	_ =	sdelay $0x1  }
0x372: {  	v5 =	vadd.f32 v5, v7;
	_ =	sdelay $0x1  }
0x373: {  	v5 =	vmax.f32 v5, $0.0e+00  }
0x374: {  	[tilespmem:s5+$0x10] =	vst v5;
	v5 =	vld [tilespmem:s5+$0x20]  }
0x375: {  	v6 =	vld [tilespmem:s0+$0x420];
	_ =	sdelay $0x1  }
0x376: {  	v7 =	vld [tilespmem:s0+$0x20];
	_ =	sdelay $0x2  }
0x377: {  	v5 =	vmul.f32 v6, v5;
	_ =	sdelay $0x1  }
0x378: {  	v5 =	vadd.f32 v5, v7;
	_ =	sdelay $0x1  }
0x379: {  	v5 =	vmax.f32 v5, $0.0e+00  }
0x37a: {  	[tilespmem:s5+$0x20] =	vst v5;
	v5 =	vld [tilespmem:s5+$0x30]  }
0x37b: {  	v6 =	vld [tilespmem:s0+$0x430];
	_ =	sdelay $0x1  }
0x37c: {  	v7 =	vld [tilespmem:s0+$0x30];
	_ =	sdelay $0x2  }
0x37d: {  	v5 =	vmul.f32 v6, v5;
	_ =	sdelay $0x1  }
0x37e: {  	v5 =	vadd.f32 v5, v7;
	_ =	sdelay $0x1  }
0x37f: {  	v5 =	vmax.f32 v5, $0.0e+00  }
0x380: {  	[tilespmem:s5+$0x30] =	vst v5;
	v5 =	vld [tilespmem:s5+$0x40]  }
0x381: {  	v6 =	vld [tilespmem:s0+$0x440];
	_ =	sdelay $0x1  }
0x382: {  	v7 =	vld [tilespmem:s0+$0x40];
	_ =	sdelay $0x2  }
0x383: {  	v5 =	vmul.f32 v6, v5;
	_ =	sdelay $0x1  }
0x384: {  	v5 =	vadd.f32 v5, v7;
	_ =	sdelay $0x1  }
0x385: {  	v5 =	vmax.f32 v5, $0.0e+00  }
0x386: {  	[tilespmem:s5+$0x40] =	vst v5;
	v5 =	vld [tilespmem:s5+$0x50]  }
0x387: {  	v6 =	vld [tilespmem:s0+$0x450];
	_ =	sdelay $0x1  }
0x388: {  	v7 =	vld [tilespmem:s0+$0x50];
	_ =	sdelay $0x2  }
0x389: {  	v5 =	vmul.f32 v6, v5;
	_ =	sdelay $0x1  }
0x38a: {  	v5 =	vadd.f32 v5, v7;
	_ =	sdelay $0x1  }
0x38b: {  	v5 =	vmax.f32 v5, $0.0e+00  }
0x38c: {  	[tilespmem:s5+$0x50] =	vst v5;
	v5 =	vld [tilespmem:s5+$0x60]  }
0x38d: {  	v6 =	vld [tilespmem:s0+$0x460];
	_ =	sdelay $0x1  }
0x38e: {  	v7 =	vld [tilespmem:s0+$0x60];
	_ =	sdelay $0x2  }
0x38f: {  	v5 =	vmul.f32 v6, v5;
	_ =	sdelay $0x1  }
0x390: {  	v5 =	vadd.f32 v5, v7;
	_ =	sdelay $0x1  }
0x391: {  	v5 =	vmax.f32 v5, $0.0e+00  }
0x392: {  	[tilespmem:s5+$0x60] =	vst v5;
	v5 =	vld [tilespmem:s5+$0x70]  }
0x393: {  	v6 =	vld [tilespmem:s0+$0x470];
	_ =	sdelay $0x1  }
0x394: {  	v7 =	vld [tilespmem:s0+$0x70];
	_ =	sdelay $0x2  }
0x395: {  	v5 =	vmul.f32 v6, v5;
	_ =	sdelay $0x1  }
0x396: {  	v5 =	vadd.f32 v5, v7;
	_ =	sdelay $0x1  }
0x397: {  	v5 =	vmax.f32 v5, $0.0e+00  }
0x398: {  	[tilespmem:s5+$0x70] =	vst v5  }
0x399: {  	_ =	swait.ge [sflag:s31], $0x2800  }
0x39a: {  	[sflag:s31] =	ssyncset.done $0x0  }
0x39b: {  	[sflag:s31] =	ssyncadd.s32 $0xFFFFD800  }
0x39c: {  	v5 =	vld [tilespmem:s30+$0x150A0]  }
0x39d: {  	v6 =	vld [tilespmem:s30+$0x140A0]  }
0x39e: {  	v7 =	vld [tilespmem:s30+$0x148A0];
	_ =	sdelay $0x2  }
0x39f: {  	v5 =	vmul.u32 $0x2710, v5;
	_ =	sdelay $0x1  }
0x3a0: {  	[tilespmem:$0x15980] =	vst v7;
	v6 =	vadd.s32 v6, v5  }
0x3a1: {  	v5 =	vadd.s32 v7, v5;
	[tilespmem:$0x15800] =	vst v6  }
0x3a2: {  	[tilespmem:$0x15900] =	vst v5  }
0x3a3: {  	v5 =	vld [tilespmem:s30+$0x150B0]  }
0x3a4: {  	v6 =	vld [tilespmem:s30+$0x140B0]  }
0x3a5: {  	v7 =	vld [tilespmem:s30+$0x148B0];
	_ =	sdelay $0x2  }
0x3a6: {  	v5 =	vmul.u32 $0x2710, v5;
	_ =	sdelay $0x1  }
0x3a7: {  	[tilespmem:$0x15990] =	vst v7;
	v6 =	vadd.s32 v6, v5  }
0x3a8: {  	v5 =	vadd.s32 v7, v5;
	[tilespmem:$0x15810] =	vst v6  }
0x3a9: {  	[tilespmem:$0x15910] =	vst v5  }
0x3aa: {  	v5 =	vld [tilespmem:s30+$0x150C0]  }
0x3ab: {  	v6 =	vld [tilespmem:s30+$0x140C0]  }
0x3ac: {  	v7 =	vld [tilespmem:s30+$0x148C0];
	_ =	sdelay $0x2  }
0x3ad: {  	v5 =	vmul.u32 $0x2710, v5;
	_ =	sdelay $0x1  }
0x3ae: {  	[tilespmem:$0x159A0] =	vst v7;
	v6 =	vadd.s32 v6, v5  }
0x3af: {  	v5 =	vadd.s32 v7, v5;
	[tilespmem:$0x15820] =	vst v6  }
0x3b0: {  	[tilespmem:$0x15920] =	vst v5  }
0x3b1: {  	v5 =	vld [tilespmem:s30+$0x150D0]  }
0x3b2: {  	v6 =	vld [tilespmem:s30+$0x140D0]  }
0x3b3: {  	v7 =	vld [tilespmem:s30+$0x148D0];
	_ =	sdelay $0x2  }
0x3b4: {  	v5 =	vmul.u32 $0x2710, v5;
	_ =	sdelay $0x1  }
0x3b5: {  	[tilespmem:$0x159B0] =	vst v7;
	v6 =	vadd.s32 v6, v5  }
0x3b6: {  	v5 =	vadd.s32 v7, v5;
	[tilespmem:$0x15830] =	vst v6  }
0x3b7: {  	[tilespmem:$0x15930] =	vst v5  }
0x3b8: {  	v5 =	vld [tilespmem:s30+$0x150E0]  }
0x3b9: {  	v6 =	vld [tilespmem:s30+$0x140E0]  }
0x3ba: {  	v7 =	vld [tilespmem:s30+$0x148E0];
	_ =	sdelay $0x2  }
0x3bb: {  	v5 =	vmul.u32 $0x2710, v5;
	_ =	sdelay $0x1  }
0x3bc: {  	[tilespmem:$0x159C0] =	vst v7;
	v6 =	vadd.s32 v6, v5  }
0x3bd: {  	v5 =	vadd.s32 v7, v5;
	[tilespmem:$0x15840] =	vst v6  }
0x3be: {  	s11 =	simm.s32 $0x15800;
	[tilespmem:$0x15940] =	vst v5  }
0x3bf: {  	[tilespmem:s29], [sflag:$0x1] =	stream.indirect.gather [hbm4b:s6+s10], $0x80, s11, s10, $0xb8;
	[tilespmem:$0x1FA80] =	vst v63  }
0x3c0: {  	v5 =	vld [tilespmem:$0x15900];
	_ =	sdelay $0x4  }
0x3c1: {  	v6 =	vshll.u32 v5, $0x1  }
0x3c2: {  	v5 =	vand.u32 $0x7, v5;
	v6 =	vand.u32 $0xFFFFFFF0, v6  }
0x3c3: {  	v5 =	vor.u32 v5, v6  }
0x3c4: {  	v6 =	vperm.xlane v5, v2;
	_ =	sdelay $0x1  }
0x3c5: {  	v5 =	vperm.xlane v5, v4;
	v6 =	vadd.s32 v3, v6;
	_ =	sdelay $0x1  }
0x3c6: {  	v5 =	vadd.s32 v3, v5;
	_ =	sdelay $0x1  }
0x3c7: {  	s23 =	simm.s32 $0x1AA80  }
0x3c8: {  	[tilespmem:s23], [sflag:$0x3] =	stream.indirect_vreg.gather [hbm4b:s7+s4], $0x80, v6, vm0, $0xb8;
	[tilespmem:$0x1FA80] =	vst v63  }
0x3c9: {  	_ = 	snop  }
0x3ca: {  	[tilespmem:s13], [sflag:$0x3] =	stream.indirect_vreg.gather [hbm4b:s7+s4], $0x80, v5, vm0, $0xb8;
	[tilespmem:$0x1FA80] =	vst v63  }
0x3cb: {  	v5 =	vld [tilespmem:$0x15910];
	_ =	sdelay $0x4  }
0x3cc: {  	v6 =	vshll.u32 v5, $0x1  }
0x3cd: {  	v5 =	vand.u32 $0x7, v5;
	v6 =	vand.u32 $0xFFFFFFF0, v6  }
0x3ce: {  	v5 =	vor.u32 v5, v6  }
0x3cf: {  	v6 =	vperm.xlane v5, v2;
	_ =	sdelay $0x1  }
0x3d0: {  	v5 =	vperm.xlane v5, v4;
	v6 =	vadd.s32 v3, v6;
	_ =	sdelay $0x1  }
0x3d1: {  	v5 =	vadd.s32 v3, v5;
	_ =	sdelay $0x2  }
0x3d2: {  	[tilespmem:s14], [sflag:$0x3] =	stream.indirect_vreg.gather [hbm4b:s7+s4], $0x80, v6, vm0, $0xb8;
	[tilespmem:$0x1FA80] =	vst v63  }
0x3d3: {  	_ = 	snop  }
0x3d4: {  	[tilespmem:s15], [sflag:$0x3] =	stream.indirect_vreg.gather [hbm4b:s7+s4], $0x80, v5, vm0, $0xb8;
	[tilespmem:$0x1FA80] =	vst v63  }
0x3d5: {  	v5 =	vld [tilespmem:$0x15920];
	_ =	sdelay $0x4  }
0x3d6: {  	v6 =	vshll.u32 v5, $0x1  }
0x3d7: {  	v5 =	vand.u32 $0x7, v5;
	v6 =	vand.u32 $0xFFFFFFF0, v6  }
0x3d8: {  	v5 =	vor.u32 v5, v6  }
0x3d9: {  	v6 =	vperm.xlane v5, v2;
	_ =	sdelay $0x1  }
0x3da: {  	v5 =	vperm.xlane v5, v4;
	v6 =	vadd.s32 v3, v6;
	_ =	sdelay $0x1  }
0x3db: {  	v5 =	vadd.s32 v3, v5;
	_ =	sdelay $0x2  }
0x3dc: {  	[tilespmem:s16], [sflag:$0x3] =	stream.indirect_vreg.gather [hbm4b:s7+s4], $0x80, v6, vm0, $0xb8;
	[tilespmem:$0x1FA80] =	vst v63  }
0x3dd: {  	_ = 	snop  }
0x3de: {  	[tilespmem:s17], [sflag:$0x3] =	stream.indirect_vreg.gather [hbm4b:s7+s4], $0x80, v5, vm0, $0xb8;
	[tilespmem:$0x1FA80] =	vst v63  }
0x3df: {  	v5 =	vld [tilespmem:$0x15930];
	_ =	sdelay $0x4  }
0x3e0: {  	v6 =	vshll.u32 v5, $0x1  }
0x3e1: {  	v5 =	vand.u32 $0x7, v5;
	v6 =	vand.u32 $0xFFFFFFF0, v6  }
0x3e2: {  	v5 =	vor.u32 v5, v6  }
0x3e3: {  	v6 =	vperm.xlane v5, v2;
	_ =	sdelay $0x1  }
0x3e4: {  	v5 =	vperm.xlane v5, v4;
	v6 =	vadd.s32 v3, v6;
	_ =	sdelay $0x1  }
0x3e5: {  	v5 =	vadd.s32 v3, v5;
	_ =	sdelay $0x2  }
0x3e6: {  	[tilespmem:s18], [sflag:$0x3] =	stream.indirect_vreg.gather [hbm4b:s7+s4], $0x80, v6, vm0, $0xb8;
	[tilespmem:$0x1FA80] =	vst v63  }
0x3e7: {  	_ = 	snop  }
0x3e8: {  	[tilespmem:s19], [sflag:$0x3] =	stream.indirect_vreg.gather [hbm4b:s7+s4], $0x80, v5, vm0, $0xb8;
	[tilespmem:$0x1FA80] =	vst v63  }
0x3e9: {  	v5 =	vld [tilespmem:$0x15940];
	_ =	sdelay $0x4  }
0x3ea: {  	v6 =	vshll.u32 v5, $0x1  }
0x3eb: {  	v5 =	vand.u32 $0x7, v5;
	v6 =	vand.u32 $0xFFFFFFF0, v6  }
0x3ec: {  	v5 =	vor.u32 v5, v6  }
0x3ed: {  	v6 =	vperm.xlane v5, v2;
	_ =	sdelay $0x1  }
0x3ee: {  	v6 =	vadd.s32 v3, v6  }
0x3ef: {  	v5 =	vperm.xlane v5, v4;
	_ =	sdelay $0x1  }
0x3f0: {  	s20 =	sadd.s32 $0x1, s20;
	v5 =	vadd.s32 v3, v5  }
0x3f1: {  	p0 =	sne.s32 s20, $0xC  }
0x3f2: {  	[tilespmem:s21], [sflag:$0x3] =	stream.indirect_vreg.gather [hbm4b:s7+s4], $0x80, v6, vm0, $0xb8;
	[tilespmem:$0x1FA80] =	vst v63  }
.Ltmp5:
0x3f3: {  	_ = 	snop;
	(pc) =	sbr.rel @p0 .LBB2_9-.Ltmp5, $4  }
0x3f4: {  	_ = 	snop  }
0x3f5: {  	[tilespmem:s22], [sflag:$0x3] =	stream.indirect_vreg.gather [hbm4b:s7+s4], $0x80, v5, vm0, $0xb8;
	[tilespmem:$0x1FA80] =	vst v63  }
0x3f6: {  	s30 =	simm.s32 $0x15A00  }
0x3f7: {  	[spmem:s12] =	stream.indirect.scatter.add.f32 [tilespmem:s24], [sflag:$0x5], $0x80, s30, s10, $0xb8;
	[tilespmem:$0x1FA80] =	vst v63  }
0x3f8: {  	_ =	swait.ge [sflag:s25], $0x5000  }
0x3f9: {  	[sflag:s25] =	ssyncset.done $0x0  }
0x3fa: {  	[sflag:s25] =	ssyncadd.s32 $0xFFFFB000  }
0x3fb: {  	s0 =	simm.s32 $0x0;
	_ =	swait.ge [sflag:s26], $0x2800  }
0x3fc: {  	s8 =	simm.s32 $0x15B00;
	s1 =	sand.u32 $0x7800, s0;
	[sflag:s26] =	ssyncset.done $0x0  }
0x3fd: {  	s0 =	sand.u32 $0x300, s0;
	s1 =	sadd.s32 $0x1AA80, s1;
	[sflag:s26] =	ssyncadd.s32 $0xFFFFD800  }
0x3fe: {  	s0 =	sadd.s32 s0, s1;
	v5 =	vld [tilespmem:s8+$0xFFFFFF80]  }
0x3ff: {  	v6 =	vld [tilespmem:s0+$0x400];
	_ =	sdelay $0x1  }
0x400: {  	v7 =	vld [tilespmem:s0+$0x0];
	_ =	sdelay $0x2  }
0x401: {  	v5 =	vmul.f32 v6, v5;
	_ =	sdelay $0x1  }
0x402: {  	v5 =	vadd.f32 v5, v7;
	_ =	sdelay $0x1  }
0x403: {  	v5 =	vmax.f32 v5, $0.0e+00  }
0x404: {  	[tilespmem:s8+$0xFFFFFF80] =	vst v5;
	v5 =	vld [tilespmem:s8+$0xFFFFFF90]  }
0x405: {  	v6 =	vld [tilespmem:s0+$0x410];
	_ =	sdelay $0x1  }
0x406: {  	v7 =	vld [tilespmem:s0+$0x10];
	_ =	sdelay $0x2  }
0x407: {  	v5 =	vmul.f32 v6, v5;
	_ =	sdelay $0x1  }
0x408: {  	v5 =	vadd.f32 v5, v7;
	_ =	sdelay $0x1  }
0x409: {  	v5 =	vmax.f32 v5, $0.0e+00  }
0x40a: {  	[tilespmem:s8+$0xFFFFFF90] =	vst v5;
	v5 =	vld [tilespmem:s8+$0xFFFFFFA0]  }
0x40b: {  	v6 =	vld [tilespmem:s0+$0x420];
	_ =	sdelay $0x1  }
0x40c: {  	v7 =	vld [tilespmem:s0+$0x20];
	_ =	sdelay $0x2  }
0x40d: {  	v5 =	vmul.f32 v6, v5;
	_ =	sdelay $0x1  }
0x40e: {  	v5 =	vadd.f32 v5, v7;
	_ =	sdelay $0x1  }
0x40f: {  	v5 =	vmax.f32 v5, $0.0e+00  }
0x410: {  	[tilespmem:s8+$0xFFFFFFA0] =	vst v5;
	v5 =	vld [tilespmem:s8+$0xFFFFFFB0]  }
0x411: {  	v6 =	vld [tilespmem:s0+$0x430];
	_ =	sdelay $0x1  }
0x412: {  	v7 =	vld [tilespmem:s0+$0x30];
	_ =	sdelay $0x2  }
0x413: {  	v5 =	vmul.f32 v6, v5;
	_ =	sdelay $0x1  }
0x414: {  	v5 =	vadd.f32 v5, v7;
	_ =	sdelay $0x1  }
0x415: {  	v5 =	vmax.f32 v5, $0.0e+00  }
0x416: {  	[tilespmem:s8+$0xFFFFFFB0] =	vst v5;
	v5 =	vld [tilespmem:s8+$0xFFFFFFC0]  }
0x417: {  	v6 =	vld [tilespmem:s0+$0x440];
	_ =	sdelay $0x1  }
0x418: {  	v7 =	vld [tilespmem:s0+$0x40];
	_ =	sdelay $0x2  }
0x419: {  	v5 =	vmul.f32 v6, v5;
	_ =	sdelay $0x1  }
0x41a: {  	v5 =	vadd.f32 v5, v7;
	_ =	sdelay $0x1  }
0x41b: {  	v5 =	vmax.f32 v5, $0.0e+00  }
0x41c: {  	[tilespmem:s8+$0xFFFFFFC0] =	vst v5;
	v5 =	vld [tilespmem:s8+$0xFFFFFFD0]  }
0x41d: {  	v6 =	vld [tilespmem:s0+$0x450];
	_ =	sdelay $0x1  }
0x41e: {  	v7 =	vld [tilespmem:s0+$0x50];
	_ =	sdelay $0x2  }
0x41f: {  	v5 =	vmul.f32 v6, v5;
	_ =	sdelay $0x1  }
0x420: {  	v5 =	vadd.f32 v5, v7;
	_ =	sdelay $0x1  }
0x421: {  	v5 =	vmax.f32 v5, $0.0e+00  }
0x422: {  	[tilespmem:s8+$0xFFFFFFD0] =	vst v5;
	v5 =	vld [tilespmem:s8+$0xFFFFFFE0]  }
0x423: {  	v6 =	vld [tilespmem:s0+$0x460];
	_ =	sdelay $0x1  }
0x424: {  	v7 =	vld [tilespmem:s0+$0x60];
	_ =	sdelay $0x2  }
0x425: {  	v5 =	vmul.f32 v6, v5;
	_ =	sdelay $0x1  }
0x426: {  	v5 =	vadd.f32 v5, v7;
	_ =	sdelay $0x1  }
0x427: {  	v5 =	vmax.f32 v5, $0.0e+00  }
0x428: {  	[tilespmem:s8+$0xFFFFFFE0] =	vst v5;
	v5 =	vld [tilespmem:s8+$0xFFFFFFF0]  }
0x429: {  	v6 =	vld [tilespmem:s0+$0x470];
	_ =	sdelay $0x1  }
0x42a: {  	v7 =	vld [tilespmem:s0+$0x70];
	_ =	sdelay $0x2  }
0x42b: {  	v5 =	vmul.f32 v6, v5;
	_ =	sdelay $0x1  }
0x42c: {  	v5 =	vadd.f32 v5, v7  }
0x42d: {  	s23 =	simm.s32 $0x80  }
0x42e: {  	s0 =	sand.u32 $0x380, s23;
	v5 =	vmax.f32 v5, $0.0e+00  }
0x42f: {  	s0 =	sadd.s32 s0, s1;
	[tilespmem:s8+$0xFFFFFFF0] =	vst v5;
	v5 =	vld [tilespmem:s8+$0x0]  }
0x430: {  	v6 =	vld [tilespmem:s0+$0x400];
	_ =	sdelay $0x1  }
0x431: {  	v7 =	vld [tilespmem:s0+$0x0];
	_ =	sdelay $0x2  }
0x432: {  	v5 =	vmul.f32 v6, v5;
	_ =	sdelay $0x1  }
0x433: {  	v5 =	vadd.f32 v5, v7;
	_ =	sdelay $0x1  }
0x434: {  	v5 =	vmax.f32 v5, $0.0e+00  }
0x435: {  	[tilespmem:s8+$0x0] =	vst v5;
	v5 =	vld [tilespmem:s8+$0x10]  }
0x436: {  	v6 =	vld [tilespmem:s0+$0x410];
	_ =	sdelay $0x1  }
0x437: {  	v7 =	vld [tilespmem:s0+$0x10];
	_ =	sdelay $0x2  }
0x438: {  	v5 =	vmul.f32 v6, v5;
	_ =	sdelay $0x1  }
0x439: {  	v5 =	vadd.f32 v5, v7;
	_ =	sdelay $0x1  }
0x43a: {  	v5 =	vmax.f32 v5, $0.0e+00  }
0x43b: {  	[tilespmem:s8+$0x10] =	vst v5;
	v5 =	vld [tilespmem:s8+$0x20]  }
0x43c: {  	v6 =	vld [tilespmem:s0+$0x420];
	_ =	sdelay $0x1  }
0x43d: {  	v7 =	vld [tilespmem:s0+$0x20];
	_ =	sdelay $0x2  }
0x43e: {  	v5 =	vmul.f32 v6, v5;
	_ =	sdelay $0x1  }
0x43f: {  	v5 =	vadd.f32 v5, v7;
	_ =	sdelay $0x1  }
0x440: {  	v5 =	vmax.f32 v5, $0.0e+00  }
0x441: {  	[tilespmem:s8+$0x20] =	vst v5;
	v5 =	vld [tilespmem:s8+$0x30]  }
0x442: {  	v6 =	vld [tilespmem:s0+$0x430];
	_ =	sdelay $0x1  }
0x443: {  	v7 =	vld [tilespmem:s0+$0x30];
	_ =	sdelay $0x2  }
0x444: {  	v5 =	vmul.f32 v6, v5;
	_ =	sdelay $0x1  }
0x445: {  	v5 =	vadd.f32 v5, v7;
	_ =	sdelay $0x1  }
0x446: {  	v5 =	vmax.f32 v5, $0.0e+00  }
0x447: {  	[tilespmem:s8+$0x30] =	vst v5;
	v5 =	vld [tilespmem:s8+$0x40]  }
0x448: {  	v6 =	vld [tilespmem:s0+$0x440];
	_ =	sdelay $0x1  }
0x449: {  	v7 =	vld [tilespmem:s0+$0x40];
	_ =	sdelay $0x2  }
0x44a: {  	v5 =	vmul.f32 v6, v5;
	_ =	sdelay $0x1  }
0x44b: {  	v5 =	vadd.f32 v5, v7;
	_ =	sdelay $0x1  }
0x44c: {  	v5 =	vmax.f32 v5, $0.0e+00  }
0x44d: {  	[tilespmem:s8+$0x40] =	vst v5;
	v5 =	vld [tilespmem:s8+$0x50]  }
0x44e: {  	v6 =	vld [tilespmem:s0+$0x450];
	_ =	sdelay $0x1  }
0x44f: {  	v7 =	vld [tilespmem:s0+$0x50];
	_ =	sdelay $0x2  }
0x450: {  	v5 =	vmul.f32 v6, v5;
	_ =	sdelay $0x1  }
0x451: {  	v5 =	vadd.f32 v5, v7;
	_ =	sdelay $0x1  }
0x452: {  	v5 =	vmax.f32 v5, $0.0e+00  }
0x453: {  	[tilespmem:s8+$0x50] =	vst v5;
	v5 =	vld [tilespmem:s8+$0x60]  }
0x454: {  	v6 =	vld [tilespmem:s0+$0x460];
	_ =	sdelay $0x1  }
0x455: {  	v7 =	vld [tilespmem:s0+$0x60];
	_ =	sdelay $0x2  }
0x456: {  	v5 =	vmul.f32 v6, v5;
	_ =	sdelay $0x1  }
0x457: {  	v5 =	vadd.f32 v5, v7;
	_ =	sdelay $0x1  }
0x458: {  	v5 =	vmax.f32 v5, $0.0e+00  }
0x459: {  	[tilespmem:s8+$0x60] =	vst v5;
	v5 =	vld [tilespmem:s8+$0x70]  }
0x45a: {  	v6 =	vld [tilespmem:s0+$0x470];
	_ =	sdelay $0x1  }
0x45b: {  	v7 =	vld [tilespmem:s0+$0x70];
	_ =	sdelay $0x2  }
0x45c: {  	v5 =	vmul.f32 v6, v5;
	_ =	sdelay $0x1  }
0x45d: {  	s9 =	simm.s32 $0x200;
	v5 =	vadd.f32 v5, v7  }
0x45e: {  	s11 =	simm.s32 $0x2;
	s5 =	simm.s32 $0x100;
	s30 =	sand.u32 $0x7800, s9  }
0x45f: {  	s20 =	sadd.s32 $0x1AA80, s30;
	s1 =	sand.u32 $0x300, s5;
	s0 =	simm.s32 $0x15C00;
	v5 =	vmax.f32 v5, $0.0e+00  }
.LBB2_15:
0x460: {  	s11 =	sadd.s32 $0x2, s11;
	v6 =	vld [tilespmem:s0+$0xFFFFFF80];
	s1 =	sadd.s32 s1, s20;
	[tilespmem:s8+$0x70] =	vst v5;
	s8 =	smov.u32 s0  }
0x461: {  	p0 =	slt.u32 s11, $0x4E;
	v5 =	vld [tilespmem:s1+$0x400];
	_ =	sdelay $0x1  }
0x462: {  	v7 =	vld [tilespmem:s1+$0x0];
	_ =	sdelay $0x2  }
0x463: {  	v5 =	vmul.f32 v5, v6;
	_ =	sdelay $0x1  }
0x464: {  	v5 =	vadd.f32 v5, v7;
	_ =	sdelay $0x1  }
0x465: {  	v5 =	vmax.f32 v5, $0.0e+00  }
0x466: {  	[tilespmem:s0+$0xFFFFFF80] =	vst v5;
	v5 =	vld [tilespmem:s0+$0xFFFFFF90]  }
0x467: {  	v6 =	vld [tilespmem:s1+$0x410];
	_ =	sdelay $0x1  }
0x468: {  	v7 =	vld [tilespmem:s1+$0x10];
	_ =	sdelay $0x2  }
0x469: {  	v5 =	vmul.f32 v6, v5;
	_ =	sdelay $0x1  }
0x46a: {  	v5 =	vadd.f32 v5, v7;
	_ =	sdelay $0x1  }
0x46b: {  	v5 =	vmax.f32 v5, $0.0e+00  }
0x46c: {  	[tilespmem:s0+$0xFFFFFF90] =	vst v5;
	v5 =	vld [tilespmem:s0+$0xFFFFFFA0]  }
0x46d: {  	v6 =	vld [tilespmem:s1+$0x420];
	_ =	sdelay $0x1  }
0x46e: {  	v7 =	vld [tilespmem:s1+$0x20];
	_ =	sdelay $0x2  }
0x46f: {  	v5 =	vmul.f32 v6, v5;
	_ =	sdelay $0x1  }
0x470: {  	v5 =	vadd.f32 v5, v7;
	_ =	sdelay $0x1  }
0x471: {  	v5 =	vmax.f32 v5, $0.0e+00  }
0x472: {  	[tilespmem:s0+$0xFFFFFFA0] =	vst v5;
	v5 =	vld [tilespmem:s0+$0xFFFFFFB0]  }
0x473: {  	v6 =	vld [tilespmem:s1+$0x430];
	_ =	sdelay $0x1  }
0x474: {  	v7 =	vld [tilespmem:s1+$0x30];
	_ =	sdelay $0x2  }
0x475: {  	v5 =	vmul.f32 v6, v5;
	_ =	sdelay $0x1  }
0x476: {  	v5 =	vadd.f32 v5, v7;
	_ =	sdelay $0x1  }
0x477: {  	v5 =	vmax.f32 v5, $0.0e+00  }
0x478: {  	[tilespmem:s0+$0xFFFFFFB0] =	vst v5;
	v5 =	vld [tilespmem:s0+$0xFFFFFFC0]  }
0x479: {  	v6 =	vld [tilespmem:s1+$0x440];
	_ =	sdelay $0x1  }
0x47a: {  	v7 =	vld [tilespmem:s1+$0x40];
	_ =	sdelay $0x2  }
0x47b: {  	v5 =	vmul.f32 v6, v5;
	_ =	sdelay $0x1  }
0x47c: {  	v5 =	vadd.f32 v5, v7;
	_ =	sdelay $0x1  }
0x47d: {  	v5 =	vmax.f32 v5, $0.0e+00  }
0x47e: {  	[tilespmem:s0+$0xFFFFFFC0] =	vst v5;
	v5 =	vld [tilespmem:s0+$0xFFFFFFD0]  }
0x47f: {  	v6 =	vld [tilespmem:s1+$0x450];
	_ =	sdelay $0x1  }
0x480: {  	v7 =	vld [tilespmem:s1+$0x50];
	_ =	sdelay $0x2  }
0x481: {  	v5 =	vmul.f32 v6, v5;
	_ =	sdelay $0x1  }
0x482: {  	v5 =	vadd.f32 v5, v7;
	_ =	sdelay $0x1  }
0x483: {  	v5 =	vmax.f32 v5, $0.0e+00  }
0x484: {  	[tilespmem:s0+$0xFFFFFFD0] =	vst v5;
	v5 =	vld [tilespmem:s0+$0xFFFFFFE0]  }
0x485: {  	v6 =	vld [tilespmem:s1+$0x460];
	_ =	sdelay $0x1  }
0x486: {  	v7 =	vld [tilespmem:s1+$0x60];
	_ =	sdelay $0x2  }
0x487: {  	v5 =	vmul.f32 v6, v5;
	_ =	sdelay $0x1  }
0x488: {  	v5 =	vadd.f32 v5, v7;
	_ =	sdelay $0x1  }
0x489: {  	v5 =	vmax.f32 v5, $0.0e+00  }
0x48a: {  	[tilespmem:s0+$0xFFFFFFE0] =	vst v5;
	v5 =	vld [tilespmem:s0+$0xFFFFFFF0]  }
0x48b: {  	v6 =	vld [tilespmem:s1+$0x470];
	_ =	sdelay $0x1  }
0x48c: {  	v7 =	vld [tilespmem:s1+$0x70];
	_ =	sdelay $0x2  }
0x48d: {  	v5 =	vmul.f32 v6, v5;
	_ =	sdelay $0x1  }
0x48e: {  	v5 =	vadd.f32 v5, v7  }
0x48f: {  	s1 =	sadd.s32 $0x80, s5  }
0x490: {  	s1 =	sand.u32 $0x380, s1;
	v5 =	vmax.f32 v5, $0.0e+00  }
0x491: {  	s1 =	sadd.s32 s1, s20;
	[tilespmem:s0+$0xFFFFFFF0] =	vst v5;
	v5 =	vld [tilespmem:s0+$0x0]  }
0x492: {  	v6 =	vld [tilespmem:s1+$0x400];
	_ =	sdelay $0x1  }
0x493: {  	v7 =	vld [tilespmem:s1+$0x0];
	_ =	sdelay $0x2  }
0x494: {  	v5 =	vmul.f32 v6, v5;
	_ =	sdelay $0x1  }
0x495: {  	v5 =	vadd.f32 v5, v7;
	_ =	sdelay $0x1  }
0x496: {  	v5 =	vmax.f32 v5, $0.0e+00  }
0x497: {  	[tilespmem:s0+$0x0] =	vst v5;
	v5 =	vld [tilespmem:s0+$0x10]  }
0x498: {  	v6 =	vld [tilespmem:s1+$0x410]  }
0x499: {  	v7 =	vld [tilespmem:s1+$0x10];
	_ =	sdelay $0x3  }
0x49a: {  	v5 =	vmul.f32 v6, v5;
	_ =	sdelay $0x1  }
0x49b: {  	v5 =	vadd.f32 v5, v7;
	_ =	sdelay $0x1  }
0x49c: {  	v5 =	vmax.f32 v5, $0.0e+00  }
0x49d: {  	[tilespmem:s0+$0x10] =	vst v5;
	v5 =	vld [tilespmem:s0+$0x20]  }
0x49e: {  	v6 =	vld [tilespmem:s1+$0x420]  }
0x49f: {  	v7 =	vld [tilespmem:s1+$0x20];
	_ =	sdelay $0x3  }
0x4a0: {  	v5 =	vmul.f32 v6, v5;
	_ =	sdelay $0x1  }
0x4a1: {  	v5 =	vadd.f32 v5, v7;
	_ =	sdelay $0x1  }
0x4a2: {  	v5 =	vmax.f32 v5, $0.0e+00  }
0x4a3: {  	[tilespmem:s0+$0x20] =	vst v5;
	v5 =	vld [tilespmem:s0+$0x30]  }
0x4a4: {  	v6 =	vld [tilespmem:s1+$0x430]  }
0x4a5: {  	v7 =	vld [tilespmem:s1+$0x30];
	_ =	sdelay $0x3  }
0x4a6: {  	v5 =	vmul.f32 v6, v5;
	_ =	sdelay $0x1  }
0x4a7: {  	v5 =	vadd.f32 v5, v7;
	_ =	sdelay $0x1  }
0x4a8: {  	v5 =	vmax.f32 v5, $0.0e+00  }
0x4a9: {  	[tilespmem:s0+$0x30] =	vst v5;
	v5 =	vld [tilespmem:s0+$0x40]  }
0x4aa: {  	v6 =	vld [tilespmem:s1+$0x440]  }
0x4ab: {  	v7 =	vld [tilespmem:s1+$0x40];
	_ =	sdelay $0x3  }
0x4ac: {  	v5 =	vmul.f32 v6, v5;
	_ =	sdelay $0x1  }
0x4ad: {  	v5 =	vadd.f32 v5, v7;
	_ =	sdelay $0x1  }
0x4ae: {  	v5 =	vmax.f32 v5, $0.0e+00  }
0x4af: {  	[tilespmem:s0+$0x40] =	vst v5;
	v5 =	vld [tilespmem:s0+$0x50]  }
0x4b0: {  	v6 =	vld [tilespmem:s1+$0x450]  }
0x4b1: {  	v7 =	vld [tilespmem:s1+$0x50];
	_ =	sdelay $0x3  }
0x4b2: {  	v5 =	vmul.f32 v6, v5;
	_ =	sdelay $0x1  }
0x4b3: {  	v5 =	vadd.f32 v5, v7;
	_ =	sdelay $0x1  }
0x4b4: {  	v5 =	vmax.f32 v5, $0.0e+00  }
0x4b5: {  	[tilespmem:s0+$0x50] =	vst v5;
	v5 =	vld [tilespmem:s0+$0x60]  }
0x4b6: {  	v6 =	vld [tilespmem:s1+$0x460]  }
0x4b7: {  	v7 =	vld [tilespmem:s1+$0x60];
	_ =	sdelay $0x3  }
0x4b8: {  	v5 =	vmul.f32 v6, v5;
	_ =	sdelay $0x1  }
0x4b9: {  	v5 =	vadd.f32 v5, v7;
	_ =	sdelay $0x1  }
0x4ba: {  	v5 =	vmax.f32 v5, $0.0e+00  }
0x4bb: {  	[tilespmem:s0+$0x60] =	vst v5;
	v5 =	vld [tilespmem:s0+$0x70]  }
0x4bc: {  	v6 =	vld [tilespmem:s1+$0x470]  }
0x4bd: {  	v7 =	vld [tilespmem:s1+$0x70];
	_ =	sdelay $0x3  }
.Ltmp6:
0x4be: {  	v5 =	vmul.f32 v6, v5;
	(pc) =	sbr.rel @p0 .LBB2_15-.Ltmp6, $4  }
0x4bf: {  	_ = 	snop  }
0x4c0: {  	s9 =	sadd.s32 $0x200, s9;
	v5 =	vadd.f32 v5, v7  }
0x4c1: {  	s3 =	sand.u32 $0x7800, s9;
	s5 =	sadd.s32 $0x100, s5  }
0x4c2: {  	s20 =	sadd.s32 $0x1AA80, s3;
	s0 =	sadd.s32 $0x100, s0;
	s1 =	sand.u32 $0x300, s5;
	v5 =	vmax.f32 v5, $0.0e+00  }
0x4c3: {  	v6 =	vld [tilespmem:s0+$0xFFFFFF80];
	s1 =	sadd.s32 s1, s20;
	[tilespmem:s8+$0x70] =	vst v5  }
0x4c4: {  	v5 =	vld [tilespmem:s1+$0x400];
	_ =	sdelay $0x1  }
0x4c5: {  	v7 =	vld [tilespmem:s1+$0x0];
	_ =	sdelay $0x2  }
0x4c6: {  	v5 =	vmul.f32 v5, v6;
	_ =	sdelay $0x1  }
0x4c7: {  	v5 =	vadd.f32 v5, v7;
	_ =	sdelay $0x1  }
0x4c8: {  	v5 =	vmax.f32 v5, $0.0e+00  }
0x4c9: {  	[tilespmem:s0+$0xFFFFFF80] =	vst v5;
	v5 =	vld [tilespmem:s0+$0xFFFFFF90]  }
0x4ca: {  	v6 =	vld [tilespmem:s1+$0x410];
	_ =	sdelay $0x1  }
0x4cb: {  	v7 =	vld [tilespmem:s1+$0x10];
	_ =	sdelay $0x2  }
0x4cc: {  	v5 =	vmul.f32 v6, v5;
	_ =	sdelay $0x1  }
0x4cd: {  	v5 =	vadd.f32 v5, v7;
	_ =	sdelay $0x1  }
0x4ce: {  	v5 =	vmax.f32 v5, $0.0e+00  }
0x4cf: {  	[tilespmem:s0+$0xFFFFFF90] =	vst v5;
	v5 =	vld [tilespmem:s0+$0xFFFFFFA0]  }
0x4d0: {  	v6 =	vld [tilespmem:s1+$0x420];
	_ =	sdelay $0x1  }
0x4d1: {  	v7 =	vld [tilespmem:s1+$0x20];
	_ =	sdelay $0x2  }
0x4d2: {  	v5 =	vmul.f32 v6, v5;
	_ =	sdelay $0x1  }
0x4d3: {  	v5 =	vadd.f32 v5, v7;
	_ =	sdelay $0x1  }
0x4d4: {  	v5 =	vmax.f32 v5, $0.0e+00  }
0x4d5: {  	[tilespmem:s0+$0xFFFFFFA0] =	vst v5;
	v5 =	vld [tilespmem:s0+$0xFFFFFFB0]  }
0x4d6: {  	v6 =	vld [tilespmem:s1+$0x430];
	_ =	sdelay $0x1  }
0x4d7: {  	v7 =	vld [tilespmem:s1+$0x30];
	_ =	sdelay $0x2  }
0x4d8: {  	v5 =	vmul.f32 v6, v5;
	_ =	sdelay $0x1  }
0x4d9: {  	v5 =	vadd.f32 v5, v7;
	_ =	sdelay $0x1  }
0x4da: {  	v5 =	vmax.f32 v5, $0.0e+00  }
0x4db: {  	[tilespmem:s0+$0xFFFFFFB0] =	vst v5;
	v5 =	vld [tilespmem:s0+$0xFFFFFFC0]  }
0x4dc: {  	v6 =	vld [tilespmem:s1+$0x440];
	_ =	sdelay $0x1  }
0x4dd: {  	v7 =	vld [tilespmem:s1+$0x40];
	_ =	sdelay $0x2  }
0x4de: {  	v5 =	vmul.f32 v6, v5;
	_ =	sdelay $0x1  }
0x4df: {  	v5 =	vadd.f32 v5, v7;
	_ =	sdelay $0x1  }
0x4e0: {  	v5 =	vmax.f32 v5, $0.0e+00  }
0x4e1: {  	[tilespmem:s0+$0xFFFFFFC0] =	vst v5;
	v5 =	vld [tilespmem:s0+$0xFFFFFFD0]  }
0x4e2: {  	v6 =	vld [tilespmem:s1+$0x450];
	_ =	sdelay $0x1  }
0x4e3: {  	v7 =	vld [tilespmem:s1+$0x50];
	_ =	sdelay $0x2  }
0x4e4: {  	v5 =	vmul.f32 v6, v5;
	_ =	sdelay $0x1  }
0x4e5: {  	v5 =	vadd.f32 v5, v7;
	_ =	sdelay $0x1  }
0x4e6: {  	v5 =	vmax.f32 v5, $0.0e+00  }
0x4e7: {  	[tilespmem:s0+$0xFFFFFFD0] =	vst v5;
	v5 =	vld [tilespmem:s0+$0xFFFFFFE0]  }
0x4e8: {  	v6 =	vld [tilespmem:s1+$0x460];
	_ =	sdelay $0x1  }
0x4e9: {  	v7 =	vld [tilespmem:s1+$0x60];
	_ =	sdelay $0x2  }
0x4ea: {  	v5 =	vmul.f32 v6, v5;
	_ =	sdelay $0x1  }
0x4eb: {  	v5 =	vadd.f32 v5, v7;
	_ =	sdelay $0x1  }
0x4ec: {  	v5 =	vmax.f32 v5, $0.0e+00  }
0x4ed: {  	[tilespmem:s0+$0xFFFFFFE0] =	vst v5;
	v5 =	vld [tilespmem:s0+$0xFFFFFFF0]  }
0x4ee: {  	v6 =	vld [tilespmem:s1+$0x470];
	_ =	sdelay $0x1  }
0x4ef: {  	v7 =	vld [tilespmem:s1+$0x70];
	_ =	sdelay $0x2  }
0x4f0: {  	v5 =	vmul.f32 v6, v5;
	_ =	sdelay $0x1  }
0x4f1: {  	v5 =	vadd.f32 v5, v7  }
0x4f2: {  	s11 =	sadd.s32 $0x80, s5  }
0x4f3: {  	s1 =	sand.u32 $0x380, s11;
	v5 =	vmax.f32 v5, $0.0e+00  }
0x4f4: {  	s1 =	sadd.s32 s1, s20;
	[tilespmem:s0+$0xFFFFFFF0] =	vst v5;
	v5 =	vld [tilespmem:s0+$0x0]  }
0x4f5: {  	v6 =	vld [tilespmem:s1+$0x400];
	_ =	sdelay $0x1  }
0x4f6: {  	v7 =	vld [tilespmem:s1+$0x0];
	_ =	sdelay $0x2  }
0x4f7: {  	v5 =	vmul.f32 v6, v5;
	_ =	sdelay $0x1  }
0x4f8: {  	v5 =	vadd.f32 v5, v7;
	_ =	sdelay $0x1  }
0x4f9: {  	v5 =	vmax.f32 v5, $0.0e+00  }
0x4fa: {  	[tilespmem:s0+$0x0] =	vst v5;
	v5 =	vld [tilespmem:s0+$0x10]  }
0x4fb: {  	v6 =	vld [tilespmem:s1+$0x410];
	_ =	sdelay $0x1  }
0x4fc: {  	v7 =	vld [tilespmem:s1+$0x10];
	_ =	sdelay $0x2  }
0x4fd: {  	v5 =	vmul.f32 v6, v5;
	_ =	sdelay $0x1  }
0x4fe: {  	v5 =	vadd.f32 v5, v7;
	_ =	sdelay $0x1  }
0x4ff: {  	v5 =	vmax.f32 v5, $0.0e+00  }
0x500: {  	[tilespmem:s0+$0x10] =	vst v5;
	v5 =	vld [tilespmem:s0+$0x20]  }
0x501: {  	v6 =	vld [tilespmem:s1+$0x420];
	_ =	sdelay $0x1  }
0x502: {  	v7 =	vld [tilespmem:s1+$0x20];
	_ =	sdelay $0x2  }
0x503: {  	v5 =	vmul.f32 v6, v5;
	_ =	sdelay $0x1  }
0x504: {  	v5 =	vadd.f32 v5, v7;
	_ =	sdelay $0x1  }
0x505: {  	v5 =	vmax.f32 v5, $0.0e+00  }
0x506: {  	[tilespmem:s0+$0x20] =	vst v5;
	v5 =	vld [tilespmem:s0+$0x30]  }
0x507: {  	v6 =	vld [tilespmem:s1+$0x430];
	_ =	sdelay $0x1  }
0x508: {  	v7 =	vld [tilespmem:s1+$0x30];
	_ =	sdelay $0x2  }
0x509: {  	v5 =	vmul.f32 v6, v5;
	_ =	sdelay $0x1  }
0x50a: {  	v5 =	vadd.f32 v5, v7;
	_ =	sdelay $0x1  }
0x50b: {  	v5 =	vmax.f32 v5, $0.0e+00  }
0x50c: {  	[tilespmem:s0+$0x30] =	vst v5;
	v5 =	vld [tilespmem:s0+$0x40]  }
0x50d: {  	v6 =	vld [tilespmem:s1+$0x440];
	_ =	sdelay $0x1  }
0x50e: {  	v7 =	vld [tilespmem:s1+$0x40];
	_ =	sdelay $0x2  }
0x50f: {  	v5 =	vmul.f32 v6, v5;
	_ =	sdelay $0x1  }
0x510: {  	v5 =	vadd.f32 v5, v7;
	_ =	sdelay $0x1  }
0x511: {  	v5 =	vmax.f32 v5, $0.0e+00  }
0x512: {  	[tilespmem:s0+$0x40] =	vst v5;
	v5 =	vld [tilespmem:s0+$0x50]  }
0x513: {  	v6 =	vld [tilespmem:s1+$0x450];
	_ =	sdelay $0x1  }
0x514: {  	v7 =	vld [tilespmem:s1+$0x50];
	_ =	sdelay $0x2  }
0x515: {  	v5 =	vmul.f32 v6, v5;
	_ =	sdelay $0x1  }
0x516: {  	v5 =	vadd.f32 v5, v7;
	_ =	sdelay $0x1  }
0x517: {  	v5 =	vmax.f32 v5, $0.0e+00  }
0x518: {  	[tilespmem:s0+$0x50] =	vst v5;
	v5 =	vld [tilespmem:s0+$0x60]  }
0x519: {  	v6 =	vld [tilespmem:s1+$0x460];
	_ =	sdelay $0x1  }
0x51a: {  	v7 =	vld [tilespmem:s1+$0x60];
	_ =	sdelay $0x2  }
0x51b: {  	v5 =	vmul.f32 v6, v5;
	_ =	sdelay $0x1  }
0x51c: {  	v5 =	vadd.f32 v5, v7;
	_ =	sdelay $0x1  }
0x51d: {  	v5 =	vmax.f32 v5, $0.0e+00  }
0x51e: {  	[tilespmem:s0+$0x60] =	vst v5;
	v5 =	vld [tilespmem:s0+$0x70]  }
0x51f: {  	v6 =	vld [tilespmem:s1+$0x470];
	_ =	sdelay $0x1  }
0x520: {  	v7 =	vld [tilespmem:s1+$0x70];
	_ =	sdelay $0x2  }
0x521: {  	v5 =	vmul.f32 v6, v5;
	_ =	sdelay $0x1  }
0x522: {  	v5 =	vadd.f32 v5, v7;
	_ =	sdelay $0x1  }
0x523: {  	v5 =	vmax.f32 v5, $0.0e+00  }
0x524: {  	[tilespmem:s0+$0x70] =	vst v5  }
0x525: {  	_ =	swait.ge [sflag:s28], $0x2800  }
0x526: {  	[sflag:s28] =	ssyncset.done $0x0  }
0x527: {  	s23 =	simm.s32 $0x15980;
	[sflag:s28] =	ssyncadd.s32 $0xFFFFD800  }
0x528: {  	[spmem:s12] =	stream.indirect.scatter.add.f32 [tilespmem:s29], [sflag:$0x4], $0x80, s23, s10, $0xb8;
	[tilespmem:$0x1FA80] =	vst v63  }
0x529: {  	_ =	swait.ge [sflag:s31], $0x2800  }
0x52a: {  	s30 =	rddreg [dreg:$0x1a]  }
0x52b: {  	s0 =	sadd.s32 $0x1, s30  }
0x52c: {  	p0 =	sne.s32 s0, $0x5  }
.Ltmp7:
0x52d: {  	_ = 	snop;
	(pc) =	sbr.rel @p0 .LBB2_6-.Ltmp7, $3  }
0x52e: {  	_ =	sdelay $0x1  }
0x52f: {  	[sflag:s31] =	ssyncset.done $0x0  }
0x530: {  	[sflag:s31] =	ssyncadd.s32 $0xFFFFD800  }
0x531: {  	s0 =	stileid.u32;
	[bflag:$0x0] =	sbarrier.arrive $0xFFFF  }
0x532: {  	s5 =	simm.s32 $0x6;
	s0 =	sshll.u32 s0, $0x6;
	s20 =	rddreg [dreg:$0x6]  }
0x533: {  	s3 =	rddreg [dreg:$0xb];
	s0 =	sor.u32 $0x1C06, s0;
	s1 =	sshrl.u32 s20, $0x3  }
0x534: {  	[hbm:s3], [sflag:s0] =	dma.local [spmem:s1], $0x800  }
0x535: {  	_ =	swait.ge [sflag:s5], $0x800  }
0x536: {  	[sflag:s5] =	ssyncset.done $0x0;
	s9 =	rddreg [dreg:$0xc]  }
0x537: {  	s11 =	rddreg [dreg:$0x13];
	[sflag:s5] =	ssyncadd.s32 $0xFFFFF800  }
0x538: {  	[hbm:s9], [sflag:s0] =	dma.local [spmem:s11], $0x800  }
0x539: {  	_ =	swait.ge [sflag:s5], $0x800  }
0x53a: {  	[sflag:s5] =	ssyncset.done $0x0;
	s23 =	rddreg [dreg:$0xd]  }
0x53b: {  	s30 =	rddreg [dreg:$0x14];
	[sflag:s5] =	ssyncadd.s32 $0xFFFFF800  }
0x53c: {  	[hbm:s23], [sflag:s0] =	dma.local [spmem:s30], $0x800  }
0x53d: {  	_ =	swait.ge [sflag:s5], $0x800  }
0x53e: {  	[sflag:s5] =	ssyncset.done $0x0;
	s3 =	rddreg [dreg:$0xe]  }
0x53f: {  	s8 =	rddreg [dreg:$0x15];
	[sflag:s5] =	ssyncadd.s32 $0xFFFFF800  }
0x540: {  	[hbm:s3], [sflag:s0] =	dma.local [spmem:s8], $0x800  }
0x541: {  	_ =	swait.ge [sflag:s5], $0x800  }
0x542: {  	[sflag:s5] =	ssyncset.done $0x0;
	s9 =	rddreg [dreg:$0xf]  }
0x543: {  	s11 =	rddreg [dreg:$0x16];
	[sflag:s5] =	ssyncadd.s32 $0xFFFFF800  }
0x544: {  	[hbm:s9], [sflag:s0] =	dma.local [spmem:s11], $0x800  }
0x545: {  	_ =	swait.ge [sflag:s5], $0x800  }
0x546: {  	s23 =	rddreg [dreg:$0x19]  }
0x547: {  	s30 =	rddreg [dreg:$0x12];
	s1 =	sadd.s32 $0x1, s23  }
0x548: {  	p0 =	sne.s32 s1, s30  }
.Ltmp8:
0x549: {  	_ = 	snop;
	(pc) =	sbr.rel @p0 .LBB2_1-.Ltmp8, $3  }
0x54a: {  	_ =	sdelay $0x1  }
0x54b: {  	[sflag:s5] =	ssyncset.done $0x0  }
0x54c: {  	[sflag:s5] =	ssyncadd.s32 $0xFFFFF800  }
0x54d: {  	_ =	sfence.sel $0x180000  }
0x54e: {  	[bflag:$0x0] =	sbarrier.arrive $0xFFFF  }
0x54f: {  	_ =	strace $0x9000004A  }
0x550: {  	s0 =	stileid.u32;
	[bflag:$0x2] =	sbarrier.arrive $0xFFFF  }
0x551: {  	p0 =	sne.s32 s0, $0x0;
	s0 =	rddreg [dreg:$0x4]  }
0x552: {  	s0 =	sadd.s32 @!p0 $0x100000, s0  }
0x553: {  	[sflag:s0] =	ssyncadd.tile.s32 @!p0 $0x1;
	_ =	shalt  }
.Lfunc_end2:
_tile_overlayer_lowered:
.L_overlay_start_2:
0x554: {  	(tag) =	ssettag $0x2  }
0x555: {  	s0 =	rddreg [dreg:$0x0];
	s2 =	stileid.u32  }
0x556: {  	s1 =	rddreg [dreg:$0x1];
	p0 =	sne.s32 s2, $0x0  }
0x557: {  	s3 =	rddreg [dreg:$0x2];
	[bflag:$0x3] =	sbarrier.arrive $0xFFFF;
	s2 =	simm.s32 @!p0 $0x1C06  }
0x558: {  	[timem:s3], [sflag:s2] =	dma.local @!p0 [hbm:s0], s1  }
0x559: {  	s0 =	simm.s32 @!p0 $0x6  }
0x55a: {  	_ =	swait.ge @!p0 [sflag:s0], s1  }
0x55b: {  	s1 =	ssub.s32 @!p0 $0x0, s1;
	[sflag:s0] =	ssyncset.done @!p0 $0x0  }
0x55c: {  	[sflag:s0] =	ssyncadd.s32 @!p0 s1  }
0x55d: {  	[bflag:$0x3] =	sbarrier.arrive $0xFFFF  }
0x55e: {  	_ =	shalt  }

// kernel: kernel.15.cloned.1.call-start
scs
__scs_entry_jumppad:
0x0: {  	(pc) =	sbr.rel $0x88, $3  }
0x1: {  	(tag) =	ssettag $0x0;
	lr =	simm.s32 $0x1  }
0x2: {  	[smem:$0x3F90] =	sst lr;
	_ =	strace $0xD0000000  }
0x3: {  	_ = 	snop  }
0x4: {  	_ = 	snop  }
0x5: {  	_ = 	snop  }
0x6: {  	_ = 	snop  }
0x7: {  	_ = 	snop  }
__scs_overlays_trampoline_lowered:
0x8: {  	[smem:$0x3F9F] =	sst s0  }
0x9: {  	[smem:$0x3FA0] =	sst s1  }
0xa: {  	[smem:$0x3FA1] =	sst s2  }
0xb: {  	[smem:$0x3FA2] =	sst s3  }
0xc: {  	[smem:$0x3FA3] =	sst s4  }
0xd: {  	[smem:$0x3FA4] =	sst s5  }
0xe: {  	[smem:$0x3FA5] =	sst s6  }
0xf: {  	[smem:$0x3FA6] =	sst s7  }
0x10: {  	[smem:$0x3FA7] =	sst s8  }
0x11: {  	[smem:$0x3FA8] =	sst s9;
	s0 =	simm.s32 @!p0 $0x0  }
0x12: {  	s1 =	sld [smem:$0x3F8E];
	s0 =	simm.s32 @p0 $0x1  }
0x13: {  	[smem:$0x3FA9] =	sst s0;
	s0 =	simm.s32 @!p1 $0x0  }
0x14: {  	s2 =	sld [smem:$0x3F8D];
	s0 =	simm.s32 @p1 $0x1  }
0x15: {  	[smem:$0x3FAA] =	sst s0;
	s0 =	simm.s32 @!p2 $0x0  }
0x16: {  	s3 =	sld [smem:$0x3FDB];
	s0 =	simm.s32 @p2 $0x1  }
0x17: {  	s4 =	simm.s32 $0x1BF5;
	[smem:$0x3FAC] =	sst s0  }
0x18: {  	s0 =	sld [smem:$0x3F8F];
	_ =	swait.ge [sflag:s4], $0x0  }
0x19: {  	s7 =	sld [smem:$0x3F90]  }
0x1a: {  	s8 =	sadd.s32 $0xFFFFE003, lr  }
0x1b: {  	s9 =	sadd.s32 $0xFFFFFEF7, lr;
	s5 =	simm.s32 $0xFFFFFFFF;
	p2 =	slt.u32 s8, $0xFFFFF086  }
0x1c: {  	p1 =	slt.u32 s9, $0xF7A;
	s5 =	simm.s32 @!p2 $0x0  }
0x1d: {  	s5 =	simm.s32 @p1 $0x1;
	p0 =	seq.s32 s7, s2  }
0x1e: {  	s7 =	smul.u32 @!p0 $0xF7A, s2;
	p2 =	seq.s32 @!p0 s5, $0x0  }
0x1f: {  	s9 =	smul.u32 $0xF7A, s1;
	s8 =	simm.s32 @!p0 $0x1BF5;
	p2 =	por !p2, p0  }
0x20: {  	[sflag:s8] =	ssyncset.s32 @!p0 $0xFFFFF086;
	s6 =	sadd.s32 @!p0 s3, s7;
	s7 =	simm.s32 @!p0 $0x108  }
0x21: {  	s3 =	sadd.s32 s3, s9;
	s6 =	sadd.s32 @!p0 $0x88, s6;
	s7 =	simm.s32 @p2 $0x1082  }
0x22: {  	[simem:s7], [sflag:s8] =	dma.local @!p0 [hbm:s6], $0xF7A  }
0x23: {  	s9 =	sor.u32 $0xD0000000, s2;
	s6 =	simm.s32 $0x108;
	_ =	swait.ge @!p0 [sflag:s8], $0x0  }
0x24: {  	s3 =	sadd.s32 $0x88, s3;
	s6 =	simm.s32 @!p1 $0x1082;
	[sflag:s4] =	ssyncset.s32 $0xFFFFF086  }
0x25: {  	[simem:s6], [sflag:s4] =	dma.local [hbm:s3], $0xF7A  }
0x26: {  	[smem:$0x3F90] =	sst s1;
	(tag) =	ssettag s2;
	_ =	strace s9  }
0x27: {  	s1 =	sld [smem:$0x3FA0]  }
0x28: {  	s2 =	sld [smem:$0x3FA1]  }
0x29: {  	s4 =	sld [smem:$0x3FA3]  }
0x2a: {  	p0 =	seq.s32 s5, $0x0;
	s5 =	sld [smem:$0x3FA4]  }
0x2b: {  	s6 =	sld [smem:$0x3FA5]  }
0x2c: {  	s7 =	sld [smem:$0x3FA6]  }
0x2d: {  	s3 =	simm.s32 $0x108;
	s8 =	sld [smem:$0x3FA7]  }
0x2e: {  	s3 =	simm.s32 @!p0 $0x1082;
	s9 =	sld [smem:$0x3FA8]  }
0x2f: {  	lr =	sadd.s32 s0, s3;
	s0 =	sld [smem:$0x3F9F]  }
0x30: {  	s3 =	sld [smem:$0x3FA2]  }
0x31: {  	[smem:$0x3FAB] =	sst s10  }
0x32: {  	s10 =	sld [smem:$0x3FA9];
	_ =	sdelay $0x3  }
0x33: {  	p0 =	seq.s32 s10, $0x1;
	s10 =	sld [smem:$0x3FAB];
	_ =	sdelay $0x3  }
0x34: {  	[smem:$0x3FAB] =	sst s10  }
0x35: {  	s10 =	sld [smem:$0x3FAA];
	_ =	sdelay $0x3  }
0x36: {  	p1 =	seq.s32 s10, $0x1;
	s10 =	sld [smem:$0x3FAB];
	_ =	sdelay $0x3  }
0x37: {  	[smem:$0x3FAB] =	sst s10  }
0x38: {  	s10 =	sld [smem:$0x3FAC]  }
0x39: {  	_ = 	snop;
	(pc) =	sbr.ind lr, $3  }
0x3a: {  	_ = 	snop  }
0x3b: {  	_ = 	snop  }
0x3c: {  	p2 =	seq.s32 s10, $0x1;
	s10 =	sld [smem:$0x3FAB]  }
0x3d: {  	_ =	shalt  }
0x3e: {  	_ =	shalt  }
0x3f: {  	_ =	shalt  }
0x40: {  	_ =	shalt  }
0x41: {  	_ =	shalt  }
0x42: {  	_ =	shalt  }
0x43: {  	_ =	shalt  }
0x44: {  	_ =	shalt  }
0x45: {  	_ =	shalt  }
0x46: {  	_ =	shalt  }
0x47: {  	_ =	shalt  }
0x48: {  	_ =	shalt  }
0x49: {  	_ =	shalt  }
0x4a: {  	_ =	shalt  }
0x4b: {  	_ =	shalt  }
0x4c: {  	_ =	shalt  }
0x4d: {  	_ =	shalt  }
0x4e: {  	_ =	shalt  }
0x4f: {  	_ =	shalt  }
0x50: {  	_ =	shalt  }
0x51: {  	_ =	shalt  }
0x52: {  	_ =	shalt  }
0x53: {  	_ =	shalt  }
0x54: {  	_ =	shalt  }
0x55: {  	_ =	shalt  }
0x56: {  	_ =	shalt  }
0x57: {  	_ =	shalt  }
0x58: {  	_ =	shalt  }
0x59: {  	_ =	shalt  }
0x5a: {  	_ =	shalt  }
0x5b: {  	_ =	shalt  }
0x5c: {  	_ =	shalt  }
0x5d: {  	_ =	shalt  }
0x5e: {  	_ =	shalt  }
0x5f: {  	_ =	shalt  }
0x60: {  	_ =	shalt  }
0x61: {  	_ =	shalt  }
0x62: {  	_ =	shalt  }
0x63: {  	_ =	shalt  }
0x64: {  	_ =	shalt  }
0x65: {  	_ =	shalt  }
0x66: {  	_ =	shalt  }
0x67: {  	_ =	shalt  }
0x68: {  	_ =	shalt  }
0x69: {  	_ =	shalt  }
0x6a: {  	_ =	shalt  }
0x6b: {  	_ =	shalt  }
0x6c: {  	_ =	shalt  }
0x6d: {  	_ =	shalt  }
0x6e: {  	_ =	shalt  }
0x6f: {  	_ =	shalt  }
0x70: {  	_ =	shalt  }
0x71: {  	_ =	shalt  }
0x72: {  	_ =	shalt  }
0x73: {  	_ =	shalt  }
0x74: {  	_ =	shalt  }
0x75: {  	_ =	shalt  }
0x76: {  	_ =	shalt  }
0x77: {  	_ =	shalt  }
0x78: {  	_ =	shalt  }
0x79: {  	_ =	shalt  }
0x7a: {  	_ =	shalt  }
0x7b: {  	_ =	shalt  }
0x7c: {  	_ =	shalt  }
0x7d: {  	_ =	shalt  }
0x7e: {  	_ =	shalt  }
0x7f: {  	_ =	shalt  }
0x80: {  	_ =	shalt  }
0x81: {  	_ =	shalt  }
0x82: {  	_ =	shalt  }
0x83: {  	_ =	shalt  }
0x84: {  	_ =	shalt  }
0x85: {  	_ =	shalt  }
0x86: {  	_ =	shalt  }
0x87: {  	_ =	shalt  }
.Lfunc_end0:
.L_simem_size_0:
called_computation.2_lowered:
.L_overlay_start_0:
0x88: {  	s2 =	sld [smem:$0x3FD9]  }
0x89: {  	s3 =	sld [smem:$0x3FFE];
	_ =	sdelay $0x1  }
0x8a: {  	s1 =	srdreg.scid  }
0x8b: {  	s0 =	sand.u32 $0x1, s1  }
0x8c: {  	s17 =	sshll.u32 s0, $0xA;
	s2 =	sadd.s32 s3, s2  }
0x8d: {  	s2 =	sadd.s32 s2, s17  }
0x8e: {  	[smem:$0x3FB7] =	sst s2  }
0x8f: {  	_ = 	snop  }
0x90: {  	s2 =	sld [smem:$0x3FC7]  }
0x91: {  	s18 =	sld [smem:$0x3FD0];
	(tm) =	ssettm $0x1  }
0x92: {  	s4 =	sld [smem:$0x3FFB];
	_ =	sdelay $0x3  }
0x93: {  	_ =	strace s4  }
0x94: {  	s4 =	sld [smem:$0x3FFC];
	_ =	sdelay $0x3  }
0x95: {  	_ =	strace s4  }
0x96: {  	s4 =	sld [smem:$0x3FFD];
	_ =	sdelay $0x3  }
0x97: {  	_ =	strace s4  }
0x98: {  	_ =	strace $0x8FFFFFFF  }
0x99: {  	s19 =	sld [smem:$0x3FDB];
	_ =	sdelay $0x1  }
0x9a: {  	s5 =	simm.s32 $_scs_section_size  }
0x9b: {  	s6 =	simm.s32 $_size__tile_overlayer_lowered;
	s7 =	simm.s32 $_tile_overlayer_lowered  }
0x9c: {  	s22 =	simm.s32 $0x1BFF;
	s21 =	sshll.u32 s7, $0x1;
	s4 =	sadd.s32 s5, s19  }
0x9d: {  	s8 =	simm.s32 $0x0;
	s20 =	sshll.u32 s6, $0x1;
	s6 =	sadd.s32 s21, s4  }
0x9e: {  	[timem:s8], [sflag:s22] =	dma.local [hbm:s6], s20  }
0x9f: {  	_ =	swait.ge [sflag:s22], s20  }
0xa0: {  	s5 =	ssub.s32 $0x0, s20;
	[sflag:s22] =	ssyncset.done $0x0  }
0xa1: {  	[sflag:s22] =	ssyncadd.s32 s5;
	_ =	sdelay $0x1  }
0xa2: {  	s23 =	simm.s32 $0x1B8B  }
0xa3: {  	_ =	swait.ge [sflag:s23], $0x1  }
0xa4: {  	[sflag:s23] =	ssyncset.done $0x0  }
0xa5: {  	s25 =	simm.s32 $0x1B8E;
	s24 =	sld [smem:$0x3FFE];
	[sflag:s23] =	ssyncadd.s32 $0xFFFFFFFF  }
0xa6: {  	s26 =	simm.s32 $execute0_lowered;
	[smem:$0x3FD2] =	sst s25  }
0xa7: {  	s6 =	sshll.u32 s26, $0x1;
	_ =	strace $0x8000004C;
	[dreg:$0x1] =	wrdreg $0xFFFFFFFF  }
0xa8: {  	s28 =	simm.s32 $_size_execute0_lowered;
	s4 =	sadd.s32 s4, s6;
	[dreg:$0x0] =	wrdreg $0x0  }
0xa9: {  	s6 =	sshll.u32 s28, $0x1;
	[dreg:$0x2] =	wrdreg s4  }
0xaa: {  	[dreg:$0x3] =	wrdreg s6  }
0xab: {  	[dreg:$0x4] =	wrdreg $0xC0  }
0xac: {  	_ =	task [dreg:s8], $0x5FFFF  }
0xad: {  	[dreg:$0x1] =	wrdreg $0xFFFFFFFF  }
0xae: {  	[dreg:$0x0] =	wrdreg $0x60  }
0xaf: {  	[dreg:$0x2] =	wrdreg s24  }
0xb0: {  	[dreg:$0x3] =	wrdreg s18  }
0xb1: {  	[dreg:$0x4] =	wrdreg s2  }
0xb2: {  	[dreg:$0x5] =	wrdreg $0x0  }
0xb3: {  	[dreg:$0x6] =	wrdreg $0x9  }
0xb4: {  	_ =	task.clear_ibuf [dreg:s8], $0x7FFFF;
	_ =	strace $0x9000004C  }
0xb5: {  	s29 =	simm.s32 $0x9;
	_ =	strace $0x8000004E  }
0xb6: {  	_ =	swait.ge [sflag:s29], $0x1  }
0xb7: {  	[sflag:s29] =	ssyncadd.s32 $0xFFFFFFFF  }
0xb8: {  	_ =	strace $0x9000004E  }
0xb9: {  	_ =	sfence  }
0xba: {  	s30 =	sld [smem:$0x0];
	_ =	sdelay $0x2  }
0xbb: {  	s31 =	sshll.u32 s1, $0xD;
	s1 =	sshrl.u32 s1, $0x2  }
0xbc: {  	s3 =	sand.u32 $0x4000, s31;
	s1 =	sadd.s32 s1, s30  }
0xbd: {  	s0 =	sor.u32 s3, s0;
	s1 =	sshll.u32 s1, $0x11  }
0xbe: {  	s0 =	sor.u32 s1, s0  }
0xbf: {  	s0 =	sadd.s32 $0x8F2B, s0  }
0xc0: {  	[sflag:s0] =	ssyncadd.remote.s32 $0x1  }
0xc1: {  	_ =	sfence.sel $0xFFFF  }
0xc2: {  	[dreg:$0x0] =	wrdreg $0xFFFFFFFF;
	(pc) =	sbr.abs _section_cstart, $3  }
0xc3: {  	[dreg:$0x1] =	wrdreg $0xFFFFFFFF  }
0xc4: {  	_ =	task.clear_ibuf [dreg:s8], $0x2FFFF;
	_ =	strace $0x9FFFFFFF  }
0xc5: {  	(tm) =	ssettm $0x7FFFFFFF  }
tec
execute0_lowered:
.L_overlay_start_1:
0x0: {  	(tag) =	ssettag $0x1  }
0x1: {  	s0 =	rddreg [dreg:$0x0]  }
0x2: {  	s1 =	rddreg [dreg:$0x1]  }
0x3: {  	s2 =	rddreg [dreg:$0x2]  }
0x4: {  	s3 =	rddreg [dreg:$0x3]  }
0x5: {  	s5 =	simm.s32 $0x0;
	s4 =	srdreg.scid;
	s12 =	stileid.u32  }
0x6: {  	s28 =	simm.s32 $0x1A980;
	s29 =	simm.s32 $0x3;
	s30 =	simm.s32 $0x14000  }
0x7: {  	s31 =	simm.s32 $0x14800;
	[smem:$0x7FF] =	sst s5;
	s4 =	sand.u32 $0x1, s4  }
0x8: {  	s9 =	smul.u32 $0x50000, s12;
	s6 =	sadd.s32 $0xCA00, s0;
	s7 =	sadd.s32 $0x2C00, s0  }
0x9: {  	s0 =	sadd.s32 $0xA8E00, s0;
	s11 =	smul.u32 $0x14000, s12;
	_ =	strace $0x8000004D  }
0xa: {  	s8 =	ssub.s32 $0x2, s4;
	s22 =	sshll.u32 s4, $0x4;
	s4 =	smul.u32 $0x140000, s4  }
0xb: {  	s10 =	sshrl.u32 s8, $0x1;
	s21 =	sshrl.u32 s9, $0x2;
	s9 =	sor.u32 s12, s22  }
0xc: {  	s26 =	sadd.s32 $0x4000, s11;
	s19 =	sadd.s32 $0x8000, s11;
	s12 =	simm.s32 $0x18180  }
0xd: {  	s10 =	ssub.s32 s8, s10;
	s8 =	sadd.s32 s21, s3;
	s17 =	sadd.s32 s11, s4  }
0xe: {  	s14 =	sadd.s32 s4, s26;
	s20 =	sadd.s32 s4, s19;
	s21 =	sadd.s32 $0xC000, s11  }
0xf: {  	s11 =	sadd.s32 $0x10000, s11;
	s23 =	sadd.s32 $0x2800, s8;
	s24 =	sadd.s32 $0x5000, s8  }
0x10: {  	s25 =	sadd.s32 $0x7800, s8;
	s13 =	sadd.s32 $0xA000, s8;
	[dreg:$0x5] =	wrdreg s23  }
0x11: {  	s15 =	sadd.s32 $0xC800, s8;
	s14 =	sshrl.u32 s14, $0x3;
	[dreg:$0x6] =	wrdreg s24  }
0x12: {  	s16 =	sadd.s32 s4, s21;
	s4 =	sadd.s32 s4, s11;
	[dreg:$0x7] =	wrdreg s25  }
0x13: {  	s11 =	sadd.s32 s11, s3;
	s10 =	smax.u32 s10, $0x1;
	[dreg:$0x8] =	wrdreg s13  }
0x14: {  	[dreg:$0x9] =	wrdreg s15;
	s13 =	sshrl.u32 s17, $0x3;
	s18 =	sadd.s32 s0, s14  }
0x15: {  	s14 =	sshrl.u32 s20, $0x3;
	s22 =	sshrl.u32 s16, $0x3;
	s4 =	sshrl.u32 s4, $0x3  }
0x16: {  	s23 =	sadd.s32 $0xF000, s8;
	s20 =	smul.u32 $0x2710, s9;
	s24 =	sadd.s32 s26, s3  }
0x17: {  	s25 =	sadd.s32 s19, s3;
	s26 =	sadd.s32 s21, s3;
	[dreg:$0x10] =	wrdreg s10  }
0x18: {  	s9 =	simm.s32 $0x15800;
	s10 =	simm.s32 $0x15980;
	[dreg:$0xb] =	wrdreg s18  }
0x19: {  	s15 =	simm.s32 $0x15900;
	s13 =	sadd.s32 s0, s13;
	[dreg:$0xf] =	wrdreg s23  }
0x1a: {  	s14 =	sadd.s32 s0, s14;
	s23 =	sshrl.u32 s25, $0x3;
	[dreg:$0xa] =	wrdreg s13  }
0x1b: {  	s25 =	sshrl.u32 s11, $0x3;
	[dreg:$0xc] =	wrdreg s14;
	s14 =	sadd.s32 s0, s22  }
0x1c: {  	s11 =	simm.s32 $0x15880;
	s0 =	sadd.s32 s0, s4;
	[dreg:$0xd] =	wrdreg s14  }
0x1d: {  	s4 =	simm.s32 $0x50;
	s13 =	simm.s32 $0x1;
	[dreg:$0xe] =	wrdreg s0  }
0x1e: {  	s0 =	sshrl.u32 s24, $0x3;
	s24 =	sshrl.u32 s26, $0x3;
	s26 =	sadd.s32 $0x11800, s8  }
0x1f: {  	v0 =	vimm.f32 $0.0e+00;
	s14 =	simm.s32 $0x2;
	[dreg:$0x11] =	wrdreg s0;
	s0 =	simm.s32 $0x15000  }
.LBB2_1:
0x20: {  	s16 =	simm.s32 $0x0;
	s17 =	simm.s32 $0x200  }
.LBB2_2:
0x21: {  	p0 =	sne.s32 s17, $0x9E00;
	[tilespmem:s16+$0x1A9F0] =	vst v0  }
0x22: {  	[tilespmem:s16+$0x1A980] =	vst v0  }
0x23: {  	[tilespmem:s16+$0x1A990] =	vst v0  }
.Ltmp0:
0x24: {  	[tilespmem:s16+$0x1A9A0] =	vst v0;
	(pc) =	sbr.rel @p0 .LBB2_2-.Ltmp0, $4  }
0x25: {  	[tilespmem:s16+$0x1A9B0] =	vst v0  }
0x26: {  	[tilespmem:s16+$0x1A9C0] =	vst v0  }
0x27: {  	[tilespmem:s16+$0x1A9D0] =	vst v0  }
0x28: {  	[tilespmem:s16+$0x1A9E0] =	vst v0;
	s16 =	sshra.s32 s17, $0x2;
	s17 =	sadd.s32 $0x200, s17  }
0x29: {  	[tilespmem:s16+$0x1A9F0] =	vst v0  }
0x2a: {  	[tilespmem:s16+$0x1A980] =	vst v0  }
0x2b: {  	[tilespmem:s16+$0x1A990] =	vst v0  }
0x2c: {  	[tilespmem:s16+$0x1A9A0] =	vst v0  }
0x2d: {  	[tilespmem:s16+$0x1A9B0] =	vst v0  }
0x2e: {  	[tilespmem:s16+$0x1A9C0] =	vst v0  }
0x2f: {  	[tilespmem:s16+$0x1A9D0] =	vst v0  }
0x30: {  	[tilespmem:s16+$0x1A9E0] =	vst v0  }
0x31: {  	[spmem:s8] =	stream.linear.scatter [tilespmem:s28], [sflag:$0x3], $0x2800, $0x38;
	[tilespmem:$0x1D180] =	vst v63  }
0x32: {  	_ =	swait.ge [sflag:s29], $0x2800  }
0x33: {  	[sflag:s29] =	ssyncset.done $0x0  }
0x34: {  	s22 =	rddreg [dreg:$0x5];
	[sflag:s29] =	ssyncadd.s32 $0xFFFFD800  }
0x35: {  	[spmem:s22] =	stream.linear.scatter [tilespmem:s28], [sflag:$0x3], $0x2800, $0x38;
	[tilespmem:$0x1D180] =	vst v63  }
0x36: {  	_ =	swait.ge [sflag:s29], $0x2800  }
0x37: {  	[sflag:s29] =	ssyncset.done $0x0  }
0x38: {  	s17 =	rddreg [dreg:$0x6];
	[sflag:s29] =	ssyncadd.s32 $0xFFFFD800  }
0x39: {  	[spmem:s17] =	stream.linear.scatter [tilespmem:s28], [sflag:$0x3], $0x2800, $0x38;
	[tilespmem:$0x1D180] =	vst v63  }
0x3a: {  	_ =	swait.ge [sflag:s29], $0x2800  }
0x3b: {  	[sflag:s29] =	ssyncset.done $0x0  }
0x3c: {  	s18 =	rddreg [dreg:$0x7];
	[sflag:s29] =	ssyncadd.s32 $0xFFFFD800  }
0x3d: {  	[spmem:s18] =	stream.linear.scatter [tilespmem:s28], [sflag:$0x3], $0x2800, $0x38;
	[tilespmem:$0x1D180] =	vst v63  }
0x3e: {  	_ =	swait.ge [sflag:s29], $0x2800  }
0x3f: {  	[sflag:s29] =	ssyncset.done $0x0  }
0x40: {  	s19 =	rddreg [dreg:$0x8];
	[sflag:s29] =	ssyncadd.s32 $0xFFFFD800  }
0x41: {  	[spmem:s19] =	stream.linear.scatter [tilespmem:s28], [sflag:$0x3], $0x2800, $0x38;
	[tilespmem:$0x1D180] =	vst v63  }
0x42: {  	_ =	swait.ge [sflag:s29], $0x2800  }
0x43: {  	[sflag:s29] =	ssyncset.done $0x0  }
0x44: {  	s21 =	rddreg [dreg:$0x9];
	[sflag:s29] =	ssyncadd.s32 $0xFFFFD800  }
0x45: {  	[spmem:s21] =	stream.linear.scatter [tilespmem:s28], [sflag:$0x3], $0x2800, $0x38;
	[tilespmem:$0x1D180] =	vst v63  }
0x46: {  	_ =	swait.ge [sflag:s29], $0x2800  }
0x47: {  	[sflag:s29] =	ssyncset.done $0x0  }
0x48: {  	s22 =	rddreg [dreg:$0xf];
	[sflag:s29] =	ssyncadd.s32 $0xFFFFD800  }
0x49: {  	[spmem:s22] =	stream.linear.scatter [tilespmem:s28], [sflag:$0x3], $0x2800, $0x38;
	[tilespmem:$0x1D180] =	vst v63  }
0x4a: {  	_ =	swait.ge [sflag:s29], $0x2800  }
0x4b: {  	[sflag:s29] =	ssyncset.done $0x0  }
0x4c: {  	[sflag:s29] =	ssyncadd.s32 $0xFFFFD800  }
0x4d: {  	[spmem:s26] =	stream.linear.scatter [tilespmem:s28], [sflag:$0x3], $0x2800, $0x38;
	[tilespmem:$0x1D180] =	vst v63  }
0x4e: {  	_ =	swait.ge [sflag:s29], $0x2800  }
0x4f: {  	[sflag:s29] =	ssyncset.done $0x0  }
0x50: {  	[sflag:s29] =	ssyncadd.s32 $0xFFFFD800  }
0x51: {  	s16 =	simm.s32 $0x0;
	s17 =	simm.s32 $0x0;
	[bflag:$0x0] =	sbarrier.arrive $0xFFFF  }
.LBB2_4:
0x52: {  	s18 =	smul.u32 $0x7D0, s17;
	_ =	sdelay $0x1  }
0x53: {  	s18 =	sadd.s32 s20, s18  }
0x54: {  	s18 =	sshrl.u32 s18, $0x3  }
0x55: {  	s19 =	sadd.s32 s1, s18  }
0x56: {  	[tilespmem:s30], [sflag:$0x3] =	stream.linear.gather [hbm4b:s19+s16], $0x7D0, $0x38;
	[tilespmem:$0x1D180] =	vst v63  }
0x57: {  	_ =	swait.ge [sflag:s29], $0x7D0  }
0x58: {  	[sflag:s29] =	ssyncset.done $0x0  }
0x59: {  	s22 =	sadd.s32 s7, s18;
	[sflag:s29] =	ssyncadd.s32 $0xFFFFF830  }
0x5a: {  	[tilespmem:s31], [sflag:$0x3] =	stream.linear.gather [hbm4b:s22+s16], $0x7D0, $0x38;
	[tilespmem:$0x1D180] =	vst v63  }
0x5b: {  	_ =	swait.ge [sflag:s29], $0x7D0  }
0x5c: {  	[sflag:s29] =	ssyncset.done $0x0  }
0x5d: {  	s18 =	sadd.s32 s2, s18;
	[sflag:s29] =	ssyncadd.s32 $0xFFFFF830  }
0x5e: {  	[tilespmem:s0], [sflag:$0x3] =	stream.linear.gather [hbm4b:s18+s16], $0x7D0, $0x38;
	[tilespmem:$0x1D180] =	vst v63  }
0x5f: {  	_ =	swait.ge [sflag:s29], $0x7D0  }
0x60: {  	[sflag:s29] =	ssyncset.done $0x0  }
0x61: {  	s18 =	simm.s32 $0x0;
	[sflag:s29] =	ssyncadd.s32 $0xFFFFF830  }
.LBB2_5:
0x62: {  	s19 =	smul.u32 $0x50, s18;
	_ =	sdelay $0x1  }
0x63: {  	v1 =	vld [tilespmem:s19+$0x15000]  }
0x64: {  	v2 =	vld [tilespmem:s19+$0x14000]  }
0x65: {  	v3 =	vld [tilespmem:s19+$0x14800];
	_ =	sdelay $0x2  }
0x66: {  	v1 =	vmul.u32 $0x2710, v1;
	_ =	sdelay $0x1  }
0x67: {  	[tilespmem:$0x15900] =	vst v3;
	v2 =	vadd.s32 v2, v1  }
0x68: {  	v1 =	vadd.s32 v3, v1;
	[tilespmem:$0x15800] =	vst v2  }
0x69: {  	[tilespmem:$0x15880] =	vst v1  }
0x6a: {  	v1 =	vld [tilespmem:s19+$0x15010]  }
0x6b: {  	v2 =	vld [tilespmem:s19+$0x14010]  }
0x6c: {  	v3 =	vld [tilespmem:s19+$0x14810];
	_ =	sdelay $0x2  }
0x6d: {  	v1 =	vmul.u32 $0x2710, v1;
	_ =	sdelay $0x1  }
0x6e: {  	[tilespmem:$0x15910] =	vst v3;
	v2 =	vadd.s32 v2, v1  }
0x6f: {  	v1 =	vadd.s32 v3, v1;
	[tilespmem:$0x15810] =	vst v2  }
0x70: {  	[tilespmem:$0x15890] =	vst v1  }
0x71: {  	v1 =	vld [tilespmem:s19+$0x15020]  }
0x72: {  	v2 =	vld [tilespmem:s19+$0x14020]  }
0x73: {  	v3 =	vld [tilespmem:s19+$0x14820];
	_ =	sdelay $0x2  }
0x74: {  	v1 =	vmul.u32 $0x2710, v1;
	_ =	sdelay $0x1  }
0x75: {  	[tilespmem:$0x15920] =	vst v3;
	v2 =	vadd.s32 v2, v1  }
0x76: {  	v1 =	vadd.s32 v3, v1;
	[tilespmem:$0x15820] =	vst v2  }
0x77: {  	[tilespmem:$0x158A0] =	vst v1  }
0x78: {  	v1 =	vld [tilespmem:s19+$0x15030]  }
0x79: {  	v2 =	vld [tilespmem:s19+$0x14030]  }
0x7a: {  	v3 =	vld [tilespmem:s19+$0x14830];
	_ =	sdelay $0x2  }
0x7b: {  	v1 =	vmul.u32 $0x2710, v1;
	_ =	sdelay $0x1  }
0x7c: {  	[tilespmem:$0x15930] =	vst v3;
	v2 =	vadd.s32 v2, v1  }
0x7d: {  	v1 =	vadd.s32 v3, v1;
	[tilespmem:$0x15830] =	vst v2  }
0x7e: {  	[tilespmem:$0x158B0] =	vst v1  }
0x7f: {  	v1 =	vld [tilespmem:s19+$0x15040]  }
0x80: {  	v2 =	vld [tilespmem:s19+$0x14040]  }
0x81: {  	v3 =	vld [tilespmem:s19+$0x14840];
	_ =	sdelay $0x2  }
0x82: {  	v1 =	vmul.u32 $0x2710, v1;
	_ =	sdelay $0x1  }
0x83: {  	[tilespmem:$0x15940] =	vst v3;
	v2 =	vadd.s32 v2, v1  }
0x84: {  	v1 =	vadd.s32 v3, v1;
	[tilespmem:$0x15840] =	vst v2  }
0x85: {  	[tilespmem:$0x158C0] =	vst v1  }
0x86: {  	[tilespmem:s10], [sflag:$0x1] =	stream.indirect.gather [hbm4b:s6+s4], $0x80, s9, s4, $0xb8;
	[tilespmem:$0x1D180] =	vst v63  }
0x87: {  	_ = 	snop  }
0x88: {  	[tilespmem:s12], [sflag:$0x2] =	stream.indirect.gather [hbm4b:s6+s4], $0x80, s11, s4, $0xb8;
	[tilespmem:$0x1D180] =	vst v63  }
0x89: {  	_ =	swait.ge [sflag:s13], $0x2800  }
0x8a: {  	[sflag:s13] =	ssyncset.done $0x0  }
0x8b: {  	[sflag:s13] =	ssyncadd.s32 $0xFFFFD800  }
0x8c: {  	_ =	swait.ge [sflag:s14], $0x2800  }
0x8d: {  	[sflag:s14] =	ssyncset.done $0x0  }
0x8e: {  	s19 =	simm.s32 $0x0;
	[sflag:s14] =	ssyncadd.s32 $0xFFFFD800  }
0x8f: {  	v3 =	vld [tilespmem:s19+$0x159B0]  }
0x90: {  	v5 =	vld [tilespmem:s19+$0x181F0]  }
0x91: {  	v6 =	vld [tilespmem:s19+$0x15980]  }
0x92: {  	v7 =	vld [tilespmem:s19+$0x181C0]  }
0x93: {  	v2 =	vld [tilespmem:s19+$0x15990]  }
0x94: {  	v4 =	vld [tilespmem:s19+$0x181D0]  }
0x95: {  	v1 =	vld [tilespmem:s19+$0x159A0];
	v8 =	vmul.f32 v5, v3  }
0x96: {  	s21 =	simm.s32 $0x80;
	v5 =	vld [tilespmem:s19+$0x181E0]  }
0x97: {  	s22 =	simm.s32 $0x400;
	v3 =	vld [tilespmem:s21+$0x159B0];
	v6 =	vmul.f32 v7, v6;
	[tilespmem:s19+$0x1A9B0] =	vst v8  }
.LBB2_6:
0x98: {  	p0 =	sne.s32 s22, $0x9E00;
	v7 =	vld [tilespmem:s21+$0x181F0]  }
0x99: {  	v8 =	vld [tilespmem:s21+$0x15980];
	[tilespmem:s19+$0x1A980] =	vst v6;
	v4 =	vmul.f32 v4, v2  }
0x9a: {  	v6 =	vld [tilespmem:s21+$0x181C0]  }
.Ltmp1:
0x9b: {  	v2 =	vld [tilespmem:s21+$0x15990];
	[tilespmem:s19+$0x1A990] =	vst v4;
	v5 =	vmul.f32 v5, v1;
	(pc) =	sbr.rel @p0 .LBB2_6-.Ltmp1, $4  }
0x9c: {  	v4 =	vld [tilespmem:s21+$0x181D0]  }
0x9d: {  	v1 =	vld [tilespmem:s21+$0x159A0];
	v7 =	vmul.f32 v7, v3;
	[tilespmem:s19+$0x1A9A0] =	vst v5;
	s19 =	smov.u32 s21  }
0x9e: {  	s21 =	sshra.s32 s22, $0x2;
	v5 =	vld [tilespmem:s19+$0x181E0]  }
0x9f: {  	s22 =	sadd.s32 $0x200, s22;
	v3 =	vld [tilespmem:s21+$0x159B0];
	v6 =	vmul.f32 v6, v8;
	[tilespmem:s19+$0x1A9B0] =	vst v7  }
0xa0: {  	v7 =	vld [tilespmem:s21+$0x181F0]  }
0xa1: {  	v8 =	vld [tilespmem:s21+$0x15980];
	[tilespmem:s19+$0x1A980] =	vst v6;
	v2 =	vmul.f32 v4, v2  }
0xa2: {  	v62 =	vld [tilespmem:s21+$0x181C0]  }
0xa3: {  	v6 =	vld [tilespmem:s21+$0x15990];
	[tilespmem:s19+$0x1A990] =	vst v2;
	v1 =	vmul.f32 v5, v1  }
0xa4: {  	v2 =	vld [tilespmem:s21+$0x181D0]  }
0xa5: {  	v63 =	vld [tilespmem:s21+$0x159A0];
	[tilespmem:s19+$0x1A9A0] =	vst v1  }
0xa6: {  	v1 =	vld [tilespmem:s21+$0x181E0];
	_ =	sdelay $0x1  }
0xa7: {  	v3 =	vmul.f32 v7, v3  }
0xa8: {  	v4 =	vmul.f32 v62, v8  }
0xa9: {  	[tilespmem:s21+$0x1A9B0] =	vst v3;
	v2 =	vmul.f32 v2, v6  }
0xaa: {  	s18 =	sadd.s32 $0x1, s18;
	[tilespmem:s21+$0x1A980] =	vst v4;
	v1 =	vmul.f32 v1, v63  }
0xab: {  	p0 =	sne.s32 s18, $0x19;
	[tilespmem:s21+$0x1A990] =	vst v2  }
.Ltmp2:
0xac: {  	[tilespmem:s21+$0x1A9A0] =	vst v1;
	(pc) =	sbr.rel @p0 .LBB2_5-.Ltmp2, $4  }
0xad: {  	[spmem:s3] =	stream.indirect.scatter.add.f32 [tilespmem:s28], [sflag:$0x3], $0x80, s15, s4, $0xb8;
	[tilespmem:$0x1D180] =	vst v63  }
0xae: {  	_ =	swait.ge [sflag:s29], $0x2800  }
0xaf: {  	[sflag:s29] =	ssyncset.done $0x0  }
0xb0: {  	[sflag:s29] =	ssyncadd.s32 $0xFFFFD800  }
0xb1: {  	s17 =	sadd.s32 $0x1, s17  }
0xb2: {  	p0 =	sne.s32 s17, $0x5  }
.Ltmp3:
0xb3: {  	_ = 	snop;
	(pc) =	sbr.rel @p0 .LBB2_4-.Ltmp3, $1  }
0xb4: {  	_ =	sdelay $0x3  }
0xb5: {  	s16 =	stileid.u32  }
0xb6: {  	[bflag:$0x0] =	sbarrier.arrive $0xFFFF;
	s16 =	sshll.u32 s16, $0x6  }
0xb7: {  	s17 =	sshrl.u32 s8, $0x3;
	s18 =	rddreg [dreg:$0xa];
	s16 =	sor.u32 $0x1C03, s16  }
0xb8: {  	[hbm:s18], [sflag:s16] =	dma.local [spmem:s17], $0x800  }
0xb9: {  	_ =	swait.ge [sflag:s29], $0x800  }
0xba: {  	[sflag:s29] =	ssyncset.done $0x0;
	s21 =	rddreg [dreg:$0xb]  }
0xbb: {  	s22 =	rddreg [dreg:$0x11];
	[sflag:s29] =	ssyncadd.s32 $0xFFFFF800  }
0xbc: {  	[hbm:s21], [sflag:s16] =	dma.local [spmem:s22], $0x800  }
0xbd: {  	_ =	swait.ge [sflag:s29], $0x800  }
0xbe: {  	[sflag:s29] =	ssyncset.done $0x0  }
0xbf: {  	s18 =	rddreg [dreg:$0xc];
	[sflag:s29] =	ssyncadd.s32 $0xFFFFF800  }
0xc0: {  	[hbm:s18], [sflag:s16] =	dma.local [spmem:s23], $0x800  }
0xc1: {  	_ =	swait.ge [sflag:s29], $0x800  }
0xc2: {  	[sflag:s29] =	ssyncset.done $0x0  }
0xc3: {  	s19 =	rddreg [dreg:$0xd];
	[sflag:s29] =	ssyncadd.s32 $0xFFFFF800  }
0xc4: {  	[hbm:s19], [sflag:s16] =	dma.local [spmem:s24], $0x800  }
0xc5: {  	_ =	swait.ge [sflag:s29], $0x800  }
0xc6: {  	[sflag:s29] =	ssyncset.done $0x0  }
0xc7: {  	s21 =	rddreg [dreg:$0xe];
	[sflag:s29] =	ssyncadd.s32 $0xFFFFF800  }
0xc8: {  	[hbm:s21], [sflag:s16] =	dma.local [spmem:s25], $0x800  }
0xc9: {  	_ =	swait.ge [sflag:s29], $0x800  }
0xca: {  	s5 =	sadd.s32 $0x1, s5;
	s22 =	rddreg [dreg:$0x10]  }
0xcb: {  	p0 =	sne.s32 s5, s22  }
.Ltmp4:
0xcc: {  	_ = 	snop;
	(pc) =	sbr.rel @p0 .LBB2_1-.Ltmp4, $3  }
0xcd: {  	_ =	sdelay $0x1  }
0xce: {  	[sflag:s29] =	ssyncset.done $0x0  }
0xcf: {  	[sflag:s29] =	ssyncadd.s32 $0xFFFFF800  }
0xd0: {  	_ =	sfence.sel $0x180000  }
0xd1: {  	[bflag:$0x0] =	sbarrier.arrive $0xFFFF  }
0xd2: {  	_ =	strace $0x9000004D  }
0xd3: {  	s0 =	stileid.u32;
	[bflag:$0x2] =	sbarrier.arrive $0xFFFF  }
0xd4: {  	p0 =	sne.s32 s0, $0x0;
	s0 =	rddreg [dreg:$0x4]  }
0xd5: {  	s0 =	sadd.s32 @!p0 $0x100000, s0  }
0xd6: {  	[sflag:s0] =	ssyncadd.tile.s32 @!p0 $0x1;
	_ =	shalt  }
.Lfunc_end2:
_tile_overlayer_lowered:
.L_overlay_start_2:
0xd7: {  	(tag) =	ssettag $0x2  }
0xd8: {  	s0 =	rddreg [dreg:$0x0];
	s2 =	stileid.u32  }
0xd9: {  	s1 =	rddreg [dreg:$0x1];
	p0 =	sne.s32 s2, $0x0  }
0xda: {  	s3 =	rddreg [dreg:$0x2];
	[bflag:$0x3] =	sbarrier.arrive $0xFFFF;
	s2 =	simm.s32 @!p0 $0x1C03  }
0xdb: {  	[timem:s3], [sflag:s2] =	dma.local @!p0 [hbm:s0], s1  }
0xdc: {  	s0 =	simm.s32 @!p0 $0x3  }
0xdd: {  	_ =	swait.ge @!p0 [sflag:s0], s1  }
0xde: {  	s1 =	ssub.s32 @!p0 $0x0, s1;
	[sflag:s0] =	ssyncset.done @!p0 $0x0  }
0xdf: {  	[sflag:s0] =	ssyncadd.s32 @!p0 s1  }
0xe0: {  	[bflag:$0x3] =	sbarrier.arrive $0xFFFF  }
0xe1: {  	_ =	shalt  }

// kernel: kernel.9.cloned.1.call-start
scs
__scs_entry_jumppad:
0x0: {  	(pc) =	sbr.rel $0x88, $3  }
0x1: {  	(tag) =	ssettag $0x0;
	lr =	simm.s32 $0x1  }
0x2: {  	[smem:$0x3F90] =	sst lr;
	_ =	strace $0xD0000000  }
0x3: {  	_ = 	snop  }
0x4: {  	_ = 	snop  }
0x5: {  	_ = 	snop  }
0x6: {  	_ = 	snop  }
0x7: {  	_ = 	snop  }
__scs_overlays_trampoline_lowered:
0x8: {  	[smem:$0x3F9F] =	sst s0  }
0x9: {  	[smem:$0x3FA0] =	sst s1  }
0xa: {  	[smem:$0x3FA1] =	sst s2  }
0xb: {  	[smem:$0x3FA2] =	sst s3  }
0xc: {  	[smem:$0x3FA3] =	sst s4  }
0xd: {  	[smem:$0x3FA4] =	sst s5  }
0xe: {  	[smem:$0x3FA5] =	sst s6  }
0xf: {  	[smem:$0x3FA6] =	sst s7  }
0x10: {  	[smem:$0x3FA7] =	sst s8  }
0x11: {  	[smem:$0x3FA8] =	sst s9;
	s0 =	simm.s32 @!p0 $0x0  }
0x12: {  	s1 =	sld [smem:$0x3F8E];
	s0 =	simm.s32 @p0 $0x1  }
0x13: {  	[smem:$0x3FA9] =	sst s0;
	s0 =	simm.s32 @!p1 $0x0  }
0x14: {  	s2 =	sld [smem:$0x3F8D];
	s0 =	simm.s32 @p1 $0x1  }
0x15: {  	[smem:$0x3FAA] =	sst s0;
	s0 =	simm.s32 @!p2 $0x0  }
0x16: {  	s3 =	sld [smem:$0x3FDB];
	s0 =	simm.s32 @p2 $0x1  }
0x17: {  	s4 =	simm.s32 $0x1BF5;
	[smem:$0x3FAC] =	sst s0  }
0x18: {  	s0 =	sld [smem:$0x3F8F];
	_ =	swait.ge [sflag:s4], $0x0  }
0x19: {  	s7 =	sld [smem:$0x3F90]  }
0x1a: {  	s8 =	sadd.s32 $0xFFFFE003, lr  }
0x1b: {  	s9 =	sadd.s32 $0xFFFFFEF7, lr;
	s5 =	simm.s32 $0xFFFFFFFF;
	p2 =	slt.u32 s8, $0xFFFFF086  }
0x1c: {  	p1 =	slt.u32 s9, $0xF7A;
	s5 =	simm.s32 @!p2 $0x0  }
0x1d: {  	s5 =	simm.s32 @p1 $0x1;
	p0 =	seq.s32 s7, s2  }
0x1e: {  	s7 =	smul.u32 @!p0 $0xF7A, s2;
	p2 =	seq.s32 @!p0 s5, $0x0  }
0x1f: {  	s9 =	smul.u32 $0xF7A, s1;
	s8 =	simm.s32 @!p0 $0x1BF5;
	p2 =	por !p2, p0  }
0x20: {  	[sflag:s8] =	ssyncset.s32 @!p0 $0xFFFFF086;
	s6 =	sadd.s32 @!p0 s3, s7;
	s7 =	simm.s32 @!p0 $0x108  }
0x21: {  	s3 =	sadd.s32 s3, s9;
	s6 =	sadd.s32 @!p0 $0x88, s6;
	s7 =	simm.s32 @p2 $0x1082  }
0x22: {  	[simem:s7], [sflag:s8] =	dma.local @!p0 [hbm:s6], $0xF7A  }
0x23: {  	s9 =	sor.u32 $0xD0000000, s2;
	s6 =	simm.s32 $0x108;
	_ =	swait.ge @!p0 [sflag:s8], $0x0  }
0x24: {  	s3 =	sadd.s32 $0x88, s3;
	s6 =	simm.s32 @!p1 $0x1082;
	[sflag:s4] =	ssyncset.s32 $0xFFFFF086  }
0x25: {  	[simem:s6], [sflag:s4] =	dma.local [hbm:s3], $0xF7A  }
0x26: {  	[smem:$0x3F90] =	sst s1;
	(tag) =	ssettag s2;
	_ =	strace s9  }
0x27: {  	s1 =	sld [smem:$0x3FA0]  }
0x28: {  	s2 =	sld [smem:$0x3FA1]  }
0x29: {  	s4 =	sld [smem:$0x3FA3]  }
0x2a: {  	p0 =	seq.s32 s5, $0x0;
	s5 =	sld [smem:$0x3FA4]  }
0x2b: {  	s6 =	sld [smem:$0x3FA5]  }
0x2c: {  	s7 =	sld [smem:$0x3FA6]  }
0x2d: {  	s3 =	simm.s32 $0x108;
	s8 =	sld [smem:$0x3FA7]  }
0x2e: {  	s3 =	simm.s32 @!p0 $0x1082;
	s9 =	sld [smem:$0x3FA8]  }
0x2f: {  	lr =	sadd.s32 s0, s3;
	s0 =	sld [smem:$0x3F9F]  }
0x30: {  	s3 =	sld [smem:$0x3FA2]  }
0x31: {  	[smem:$0x3FAB] =	sst s10  }
0x32: {  	s10 =	sld [smem:$0x3FA9];
	_ =	sdelay $0x3  }
0x33: {  	p0 =	seq.s32 s10, $0x1;
	s10 =	sld [smem:$0x3FAB];
	_ =	sdelay $0x3  }
0x34: {  	[smem:$0x3FAB] =	sst s10  }
0x35: {  	s10 =	sld [smem:$0x3FAA];
	_ =	sdelay $0x3  }
0x36: {  	p1 =	seq.s32 s10, $0x1;
	s10 =	sld [smem:$0x3FAB];
	_ =	sdelay $0x3  }
0x37: {  	[smem:$0x3FAB] =	sst s10  }
0x38: {  	s10 =	sld [smem:$0x3FAC]  }
0x39: {  	_ = 	snop;
	(pc) =	sbr.ind lr, $3  }
0x3a: {  	_ = 	snop  }
0x3b: {  	_ = 	snop  }
0x3c: {  	p2 =	seq.s32 s10, $0x1;
	s10 =	sld [smem:$0x3FAB]  }
0x3d: {  	_ =	shalt  }
0x3e: {  	_ =	shalt  }
0x3f: {  	_ =	shalt  }
0x40: {  	_ =	shalt  }
0x41: {  	_ =	shalt  }
0x42: {  	_ =	shalt  }
0x43: {  	_ =	shalt  }
0x44: {  	_ =	shalt  }
0x45: {  	_ =	shalt  }
0x46: {  	_ =	shalt  }
0x47: {  	_ =	shalt  }
0x48: {  	_ =	shalt  }
0x49: {  	_ =	shalt  }
0x4a: {  	_ =	shalt  }
0x4b: {  	_ =	shalt  }
0x4c: {  	_ =	shalt  }
0x4d: {  	_ =	shalt  }
0x4e: {  	_ =	shalt  }
0x4f: {  	_ =	shalt  }
0x50: {  	_ =	shalt  }
0x51: {  	_ =	shalt  }
0x52: {  	_ =	shalt  }
0x53: {  	_ =	shalt  }
0x54: {  	_ =	shalt  }
0x55: {  	_ =	shalt  }
0x56: {  	_ =	shalt  }
0x57: {  	_ =	shalt  }
0x58: {  	_ =	shalt  }
0x59: {  	_ =	shalt  }
0x5a: {  	_ =	shalt  }
0x5b: {  	_ =	shalt  }
0x5c: {  	_ =	shalt  }
0x5d: {  	_ =	shalt  }
0x5e: {  	_ =	shalt  }
0x5f: {  	_ =	shalt  }
0x60: {  	_ =	shalt  }
0x61: {  	_ =	shalt  }
0x62: {  	_ =	shalt  }
0x63: {  	_ =	shalt  }
0x64: {  	_ =	shalt  }
0x65: {  	_ =	shalt  }
0x66: {  	_ =	shalt  }
0x67: {  	_ =	shalt  }
0x68: {  	_ =	shalt  }
0x69: {  	_ =	shalt  }
0x6a: {  	_ =	shalt  }
0x6b: {  	_ =	shalt  }
0x6c: {  	_ =	shalt  }
0x6d: {  	_ =	shalt  }
0x6e: {  	_ =	shalt  }
0x6f: {  	_ =	shalt  }
0x70: {  	_ =	shalt  }
0x71: {  	_ =	shalt  }
0x72: {  	_ =	shalt  }
0x73: {  	_ =	shalt  }
0x74: {  	_ =	shalt  }
0x75: {  	_ =	shalt  }
0x76: {  	_ =	shalt  }
0x77: {  	_ =	shalt  }
0x78: {  	_ =	shalt  }
0x79: {  	_ =	shalt  }
0x7a: {  	_ =	shalt  }
0x7b: {  	_ =	shalt  }
0x7c: {  	_ =	shalt  }
0x7d: {  	_ =	shalt  }
0x7e: {  	_ =	shalt  }
0x7f: {  	_ =	shalt  }
0x80: {  	_ =	shalt  }
0x81: {  	_ =	shalt  }
0x82: {  	_ =	shalt  }
0x83: {  	_ =	shalt  }
0x84: {  	_ =	shalt  }
0x85: {  	_ =	shalt  }
0x86: {  	_ =	shalt  }
0x87: {  	_ =	shalt  }
.Lfunc_end0:
.L_simem_size_0:
called_computation_lowered:
.L_overlay_start_0:
0x88: {  	s2 =	sld [smem:$0x3FD9]  }
0x89: {  	s3 =	sld [smem:$0x3FFE];
	_ =	sdelay $0x1  }
0x8a: {  	s1 =	srdreg.scid  }
0x8b: {  	s0 =	sand.u32 $0x1, s1  }
0x8c: {  	s17 =	sshll.u32 s0, $0xA;
	s2 =	sadd.s32 s3, s2  }
0x8d: {  	s2 =	sadd.s32 s2, s17  }
0x8e: {  	[smem:$0x3FB7] =	sst s2  }
0x8f: {  	_ = 	snop  }
0x90: {  	s2 =	sld [smem:$0x3FC7];
	(tm) =	ssettm $0x1  }
0x91: {  	s18 =	sld [smem:$0x3FFB];
	_ =	sdelay $0x3  }
0x92: {  	_ =	strace s18  }
0x93: {  	s3 =	sld [smem:$0x3FFC];
	_ =	sdelay $0x3  }
0x94: {  	_ =	strace s3  }
0x95: {  	s3 =	sld [smem:$0x3FFD];
	_ =	sdelay $0x3  }
0x96: {  	_ =	strace s3  }
0x97: {  	_ =	strace $0x8FFFFFFF  }
0x98: {  	s19 =	sld [smem:$0x3FDB];
	_ =	sdelay $0x1  }
0x99: {  	s4 =	simm.s32 $_scs_section_size  }
0x9a: {  	s5 =	simm.s32 $_size__tile_overlayer_lowered;
	s6 =	simm.s32 $_tile_overlayer_lowered  }
0x9b: {  	s22 =	simm.s32 $0x1BFF;
	s21 =	sshll.u32 s6, $0x1;
	s3 =	sadd.s32 s4, s19  }
0x9c: {  	s7 =	simm.s32 $0x0;
	s20 =	sshll.u32 s5, $0x1;
	s5 =	sadd.s32 s21, s3  }
0x9d: {  	[timem:s7], [sflag:s22] =	dma.local [hbm:s5], s20  }
0x9e: {  	_ =	swait.ge [sflag:s22], s20  }
0x9f: {  	s4 =	ssub.s32 $0x0, s20;
	[sflag:s22] =	ssyncset.done $0x0  }
0xa0: {  	[sflag:s22] =	ssyncadd.s32 s4;
	_ =	sdelay $0x1  }
0xa1: {  	s23 =	simm.s32 $0x1B8B  }
0xa2: {  	_ =	swait.ge [sflag:s23], $0x1  }
0xa3: {  	[sflag:s23] =	ssyncset.done $0x0  }
0xa4: {  	s25 =	simm.s32 $0x1B8E;
	s24 =	sld [smem:$0x3FFE];
	[sflag:s23] =	ssyncadd.s32 $0xFFFFFFFF  }
0xa5: {  	s26 =	simm.s32 $execute0_lowered;
	[smem:$0x3FD2] =	sst s25  }
0xa6: {  	s5 =	sshll.u32 s26, $0x1;
	_ =	strace $0x80000046;
	[dreg:$0x1] =	wrdreg $0xFFFFFFFF  }
0xa7: {  	s28 =	simm.s32 $_size_execute0_lowered;
	s3 =	sadd.s32 s3, s5;
	[dreg:$0x0] =	wrdreg $0x0  }
0xa8: {  	s5 =	sshll.u32 s28, $0x1;
	[dreg:$0x2] =	wrdreg s3  }
0xa9: {  	[dreg:$0x3] =	wrdreg s5  }
0xaa: {  	[dreg:$0x4] =	wrdreg $0xC0  }
0xab: {  	_ =	task [dreg:s7], $0x5FFFF  }
0xac: {  	[dreg:$0x1] =	wrdreg $0xFFFFFFFF  }
0xad: {  	[dreg:$0x0] =	wrdreg $0x60  }
0xae: {  	[dreg:$0x2] =	wrdreg s24  }
0xaf: {  	[dreg:$0x3] =	wrdreg s2  }
0xb0: {  	[dreg:$0x4] =	wrdreg $0x0  }
0xb1: {  	[dreg:$0x5] =	wrdreg $0x9  }
0xb2: {  	_ =	task.clear_ibuf [dreg:s7], $0x6FFFF;
	_ =	strace $0x90000046  }
0xb3: {  	s29 =	simm.s32 $0x9;
	_ =	strace $0x80000048  }
0xb4: {  	_ =	swait.ge [sflag:s29], $0x1  }
0xb5: {  	[sflag:s29] =	ssyncadd.s32 $0xFFFFFFFF  }
0xb6: {  	_ =	strace $0x90000048  }
0xb7: {  	_ =	sfence  }
0xb8: {  	s30 =	sld [smem:$0x0];
	_ =	sdelay $0x2  }
0xb9: {  	s31 =	sshll.u32 s1, $0xD;
	s1 =	sshrl.u32 s1, $0x2  }
0xba: {  	s3 =	sand.u32 $0x4000, s31;
	s1 =	sadd.s32 s1, s30  }
0xbb: {  	s0 =	sor.u32 s3, s0;
	s1 =	sshll.u32 s1, $0x11  }
0xbc: {  	s0 =	sor.u32 s1, s0  }
0xbd: {  	s0 =	sadd.s32 $0x8F2B, s0  }
0xbe: {  	[sflag:s0] =	ssyncadd.remote.s32 $0x1  }
0xbf: {  	_ =	sfence.sel $0xFFFF  }
0xc0: {  	[dreg:$0x0] =	wrdreg $0xFFFFFFFF;
	(pc) =	sbr.abs _section_cstart, $3  }
0xc1: {  	[dreg:$0x1] =	wrdreg $0xFFFFFFFF  }
0xc2: {  	_ =	task.clear_ibuf [dreg:s7], $0x2FFFF;
	_ =	strace $0x9FFFFFFF  }
0xc3: {  	(tm) =	ssettm $0x7FFFFFFF  }
tec
execute0_lowered:
.L_overlay_start_1:
0x0: {  	(tag) =	ssettag $0x1  }
0x1: {  	s6 =	rddreg [dreg:$0x0]  }
0x2: {  	s2 =	rddreg [dreg:$0x1];
	s1 =	srdreg.scid  }
0x3: {  	s0 =	stileid.u32;
	s3 =	rddreg [dreg:$0x2];
	s4 =	simm.s32 $0x0  }
0x4: {  	s11 =	simm.s32 $0x1;
	s12 =	simm.s32 $0xA00;
	s13 =	simm.s32 $0x1200  }
0x5: {  	s14 =	simm.s32 $0x50;
	s15 =	simm.s32 $0x1A00;
	s16 =	simm.s32 $0x1A80  }
0x6: {  	s19 =	simm.s32 $0x20;
	s7 =	sand.u32 $0x1, s1;
	s1 =	rddreg [dreg:$0x3]  }
0x7: {  	s20 =	simm.s32 $0x10;
	s5 =	smul.u32 $0x1400, s0;
	[smem:$0x7FF] =	sst s4  }
0x8: {  	s9 =	smul.u32 $0x2800, s0;
	s17 =	sshll.u32 s0, $0x6;
	s8 =	sshll.u32 s7, $0x7  }
0x9: {  	_ =	strace $0x80000047;
	s31 =	ssub.s32 $0x2, s7;
	s7 =	sshll.u32 s7, $0x4  }
0xa: {  	s17 =	sor.u32 $0x1C01, s17;
	s5 =	sor.u32 s8, s5;
	s10 =	sshrl.u32 s31, $0x1  }
0xb: {  	s9 =	sshrl.u32 s9, $0x2;
	s7 =	sor.u32 s0, s7;
	s8 =	sshrl.u32 s5, $0x3  }
0xc: {  	s5 =	sadd.s32 $0x2C00, s6;
	s10 =	ssub.s32 s31, s10;
	s7 =	smul.u32 $0x2710, s7  }
0xd: {  	s8 =	sadd.s32 s8, s6;
	s6 =	sadd.s32 s9, s3;
	s9 =	smax.u32 s10, $0x1  }
0xe: {  	v0 =	vimm.f32 $0.0e+00;
	v1 =	vimm.f32 $1.000000000e+00;
	s10 =	simm.s32 $0x1B00;
	s8 =	sadd.s32 $0xCA00, s8;
	s18 =	sshrl.u32 s6, $0x3  }
.LBB2_1:
0xf: {  	s21 =	simm.s32 $0x40;
	s22 =	simm.s32 $0x0  }
.LBB2_2:
0x10: {  	p0 =	sne.s32 s21, $0x27C0;
	[tilespmem:s22+$0x1B00] =	vst v0;
	s22 =	smov.u32 s21;
	s21 =	sadd.s32 $0x40, s21  }
.Ltmp0:
0x11: {  	(pc) =	sbr.rel @p0 .LBB2_2-.Ltmp0, $2  }
0x12: {  	_ =	sdelay $0x2  }
0x13: {  	s22 =	sshra.s32 s22, $0x2  }
0x14: {  	[tilespmem:s22+$0x1B00] =	vst v0  }
0x15: {  	[tilespmem:$0x1A80] =	vst v1  }
0x16: {  	[tilespmem:$0x1A90] =	vst v1  }
0x17: {  	[tilespmem:$0x1AA0] =	vst v1  }
0x18: {  	[tilespmem:$0x1AB0] =	vst v1  }
0x19: {  	[tilespmem:$0x1AC0] =	vst v1  }
0x1a: {  	[spmem:s6] =	stream.linear.scatter [tilespmem:s10], [sflag:$0x1], $0xA00, $0x38;
	[tilespmem:$0x2500] =	vst v63  }
0x1b: {  	_ =	swait.ge [sflag:s11], $0xA00  }
0x1c: {  	[sflag:s11] =	ssyncset.done $0x0  }
0x1d: {  	[sflag:s11] =	ssyncadd.s32 $0xFFFFF600  }
0x1e: {  	s21 =	simm.s32 $0x0;
	s22 =	simm.s32 $0x0;
	[bflag:$0x0] =	sbarrier.arrive $0xFFFF  }
.LBB2_4:
0x1f: {  	s23 =	smul.u32 $0x7D0, s22;
	_ =	sdelay $0x1  }
0x20: {  	s23 =	sadd.s32 s7, s23  }
0x21: {  	s23 =	sshrl.u32 s23, $0x3  }
0x22: {  	s24 =	sadd.s32 s5, s23  }
0x23: {  	[tilespmem:s12], [sflag:$0x1] =	stream.linear.gather [hbm4b:s24+s21], $0x7D0, $0x38;
	[tilespmem:$0x2500] =	vst v63  }
0x24: {  	_ =	swait.ge [sflag:s11], $0x7D0  }
0x25: {  	[sflag:s11] =	ssyncset.done $0x0  }
0x26: {  	s23 =	sadd.s32 s2, s23;
	[sflag:s11] =	ssyncadd.s32 $0xFFFFF830  }
0x27: {  	[tilespmem:s13], [sflag:$0x1] =	stream.linear.gather [hbm4b:s23+s21], $0x7D0, $0x38;
	[tilespmem:$0x2500] =	vst v63  }
0x28: {  	_ =	swait.ge [sflag:s11], $0x7D0  }
0x29: {  	[sflag:s11] =	ssyncset.done $0x0  }
0x2a: {  	s31 =	simm.s32 $0x0;
	[sflag:s11] =	ssyncadd.s32 $0xFFFFF830  }
0x2b: {  	v2 =	vld [tilespmem:s31+$0x1200];
	_ =	sdelay $0x1  }
0x2c: {  	v3 =	vld [tilespmem:s31+$0xA00];
	_ =	sdelay $0x2  }
0x2d: {  	v2 =	vmul.u32 $0x2710, v2;
	_ =	sdelay $0x1  }
0x2e: {  	v2 =	vadd.s32 v3, v2  }
0x2f: {  	[tilespmem:$0x1A00] =	vst v2  }
0x30: {  	v2 =	vld [tilespmem:s31+$0x1210];
	_ =	sdelay $0x1  }
0x31: {  	v3 =	vld [tilespmem:s31+$0xA10];
	_ =	sdelay $0x2  }
0x32: {  	v2 =	vmul.u32 $0x2710, v2;
	_ =	sdelay $0x1  }
0x33: {  	v2 =	vadd.s32 v3, v2  }
0x34: {  	[tilespmem:$0x1A10] =	vst v2  }
0x35: {  	v2 =	vld [tilespmem:s31+$0x1220];
	_ =	sdelay $0x1  }
0x36: {  	v3 =	vld [tilespmem:s31+$0xA20];
	_ =	sdelay $0x2  }
0x37: {  	v2 =	vmul.u32 $0x2710, v2;
	_ =	sdelay $0x1  }
0x38: {  	v2 =	vadd.s32 v3, v2  }
0x39: {  	[tilespmem:$0x1A20] =	vst v2  }
0x3a: {  	v2 =	vld [tilespmem:s31+$0x1230];
	_ =	sdelay $0x1  }
0x3b: {  	v3 =	vld [tilespmem:s31+$0xA30];
	_ =	sdelay $0x2  }
0x3c: {  	v2 =	vmul.u32 $0x2710, v2;
	_ =	sdelay $0x1  }
0x3d: {  	v2 =	vadd.s32 v3, v2  }
0x3e: {  	[tilespmem:$0x1A30] =	vst v2  }
0x3f: {  	v2 =	vld [tilespmem:s31+$0x1240];
	_ =	sdelay $0x1  }
0x40: {  	v3 =	vld [tilespmem:s31+$0xA40];
	_ =	sdelay $0x2  }
0x41: {  	v2 =	vmul.u32 $0x2710, v2;
	_ =	sdelay $0x1  }
0x42: {  	v2 =	vadd.s32 v3, v2  }
0x43: {  	[tilespmem:$0x1A40] =	vst v2  }
0x44: {  	[spmem:s3] =	stream.indirect.scatter.add.f32 [tilespmem:s16], [sflag:$0x1], $0x1, s15, s14, $0xb8;
	[tilespmem:$0x2500] =	vst v63  }
0x45: {  	_ =	swait.ge [sflag:s11], $0x50  }
0x46: {  	s26 =	simm.s32 $0x280;
	s23 =	simm.s32 $0x140;
	[sflag:s11] =	ssyncset.done $0x0  }
.LBB2_5:
0x47: {  	s25 =	sshra.s32 s23, $0x2  }
0x48: {  	[sflag:s11] =	ssyncadd.s32 $0xFFFFFFB0;
	s23 =	smov.u32 s26;
	s24 =	sadd.s32 $0x140, s26  }
0x49: {  	p0 =	sne.s32 s26, $0x1E00;
	v2 =	vld [tilespmem:s25+$0x1200];
	_ =	sdelay $0x1  }
0x4a: {  	v3 =	vld [tilespmem:s25+$0xA00];
	_ =	sdelay $0x2  }
0x4b: {  	v2 =	vmul.u32 $0x2710, v2;
	_ =	sdelay $0x1  }
0x4c: {  	v2 =	vadd.s32 v3, v2  }
0x4d: {  	[tilespmem:$0x1A00] =	vst v2  }
0x4e: {  	v2 =	vld [tilespmem:s25+$0x1210];
	_ =	sdelay $0x1  }
0x4f: {  	v3 =	vld [tilespmem:s25+$0xA10];
	_ =	sdelay $0x2  }
0x50: {  	v2 =	vmul.u32 $0x2710, v2;
	_ =	sdelay $0x1  }
0x51: {  	v2 =	vadd.s32 v3, v2  }
0x52: {  	[tilespmem:$0x1A10] =	vst v2  }
0x53: {  	v2 =	vld [tilespmem:s25+$0x1220];
	_ =	sdelay $0x1  }
0x54: {  	v3 =	vld [tilespmem:s25+$0xA20];
	_ =	sdelay $0x2  }
0x55: {  	v2 =	vmul.u32 $0x2710, v2;
	_ =	sdelay $0x1  }
0x56: {  	v2 =	vadd.s32 v3, v2  }
0x57: {  	[tilespmem:$0x1A20] =	vst v2  }
0x58: {  	v2 =	vld [tilespmem:s25+$0x1230];
	_ =	sdelay $0x1  }
0x59: {  	v3 =	vld [tilespmem:s25+$0xA30];
	_ =	sdelay $0x2  }
0x5a: {  	v2 =	vmul.u32 $0x2710, v2;
	_ =	sdelay $0x1  }
0x5b: {  	v2 =	vadd.s32 v3, v2  }
0x5c: {  	[tilespmem:$0x1A30] =	vst v2  }
0x5d: {  	v2 =	vld [tilespmem:s25+$0x1240]  }
0x5e: {  	v3 =	vld [tilespmem:s25+$0xA40];
	_ =	sdelay $0x3  }
0x5f: {  	v2 =	vmul.u32 $0x2710, v2;
	_ =	sdelay $0x1  }
.Ltmp1:
0x60: {  	v2 =	vadd.s32 v3, v2;
	(pc) =	sbr.rel @p0 .LBB2_5-.Ltmp1, $4  }
0x61: {  	[tilespmem:$0x1A40] =	vst v2  }
0x62: {  	[spmem:s3] =	stream.indirect.scatter.add.f32 [tilespmem:s16], [sflag:$0x1], $0x1, s15, s14, $0xb8;
	[tilespmem:$0x2500] =	vst v63  }
0x63: {  	_ =	swait.ge [sflag:s11], $0x50  }
0x64: {  	s26 =	smov.u32 s24;
	[sflag:s11] =	ssyncset.done $0x0  }
0x65: {  	s23 =	sshra.s32 s23, $0x2;
	[sflag:s11] =	ssyncadd.s32 $0xFFFFFFB0  }
0x66: {  	v2 =	vld [tilespmem:s23+$0x1200];
	_ =	sdelay $0x1  }
0x67: {  	v3 =	vld [tilespmem:s23+$0xA00];
	_ =	sdelay $0x2  }
0x68: {  	v2 =	vmul.u32 $0x2710, v2;
	_ =	sdelay $0x1  }
0x69: {  	v2 =	vadd.s32 v3, v2  }
0x6a: {  	[tilespmem:$0x1A00] =	vst v2  }
0x6b: {  	v2 =	vld [tilespmem:s23+$0x1210];
	_ =	sdelay $0x1  }
0x6c: {  	v3 =	vld [tilespmem:s23+$0xA10];
	_ =	sdelay $0x2  }
0x6d: {  	v2 =	vmul.u32 $0x2710, v2;
	_ =	sdelay $0x1  }
0x6e: {  	v2 =	vadd.s32 v3, v2  }
0x6f: {  	[tilespmem:$0x1A10] =	vst v2  }
0x70: {  	v2 =	vld [tilespmem:s23+$0x1220];
	_ =	sdelay $0x1  }
0x71: {  	v3 =	vld [tilespmem:s23+$0xA20];
	_ =	sdelay $0x2  }
0x72: {  	v2 =	vmul.u32 $0x2710, v2;
	_ =	sdelay $0x1  }
0x73: {  	v2 =	vadd.s32 v3, v2  }
0x74: {  	[tilespmem:$0x1A20] =	vst v2  }
0x75: {  	v2 =	vld [tilespmem:s23+$0x1230];
	_ =	sdelay $0x1  }
0x76: {  	v3 =	vld [tilespmem:s23+$0xA30];
	_ =	sdelay $0x2  }
0x77: {  	v2 =	vmul.u32 $0x2710, v2;
	_ =	sdelay $0x1  }
0x78: {  	v2 =	vadd.s32 v3, v2  }
0x79: {  	[tilespmem:$0x1A30] =	vst v2  }
0x7a: {  	v2 =	vld [tilespmem:s23+$0x1240];
	_ =	sdelay $0x1  }
0x7b: {  	v3 =	vld [tilespmem:s23+$0xA40];
	_ =	sdelay $0x2  }
0x7c: {  	v2 =	vmul.u32 $0x2710, v2  }
0x7d: {  	s22 =	sadd.s32 $0x1, s22  }
0x7e: {  	p0 =	sne.s32 s22, $0x5;
	v2 =	vadd.s32 v3, v2  }
.Ltmp2:
0x7f: {  	[tilespmem:$0x1A40] =	vst v2;
	(pc) =	sbr.rel @p0 .LBB2_4-.Ltmp2, $4  }
0x80: {  	[spmem:s3] =	stream.indirect.scatter.add.f32 [tilespmem:s16], [sflag:$0x1], $0x1, s15, s14, $0xb8;
	[tilespmem:$0x2500] =	vst v63  }
0x81: {  	_ =	swait.ge [sflag:s11], $0x50  }
0x82: {  	[sflag:s11] =	ssyncset.done $0x0  }
0x83: {  	[sflag:s11] =	ssyncadd.s32 $0xFFFFFFB0  }
0x84: {  	s4 =	sadd.s32 $0x1, s4  }
0x85: {  	p0 =	sne.s32 s4, s9  }
.Ltmp3:
0x86: {  	[bflag:$0x0] =	sbarrier.arrive $0xFFFF;
	(pc) =	sbr.rel @p0 .LBB2_1-.Ltmp3, $4  }
0x87: {  	[hbm:s8@s19], [sflag:s17] =	dma.strided [spmem:s18@s20], $0x140, s11, $0x10   }
0x88: {  	_ =	swait.ge [sflag:s11], $0x140  }
0x89: {  	[sflag:s11] =	ssyncset.done $0x0  }
0x8a: {  	[sflag:s11] =	ssyncadd.s32 $0xFFFFFEC0  }
0x8b: {  	_ =	sfence.sel $0x180000  }
0x8c: {  	[bflag:$0x0] =	sbarrier.arrive $0xFFFF  }
0x8d: {  	p0 =	sne.s32 s0, $0x0;
	_ =	strace $0x90000047  }
0x8e: {  	s0 =	sadd.s32 @!p0 $0x100000, s1;
	[bflag:$0x2] =	sbarrier.arrive $0xFFFF  }
0x8f: {  	[sflag:s0] =	ssyncadd.tile.s32 @!p0 $0x1;
	_ =	shalt  }
.Lfunc_end2:
_tile_overlayer_lowered:
.L_overlay_start_2:
0x90: {  	(tag) =	ssettag $0x2  }
0x91: {  	s0 =	rddreg [dreg:$0x0];
	s2 =	stileid.u32  }
0x92: {  	s1 =	rddreg [dreg:$0x1];
	p0 =	sne.s32 s2, $0x0  }
0x93: {  	s3 =	rddreg [dreg:$0x2];
	[bflag:$0x3] =	sbarrier.arrive $0xFFFF;
	s2 =	simm.s32 @!p0 $0x1C01  }
0x94: {  	[timem:s3], [sflag:s2] =	dma.local @!p0 [hbm:s0], s1  }
0x95: {  	s0 =	simm.s32 @!p0 $0x1  }
0x96: {  	_ =	swait.ge @!p0 [sflag:s0], s1  }
0x97: {  	s1 =	ssub.s32 @!p0 $0x0, s1;
	[sflag:s0] =	ssyncset.done @!p0 $0x0  }
0x98: {  	[sflag:s0] =	ssyncadd.s32 @!p0 s1  }
0x99: {  	[bflag:$0x3] =	sbarrier.arrive $0xFFFF  }
0x9a: {  	_ =	shalt  }

</sc_bundles>
